<compile_context>
chip_gen: v7x
topology: tpu7x:2x2x1
jax: 0.10.2.dev20260603
libtpu: 0.0.44.dev20260713+nightly
codegen_flags: <defaults>
</compile_context>

<pallas_src>
import functools

import jax
import jax.numpy as jnp
from jax import lax
from jax.experimental import pallas as pl
from jax.experimental.pallas import tpu as pltpu
from jax.experimental.pallas import tpu_sc as plsc

N = 10000
D = 256
H = 128
NSC = 16
B = 128
NB = 80
EPW = NB * B
ACC_ROWS = 10008
R0 = 624
LZ = 648
LO = 640
TRASH = N
BS = 120
NBAT = 84
CH = 6
NCHUNK = NBAT // CH
RB = 1024
NRB = 10

_mesh = plsc.VectorSubcoreMesh(core_axis_name="c", subcore_axis_name="s")



@functools.partial(
    pl.kernel,
    out_type=jax.ShapeDtypeStruct((2 * N, H), jnp.float32),
    mesh=_mesh,
    scratch_types=[
        pltpu.VMEM_SHARED((ACC_ROWS, H), jnp.float32),
        pltpu.VMEM((CH, BS), jnp.int32),
        pltpu.VMEM((CH, BS), jnp.int32),
        pltpu.VMEM((CH, BS), jnp.int32),
        pltpu.VMEM((CH, BS), jnp.int32),
        pltpu.VMEM((BS, H), jnp.float32),
        pltpu.VMEM((BS, H), jnp.float32),
        pltpu.VMEM((BS, H), jnp.float32),
        pltpu.SemaphoreType.DMA,
        pltpu.SemaphoreType.DMA,
        pltpu.SemaphoreType.DMA,
        pltpu.SemaphoreType.DMA,
        pltpu.SemaphoreType.DMA,
        pltpu.SemaphoreType.DMA,
        pltpu.SemaphoreType.DMA,
    ],
)
def _sc_segsum(g2, srcp2, dstp2, zrows, s_out, acc, sv0, dv0, sv1, dv1,
               buf0, buf1, buf2, sg0, sg1, sg2, ss0, ss1, ss2, si):
    c = lax.axis_index("c")
    s = lax.axis_index("s")
    w = c * NSC + s
    bufs = (buf0, buf1, buf2)
    sg = (sg0, sg1, sg2)
    ss = (ss0, ss1, ss2)
    svs = (sv0, sv1)
    dvs = (dv0, dv1)

    pltpu.sync_copy(srcp2.at[w * NCHUNK], sv0)
    pltpu.sync_copy(dstp2.at[s * NCHUNK], dv0)

    @pl.when(s < NSC - 1)
    def _():
        pltpu.sync_copy(zrows.at[pl.ds(0, R0)], acc.at[pl.ds(s * R0, R0)])

    @pl.when(s == NSC - 1)
    def _():
        pltpu.sync_copy(zrows, acc.at[pl.ds((NSC - 1) * R0, LZ)])

    pltpu.async_copy(g2.at[sv0.at[0]], buf0, sg0)
    pltpu.async_copy(g2.at[sv0.at[1]], buf1, sg1)
    plsc.subcore_barrier()

    def _chunk(kk, p):
        sv, dv = svs[p], dvs[p]
        svq, dvq = svs[1 - p], dvs[1 - p]
        for t in range(CH):
            b = t % 3
            bn = (t + 2) % 3
            pltpu.make_async_copy(g2.at[sv.at[t]], bufs[b], sg[b]).wait()
            pltpu.async_copy(bufs[b], acc.at[dv.at[t]], ss[b], add=True)

            if t == 2:
                @pl.when(kk < NCHUNK - 1)
                def _():
                    pltpu.async_copy(srcp2.at[w * NCHUNK + kk + 1], svq, si)
                    pltpu.async_copy(dstp2.at[s * NCHUNK + kk + 1], dvq, si)

            def _wait_prev(t=t, bn=bn):
                row = t - 1 if t >= 1 else CH - 1
                dref = dv if t >= 1 else dvq
                pltpu.make_async_copy(bufs[bn], acc.at[dref.at[row]],
                                      ss[bn]).wait()

            if t < CH - 2:
                if t == 0:
                    @pl.when(kk > 0)
                    def _():
                        _wait_prev()
                else:
                    _wait_prev()
                pltpu.async_copy(g2.at[sv.at[t + 2]], bufs[bn], sg[bn])
            else:
                @pl.when(kk < NCHUNK - 1)
                def _():
                    _wait_prev()
                    if t == CH - 2:
                        pltpu.make_async_copy(
                            srcp2.at[w * NCHUNK + kk + 1], svq, si).wait()
                        pltpu.make_async_copy(
                            dstp2.at[s * NCHUNK + kk + 1], dvq, si).wait()
                    pltpu.async_copy(g2.at[svq.at[t + 2 - CH]], bufs[bn],
                                     sg[bn])

    @pl.loop(0, NCHUNK)
    def _(kk):
        @pl.when(kk % 2 == 0)
        def _():
            _chunk(kk, 0)

        @pl.when(kk % 2 == 1)
        def _():
            _chunk(kk, 1)

    lastp = (NCHUNK - 1) % 2
    for t in range(CH - 3, CH):
        b = t % 3
        pltpu.make_async_copy(bufs[b], acc.at[dvs[lastp].at[t]],
                              ss[b]).wait()
    plsc.subcore_barrier()

    @pl.when(s < NSC - 1)
    def _():
        pltpu.sync_copy(acc.at[pl.ds(s * R0, R0)],
                        s_out.at[pl.ds(c * N + s * R0, R0)])

    @pl.when(s == NSC - 1)
    def _():
        pltpu.sync_copy(acc.at[pl.ds((NSC - 1) * R0, LO)],
                        s_out.at[pl.ds(c * N + (NSC - 1) * R0, LO)])


@functools.partial(
    pl.kernel,
    out_type=jax.ShapeDtypeStruct((2 * N, H), jnp.float32),
    mesh=_mesh,
    scratch_types=[
        pltpu.VMEM_SHARED((ACC_ROWS, H), jnp.float32),
        pltpu.VMEM((NB, B), jnp.int32),
        pltpu.VMEM((B, H), jnp.float32),
        pltpu.SemaphoreType.DMA,
    ],
)
def _sc_deg(dstp, ones_hbm, zrows, deg_out, acc, dstv, onesv, ssem):
    c = lax.axis_index("c")
    s = lax.axis_index("s")
    pltpu.sync_copy(dstp.at[s], dstv)
    pltpu.sync_copy(ones_hbm, onesv)

    @pl.when(s < NSC - 1)
    def _():
        pltpu.sync_copy(zrows.at[pl.ds(0, R0)], acc.at[pl.ds(s * R0, R0)])

    @pl.when(s == NSC - 1)
    def _():
        pltpu.sync_copy(zrows, acc.at[pl.ds((NSC - 1) * R0, LZ)])

    plsc.subcore_barrier()

    @pl.loop(0, NB)
    def _(j):
        @pl.when(j % 2 == c)
        def _():
            pltpu.async_copy(onesv, acc.at[dstv.at[j]], ssem, add=True)

    @pl.loop(0, NB)
    def _(j):
        @pl.when(j % 2 == c)
        def _():
            pltpu.make_async_copy(onesv, acc.at[dstv.at[0]], ssem).wait()

    plsc.subcore_barrier()

    @pl.when(s < NSC - 1)
    def _():
        pltpu.sync_copy(acc.at[pl.ds(s * R0, R0)],
                        deg_out.at[pl.ds(c * N + s * R0, R0)])

    @pl.when(s == NSC - 1)
    def _():
        pltpu.sync_copy(acc.at[pl.ds((NSC - 1) * R0, LO)],
                        deg_out.at[pl.ds(c * N + (NSC - 1) * R0, LO)])



def _tc_mm0(x_ref, w_ref, h_ref):
    h = lax.dot_general(x_ref[...], w_ref[...], (((1,), (1,)), ((), ())),
                        preferred_element_type=jnp.float32)
    h_ref[0] = h[:, :H]
    h_ref[1] = h[:, H:]


def _tc_scale0(h_ref, degp_ref, g_ref, dinv_ref):
    deg = degp_ref[0, :, 0] + degp_ref[1, :, 0] + 1.0
    dinv = lax.rsqrt(deg)
    g_ref[0] = h_ref[0] * dinv[:, None]
    g_ref[1] = h_ref[1] * dinv[:, None]
    dinv_ref[...] = dinv[:, None]


def _tc_post(s_ref, g_ref, dinv_ref, b_ref, t_ref, ps_ref, pq_ref):
    i = pl.program_id(0)
    sv = jnp.concatenate([s_ref[0], s_ref[1]], axis=1)
    gv = jnp.concatenate([g_ref[0], g_ref[1]], axis=1)
    t = (sv + gv) * dinv_ref[...] + b_ref[...]
    rows = lax.broadcasted_iota(jnp.int32, (RB, 1), 0) + i * RB
    t = jnp.where(rows < N, t, 0.0)
    t_ref[...] = t
    ps_ref[...] = jnp.sum(t, axis=0, keepdims=True)[None]
    pq_ref[...] = jnp.sum(t * t, axis=0, keepdims=True)[None]


def _bn_coeffs(ps_ref, pq_ref, gam_ref, bet_ref):
    mu = jnp.sum(ps_ref[...], axis=0) / N
    ex2 = jnp.sum(pq_ref[...], axis=0) / N
    var = ex2 - mu * mu
    a = gam_ref[...] * lax.rsqrt(var + 1e-5)
    return a, bet_ref[...] - mu * a


def _tc_fuse(t_ref, ps_ref, pq_ref, gam_ref, bet_ref, dinv_ref, w_ref, g_ref):
    a, cshift = _bn_coeffs(ps_ref, pq_ref, gam_ref, bet_ref)
    z = t_ref[...] * a + cshift
    z = jnp.where(z >= 0, z, 0.01 * z)
    g = lax.dot_general(z, w_ref[...], (((1,), (1,)), ((), ())),
                        preferred_element_type=jnp.float32)
    g = g * dinv_ref[...]
    g_ref[0] = g[:, :H]
    g_ref[1] = g[:, H:]


def _tc_final(t_ref, ps_ref, pq_ref, gam_ref, bet_ref, o_ref):
    a, cshift = _bn_coeffs(ps_ref, pq_ref, gam_ref, bet_ref)
    o_ref[...] = t_ref[...] * a + cshift


_f32 = jnp.float32

_mm0_call = pl.pallas_call(
    _tc_mm0,
    grid=(NRB,),
    in_specs=[
        pl.BlockSpec((RB, D), lambda i: (i, 0)),
        pl.BlockSpec((D, D), lambda i: (0, 0)),
    ],
    out_specs=[pl.BlockSpec((2, RB, H), lambda i: (0, i, 0))],
    out_shape=[jax.ShapeDtypeStruct((2, N, H), _f32)],
)

_scale0_call = pl.pallas_call(
    _tc_scale0,
    grid=(NRB,),
    in_specs=[
        pl.BlockSpec((2, RB, H), lambda i: (0, i, 0)),
        pl.BlockSpec((2, RB, H), lambda i: (0, i, 0)),
    ],
    out_specs=[
        pl.BlockSpec((2, RB, H), lambda i: (0, i, 0)),
        pl.BlockSpec((RB, 1), lambda i: (i, 0)),
    ],
    out_shape=[
        jax.ShapeDtypeStruct((2, N, H), _f32),
        jax.ShapeDtypeStruct((N, 1), _f32),
    ],
)

_post_call = pl.pallas_call(
    _tc_post,
    grid=(NRB,),
    in_specs=[
        pl.BlockSpec((2, RB, H), lambda i: (0, i, 0)),
        pl.BlockSpec((2, RB, H), lambda i: (0, i, 0)),
        pl.BlockSpec((RB, 1), lambda i: (i, 0)),
        pl.BlockSpec((1, D), lambda i: (0, 0)),
    ],
    out_specs=[
        pl.BlockSpec((RB, D), lambda i: (i, 0)),
        pl.BlockSpec((1, 1, D), lambda i: (i, 0, 0)),
        pl.BlockSpec((1, 1, D), lambda i: (i, 0, 0)),
    ],
    out_shape=[
        jax.ShapeDtypeStruct((N, D), _f32),
        jax.ShapeDtypeStruct((NRB, 1, D), _f32),
        jax.ShapeDtypeStruct((NRB, 1, D), _f32),
    ],
)

_fuse_call = pl.pallas_call(
    _tc_fuse,
    grid=(NRB,),
    in_specs=[
        pl.BlockSpec((RB, D), lambda i: (i, 0)),
        pl.BlockSpec((NRB, 1, D), lambda i: (0, 0, 0)),
        pl.BlockSpec((NRB, 1, D), lambda i: (0, 0, 0)),
        pl.BlockSpec((1, D), lambda i: (0, 0)),
        pl.BlockSpec((1, D), lambda i: (0, 0)),
        pl.BlockSpec((RB, 1), lambda i: (i, 0)),
        pl.BlockSpec((D, D), lambda i: (0, 0)),
    ],
    out_specs=[pl.BlockSpec((2, RB, H), lambda i: (0, i, 0))],
    out_shape=[jax.ShapeDtypeStruct((2, N, H), _f32)],
)

_final_call = pl.pallas_call(
    _tc_final,
    grid=(NRB,),
    in_specs=[
        pl.BlockSpec((RB, D), lambda i: (i, 0)),
        pl.BlockSpec((NRB, 1, D), lambda i: (0, 0, 0)),
        pl.BlockSpec((NRB, 1, D), lambda i: (0, 0, 0)),
        pl.BlockSpec((1, D), lambda i: (0, 0)),
        pl.BlockSpec((1, D), lambda i: (0, 0)),
    ],
    out_specs=pl.BlockSpec((RB, D), lambda i: (i, 0)),
    out_shape=jax.ShapeDtypeStruct((N, D), _f32),
)



def kernel(x, edge_index, W0, b0, g0, be0, W1, b1, g1, be1, W2, b2, g2, be2):
    src = edge_index[0].astype(jnp.int32)
    dst = edge_index[1].astype(jnp.int32)
    e = src.shape[0]
    padn = NSC * NBAT * BS - e
    srcp = jnp.concatenate([src, jnp.zeros((padn,), jnp.int32)])
    srcp = srcp.reshape(NSC, NBAT, BS)
    dstps = jnp.concatenate([dst, jnp.full((padn,), TRASH, jnp.int32)])
    dstps = dstps.reshape(NSC * NCHUNK, CH, BS)
    srcp2 = jnp.concatenate([srcp, srcp + N], axis=0)
    srcp2 = srcp2.reshape(2 * NSC * NCHUNK, CH, BS)
    padd = NSC * EPW - e
    dstp = jnp.concatenate([dst, jnp.full((padd,), TRASH, jnp.int32)])
    dstp = dstp.reshape(NSC, NB, B)

    zrows = jnp.zeros((LZ, H), _f32)

    h2 = _mm0_call(x, W0)[0]
    degp = _sc_deg(dstp, jnp.ones((B, H), _f32), zrows).reshape(2, N, H)

    ga, dinv = _scale0_call(h2, degp)
    sa = _sc_segsum(ga.reshape(2 * N, H), srcp2, dstps, zrows).reshape(2, N, H)
    t, ps, pq = _post_call(sa, ga, dinv, b0.reshape(1, D))

    ga = _fuse_call(t, ps, pq, g0.reshape(1, D), be0.reshape(1, D), dinv, W1)[0]
    sa = _sc_segsum(ga.reshape(2 * N, H), srcp2, dstps, zrows).reshape(2, N, H)
    t, ps, pq = _post_call(sa, ga, dinv, b1.reshape(1, D))

    ga = _fuse_call(t, ps, pq, g1.reshape(1, D), be1.reshape(1, D), dinv, W2)[0]
    sa = _sc_segsum(ga.reshape(2 * N, H), srcp2, dstps, zrows).reshape(2, N, H)
    t, ps, pq = _post_call(sa, ga, dinv, b2.reshape(1, D))

    return _final_call(t, ps, pq, g2.reshape(1, D), be2.reshape(1, D))

# --- scband reference (transcript-rebuilt; emitter-appended) ---
"""Pipeline reference for scband-gcnconv-net-9706626089366 (READ-ONLY COPY).

The authoritative reference and input builder live on the scoring server;
editing this copy changes nothing except your own understanding.
"""

import jax, jax.numpy as jnp
import numpy as np

N_NODES = 10000
N_EDGES = 160000
D = 256


def _gcn_conv(x, edge_index, W, b):
    N = x.shape[0]
    loops = jnp.arange(N, dtype=edge_index.dtype)
    src = jnp.concatenate([edge_index[0], loops])
    dst = jnp.concatenate([edge_index[1], loops])
    h = x @ W.T  # PyG lin: weight [out, in], no bias
    ones = jnp.ones(src.shape[0], dtype=x.dtype)
    deg = jnp.zeros((N,), dtype=x.dtype).at[dst].add(ones)
    dinv = jnp.where(deg > 0, deg ** -0.5, 0.0)
    norm = dinv[src] * dinv[dst]
    msg = norm[:, None] * jnp.take(h, src, axis=0)
    out = jax.ops.segment_sum(msg, dst, num_segments=N)
    return out + b


def _bn(x, gamma, beta, eps=1e-5):
    mean = jnp.mean(x, axis=0)
    var = jnp.var(x, axis=0)
    return (x - mean) / jnp.sqrt(var + eps) * gamma + beta


def _leaky_relu(x, slope=0.01):
    return jnp.where(x >= 0, x, slope * x)


def setup_inputs(seed: int = 0) -> dict:
    key = jax.random.key(seed)
    ks = jax.random.split(key, 16)
    x = jax.random.normal(ks[0], (N_NODES, D), dtype=jnp.float32)
    edge_index = jax.random.randint(ks[1], (2, N_EDGES), 0, N_NODES, dtype=jnp.int64)
    inp = {"x": x, "edge_index": edge_index}
    for i in range(3):
        inp[f"W{i}"] = jax.random.normal(ks[2 + 4 * i], (D, D), dtype=jnp.float32) / np.sqrt(D)
        inp[f"b{i}"] = jnp.zeros((D,), dtype=jnp.float32)
        inp[f"g{i}"] = jnp.ones((D,), dtype=jnp.float32)
        inp[f"be{i}"] = jnp.zeros((D,), dtype=jnp.float32)
    return inp


def reference(x, edge_index, W0, b0, g0, be0, W1, b1, g1, be1, W2, b2, g2, be2):
    h = _gcn_conv(x, edge_index, W0, b0)
    h = _leaky_relu(_bn(h, g0, be0))
    h = _gcn_conv(h, edge_index, W1, b1)
    h = _leaky_relu(_bn(h, g1, be1))
    h = _gcn_conv(h, edge_index, W2, b2)
    h = _bn(h, g2, be2)
    return h

if __name__ == "__main__":
    import jax
    _d = setup_inputs()
    print(jax.jit(kernel)(*tuple(_d.values())))

</pallas_src>

<mosaic_0001>
#map = affine_map<(d0, d1) -> (0, 0)>
#map1 = affine_map<(d0, d1) -> (0, 0, 0)>
module attributes {stable_mosaic.version = 14 : i64} {
  func.func @_sc_segsum(%arg0: i32, %arg1: i32, %arg2: memref<20000x128xf32, #tpu.memory_space<hbm>>, %arg3: memref<448x6x120xi32, #tpu.memory_space<hbm>>, %arg4: memref<224x6x120xi32, #tpu.memory_space<hbm>>, %arg5: memref<648x128xf32, #tpu.memory_space<hbm>>, %arg6: memref<20000x128xf32, #tpu.memory_space<hbm>>, %arg7: memref<10008x128xf32, #tpu.memory_space<vmem_shared>>, %arg8: memref<6x120xi32, #tpu.memory_space<vmem>>, %arg9: memref<6x120xi32, #tpu.memory_space<vmem>>, %arg10: memref<6x120xi32, #tpu.memory_space<vmem>>, %arg11: memref<6x120xi32, #tpu.memory_space<vmem>>, %arg12: memref<120x128xf32, #tpu.memory_space<vmem>>, %arg13: memref<120x128xf32, #tpu.memory_space<vmem>>, %arg14: memref<120x128xf32, #tpu.memory_space<vmem>>, %arg15: memref<!tpu.dma_semaphore, #tpu.memory_space<semaphore_mem>>, %arg16: memref<!tpu.dma_semaphore, #tpu.memory_space<semaphore_mem>>, %arg17: memref<!tpu.dma_semaphore, #tpu.memory_space<semaphore_mem>>, %arg18: memref<!tpu.dma_semaphore, #tpu.memory_space<semaphore_mem>>, %arg19: memref<!tpu.dma_semaphore, #tpu.memory_space<semaphore_mem>>, %arg20: memref<!tpu.dma_semaphore, #tpu.memory_space<semaphore_mem>>, %arg21: memref<!tpu.dma_semaphore, #tpu.memory_space<semaphore_mem>>) attributes {dimension_semantics = [#tpu.dimension_semantics<core_parallel>, #tpu.dimension_semantics<subcore_parallel>], iteration_bounds = array<i64: 2, 16>, scalar_prefetch = 0 : i64, scratch_operands = 15 : i64, tpu.core_type = #tpu.core_type<sc_vector_subcore>, window_params = [{transform_indices = #map}, {transform_indices = #map1}, {transform_indices = #map1}, {transform_indices = #map}, {transform_indices = #map}]} {
    %mul3A = arith.constant 16 : i32
    %mul3A_0 = arith.muli %arg0, %mul3A : i32
    %add3A = arith.addi %mul3A_0, %arg1 : i32
    %mul3A_1 = arith.constant 14 : i32
    %mul3A_2 = arith.muli %add3A, %mul3A_1 : i32
    "tpu.region"() ({
      %run_scoped3A = tpu.sem_alloc : memref<!tpu.dma_semaphore, #tpu.memory_space<semaphore_mem>>
      %dma_start3A_59 = arith.constant 0 : i32
      %dma_start3A_60 = arith.constant 0 : i32
      %dma_start3A_61 = tpu.memref_slice %arg3[%mul3A_2, %dma_start3A_59, %dma_start3A_60] : memref<448x6x120xi32, #tpu.memory_space<hbm>> -> memref<1x6x120xi32, #tpu.memory_space<hbm>>
      %dma_start3A_62 = tpu.memref_squeeze %dma_start3A_61 : memref<1x6x120xi32, #tpu.memory_space<hbm>> -> memref<6x120xi32, #tpu.memory_space<hbm>>
      %dma_start3A_63 = arith.constant 0 : i32
      %dma_start3A_64 = arith.constant 0 : i32
      %dma_start3A_65 = tpu.memref_slice %arg3[%mul3A_2, %dma_start3A_63, %dma_start3A_64] : memref<448x6x120xi32, #tpu.memory_space<hbm>> -> memref<1x6x120xi32, #tpu.memory_space<hbm>>
      %dma_start3A_66 = tpu.memref_squeeze %dma_start3A_65 : memref<1x6x120xi32, #tpu.memory_space<hbm>> -> memref<6x120xi32, #tpu.memory_space<hbm>>
      tpu.enqueue_dma source(%dma_start3A_66 : memref<6x120xi32, #tpu.memory_space<hbm>>) target(%arg8 : memref<6x120xi32, #tpu.memory_space<vmem>>) target_semaphore(%run_scoped3A : memref<!tpu.dma_semaphore, #tpu.memory_space<semaphore_mem>>)
      %dma_wait3A_67 = arith.constant 0 : i32
      %dma_wait3A_68 = arith.constant 0 : i32
      %dma_wait3A_69 = tpu.memref_slice %arg3[%mul3A_2, %dma_wait3A_67, %dma_wait3A_68] : memref<448x6x120xi32, #tpu.memory_space<hbm>> -> memref<1x6x120xi32, #tpu.memory_space<hbm>>
      %dma_wait3A_70 = tpu.memref_squeeze %dma_wait3A_69 : memref<1x6x120xi32, #tpu.memory_space<hbm>> -> memref<6x120xi32, #tpu.memory_space<hbm>>
      %dma_wait3A_71 = arith.constant 0 : i32
      %dma_wait3A_72 = arith.constant 0 : i32
      %dma_wait3A_73 = tpu.memref_slice %arg3[%mul3A_2, %dma_wait3A_71, %dma_wait3A_72] : memref<448x6x120xi32, #tpu.memory_space<hbm>> -> memref<1x6x120xi32, #tpu.memory_space<hbm>>
      %dma_wait3A_74 = tpu.memref_squeeze %dma_wait3A_73 : memref<1x6x120xi32, #tpu.memory_space<hbm>> -> memref<6x120xi32, #tpu.memory_space<hbm>>
      tpu.wait_dma2 semaphore(%run_scoped3A : memref<!tpu.dma_semaphore, #tpu.memory_space<semaphore_mem>>) src(%dma_wait3A_74 : memref<6x120xi32, #tpu.memory_space<hbm>>) dst(%arg8 : memref<6x120xi32, #tpu.memory_space<vmem>>)
      tpu.yield
    }) : () -> ()
    %mul3A_3 = arith.constant 14 : i32
    %mul3A_4 = arith.muli %arg1, %mul3A_3 : i32
    "tpu.region"() ({
      %run_scoped3A = tpu.sem_alloc : memref<!tpu.dma_semaphore, #tpu.memory_space<semaphore_mem>>
      %dma_start3A_59 = arith.constant 0 : i32
      %dma_start3A_60 = arith.constant 0 : i32
      %dma_start3A_61 = tpu.memref_slice %arg4[%mul3A_4, %dma_start3A_59, %dma_start3A_60] : memref<224x6x120xi32, #tpu.memory_space<hbm>> -> memref<1x6x120xi32, #tpu.memory_space<hbm>>
      %dma_start3A_62 = tpu.memref_squeeze %dma_start3A_61 : memref<1x6x120xi32, #tpu.memory_space<hbm>> -> memref<6x120xi32, #tpu.memory_space<hbm>>
      %dma_start3A_63 = arith.constant 0 : i32
      %dma_start3A_64 = arith.constant 0 : i32
      %dma_start3A_65 = tpu.memref_slice %arg4[%mul3A_4, %dma_start3A_63, %dma_start3A_64] : memref<224x6x120xi32, #tpu.memory_space<hbm>> -> memref<1x6x120xi32, #tpu.memory_space<hbm>>
      %dma_start3A_66 = tpu.memref_squeeze %dma_start3A_65 : memref<1x6x120xi32, #tpu.memory_space<hbm>> -> memref<6x120xi32, #tpu.memory_space<hbm>>
      tpu.enqueue_dma source(%dma_start3A_66 : memref<6x120xi32, #tpu.memory_space<hbm>>) target(%arg9 : memref<6x120xi32, #tpu.memory_space<vmem>>) target_semaphore(%run_scoped3A : memref<!tpu.dma_semaphore, #tpu.memory_space<semaphore_mem>>)
      %dma_wait3A_67 = arith.constant 0 : i32
      %dma_wait3A_68 = arith.constant 0 : i32
      %dma_wait3A_69 = tpu.memref_slice %arg4[%mul3A_4, %dma_wait3A_67, %dma_wait3A_68] : memref<224x6x120xi32, #tpu.memory_space<hbm>> -> memref<1x6x120xi32, #tpu.memory_space<hbm>>
      %dma_wait3A_70 = tpu.memref_squeeze %dma_wait3A_69 : memref<1x6x120xi32, #tpu.memory_space<hbm>> -> memref<6x120xi32, #tpu.memory_space<hbm>>
      %dma_wait3A_71 = arith.constant 0 : i32
      %dma_wait3A_72 = arith.constant 0 : i32
      %dma_wait3A_73 = tpu.memref_slice %arg4[%mul3A_4, %dma_wait3A_71, %dma_wait3A_72] : memref<224x6x120xi32, #tpu.memory_space<hbm>> -> memref<1x6x120xi32, #tpu.memory_space<hbm>>
      %dma_wait3A_74 = tpu.memref_squeeze %dma_wait3A_73 : memref<1x6x120xi32, #tpu.memory_space<hbm>> -> memref<6x120xi32, #tpu.memory_space<hbm>>
      tpu.wait_dma2 semaphore(%run_scoped3A : memref<!tpu.dma_semaphore, #tpu.memory_space<semaphore_mem>>) src(%dma_wait3A_74 : memref<6x120xi32, #tpu.memory_space<hbm>>) dst(%arg9 : memref<6x120xi32, #tpu.memory_space<vmem>>)
      tpu.yield
    }) : () -> ()
    %lt3A = arith.constant 15 : i32
    %lt3A_5 = arith.cmpi slt, %arg1, %lt3A : i32
    %convert_element_type3A = arith.extui %lt3A_5 : i1 to i32
    %cond3A = arith.constant 0 : i32
    %cond3A_6 = arith.cmpi ne, %convert_element_type3A, %cond3A : i32
    scf.if %cond3A_6 {
      %mul3A_59 = arith.constant 624 : i32
      %mul3A_60 = arith.muli %arg1, %mul3A_59 : i32
      "tpu.region"() ({
        %run_scoped3A = tpu.sem_alloc : memref<!tpu.dma_semaphore, #tpu.memory_space<semaphore_mem>>
        %dma_start3A_61 = arith.constant 0 : i32
        %dma_start3A_62 = tpu.memref_slice %arg7[%mul3A_60, %dma_start3A_61] : memref<10008x128xf32, #tpu.memory_space<vmem_shared>> -> memref<624x128xf32, #tpu.memory_space<vmem_shared>>
        %dma_start3A_63 = arith.constant 0 : i32
        %dma_start3A_64 = arith.constant 0 : i32
        %dma_start3A_65 = tpu.memref_slice %arg5[%dma_start3A_63, %dma_start3A_64] : memref<648x128xf32, #tpu.memory_space<hbm>> -> memref<624x128xf32, #tpu.memory_space<hbm>>
        tpu.enqueue_dma source(%dma_start3A_65 : memref<624x128xf32, #tpu.memory_space<hbm>>) target(%dma_start3A_62 : memref<624x128xf32, #tpu.memory_space<vmem_shared>>) target_semaphore(%run_scoped3A : memref<!tpu.dma_semaphore, #tpu.memory_space<semaphore_mem>>)
        %dma_wait3A_66 = arith.constant 0 : i32
        %dma_wait3A_67 = tpu.memref_slice %arg7[%mul3A_60, %dma_wait3A_66] : memref<10008x128xf32, #tpu.memory_space<vmem_shared>> -> memref<624x128xf32, #tpu.memory_space<vmem_shared>>
        %dma_wait3A_68 = arith.constant 0 : i32
        %dma_wait3A_69 = arith.constant 0 : i32
        %dma_wait3A_70 = tpu.memref_slice %arg5[%dma_wait3A_68, %dma_wait3A_69] : memref<648x128xf32, #tpu.memory_space<hbm>> -> memref<624x128xf32, #tpu.memory_space<hbm>>
        tpu.wait_dma2 semaphore(%run_scoped3A : memref<!tpu.dma_semaphore, #tpu.memory_space<semaphore_mem>>) src(%dma_wait3A_70 : memref<624x128xf32, #tpu.memory_space<hbm>>) dst(%dma_wait3A_67 : memref<624x128xf32, #tpu.memory_space<vmem_shared>>)
        tpu.yield
      }) : () -> ()
    } else {
    }
    %eq3A = arith.constant 15 : i32
    %eq3A_7 = arith.cmpi eq, %arg1, %eq3A : i32
    %convert_element_type3A_8 = arith.extui %eq3A_7 : i1 to i32
    %cond3A_9 = arith.constant 0 : i32
    %cond3A_10 = arith.cmpi ne, %convert_element_type3A_8, %cond3A_9 : i32
    scf.if %cond3A_10 {
      "tpu.region"() ({
        %run_scoped3A = tpu.sem_alloc : memref<!tpu.dma_semaphore, #tpu.memory_space<semaphore_mem>>
        %dma_start3A_59 = arith.constant 9360 : i32
        %dma_start3A_60 = arith.constant 0 : i32
        %dma_start3A_61 = tpu.memref_slice %arg7[%dma_start3A_59, %dma_start3A_60] : memref<10008x128xf32, #tpu.memory_space<vmem_shared>> -> memref<648x128xf32, #tpu.memory_space<vmem_shared>>
        tpu.enqueue_dma source(%arg5 : memref<648x128xf32, #tpu.memory_space<hbm>>) target(%dma_start3A_61 : memref<648x128xf32, #tpu.memory_space<vmem_shared>>) target_semaphore(%run_scoped3A : memref<!tpu.dma_semaphore, #tpu.memory_space<semaphore_mem>>)
        %dma_wait3A_62 = arith.constant 9360 : i32
        %dma_wait3A_63 = arith.constant 0 : i32
        %dma_wait3A_64 = tpu.memref_slice %arg7[%dma_wait3A_62, %dma_wait3A_63] : memref<10008x128xf32, #tpu.memory_space<vmem_shared>> -> memref<648x128xf32, #tpu.memory_space<vmem_shared>>
        tpu.wait_dma2 semaphore(%run_scoped3A : memref<!tpu.dma_semaphore, #tpu.memory_space<semaphore_mem>>) src(%arg5 : memref<648x128xf32, #tpu.memory_space<hbm>>) dst(%dma_wait3A_64 : memref<648x128xf32, #tpu.memory_space<vmem_shared>>)
        tpu.yield
      }) : () -> ()
    } else {
    }
    %dma_start3A = arith.constant 0 : i32
    %dma_start3A_11 = arith.constant 0 : i32
    %dma_start3A_12 = tpu.memref_slice %arg8[%dma_start3A, %dma_start3A_11] : memref<6x120xi32, #tpu.memory_space<vmem>> -> memref<1x120xi32, #tpu.memory_space<vmem>>
    %dma_start3A_13 = tpu.memref_squeeze %dma_start3A_12 : memref<1x120xi32, #tpu.memory_space<vmem>> -> memref<120xi32, #tpu.memory_space<vmem>>
    %dma_start3A_14 = arith.constant 0 : i32
    %dma_start3A_15 = arith.constant 0 : i32
    %dma_start3A_16 = tpu.memref_slice %arg2[%dma_start3A_14, %dma_start3A_15] : memref<20000x128xf32, #tpu.memory_space<hbm>> -> memref<20000x128xf32, #tpu.memory_space<hbm>>
    tpu.enqueue_indirect_dma source(%dma_start3A_16 : memref<20000x128xf32, #tpu.memory_space<hbm>>) target(%arg12 : memref<120x128xf32, #tpu.memory_space<vmem>>) offsets(%dma_start3A_13 : memref<120xi32, #tpu.memory_space<vmem>>) semaphore(%arg15 : memref<!tpu.dma_semaphore, #tpu.memory_space<semaphore_mem>>)
    %dma_start3A_17 = arith.constant 1 : i32
    %dma_start3A_18 = arith.constant 0 : i32
    %dma_start3A_19 = tpu.memref_slice %arg8[%dma_start3A_17, %dma_start3A_18] : memref<6x120xi32, #tpu.memory_space<vmem>> -> memref<1x120xi32, #tpu.memory_space<vmem>>
    %dma_start3A_20 = tpu.memref_squeeze %dma_start3A_19 : memref<1x120xi32, #tpu.memory_space<vmem>> -> memref<120xi32, #tpu.memory_space<vmem>>
    %dma_start3A_21 = arith.constant 0 : i32
    %dma_start3A_22 = arith.constant 0 : i32
    %dma_start3A_23 = tpu.memref_slice %arg2[%dma_start3A_21, %dma_start3A_22] : memref<20000x128xf32, #tpu.memory_space<hbm>> -> memref<20000x128xf32, #tpu.memory_space<hbm>>
    tpu.enqueue_indirect_dma source(%dma_start3A_23 : memref<20000x128xf32, #tpu.memory_space<hbm>>) target(%arg13 : memref<120x128xf32, #tpu.memory_space<vmem>>) offsets(%dma_start3A_20 : memref<120xi32, #tpu.memory_space<vmem>>) semaphore(%arg16 : memref<!tpu.dma_semaphore, #tpu.memory_space<semaphore_mem>>)
    %barrier3A = arith.constant 0 : index
    tpu.barrier barrier_id(%barrier3A)
    %scan3A = arith.constant 0 : i32
    %scan3A_24 = arith.constant 14 : i32
    %scan3A_25 = arith.addi %scan3A, %scan3A_24 : i32
    %scan3A_26 = arith.constant 1 : i32
    scf.for %scan3A_59 = %scan3A to %scan3A_25 step %scan3A_26  : i32 {
      %mul3A_60 = arith.constant 1 : i32
      %mul3A_61 = arith.muli %scan3A_59, %mul3A_60 : i32
      %add3A_62 = arith.constant 0 : i32
      %add3A_63 = arith.addi %add3A_62, %mul3A_61 : i32
      %jit3A = arith.constant 2 : i32
      %eq3A_64 = arith.constant 0 : i32
      %eq3A_65 = arith.cmpi eq, %jit3A, %eq3A_64 : i32
      %jit3A_66 = arith.constant 1 : i32
      %select_n3A = arith.select %eq3A_65, %jit3A_66, %jit3A : i32
      %rem3A = arith.remsi %add3A_63, %select_n3A : i32
      %ne3A = arith.constant 0 : i32
      %ne3A_67 = arith.cmpi ne, %rem3A, %ne3A : i32
      %lt3A_68 = arith.constant 0 : i32
      %lt3A_69 = arith.cmpi slt, %rem3A, %lt3A_68 : i32
      %lt3A_70 = arith.constant 0 : i32
      %lt3A_71 = arith.cmpi slt, %select_n3A, %lt3A_70 : i32
      %ne3A_72 = arith.xori %lt3A_69, %lt3A_71 : i1
      %and3A = arith.andi %ne3A_72, %ne3A_67 : i1
      %add3A_73 = arith.addi %rem3A, %select_n3A : i32
      %select_n3A_74 = arith.select %and3A, %add3A_73, %rem3A : i32
      %eq3A_75 = arith.constant 0 : i32
      %eq3A_76 = arith.cmpi eq, %select_n3A_74, %eq3A_75 : i32
      %convert_element_type3A_77 = arith.extui %eq3A_76 : i1 to i32
      %cond3A_78 = arith.constant 0 : i32
      %cond3A_79 = arith.cmpi ne, %convert_element_type3A_77, %cond3A_78 : i32
      scf.if %cond3A_79 {
        %dma_wait3A_101 = arith.constant 0 : i32
        %dma_wait3A_102 = arith.constant 0 : i32
        %dma_wait3A_103 = tpu.memref_slice %arg8[%dma_wait3A_101, %dma_wait3A_102] : memref<6x120xi32, #tpu.memory_space<vmem>> -> memref<1x120xi32, #tpu.memory_space<vmem>>
        %dma_wait3A_104 = tpu.memref_squeeze %dma_wait3A_103 : memref<1x120xi32, #tpu.memory_space<vmem>> -> memref<120xi32, #tpu.memory_space<vmem>>
        %dma_wait3A_105 = arith.constant 0 : i32
        %dma_wait3A_106 = arith.constant 0 : i32
        %dma_wait3A_107 = tpu.memref_slice %arg2[%dma_wait3A_105, %dma_wait3A_106] : memref<20000x128xf32, #tpu.memory_space<hbm>> -> memref<20000x128xf32, #tpu.memory_space<hbm>>
        tpu.wait_indirect_dma semaphore(%arg15 : memref<!tpu.dma_semaphore, #tpu.memory_space<semaphore_mem>>) src(%dma_wait3A_107 : memref<20000x128xf32, #tpu.memory_space<hbm>>) dst(%arg12 : memref<120x128xf32, #tpu.memory_space<vmem>>)
        %dma_start3A_108 = arith.constant 0 : i32
        %dma_start3A_109 = arith.constant 0 : i32
        %dma_start3A_110 = tpu.memref_slice %arg9[%dma_start3A_108, %dma_start3A_109] : memref<6x120xi32, #tpu.memory_space<vmem>> -> memref<1x120xi32, #tpu.memory_space<vmem>>
        %dma_start3A_111 = tpu.memref_squeeze %dma_start3A_110 : memref<1x120xi32, #tpu.memory_space<vmem>> -> memref<120xi32, #tpu.memory_space<vmem>>
        %dma_start3A_112 = arith.constant 0 : i32
        %dma_start3A_113 = arith.constant 0 : i32
        %dma_start3A_114 = tpu.memref_slice %arg7[%dma_start3A_112, %dma_start3A_113] : memref<10008x128xf32, #tpu.memory_space<vmem_shared>> -> memref<10008x128xf32, #tpu.memory_space<vmem_shared>>
        tpu.enqueue_indirect_dma source(%arg12 : memref<120x128xf32, #tpu.memory_space<vmem>>) target(%dma_start3A_114 : memref<10008x128xf32, #tpu.memory_space<vmem_shared>>) offsets(%dma_start3A_111 : memref<120xi32, #tpu.memory_space<vmem>>) semaphore(%arg18 : memref<!tpu.dma_semaphore, #tpu.memory_space<semaphore_mem>>) {add = true}
        %gt3A = arith.constant 0 : i32
        %gt3A_115 = arith.cmpi sgt, %add3A_63, %gt3A : i32
        %convert_element_type3A_116 = arith.extui %gt3A_115 : i1 to i32
        %cond3A_117 = arith.constant 0 : i32
        %cond3A_118 = arith.cmpi ne, %convert_element_type3A_116, %cond3A_117 : i32
        scf.if %cond3A_118 {
          %dma_wait3A_253 = arith.constant 5 : i32
          %dma_wait3A_254 = arith.constant 0 : i32
          %dma_wait3A_255 = tpu.memref_slice %arg11[%dma_wait3A_253, %dma_wait3A_254] : memref<6x120xi32, #tpu.memory_space<vmem>> -> memref<1x120xi32, #tpu.memory_space<vmem>>
          %dma_wait3A_256 = tpu.memref_squeeze %dma_wait3A_255 : memref<1x120xi32, #tpu.memory_space<vmem>> -> memref<120xi32, #tpu.memory_space<vmem>>
          %dma_wait3A_257 = arith.constant 0 : i32
          %dma_wait3A_258 = arith.constant 0 : i32
          %dma_wait3A_259 = tpu.memref_slice %arg7[%dma_wait3A_257, %dma_wait3A_258] : memref<10008x128xf32, #tpu.memory_space<vmem_shared>> -> memref<10008x128xf32, #tpu.memory_space<vmem_shared>>
          tpu.wait_indirect_dma semaphore(%arg20 : memref<!tpu.dma_semaphore, #tpu.memory_space<semaphore_mem>>) src(%arg14 : memref<120x128xf32, #tpu.memory_space<vmem>>) dst(%dma_wait3A_259 : memref<10008x128xf32, #tpu.memory_space<vmem_shared>>)
        } else {
        }
        %dma_start3A_119 = arith.constant 2 : i32
        %dma_start3A_120 = arith.constant 0 : i32
        %dma_start3A_121 = tpu.memref_slice %arg8[%dma_start3A_119, %dma_start3A_120] : memref<6x120xi32, #tpu.memory_space<vmem>> -> memref<1x120xi32, #tpu.memory_space<vmem>>
        %dma_start3A_122 = tpu.memref_squeeze %dma_start3A_121 : memref<1x120xi32, #tpu.memory_space<vmem>> -> memref<120xi32, #tpu.memory_space<vmem>>
        %dma_start3A_123 = arith.constant 0 : i32
        %dma_start3A_124 = arith.constant 0 : i32
        %dma_start3A_125 = tpu.memref_slice %arg2[%dma_start3A_123, %dma_start3A_124] : memref<20000x128xf32, #tpu.memory_space<hbm>> -> memref<20000x128xf32, #tpu.memory_space<hbm>>
        tpu.enqueue_indirect_dma source(%dma_start3A_125 : memref<20000x128xf32, #tpu.memory_space<hbm>>) target(%arg14 : memref<120x128xf32, #tpu.memory_space<vmem>>) offsets(%dma_start3A_122 : memref<120xi32, #tpu.memory_space<vmem>>) semaphore(%arg17 : memref<!tpu.dma_semaphore, #tpu.memory_space<semaphore_mem>>)
        %dma_wait3A_126 = arith.constant 1 : i32
        %dma_wait3A_127 = arith.constant 0 : i32
        %dma_wait3A_128 = tpu.memref_slice %arg8[%dma_wait3A_126, %dma_wait3A_127] : memref<6x120xi32, #tpu.memory_space<vmem>> -> memref<1x120xi32, #tpu.memory_space<vmem>>
        %dma_wait3A_129 = tpu.memref_squeeze %dma_wait3A_128 : memref<1x120xi32, #tpu.memory_space<vmem>> -> memref<120xi32, #tpu.memory_space<vmem>>
        %dma_wait3A_130 = arith.constant 0 : i32
        %dma_wait3A_131 = arith.constant 0 : i32
        %dma_wait3A_132 = tpu.memref_slice %arg2[%dma_wait3A_130, %dma_wait3A_131] : memref<20000x128xf32, #tpu.memory_space<hbm>> -> memref<20000x128xf32, #tpu.memory_space<hbm>>
        tpu.wait_indirect_dma semaphore(%arg16 : memref<!tpu.dma_semaphore, #tpu.memory_space<semaphore_mem>>) src(%dma_wait3A_132 : memref<20000x128xf32, #tpu.memory_space<hbm>>) dst(%arg13 : memref<120x128xf32, #tpu.memory_space<vmem>>)
        %dma_start3A_133 = arith.constant 1 : i32
        %dma_start3A_134 = arith.constant 0 : i32
        %dma_start3A_135 = tpu.memref_slice %arg9[%dma_start3A_133, %dma_start3A_134] : memref<6x120xi32, #tpu.memory_space<vmem>> -> memref<1x120xi32, #tpu.memory_space<vmem>>
        %dma_start3A_136 = tpu.memref_squeeze %dma_start3A_135 : memref<1x120xi32, #tpu.memory_space<vmem>> -> memref<120xi32, #tpu.memory_space<vmem>>
        %dma_start3A_137 = arith.constant 0 : i32
        %dma_start3A_138 = arith.constant 0 : i32
        %dma_start3A_139 = tpu.memref_slice %arg7[%dma_start3A_137, %dma_start3A_138] : memref<10008x128xf32, #tpu.memory_space<vmem_shared>> -> memref<10008x128xf32, #tpu.memory_space<vmem_shared>>
        tpu.enqueue_indirect_dma source(%arg13 : memref<120x128xf32, #tpu.memory_space<vmem>>) target(%dma_start3A_139 : memref<10008x128xf32, #tpu.memory_space<vmem_shared>>) offsets(%dma_start3A_136 : memref<120xi32, #tpu.memory_space<vmem>>) semaphore(%arg19 : memref<!tpu.dma_semaphore, #tpu.memory_space<semaphore_mem>>) {add = true}
        %dma_wait3A_140 = arith.constant 0 : i32
        %dma_wait3A_141 = arith.constant 0 : i32
        %dma_wait3A_142 = tpu.memref_slice %arg9[%dma_wait3A_140, %dma_wait3A_141] : memref<6x120xi32, #tpu.memory_space<vmem>> -> memref<1x120xi32, #tpu.memory_space<vmem>>
        %dma_wait3A_143 = tpu.memref_squeeze %dma_wait3A_142 : memref<1x120xi32, #tpu.memory_space<vmem>> -> memref<120xi32, #tpu.memory_space<vmem>>
        %dma_wait3A_144 = arith.constant 0 : i32
        %dma_wait3A_145 = arith.constant 0 : i32
        %dma_wait3A_146 = tpu.memref_slice %arg7[%dma_wait3A_144, %dma_wait3A_145] : memref<10008x128xf32, #tpu.memory_space<vmem_shared>> -> memref<10008x128xf32, #tpu.memory_space<vmem_shared>>
        tpu.wait_indirect_dma semaphore(%arg18 : memref<!tpu.dma_semaphore, #tpu.memory_space<semaphore_mem>>) src(%arg12 : memref<120x128xf32, #tpu.memory_space<vmem>>) dst(%dma_wait3A_146 : memref<10008x128xf32, #tpu.memory_space<vmem_shared>>)
        %dma_start3A_147 = arith.constant 3 : i32
        %dma_start3A_148 = arith.constant 0 : i32
        %dma_start3A_149 = tpu.memref_slice %arg8[%dma_start3A_147, %dma_start3A_148] : memref<6x120xi32, #tpu.memory_space<vmem>> -> memref<1x120xi32, #tpu.memory_space<vmem>>
        %dma_start3A_150 = tpu.memref_squeeze %dma_start3A_149 : memref<1x120xi32, #tpu.memory_space<vmem>> -> memref<120xi32, #tpu.memory_space<vmem>>
        %dma_start3A_151 = arith.constant 0 : i32
        %dma_start3A_152 = arith.constant 0 : i32
        %dma_start3A_153 = tpu.memref_slice %arg2[%dma_start3A_151, %dma_start3A_152] : memref<20000x128xf32, #tpu.memory_space<hbm>> -> memref<20000x128xf32, #tpu.memory_space<hbm>>
        tpu.enqueue_indirect_dma source(%dma_start3A_153 : memref<20000x128xf32, #tpu.memory_space<hbm>>) target(%arg12 : memref<120x128xf32, #tpu.memory_space<vmem>>) offsets(%dma_start3A_150 : memref<120xi32, #tpu.memory_space<vmem>>) semaphore(%arg15 : memref<!tpu.dma_semaphore, #tpu.memory_space<semaphore_mem>>)
        %dma_wait3A_154 = arith.constant 2 : i32
        %dma_wait3A_155 = arith.constant 0 : i32
        %dma_wait3A_156 = tpu.memref_slice %arg8[%dma_wait3A_154, %dma_wait3A_155] : memref<6x120xi32, #tpu.memory_space<vmem>> -> memref<1x120xi32, #tpu.memory_space<vmem>>
        %dma_wait3A_157 = tpu.memref_squeeze %dma_wait3A_156 : memref<1x120xi32, #tpu.memory_space<vmem>> -> memref<120xi32, #tpu.memory_space<vmem>>
        %dma_wait3A_158 = arith.constant 0 : i32
        %dma_wait3A_159 = arith.constant 0 : i32
        %dma_wait3A_160 = tpu.memref_slice %arg2[%dma_wait3A_158, %dma_wait3A_159] : memref<20000x128xf32, #tpu.memory_space<hbm>> -> memref<20000x128xf32, #tpu.memory_space<hbm>>
        tpu.wait_indirect_dma semaphore(%arg17 : memref<!tpu.dma_semaphore, #tpu.memory_space<semaphore_mem>>) src(%dma_wait3A_160 : memref<20000x128xf32, #tpu.memory_space<hbm>>) dst(%arg14 : memref<120x128xf32, #tpu.memory_space<vmem>>)
        %dma_start3A_161 = arith.constant 2 : i32
        %dma_start3A_162 = arith.constant 0 : i32
        %dma_start3A_163 = tpu.memref_slice %arg9[%dma_start3A_161, %dma_start3A_162] : memref<6x120xi32, #tpu.memory_space<vmem>> -> memref<1x120xi32, #tpu.memory_space<vmem>>
        %dma_start3A_164 = tpu.memref_squeeze %dma_start3A_163 : memref<1x120xi32, #tpu.memory_space<vmem>> -> memref<120xi32, #tpu.memory_space<vmem>>
        %dma_start3A_165 = arith.constant 0 : i32
        %dma_start3A_166 = arith.constant 0 : i32
        %dma_start3A_167 = tpu.memref_slice %arg7[%dma_start3A_165, %dma_start3A_166] : memref<10008x128xf32, #tpu.memory_space<vmem_shared>> -> memref<10008x128xf32, #tpu.memory_space<vmem_shared>>
        tpu.enqueue_indirect_dma source(%arg14 : memref<120x128xf32, #tpu.memory_space<vmem>>) target(%dma_start3A_167 : memref<10008x128xf32, #tpu.memory_space<vmem_shared>>) offsets(%dma_start3A_164 : memref<120xi32, #tpu.memory_space<vmem>>) semaphore(%arg20 : memref<!tpu.dma_semaphore, #tpu.memory_space<semaphore_mem>>) {add = true}
        %lt3A_168 = arith.constant 13 : i32
        %lt3A_169 = arith.cmpi slt, %add3A_63, %lt3A_168 : i32
        %convert_element_type3A_170 = arith.extui %lt3A_169 : i1 to i32
        %cond3A_171 = arith.constant 0 : i32
        %cond3A_172 = arith.cmpi ne, %convert_element_type3A_170, %cond3A_171 : i32
        scf.if %cond3A_172 {
          %mul3A_253 = arith.constant 14 : i32
          %mul3A_254 = arith.muli %add3A, %mul3A_253 : i32
          %add3A_255 = arith.addi %mul3A_254, %add3A_63 : i32
          %add3A_256 = arith.constant 1 : i32
          %add3A_257 = arith.addi %add3A_255, %add3A_256 : i32
          %dma_start3A_258 = arith.constant 0 : i32
          %dma_start3A_259 = arith.constant 0 : i32
          %dma_start3A_260 = tpu.memref_slice %arg3[%add3A_257, %dma_start3A_258, %dma_start3A_259] : memref<448x6x120xi32, #tpu.memory_space<hbm>> -> memref<1x6x120xi32, #tpu.memory_space<hbm>>
          %dma_start3A_261 = tpu.memref_squeeze %dma_start3A_260 : memref<1x6x120xi32, #tpu.memory_space<hbm>> -> memref<6x120xi32, #tpu.memory_space<hbm>>
          %dma_start3A_262 = arith.constant 0 : i32
          %dma_start3A_263 = arith.constant 0 : i32
          %dma_start3A_264 = tpu.memref_slice %arg3[%add3A_257, %dma_start3A_262, %dma_start3A_263] : memref<448x6x120xi32, #tpu.memory_space<hbm>> -> memref<1x6x120xi32, #tpu.memory_space<hbm>>
          %dma_start3A_265 = tpu.memref_squeeze %dma_start3A_264 : memref<1x6x120xi32, #tpu.memory_space<hbm>> -> memref<6x120xi32, #tpu.memory_space<hbm>>
          tpu.enqueue_dma source(%dma_start3A_265 : memref<6x120xi32, #tpu.memory_space<hbm>>) target(%arg10 : memref<6x120xi32, #tpu.memory_space<vmem>>) target_semaphore(%arg21 : memref<!tpu.dma_semaphore, #tpu.memory_space<semaphore_mem>>)
          %mul3A_266 = arith.constant 14 : i32
          %mul3A_267 = arith.muli %arg1, %mul3A_266 : i32
          %add3A_268 = arith.addi %mul3A_267, %add3A_63 : i32
          %add3A_269 = arith.constant 1 : i32
          %add3A_270 = arith.addi %add3A_268, %add3A_269 : i32
          %dma_start3A_271 = arith.constant 0 : i32
          %dma_start3A_272 = arith.constant 0 : i32
          %dma_start3A_273 = tpu.memref_slice %arg4[%add3A_270, %dma_start3A_271, %dma_start3A_272] : memref<224x6x120xi32, #tpu.memory_space<hbm>> -> memref<1x6x120xi32, #tpu.memory_space<hbm>>
          %dma_start3A_274 = tpu.memref_squeeze %dma_start3A_273 : memref<1x6x120xi32, #tpu.memory_space<hbm>> -> memref<6x120xi32, #tpu.memory_space<hbm>>
          %dma_start3A_275 = arith.constant 0 : i32
          %dma_start3A_276 = arith.constant 0 : i32
          %dma_start3A_277 = tpu.memref_slice %arg4[%add3A_270, %dma_start3A_275, %dma_start3A_276] : memref<224x6x120xi32, #tpu.memory_space<hbm>> -> memref<1x6x120xi32, #tpu.memory_space<hbm>>
          %dma_start3A_278 = tpu.memref_squeeze %dma_start3A_277 : memref<1x6x120xi32, #tpu.memory_space<hbm>> -> memref<6x120xi32, #tpu.memory_space<hbm>>
          tpu.enqueue_dma source(%dma_start3A_278 : memref<6x120xi32, #tpu.memory_space<hbm>>) target(%arg11 : memref<6x120xi32, #tpu.memory_space<vmem>>) target_semaphore(%arg21 : memref<!tpu.dma_semaphore, #tpu.memory_space<semaphore_mem>>)
        } else {
        }
        %dma_wait3A_173 = arith.constant 1 : i32
        %dma_wait3A_174 = arith.constant 0 : i32
        %dma_wait3A_175 = tpu.memref_slice %arg9[%dma_wait3A_173, %dma_wait3A_174] : memref<6x120xi32, #tpu.memory_space<vmem>> -> memref<1x120xi32, #tpu.memory_space<vmem>>
        %dma_wait3A_176 = tpu.memref_squeeze %dma_wait3A_175 : memref<1x120xi32, #tpu.memory_space<vmem>> -> memref<120xi32, #tpu.memory_space<vmem>>
        %dma_wait3A_177 = arith.constant 0 : i32
        %dma_wait3A_178 = arith.constant 0 : i32
        %dma_wait3A_179 = tpu.memref_slice %arg7[%dma_wait3A_177, %dma_wait3A_178] : memref<10008x128xf32, #tpu.memory_space<vmem_shared>> -> memref<10008x128xf32, #tpu.memory_space<vmem_shared>>
        tpu.wait_indirect_dma semaphore(%arg19 : memref<!tpu.dma_semaphore, #tpu.memory_space<semaphore_mem>>) src(%arg13 : memref<120x128xf32, #tpu.memory_space<vmem>>) dst(%dma_wait3A_179 : memref<10008x128xf32, #tpu.memory_space<vmem_shared>>)
        %dma_start3A_180 = arith.constant 4 : i32
        %dma_start3A_181 = arith.constant 0 : i32
        %dma_start3A_182 = tpu.memref_slice %arg8[%dma_start3A_180, %dma_start3A_181] : memref<6x120xi32, #tpu.memory_space<vmem>> -> memref<1x120xi32, #tpu.memory_space<vmem>>
        %dma_start3A_183 = tpu.memref_squeeze %dma_start3A_182 : memref<1x120xi32, #tpu.memory_space<vmem>> -> memref<120xi32, #tpu.memory_space<vmem>>
        %dma_start3A_184 = arith.constant 0 : i32
        %dma_start3A_185 = arith.constant 0 : i32
        %dma_start3A_186 = tpu.memref_slice %arg2[%dma_start3A_184, %dma_start3A_185] : memref<20000x128xf32, #tpu.memory_space<hbm>> -> memref<20000x128xf32, #tpu.memory_space<hbm>>
        tpu.enqueue_indirect_dma source(%dma_start3A_186 : memref<20000x128xf32, #tpu.memory_space<hbm>>) target(%arg13 : memref<120x128xf32, #tpu.memory_space<vmem>>) offsets(%dma_start3A_183 : memref<120xi32, #tpu.memory_space<vmem>>) semaphore(%arg16 : memref<!tpu.dma_semaphore, #tpu.memory_space<semaphore_mem>>)
        %dma_wait3A_187 = arith.constant 3 : i32
        %dma_wait3A_188 = arith.constant 0 : i32
        %dma_wait3A_189 = tpu.memref_slice %arg8[%dma_wait3A_187, %dma_wait3A_188] : memref<6x120xi32, #tpu.memory_space<vmem>> -> memref<1x120xi32, #tpu.memory_space<vmem>>
        %dma_wait3A_190 = tpu.memref_squeeze %dma_wait3A_189 : memref<1x120xi32, #tpu.memory_space<vmem>> -> memref<120xi32, #tpu.memory_space<vmem>>
        %dma_wait3A_191 = arith.constant 0 : i32
        %dma_wait3A_192 = arith.constant 0 : i32
        %dma_wait3A_193 = tpu.memref_slice %arg2[%dma_wait3A_191, %dma_wait3A_192] : memref<20000x128xf32, #tpu.memory_space<hbm>> -> memref<20000x128xf32, #tpu.memory_space<hbm>>
        tpu.wait_indirect_dma semaphore(%arg15 : memref<!tpu.dma_semaphore, #tpu.memory_space<semaphore_mem>>) src(%dma_wait3A_193 : memref<20000x128xf32, #tpu.memory_space<hbm>>) dst(%arg12 : memref<120x128xf32, #tpu.memory_space<vmem>>)
        %dma_start3A_194 = arith.constant 3 : i32
        %dma_start3A_195 = arith.constant 0 : i32
        %dma_start3A_196 = tpu.memref_slice %arg9[%dma_start3A_194, %dma_start3A_195] : memref<6x120xi32, #tpu.memory_space<vmem>> -> memref<1x120xi32, #tpu.memory_space<vmem>>
        %dma_start3A_197 = tpu.memref_squeeze %dma_start3A_196 : memref<1x120xi32, #tpu.memory_space<vmem>> -> memref<120xi32, #tpu.memory_space<vmem>>
        %dma_start3A_198 = arith.constant 0 : i32
        %dma_start3A_199 = arith.constant 0 : i32
        %dma_start3A_200 = tpu.memref_slice %arg7[%dma_start3A_198, %dma_start3A_199] : memref<10008x128xf32, #tpu.memory_space<vmem_shared>> -> memref<10008x128xf32, #tpu.memory_space<vmem_shared>>
        tpu.enqueue_indirect_dma source(%arg12 : memref<120x128xf32, #tpu.memory_space<vmem>>) target(%dma_start3A_200 : memref<10008x128xf32, #tpu.memory_space<vmem_shared>>) offsets(%dma_start3A_197 : memref<120xi32, #tpu.memory_space<vmem>>) semaphore(%arg18 : memref<!tpu.dma_semaphore, #tpu.memory_space<semaphore_mem>>) {add = true}
        %dma_wait3A_201 = arith.constant 2 : i32
        %dma_wait3A_202 = arith.constant 0 : i32
        %dma_wait3A_203 = tpu.memref_slice %arg9[%dma_wait3A_201, %dma_wait3A_202] : memref<6x120xi32, #tpu.memory_space<vmem>> -> memref<1x120xi32, #tpu.memory_space<vmem>>
        %dma_wait3A_204 = tpu.memref_squeeze %dma_wait3A_203 : memref<1x120xi32, #tpu.memory_space<vmem>> -> memref<120xi32, #tpu.memory_space<vmem>>
        %dma_wait3A_205 = arith.constant 0 : i32
        %dma_wait3A_206 = arith.constant 0 : i32
        %dma_wait3A_207 = tpu.memref_slice %arg7[%dma_wait3A_205, %dma_wait3A_206] : memref<10008x128xf32, #tpu.memory_space<vmem_shared>> -> memref<10008x128xf32, #tpu.memory_space<vmem_shared>>
        tpu.wait_indirect_dma semaphore(%arg20 : memref<!tpu.dma_semaphore, #tpu.memory_space<semaphore_mem>>) src(%arg14 : memref<120x128xf32, #tpu.memory_space<vmem>>) dst(%dma_wait3A_207 : memref<10008x128xf32, #tpu.memory_space<vmem_shared>>)
        %dma_start3A_208 = arith.constant 5 : i32
        %dma_start3A_209 = arith.constant 0 : i32
        %dma_start3A_210 = tpu.memref_slice %arg8[%dma_start3A_208, %dma_start3A_209] : memref<6x120xi32, #tpu.memory_space<vmem>> -> memref<1x120xi32, #tpu.memory_space<vmem>>
        %dma_start3A_211 = tpu.memref_squeeze %dma_start3A_210 : memref<1x120xi32, #tpu.memory_space<vmem>> -> memref<120xi32, #tpu.memory_space<vmem>>
        %dma_start3A_212 = arith.constant 0 : i32
        %dma_start3A_213 = arith.constant 0 : i32
        %dma_start3A_214 = tpu.memref_slice %arg2[%dma_start3A_212, %dma_start3A_213] : memref<20000x128xf32, #tpu.memory_space<hbm>> -> memref<20000x128xf32, #tpu.memory_space<hbm>>
        tpu.enqueue_indirect_dma source(%dma_start3A_214 : memref<20000x128xf32, #tpu.memory_space<hbm>>) target(%arg14 : memref<120x128xf32, #tpu.memory_space<vmem>>) offsets(%dma_start3A_211 : memref<120xi32, #tpu.memory_space<vmem>>) semaphore(%arg17 : memref<!tpu.dma_semaphore, #tpu.memory_space<semaphore_mem>>)
        %dma_wait3A_215 = arith.constant 4 : i32
        %dma_wait3A_216 = arith.constant 0 : i32
        %dma_wait3A_217 = tpu.memref_slice %arg8[%dma_wait3A_215, %dma_wait3A_216] : memref<6x120xi32, #tpu.memory_space<vmem>> -> memref<1x120xi32, #tpu.memory_space<vmem>>
        %dma_wait3A_218 = tpu.memref_squeeze %dma_wait3A_217 : memref<1x120xi32, #tpu.memory_space<vmem>> -> memref<120xi32, #tpu.memory_space<vmem>>
        %dma_wait3A_219 = arith.constant 0 : i32
        %dma_wait3A_220 = arith.constant 0 : i32
        %dma_wait3A_221 = tpu.memref_slice %arg2[%dma_wait3A_219, %dma_wait3A_220] : memref<20000x128xf32, #tpu.memory_space<hbm>> -> memref<20000x128xf32, #tpu.memory_space<hbm>>
        tpu.wait_indirect_dma semaphore(%arg16 : memref<!tpu.dma_semaphore, #tpu.memory_space<semaphore_mem>>) src(%dma_wait3A_221 : memref<20000x128xf32, #tpu.memory_space<hbm>>) dst(%arg13 : memref<120x128xf32, #tpu.memory_space<vmem>>)
        %dma_start3A_222 = arith.constant 4 : i32
        %dma_start3A_223 = arith.constant 0 : i32
        %dma_start3A_224 = tpu.memref_slice %arg9[%dma_start3A_222, %dma_start3A_223] : memref<6x120xi32, #tpu.memory_space<vmem>> -> memref<1x120xi32, #tpu.memory_space<vmem>>
        %dma_start3A_225 = tpu.memref_squeeze %dma_start3A_224 : memref<1x120xi32, #tpu.memory_space<vmem>> -> memref<120xi32, #tpu.memory_space<vmem>>
        %dma_start3A_226 = arith.constant 0 : i32
        %dma_start3A_227 = arith.constant 0 : i32
        %dma_start3A_228 = tpu.memref_slice %arg7[%dma_start3A_226, %dma_start3A_227] : memref<10008x128xf32, #tpu.memory_space<vmem_shared>> -> memref<10008x128xf32, #tpu.memory_space<vmem_shared>>
        tpu.enqueue_indirect_dma source(%arg13 : memref<120x128xf32, #tpu.memory_space<vmem>>) target(%dma_start3A_228 : memref<10008x128xf32, #tpu.memory_space<vmem_shared>>) offsets(%dma_start3A_225 : memref<120xi32, #tpu.memory_space<vmem>>) semaphore(%arg19 : memref<!tpu.dma_semaphore, #tpu.memory_space<semaphore_mem>>) {add = true}
        %lt3A_229 = arith.constant 13 : i32
        %lt3A_230 = arith.cmpi slt, %add3A_63, %lt3A_229 : i32
        %convert_element_type3A_231 = arith.extui %lt3A_230 : i1 to i32
        %cond3A_232 = arith.constant 0 : i32
        %cond3A_233 = arith.cmpi ne, %convert_element_type3A_231, %cond3A_232 : i32
        scf.if %cond3A_233 {
          %dma_wait3A_253 = arith.constant 3 : i32
          %dma_wait3A_254 = arith.constant 0 : i32
          %dma_wait3A_255 = tpu.memref_slice %arg9[%dma_wait3A_253, %dma_wait3A_254] : memref<6x120xi32, #tpu.memory_space<vmem>> -> memref<1x120xi32, #tpu.memory_space<vmem>>
          %dma_wait3A_256 = tpu.memref_squeeze %dma_wait3A_255 : memref<1x120xi32, #tpu.memory_space<vmem>> -> memref<120xi32, #tpu.memory_space<vmem>>
          %dma_wait3A_257 = arith.constant 0 : i32
          %dma_wait3A_258 = arith.constant 0 : i32
          %dma_wait3A_259 = tpu.memref_slice %arg7[%dma_wait3A_257, %dma_wait3A_258] : memref<10008x128xf32, #tpu.memory_space<vmem_shared>> -> memref<10008x128xf32, #tpu.memory_space<vmem_shared>>
          tpu.wait_indirect_dma semaphore(%arg18 : memref<!tpu.dma_semaphore, #tpu.memory_space<semaphore_mem>>) src(%arg12 : memref<120x128xf32, #tpu.memory_space<vmem>>) dst(%dma_wait3A_259 : memref<10008x128xf32, #tpu.memory_space<vmem_shared>>)
          %mul3A_260 = arith.constant 14 : i32
          %mul3A_261 = arith.muli %add3A, %mul3A_260 : i32
          %add3A_262 = arith.addi %mul3A_261, %add3A_63 : i32
          %add3A_263 = arith.constant 1 : i32
          %add3A_264 = arith.addi %add3A_262, %add3A_263 : i32
          %dma_wait3A_265 = arith.constant 0 : i32
          %dma_wait3A_266 = arith.constant 0 : i32
          %dma_wait3A_267 = tpu.memref_slice %arg3[%add3A_264, %dma_wait3A_265, %dma_wait3A_266] : memref<448x6x120xi32, #tpu.memory_space<hbm>> -> memref<1x6x120xi32, #tpu.memory_space<hbm>>
          %dma_wait3A_268 = tpu.memref_squeeze %dma_wait3A_267 : memref<1x6x120xi32, #tpu.memory_space<hbm>> -> memref<6x120xi32, #tpu.memory_space<hbm>>
          %dma_wait3A_269 = arith.constant 0 : i32
          %dma_wait3A_270 = arith.constant 0 : i32
          %dma_wait3A_271 = tpu.memref_slice %arg3[%add3A_264, %dma_wait3A_269, %dma_wait3A_270] : memref<448x6x120xi32, #tpu.memory_space<hbm>> -> memref<1x6x120xi32, #tpu.memory_space<hbm>>
          %dma_wait3A_272 = tpu.memref_squeeze %dma_wait3A_271 : memref<1x6x120xi32, #tpu.memory_space<hbm>> -> memref<6x120xi32, #tpu.memory_space<hbm>>
          tpu.wait_dma2 semaphore(%arg21 : memref<!tpu.dma_semaphore, #tpu.memory_space<semaphore_mem>>) src(%dma_wait3A_272 : memref<6x120xi32, #tpu.memory_space<hbm>>) dst(%arg10 : memref<6x120xi32, #tpu.memory_space<vmem>>)
          %mul3A_273 = arith.constant 14 : i32
          %mul3A_274 = arith.muli %arg1, %mul3A_273 : i32
          %add3A_275 = arith.addi %mul3A_274, %add3A_63 : i32
          %add3A_276 = arith.constant 1 : i32
          %add3A_277 = arith.addi %add3A_275, %add3A_276 : i32
          %dma_wait3A_278 = arith.constant 0 : i32
          %dma_wait3A_279 = arith.constant 0 : i32
          %dma_wait3A_280 = tpu.memref_slice %arg4[%add3A_277, %dma_wait3A_278, %dma_wait3A_279] : memref<224x6x120xi32, #tpu.memory_space<hbm>> -> memref<1x6x120xi32, #tpu.memory_space<hbm>>
          %dma_wait3A_281 = tpu.memref_squeeze %dma_wait3A_280 : memref<1x6x120xi32, #tpu.memory_space<hbm>> -> memref<6x120xi32, #tpu.memory_space<hbm>>
          %dma_wait3A_282 = arith.constant 0 : i32
          %dma_wait3A_283 = arith.constant 0 : i32
          %dma_wait3A_284 = tpu.memref_slice %arg4[%add3A_277, %dma_wait3A_282, %dma_wait3A_283] : memref<224x6x120xi32, #tpu.memory_space<hbm>> -> memref<1x6x120xi32, #tpu.memory_space<hbm>>
          %dma_wait3A_285 = tpu.memref_squeeze %dma_wait3A_284 : memref<1x6x120xi32, #tpu.memory_space<hbm>> -> memref<6x120xi32, #tpu.memory_space<hbm>>
          tpu.wait_dma2 semaphore(%arg21 : memref<!tpu.dma_semaphore, #tpu.memory_space<semaphore_mem>>) src(%dma_wait3A_285 : memref<6x120xi32, #tpu.memory_space<hbm>>) dst(%arg11 : memref<6x120xi32, #tpu.memory_space<vmem>>)
          %dma_start3A_286 = arith.constant 0 : i32
          %dma_start3A_287 = arith.constant 0 : i32
          %dma_start3A_288 = tpu.memref_slice %arg10[%dma_start3A_286, %dma_start3A_287] : memref<6x120xi32, #tpu.memory_space<vmem>> -> memref<1x120xi32, #tpu.memory_space<vmem>>
          %dma_start3A_289 = tpu.memref_squeeze %dma_start3A_288 : memref<1x120xi32, #tpu.memory_space<vmem>> -> memref<120xi32, #tpu.memory_space<vmem>>
          %dma_start3A_290 = arith.constant 0 : i32
          %dma_start3A_291 = arith.constant 0 : i32
          %dma_start3A_292 = tpu.memref_slice %arg2[%dma_start3A_290, %dma_start3A_291] : memref<20000x128xf32, #tpu.memory_space<hbm>> -> memref<20000x128xf32, #tpu.memory_space<hbm>>
          tpu.enqueue_indirect_dma source(%dma_start3A_292 : memref<20000x128xf32, #tpu.memory_space<hbm>>) target(%arg12 : memref<120x128xf32, #tpu.memory_space<vmem>>) offsets(%dma_start3A_289 : memref<120xi32, #tpu.memory_space<vmem>>) semaphore(%arg15 : memref<!tpu.dma_semaphore, #tpu.memory_space<semaphore_mem>>)
        } else {
        }
        %dma_wait3A_234 = arith.constant 5 : i32
        %dma_wait3A_235 = arith.constant 0 : i32
        %dma_wait3A_236 = tpu.memref_slice %arg8[%dma_wait3A_234, %dma_wait3A_235] : memref<6x120xi32, #tpu.memory_space<vmem>> -> memref<1x120xi32, #tpu.memory_space<vmem>>
        %dma_wait3A_237 = tpu.memref_squeeze %dma_wait3A_236 : memref<1x120xi32, #tpu.memory_space<vmem>> -> memref<120xi32, #tpu.memory_space<vmem>>
        %dma_wait3A_238 = arith.constant 0 : i32
        %dma_wait3A_239 = arith.constant 0 : i32
        %dma_wait3A_240 = tpu.memref_slice %arg2[%dma_wait3A_238, %dma_wait3A_239] : memref<20000x128xf32, #tpu.memory_space<hbm>> -> memref<20000x128xf32, #tpu.memory_space<hbm>>
        tpu.wait_indirect_dma semaphore(%arg17 : memref<!tpu.dma_semaphore, #tpu.memory_space<semaphore_mem>>) src(%dma_wait3A_240 : memref<20000x128xf32, #tpu.memory_space<hbm>>) dst(%arg14 : memref<120x128xf32, #tpu.memory_space<vmem>>)
        %dma_start3A_241 = arith.constant 5 : i32
        %dma_start3A_242 = arith.constant 0 : i32
        %dma_start3A_243 = tpu.memref_slice %arg9[%dma_start3A_241, %dma_start3A_242] : memref<6x120xi32, #tpu.memory_space<vmem>> -> memref<1x120xi32, #tpu.memory_space<vmem>>
        %dma_start3A_244 = tpu.memref_squeeze %dma_start3A_243 : memref<1x120xi32, #tpu.memory_space<vmem>> -> memref<120xi32, #tpu.memory_space<vmem>>
        %dma_start3A_245 = arith.constant 0 : i32
        %dma_start3A_246 = arith.constant 0 : i32
        %dma_start3A_247 = tpu.memref_slice %arg7[%dma_start3A_245, %dma_start3A_246] : memref<10008x128xf32, #tpu.memory_space<vmem_shared>> -> memref<10008x128xf32, #tpu.memory_space<vmem_shared>>
        tpu.enqueue_indirect_dma source(%arg14 : memref<120x128xf32, #tpu.memory_space<vmem>>) target(%dma_start3A_247 : memref<10008x128xf32, #tpu.memory_space<vmem_shared>>) offsets(%dma_start3A_244 : memref<120xi32, #tpu.memory_space<vmem>>) semaphore(%arg20 : memref<!tpu.dma_semaphore, #tpu.memory_space<semaphore_mem>>) {add = true}
        %lt3A_248 = arith.constant 13 : i32
        %lt3A_249 = arith.cmpi slt, %add3A_63, %lt3A_248 : i32
        %convert_element_type3A_250 = arith.extui %lt3A_249 : i1 to i32
        %cond3A_251 = arith.constant 0 : i32
        %cond3A_252 = arith.cmpi ne, %convert_element_type3A_250, %cond3A_251 : i32
        scf.if %cond3A_252 {
          %dma_wait3A_253 = arith.constant 4 : i32
          %dma_wait3A_254 = arith.constant 0 : i32
          %dma_wait3A_255 = tpu.memref_slice %arg9[%dma_wait3A_253, %dma_wait3A_254] : memref<6x120xi32, #tpu.memory_space<vmem>> -> memref<1x120xi32, #tpu.memory_space<vmem>>
          %dma_wait3A_256 = tpu.memref_squeeze %dma_wait3A_255 : memref<1x120xi32, #tpu.memory_space<vmem>> -> memref<120xi32, #tpu.memory_space<vmem>>
          %dma_wait3A_257 = arith.constant 0 : i32
          %dma_wait3A_258 = arith.constant 0 : i32
          %dma_wait3A_259 = tpu.memref_slice %arg7[%dma_wait3A_257, %dma_wait3A_258] : memref<10008x128xf32, #tpu.memory_space<vmem_shared>> -> memref<10008x128xf32, #tpu.memory_space<vmem_shared>>
          tpu.wait_indirect_dma semaphore(%arg19 : memref<!tpu.dma_semaphore, #tpu.memory_space<semaphore_mem>>) src(%arg13 : memref<120x128xf32, #tpu.memory_space<vmem>>) dst(%dma_wait3A_259 : memref<10008x128xf32, #tpu.memory_space<vmem_shared>>)
          %dma_start3A_260 = arith.constant 1 : i32
          %dma_start3A_261 = arith.constant 0 : i32
          %dma_start3A_262 = tpu.memref_slice %arg10[%dma_start3A_260, %dma_start3A_261] : memref<6x120xi32, #tpu.memory_space<vmem>> -> memref<1x120xi32, #tpu.memory_space<vmem>>
          %dma_start3A_263 = tpu.memref_squeeze %dma_start3A_262 : memref<1x120xi32, #tpu.memory_space<vmem>> -> memref<120xi32, #tpu.memory_space<vmem>>
          %dma_start3A_264 = arith.constant 0 : i32
          %dma_start3A_265 = arith.constant 0 : i32
          %dma_start3A_266 = tpu.memref_slice %arg2[%dma_start3A_264, %dma_start3A_265] : memref<20000x128xf32, #tpu.memory_space<hbm>> -> memref<20000x128xf32, #tpu.memory_space<hbm>>
          tpu.enqueue_indirect_dma source(%dma_start3A_266 : memref<20000x128xf32, #tpu.memory_space<hbm>>) target(%arg13 : memref<120x128xf32, #tpu.memory_space<vmem>>) offsets(%dma_start3A_263 : memref<120xi32, #tpu.memory_space<vmem>>) semaphore(%arg16 : memref<!tpu.dma_semaphore, #tpu.memory_space<semaphore_mem>>)
        } else {
        }
      } else {
      }
      %jit3A_80 = arith.constant 2 : i32
      %eq3A_81 = arith.constant 0 : i32
      %eq3A_82 = arith.cmpi eq, %jit3A_80, %eq3A_81 : i32
      %jit3A_83 = arith.constant 1 : i32
      %select_n3A_84 = arith.select %eq3A_82, %jit3A_83, %jit3A_80 : i32
      %rem3A_85 = arith.remsi %add3A_63, %select_n3A_84 : i32
      %ne3A_86 = arith.constant 0 : i32
      %ne3A_87 = arith.cmpi ne, %rem3A_85, %ne3A_86 : i32
      %lt3A_88 = arith.constant 0 : i32
      %lt3A_89 = arith.cmpi slt, %rem3A_85, %lt3A_88 : i32
      %lt3A_90 = arith.constant 0 : i32
      %lt3A_91 = arith.cmpi slt, %select_n3A_84, %lt3A_90 : i32
      %ne3A_92 = arith.xori %lt3A_89, %lt3A_91 : i1
      %and3A_93 = arith.andi %ne3A_92, %ne3A_87 : i1
      %add3A_94 = arith.addi %rem3A_85, %select_n3A_84 : i32
      %select_n3A_95 = arith.select %and3A_93, %add3A_94, %rem3A_85 : i32
      %eq3A_96 = arith.constant 1 : i32
      %eq3A_97 = arith.cmpi eq, %select_n3A_95, %eq3A_96 : i32
      %convert_element_type3A_98 = arith.extui %eq3A_97 : i1 to i32
      %cond3A_99 = arith.constant 0 : i32
      %cond3A_100 = arith.cmpi ne, %convert_element_type3A_98, %cond3A_99 : i32
      scf.if %cond3A_100 {
        %dma_wait3A_101 = arith.constant 0 : i32
        %dma_wait3A_102 = arith.constant 0 : i32
        %dma_wait3A_103 = tpu.memref_slice %arg10[%dma_wait3A_101, %dma_wait3A_102] : memref<6x120xi32, #tpu.memory_space<vmem>> -> memref<1x120xi32, #tpu.memory_space<vmem>>
        %dma_wait3A_104 = tpu.memref_squeeze %dma_wait3A_103 : memref<1x120xi32, #tpu.memory_space<vmem>> -> memref<120xi32, #tpu.memory_space<vmem>>
        %dma_wait3A_105 = arith.constant 0 : i32
        %dma_wait3A_106 = arith.constant 0 : i32
        %dma_wait3A_107 = tpu.memref_slice %arg2[%dma_wait3A_105, %dma_wait3A_106] : memref<20000x128xf32, #tpu.memory_space<hbm>> -> memref<20000x128xf32, #tpu.memory_space<hbm>>
        tpu.wait_indirect_dma semaphore(%arg15 : memref<!tpu.dma_semaphore, #tpu.memory_space<semaphore_mem>>) src(%dma_wait3A_107 : memref<20000x128xf32, #tpu.memory_space<hbm>>) dst(%arg12 : memref<120x128xf32, #tpu.memory_space<vmem>>)
        %dma_start3A_108 = arith.constant 0 : i32
        %dma_start3A_109 = arith.constant 0 : i32
        %dma_start3A_110 = tpu.memref_slice %arg11[%dma_start3A_108, %dma_start3A_109] : memref<6x120xi32, #tpu.memory_space<vmem>> -> memref<1x120xi32, #tpu.memory_space<vmem>>
        %dma_start3A_111 = tpu.memref_squeeze %dma_start3A_110 : memref<1x120xi32, #tpu.memory_space<vmem>> -> memref<120xi32, #tpu.memory_space<vmem>>
        %dma_start3A_112 = arith.constant 0 : i32
        %dma_start3A_113 = arith.constant 0 : i32
        %dma_start3A_114 = tpu.memref_slice %arg7[%dma_start3A_112, %dma_start3A_113] : memref<10008x128xf32, #tpu.memory_space<vmem_shared>> -> memref<10008x128xf32, #tpu.memory_space<vmem_shared>>
        tpu.enqueue_indirect_dma source(%arg12 : memref<120x128xf32, #tpu.memory_space<vmem>>) target(%dma_start3A_114 : memref<10008x128xf32, #tpu.memory_space<vmem_shared>>) offsets(%dma_start3A_111 : memref<120xi32, #tpu.memory_space<vmem>>) semaphore(%arg18 : memref<!tpu.dma_semaphore, #tpu.memory_space<semaphore_mem>>) {add = true}
        %gt3A = arith.constant 0 : i32
        %gt3A_115 = arith.cmpi sgt, %add3A_63, %gt3A : i32
        %convert_element_type3A_116 = arith.extui %gt3A_115 : i1 to i32
        %cond3A_117 = arith.constant 0 : i32
        %cond3A_118 = arith.cmpi ne, %convert_element_type3A_116, %cond3A_117 : i32
        scf.if %cond3A_118 {
          %dma_wait3A_253 = arith.constant 5 : i32
          %dma_wait3A_254 = arith.constant 0 : i32
          %dma_wait3A_255 = tpu.memref_slice %arg9[%dma_wait3A_253, %dma_wait3A_254] : memref<6x120xi32, #tpu.memory_space<vmem>> -> memref<1x120xi32, #tpu.memory_space<vmem>>
          %dma_wait3A_256 = tpu.memref_squeeze %dma_wait3A_255 : memref<1x120xi32, #tpu.memory_space<vmem>> -> memref<120xi32, #tpu.memory_space<vmem>>
          %dma_wait3A_257 = arith.constant 0 : i32
          %dma_wait3A_258 = arith.constant 0 : i32
          %dma_wait3A_259 = tpu.memref_slice %arg7[%dma_wait3A_257, %dma_wait3A_258] : memref<10008x128xf32, #tpu.memory_space<vmem_shared>> -> memref<10008x128xf32, #tpu.memory_space<vmem_shared>>
          tpu.wait_indirect_dma semaphore(%arg20 : memref<!tpu.dma_semaphore, #tpu.memory_space<semaphore_mem>>) src(%arg14 : memref<120x128xf32, #tpu.memory_space<vmem>>) dst(%dma_wait3A_259 : memref<10008x128xf32, #tpu.memory_space<vmem_shared>>)
        } else {
        }
        %dma_start3A_119 = arith.constant 2 : i32
        %dma_start3A_120 = arith.constant 0 : i32
        %dma_start3A_121 = tpu.memref_slice %arg10[%dma_start3A_119, %dma_start3A_120] : memref<6x120xi32, #tpu.memory_space<vmem>> -> memref<1x120xi32, #tpu.memory_space<vmem>>
        %dma_start3A_122 = tpu.memref_squeeze %dma_start3A_121 : memref<1x120xi32, #tpu.memory_space<vmem>> -> memref<120xi32, #tpu.memory_space<vmem>>
        %dma_start3A_123 = arith.constant 0 : i32
        %dma_start3A_124 = arith.constant 0 : i32
        %dma_start3A_125 = tpu.memref_slice %arg2[%dma_start3A_123, %dma_start3A_124] : memref<20000x128xf32, #tpu.memory_space<hbm>> -> memref<20000x128xf32, #tpu.memory_space<hbm>>
        tpu.enqueue_indirect_dma source(%dma_start3A_125 : memref<20000x128xf32, #tpu.memory_space<hbm>>) target(%arg14 : memref<120x128xf32, #tpu.memory_space<vmem>>) offsets(%dma_start3A_122 : memref<120xi32, #tpu.memory_space<vmem>>) semaphore(%arg17 : memref<!tpu.dma_semaphore, #tpu.memory_space<semaphore_mem>>)
        %dma_wait3A_126 = arith.constant 1 : i32
        %dma_wait3A_127 = arith.constant 0 : i32
        %dma_wait3A_128 = tpu.memref_slice %arg10[%dma_wait3A_126, %dma_wait3A_127] : memref<6x120xi32, #tpu.memory_space<vmem>> -> memref<1x120xi32, #tpu.memory_space<vmem>>
        %dma_wait3A_129 = tpu.memref_squeeze %dma_wait3A_128 : memref<1x120xi32, #tpu.memory_space<vmem>> -> memref<120xi32, #tpu.memory_space<vmem>>
        %dma_wait3A_130 = arith.constant 0 : i32
        %dma_wait3A_131 = arith.constant 0 : i32
        %dma_wait3A_132 = tpu.memref_slice %arg2[%dma_wait3A_130, %dma_wait3A_131] : memref<20000x128xf32, #tpu.memory_space<hbm>> -> memref<20000x128xf32, #tpu.memory_space<hbm>>
        tpu.wait_indirect_dma semaphore(%arg16 : memref<!tpu.dma_semaphore, #tpu.memory_space<semaphore_mem>>) src(%dma_wait3A_132 : memref<20000x128xf32, #tpu.memory_space<hbm>>) dst(%arg13 : memref<120x128xf32, #tpu.memory_space<vmem>>)
        %dma_start3A_133 = arith.constant 1 : i32
        %dma_start3A_134 = arith.constant 0 : i32
        %dma_start3A_135 = tpu.memref_slice %arg11[%dma_start3A_133, %dma_start3A_134] : memref<6x120xi32, #tpu.memory_space<vmem>> -> memref<1x120xi32, #tpu.memory_space<vmem>>
        %dma_start3A_136 = tpu.memref_squeeze %dma_start3A_135 : memref<1x120xi32, #tpu.memory_space<vmem>> -> memref<120xi32, #tpu.memory_space<vmem>>
        %dma_start3A_137 = arith.constant 0 : i32
        %dma_start3A_138 = arith.constant 0 : i32
        %dma_start3A_139 = tpu.memref_slice %arg7[%dma_start3A_137, %dma_start3A_138] : memref<10008x128xf32, #tpu.memory_space<vmem_shared>> -> memref<10008x128xf32, #tpu.memory_space<vmem_shared>>
        tpu.enqueue_indirect_dma source(%arg13 : memref<120x128xf32, #tpu.memory_space<vmem>>) target(%dma_start3A_139 : memref<10008x128xf32, #tpu.memory_space<vmem_shared>>) offsets(%dma_start3A_136 : memref<120xi32, #tpu.memory_space<vmem>>) semaphore(%arg19 : memref<!tpu.dma_semaphore, #tpu.memory_space<semaphore_mem>>) {add = true}
        %dma_wait3A_140 = arith.constant 0 : i32
        %dma_wait3A_141 = arith.constant 0 : i32
        %dma_wait3A_142 = tpu.memref_slice %arg11[%dma_wait3A_140, %dma_wait3A_141] : memref<6x120xi32, #tpu.memory_space<vmem>> -> memref<1x120xi32, #tpu.memory_space<vmem>>
        %dma_wait3A_143 = tpu.memref_squeeze %dma_wait3A_142 : memref<1x120xi32, #tpu.memory_space<vmem>> -> memref<120xi32, #tpu.memory_space<vmem>>
        %dma_wait3A_144 = arith.constant 0 : i32
        %dma_wait3A_145 = arith.constant 0 : i32
        %dma_wait3A_146 = tpu.memref_slice %arg7[%dma_wait3A_144, %dma_wait3A_145] : memref<10008x128xf32, #tpu.memory_space<vmem_shared>> -> memref<10008x128xf32, #tpu.memory_space<vmem_shared>>
        tpu.wait_indirect_dma semaphore(%arg18 : memref<!tpu.dma_semaphore, #tpu.memory_space<semaphore_mem>>) src(%arg12 : memref<120x128xf32, #tpu.memory_space<vmem>>) dst(%dma_wait3A_146 : memref<10008x128xf32, #tpu.memory_space<vmem_shared>>)
        %dma_start3A_147 = arith.constant 3 : i32
        %dma_start3A_148 = arith.constant 0 : i32
        %dma_start3A_149 = tpu.memref_slice %arg10[%dma_start3A_147, %dma_start3A_148] : memref<6x120xi32, #tpu.memory_space<vmem>> -> memref<1x120xi32, #tpu.memory_space<vmem>>
        %dma_start3A_150 = tpu.memref_squeeze %dma_start3A_149 : memref<1x120xi32, #tpu.memory_space<vmem>> -> memref<120xi32, #tpu.memory_space<vmem>>
        %dma_start3A_151 = arith.constant 0 : i32
        %dma_start3A_152 = arith.constant 0 : i32
        %dma_start3A_153 = tpu.memref_slice %arg2[%dma_start3A_151, %dma_start3A_152] : memref<20000x128xf32, #tpu.memory_space<hbm>> -> memref<20000x128xf32, #tpu.memory_space<hbm>>
        tpu.enqueue_indirect_dma source(%dma_start3A_153 : memref<20000x128xf32, #tpu.memory_space<hbm>>) target(%arg12 : memref<120x128xf32, #tpu.memory_space<vmem>>) offsets(%dma_start3A_150 : memref<120xi32, #tpu.memory_space<vmem>>) semaphore(%arg15 : memref<!tpu.dma_semaphore, #tpu.memory_space<semaphore_mem>>)
        %dma_wait3A_154 = arith.constant 2 : i32
        %dma_wait3A_155 = arith.constant 0 : i32
        %dma_wait3A_156 = tpu.memref_slice %arg10[%dma_wait3A_154, %dma_wait3A_155] : memref<6x120xi32, #tpu.memory_space<vmem>> -> memref<1x120xi32, #tpu.memory_space<vmem>>
        %dma_wait3A_157 = tpu.memref_squeeze %dma_wait3A_156 : memref<1x120xi32, #tpu.memory_space<vmem>> -> memref<120xi32, #tpu.memory_space<vmem>>
        %dma_wait3A_158 = arith.constant 0 : i32
        %dma_wait3A_159 = arith.constant 0 : i32
        %dma_wait3A_160 = tpu.memref_slice %arg2[%dma_wait3A_158, %dma_wait3A_159] : memref<20000x128xf32, #tpu.memory_space<hbm>> -> memref<20000x128xf32, #tpu.memory_space<hbm>>
        tpu.wait_indirect_dma semaphore(%arg17 : memref<!tpu.dma_semaphore, #tpu.memory_space<semaphore_mem>>) src(%dma_wait3A_160 : memref<20000x128xf32, #tpu.memory_space<hbm>>) dst(%arg14 : memref<120x128xf32, #tpu.memory_space<vmem>>)
        %dma_start3A_161 = arith.constant 2 : i32
        %dma_start3A_162 = arith.constant 0 : i32
        %dma_start3A_163 = tpu.memref_slice %arg11[%dma_start3A_161, %dma_start3A_162] : memref<6x120xi32, #tpu.memory_space<vmem>> -> memref<1x120xi32, #tpu.memory_space<vmem>>
        %dma_start3A_164 = tpu.memref_squeeze %dma_start3A_163 : memref<1x120xi32, #tpu.memory_space<vmem>> -> memref<120xi32, #tpu.memory_space<vmem>>
        %dma_start3A_165 = arith.constant 0 : i32
        %dma_start3A_166 = arith.constant 0 : i32
        %dma_start3A_167 = tpu.memref_slice %arg7[%dma_start3A_165, %dma_start3A_166] : memref<10008x128xf32, #tpu.memory_space<vmem_shared>> -> memref<10008x128xf32, #tpu.memory_space<vmem_shared>>
        tpu.enqueue_indirect_dma source(%arg14 : memref<120x128xf32, #tpu.memory_space<vmem>>) target(%dma_start3A_167 : memref<10008x128xf32, #tpu.memory_space<vmem_shared>>) offsets(%dma_start3A_164 : memref<120xi32, #tpu.memory_space<vmem>>) semaphore(%arg20 : memref<!tpu.dma_semaphore, #tpu.memory_space<semaphore_mem>>) {add = true}
        %lt3A_168 = arith.constant 13 : i32
        %lt3A_169 = arith.cmpi slt, %add3A_63, %lt3A_168 : i32
        %convert_element_type3A_170 = arith.extui %lt3A_169 : i1 to i32
        %cond3A_171 = arith.constant 0 : i32
        %cond3A_172 = arith.cmpi ne, %convert_element_type3A_170, %cond3A_171 : i32
        scf.if %cond3A_172 {
          %mul3A_253 = arith.constant 14 : i32
          %mul3A_254 = arith.muli %add3A, %mul3A_253 : i32
          %add3A_255 = arith.addi %mul3A_254, %add3A_63 : i32
          %add3A_256 = arith.constant 1 : i32
          %add3A_257 = arith.addi %add3A_255, %add3A_256 : i32
          %dma_start3A_258 = arith.constant 0 : i32
          %dma_start3A_259 = arith.constant 0 : i32
          %dma_start3A_260 = tpu.memref_slice %arg3[%add3A_257, %dma_start3A_258, %dma_start3A_259] : memref<448x6x120xi32, #tpu.memory_space<hbm>> -> memref<1x6x120xi32, #tpu.memory_space<hbm>>
          %dma_start3A_261 = tpu.memref_squeeze %dma_start3A_260 : memref<1x6x120xi32, #tpu.memory_space<hbm>> -> memref<6x120xi32, #tpu.memory_space<hbm>>
          %dma_start3A_262 = arith.constant 0 : i32
          %dma_start3A_263 = arith.constant 0 : i32
          %dma_start3A_264 = tpu.memref_slice %arg3[%add3A_257, %dma_start3A_262, %dma_start3A_263] : memref<448x6x120xi32, #tpu.memory_space<hbm>> -> memref<1x6x120xi32, #tpu.memory_space<hbm>>
          %dma_start3A_265 = tpu.memref_squeeze %dma_start3A_264 : memref<1x6x120xi32, #tpu.memory_space<hbm>> -> memref<6x120xi32, #tpu.memory_space<hbm>>
          tpu.enqueue_dma source(%dma_start3A_265 : memref<6x120xi32, #tpu.memory_space<hbm>>) target(%arg8 : memref<6x120xi32, #tpu.memory_space<vmem>>) target_semaphore(%arg21 : memref<!tpu.dma_semaphore, #tpu.memory_space<semaphore_mem>>)
          %mul3A_266 = arith.constant 14 : i32
          %mul3A_267 = arith.muli %arg1, %mul3A_266 : i32
          %add3A_268 = arith.addi %mul3A_267, %add3A_63 : i32
          %add3A_269 = arith.constant 1 : i32
          %add3A_270 = arith.addi %add3A_268, %add3A_269 : i32
          %dma_start3A_271 = arith.constant 0 : i32
          %dma_start3A_272 = arith.constant 0 : i32
          %dma_start3A_273 = tpu.memref_slice %arg4[%add3A_270, %dma_start3A_271, %dma_start3A_272] : memref<224x6x120xi32, #tpu.memory_space<hbm>> -> memref<1x6x120xi32, #tpu.memory_space<hbm>>
          %dma_start3A_274 = tpu.memref_squeeze %dma_start3A_273 : memref<1x6x120xi32, #tpu.memory_space<hbm>> -> memref<6x120xi32, #tpu.memory_space<hbm>>
          %dma_start3A_275 = arith.constant 0 : i32
          %dma_start3A_276 = arith.constant 0 : i32
          %dma_start3A_277 = tpu.memref_slice %arg4[%add3A_270, %dma_start3A_275, %dma_start3A_276] : memref<224x6x120xi32, #tpu.memory_space<hbm>> -> memref<1x6x120xi32, #tpu.memory_space<hbm>>
          %dma_start3A_278 = tpu.memref_squeeze %dma_start3A_277 : memref<1x6x120xi32, #tpu.memory_space<hbm>> -> memref<6x120xi32, #tpu.memory_space<hbm>>
          tpu.enqueue_dma source(%dma_start3A_278 : memref<6x120xi32, #tpu.memory_space<hbm>>) target(%arg9 : memref<6x120xi32, #tpu.memory_space<vmem>>) target_semaphore(%arg21 : memref<!tpu.dma_semaphore, #tpu.memory_space<semaphore_mem>>)
        } else {
        }
        %dma_wait3A_173 = arith.constant 1 : i32
        %dma_wait3A_174 = arith.constant 0 : i32
        %dma_wait3A_175 = tpu.memref_slice %arg11[%dma_wait3A_173, %dma_wait3A_174] : memref<6x120xi32, #tpu.memory_space<vmem>> -> memref<1x120xi32, #tpu.memory_space<vmem>>
        %dma_wait3A_176 = tpu.memref_squeeze %dma_wait3A_175 : memref<1x120xi32, #tpu.memory_space<vmem>> -> memref<120xi32, #tpu.memory_space<vmem>>
        %dma_wait3A_177 = arith.constant 0 : i32
        %dma_wait3A_178 = arith.constant 0 : i32
        %dma_wait3A_179 = tpu.memref_slice %arg7[%dma_wait3A_177, %dma_wait3A_178] : memref<10008x128xf32, #tpu.memory_space<vmem_shared>> -> memref<10008x128xf32, #tpu.memory_space<vmem_shared>>
        tpu.wait_indirect_dma semaphore(%arg19 : memref<!tpu.dma_semaphore, #tpu.memory_space<semaphore_mem>>) src(%arg13 : memref<120x128xf32, #tpu.memory_space<vmem>>) dst(%dma_wait3A_179 : memref<10008x128xf32, #tpu.memory_space<vmem_shared>>)
        %dma_start3A_180 = arith.constant 4 : i32
        %dma_start3A_181 = arith.constant 0 : i32
        %dma_start3A_182 = tpu.memref_slice %arg10[%dma_start3A_180, %dma_start3A_181] : memref<6x120xi32, #tpu.memory_space<vmem>> -> memref<1x120xi32, #tpu.memory_space<vmem>>
        %dma_start3A_183 = tpu.memref_squeeze %dma_start3A_182 : memref<1x120xi32, #tpu.memory_space<vmem>> -> memref<120xi32, #tpu.memory_space<vmem>>
        %dma_start3A_184 = arith.constant 0 : i32
        %dma_start3A_185 = arith.constant 0 : i32
        %dma_start3A_186 = tpu.memref_slice %arg2[%dma_start3A_184, %dma_start3A_185] : memref<20000x128xf32, #tpu.memory_space<hbm>> -> memref<20000x128xf32, #tpu.memory_space<hbm>>
        tpu.enqueue_indirect_dma source(%dma_start3A_186 : memref<20000x128xf32, #tpu.memory_space<hbm>>) target(%arg13 : memref<120x128xf32, #tpu.memory_space<vmem>>) offsets(%dma_start3A_183 : memref<120xi32, #tpu.memory_space<vmem>>) semaphore(%arg16 : memref<!tpu.dma_semaphore, #tpu.memory_space<semaphore_mem>>)
        %dma_wait3A_187 = arith.constant 3 : i32
        %dma_wait3A_188 = arith.constant 0 : i32
        %dma_wait3A_189 = tpu.memref_slice %arg10[%dma_wait3A_187, %dma_wait3A_188] : memref<6x120xi32, #tpu.memory_space<vmem>> -> memref<1x120xi32, #tpu.memory_space<vmem>>
        %dma_wait3A_190 = tpu.memref_squeeze %dma_wait3A_189 : memref<1x120xi32, #tpu.memory_space<vmem>> -> memref<120xi32, #tpu.memory_space<vmem>>
        %dma_wait3A_191 = arith.constant 0 : i32
        %dma_wait3A_192 = arith.constant 0 : i32
        %dma_wait3A_193 = tpu.memref_slice %arg2[%dma_wait3A_191, %dma_wait3A_192] : memref<20000x128xf32, #tpu.memory_space<hbm>> -> memref<20000x128xf32, #tpu.memory_space<hbm>>
        tpu.wait_indirect_dma semaphore(%arg15 : memref<!tpu.dma_semaphore, #tpu.memory_space<semaphore_mem>>) src(%dma_wait3A_193 : memref<20000x128xf32, #tpu.memory_space<hbm>>) dst(%arg12 : memref<120x128xf32, #tpu.memory_space<vmem>>)
        %dma_start3A_194 = arith.constant 3 : i32
        %dma_start3A_195 = arith.constant 0 : i32
        %dma_start3A_196 = tpu.memref_slice %arg11[%dma_start3A_194, %dma_start3A_195] : memref<6x120xi32, #tpu.memory_space<vmem>> -> memref<1x120xi32, #tpu.memory_space<vmem>>
        %dma_start3A_197 = tpu.memref_squeeze %dma_start3A_196 : memref<1x120xi32, #tpu.memory_space<vmem>> -> memref<120xi32, #tpu.memory_space<vmem>>
        %dma_start3A_198 = arith.constant 0 : i32
        %dma_start3A_199 = arith.constant 0 : i32
        %dma_start3A_200 = tpu.memref_slice %arg7[%dma_start3A_198, %dma_start3A_199] : memref<10008x128xf32, #tpu.memory_space<vmem_shared>> -> memref<10008x128xf32, #tpu.memory_space<vmem_shared>>
        tpu.enqueue_indirect_dma source(%arg12 : memref<120x128xf32, #tpu.memory_space<vmem>>) target(%dma_start3A_200 : memref<10008x128xf32, #tpu.memory_space<vmem_shared>>) offsets(%dma_start3A_197 : memref<120xi32, #tpu.memory_space<vmem>>) semaphore(%arg18 : memref<!tpu.dma_semaphore, #tpu.memory_space<semaphore_mem>>) {add = true}
        %dma_wait3A_201 = arith.constant 2 : i32
        %dma_wait3A_202 = arith.constant 0 : i32
        %dma_wait3A_203 = tpu.memref_slice %arg11[%dma_wait3A_201, %dma_wait3A_202] : memref<6x120xi32, #tpu.memory_space<vmem>> -> memref<1x120xi32, #tpu.memory_space<vmem>>
        %dma_wait3A_204 = tpu.memref_squeeze %dma_wait3A_203 : memref<1x120xi32, #tpu.memory_space<vmem>> -> memref<120xi32, #tpu.memory_space<vmem>>
        %dma_wait3A_205 = arith.constant 0 : i32
        %dma_wait3A_206 = arith.constant 0 : i32
        %dma_wait3A_207 = tpu.memref_slice %arg7[%dma_wait3A_205, %dma_wait3A_206] : memref<10008x128xf32, #tpu.memory_space<vmem_shared>> -> memref<10008x128xf32, #tpu.memory_space<vmem_shared>>
        tpu.wait_indirect_dma semaphore(%arg20 : memref<!tpu.dma_semaphore, #tpu.memory_space<semaphore_mem>>) src(%arg14 : memref<120x128xf32, #tpu.memory_space<vmem>>) dst(%dma_wait3A_207 : memref<10008x128xf32, #tpu.memory_space<vmem_shared>>)
        %dma_start3A_208 = arith.constant 5 : i32
        %dma_start3A_209 = arith.constant 0 : i32
        %dma_start3A_210 = tpu.memref_slice %arg10[%dma_start3A_208, %dma_start3A_209] : memref<6x120xi32, #tpu.memory_space<vmem>> -> memref<1x120xi32, #tpu.memory_space<vmem>>
        %dma_start3A_211 = tpu.memref_squeeze %dma_start3A_210 : memref<1x120xi32, #tpu.memory_space<vmem>> -> memref<120xi32, #tpu.memory_space<vmem>>
        %dma_start3A_212 = arith.constant 0 : i32
        %dma_start3A_213 = arith.constant 0 : i32
        %dma_start3A_214 = tpu.memref_slice %arg2[%dma_start3A_212, %dma_start3A_213] : memref<20000x128xf32, #tpu.memory_space<hbm>> -> memref<20000x128xf32, #tpu.memory_space<hbm>>
        tpu.enqueue_indirect_dma source(%dma_start3A_214 : memref<20000x128xf32, #tpu.memory_space<hbm>>) target(%arg14 : memref<120x128xf32, #tpu.memory_space<vmem>>) offsets(%dma_start3A_211 : memref<120xi32, #tpu.memory_space<vmem>>) semaphore(%arg17 : memref<!tpu.dma_semaphore, #tpu.memory_space<semaphore_mem>>)
        %dma_wait3A_215 = arith.constant 4 : i32
        %dma_wait3A_216 = arith.constant 0 : i32
        %dma_wait3A_217 = tpu.memref_slice %arg10[%dma_wait3A_215, %dma_wait3A_216] : memref<6x120xi32, #tpu.memory_space<vmem>> -> memref<1x120xi32, #tpu.memory_space<vmem>>
        %dma_wait3A_218 = tpu.memref_squeeze %dma_wait3A_217 : memref<1x120xi32, #tpu.memory_space<vmem>> -> memref<120xi32, #tpu.memory_space<vmem>>
        %dma_wait3A_219 = arith.constant 0 : i32
        %dma_wait3A_220 = arith.constant 0 : i32
        %dma_wait3A_221 = tpu.memref_slice %arg2[%dma_wait3A_219, %dma_wait3A_220] : memref<20000x128xf32, #tpu.memory_space<hbm>> -> memref<20000x128xf32, #tpu.memory_space<hbm>>
        tpu.wait_indirect_dma semaphore(%arg16 : memref<!tpu.dma_semaphore, #tpu.memory_space<semaphore_mem>>) src(%dma_wait3A_221 : memref<20000x128xf32, #tpu.memory_space<hbm>>) dst(%arg13 : memref<120x128xf32, #tpu.memory_space<vmem>>)
        %dma_start3A_222 = arith.constant 4 : i32
        %dma_start3A_223 = arith.constant 0 : i32
        %dma_start3A_224 = tpu.memref_slice %arg11[%dma_start3A_222, %dma_start3A_223] : memref<6x120xi32, #tpu.memory_space<vmem>> -> memref<1x120xi32, #tpu.memory_space<vmem>>
        %dma_start3A_225 = tpu.memref_squeeze %dma_start3A_224 : memref<1x120xi32, #tpu.memory_space<vmem>> -> memref<120xi32, #tpu.memory_space<vmem>>
        %dma_start3A_226 = arith.constant 0 : i32
        %dma_start3A_227 = arith.constant 0 : i32
        %dma_start3A_228 = tpu.memref_slice %arg7[%dma_start3A_226, %dma_start3A_227] : memref<10008x128xf32, #tpu.memory_space<vmem_shared>> -> memref<10008x128xf32, #tpu.memory_space<vmem_shared>>
        tpu.enqueue_indirect_dma source(%arg13 : memref<120x128xf32, #tpu.memory_space<vmem>>) target(%dma_start3A_228 : memref<10008x128xf32, #tpu.memory_space<vmem_shared>>) offsets(%dma_start3A_225 : memref<120xi32, #tpu.memory_space<vmem>>) semaphore(%arg19 : memref<!tpu.dma_semaphore, #tpu.memory_space<semaphore_mem>>) {add = true}
        %lt3A_229 = arith.constant 13 : i32
        %lt3A_230 = arith.cmpi slt, %add3A_63, %lt3A_229 : i32
        %convert_element_type3A_231 = arith.extui %lt3A_230 : i1 to i32
        %cond3A_232 = arith.constant 0 : i32
        %cond3A_233 = arith.cmpi ne, %convert_element_type3A_231, %cond3A_232 : i32
        scf.if %cond3A_233 {
          %dma_wait3A_253 = arith.constant 3 : i32
          %dma_wait3A_254 = arith.constant 0 : i32
          %dma_wait3A_255 = tpu.memref_slice %arg11[%dma_wait3A_253, %dma_wait3A_254] : memref<6x120xi32, #tpu.memory_space<vmem>> -> memref<1x120xi32, #tpu.memory_space<vmem>>
          %dma_wait3A_256 = tpu.memref_squeeze %dma_wait3A_255 : memref<1x120xi32, #tpu.memory_space<vmem>> -> memref<120xi32, #tpu.memory_space<vmem>>
          %dma_wait3A_257 = arith.constant 0 : i32
          %dma_wait3A_258 = arith.constant 0 : i32
          %dma_wait3A_259 = tpu.memref_slice %arg7[%dma_wait3A_257, %dma_wait3A_258] : memref<10008x128xf32, #tpu.memory_space<vmem_shared>> -> memref<10008x128xf32, #tpu.memory_space<vmem_shared>>
          tpu.wait_indirect_dma semaphore(%arg18 : memref<!tpu.dma_semaphore, #tpu.memory_space<semaphore_mem>>) src(%arg12 : memref<120x128xf32, #tpu.memory_space<vmem>>) dst(%dma_wait3A_259 : memref<10008x128xf32, #tpu.memory_space<vmem_shared>>)
          %mul3A_260 = arith.constant 14 : i32
          %mul3A_261 = arith.muli %add3A, %mul3A_260 : i32
          %add3A_262 = arith.addi %mul3A_261, %add3A_63 : i32
          %add3A_263 = arith.constant 1 : i32
          %add3A_264 = arith.addi %add3A_262, %add3A_263 : i32
          %dma_wait3A_265 = arith.constant 0 : i32
          %dma_wait3A_266 = arith.constant 0 : i32
          %dma_wait3A_267 = tpu.memref_slice %arg3[%add3A_264, %dma_wait3A_265, %dma_wait3A_266] : memref<448x6x120xi32, #tpu.memory_space<hbm>> -> memref<1x6x120xi32, #tpu.memory_space<hbm>>
          %dma_wait3A_268 = tpu.memref_squeeze %dma_wait3A_267 : memref<1x6x120xi32, #tpu.memory_space<hbm>> -> memref<6x120xi32, #tpu.memory_space<hbm>>
          %dma_wait3A_269 = arith.constant 0 : i32
          %dma_wait3A_270 = arith.constant 0 : i32
          %dma_wait3A_271 = tpu.memref_slice %arg3[%add3A_264, %dma_wait3A_269, %dma_wait3A_270] : memref<448x6x120xi32, #tpu.memory_space<hbm>> -> memref<1x6x120xi32, #tpu.memory_space<hbm>>
          %dma_wait3A_272 = tpu.memref_squeeze %dma_wait3A_271 : memref<1x6x120xi32, #tpu.memory_space<hbm>> -> memref<6x120xi32, #tpu.memory_space<hbm>>
          tpu.wait_dma2 semaphore(%arg21 : memref<!tpu.dma_semaphore, #tpu.memory_space<semaphore_mem>>) src(%dma_wait3A_272 : memref<6x120xi32, #tpu.memory_space<hbm>>) dst(%arg8 : memref<6x120xi32, #tpu.memory_space<vmem>>)
          %mul3A_273 = arith.constant 14 : i32
          %mul3A_274 = arith.muli %arg1, %mul3A_273 : i32
          %add3A_275 = arith.addi %mul3A_274, %add3A_63 : i32
          %add3A_276 = arith.constant 1 : i32
          %add3A_277 = arith.addi %add3A_275, %add3A_276 : i32
          %dma_wait3A_278 = arith.constant 0 : i32
          %dma_wait3A_279 = arith.constant 0 : i32
          %dma_wait3A_280 = tpu.memref_slice %arg4[%add3A_277, %dma_wait3A_278, %dma_wait3A_279] : memref<224x6x120xi32, #tpu.memory_space<hbm>> -> memref<1x6x120xi32, #tpu.memory_space<hbm>>
          %dma_wait3A_281 = tpu.memref_squeeze %dma_wait3A_280 : memref<1x6x120xi32, #tpu.memory_space<hbm>> -> memref<6x120xi32, #tpu.memory_space<hbm>>
          %dma_wait3A_282 = arith.constant 0 : i32
          %dma_wait3A_283 = arith.constant 0 : i32
          %dma_wait3A_284 = tpu.memref_slice %arg4[%add3A_277, %dma_wait3A_282, %dma_wait3A_283] : memref<224x6x120xi32, #tpu.memory_space<hbm>> -> memref<1x6x120xi32, #tpu.memory_space<hbm>>
          %dma_wait3A_285 = tpu.memref_squeeze %dma_wait3A_284 : memref<1x6x120xi32, #tpu.memory_space<hbm>> -> memref<6x120xi32, #tpu.memory_space<hbm>>
          tpu.wait_dma2 semaphore(%arg21 : memref<!tpu.dma_semaphore, #tpu.memory_space<semaphore_mem>>) src(%dma_wait3A_285 : memref<6x120xi32, #tpu.memory_space<hbm>>) dst(%arg9 : memref<6x120xi32, #tpu.memory_space<vmem>>)
          %dma_start3A_286 = arith.constant 0 : i32
          %dma_start3A_287 = arith.constant 0 : i32
          %dma_start3A_288 = tpu.memref_slice %arg8[%dma_start3A_286, %dma_start3A_287] : memref<6x120xi32, #tpu.memory_space<vmem>> -> memref<1x120xi32, #tpu.memory_space<vmem>>
          %dma_start3A_289 = tpu.memref_squeeze %dma_start3A_288 : memref<1x120xi32, #tpu.memory_space<vmem>> -> memref<120xi32, #tpu.memory_space<vmem>>
          %dma_start3A_290 = arith.constant 0 : i32
          %dma_start3A_291 = arith.constant 0 : i32
          %dma_start3A_292 = tpu.memref_slice %arg2[%dma_start3A_290, %dma_start3A_291] : memref<20000x128xf32, #tpu.memory_space<hbm>> -> memref<20000x128xf32, #tpu.memory_space<hbm>>
          tpu.enqueue_indirect_dma source(%dma_start3A_292 : memref<20000x128xf32, #tpu.memory_space<hbm>>) target(%arg12 : memref<120x128xf32, #tpu.memory_space<vmem>>) offsets(%dma_start3A_289 : memref<120xi32, #tpu.memory_space<vmem>>) semaphore(%arg15 : memref<!tpu.dma_semaphore, #tpu.memory_space<semaphore_mem>>)
        } else {
        }
        %dma_wait3A_234 = arith.constant 5 : i32
        %dma_wait3A_235 = arith.constant 0 : i32
        %dma_wait3A_236 = tpu.memref_slice %arg10[%dma_wait3A_234, %dma_wait3A_235] : memref<6x120xi32, #tpu.memory_space<vmem>> -> memref<1x120xi32, #tpu.memory_space<vmem>>
        %dma_wait3A_237 = tpu.memref_squeeze %dma_wait3A_236 : memref<1x120xi32, #tpu.memory_space<vmem>> -> memref<120xi32, #tpu.memory_space<vmem>>
        %dma_wait3A_238 = arith.constant 0 : i32
        %dma_wait3A_239 = arith.constant 0 : i32
        %dma_wait3A_240 = tpu.memref_slice %arg2[%dma_wait3A_238, %dma_wait3A_239] : memref<20000x128xf32, #tpu.memory_space<hbm>> -> memref<20000x128xf32, #tpu.memory_space<hbm>>
        tpu.wait_indirect_dma semaphore(%arg17 : memref<!tpu.dma_semaphore, #tpu.memory_space<semaphore_mem>>) src(%dma_wait3A_240 : memref<20000x128xf32, #tpu.memory_space<hbm>>) dst(%arg14 : memref<120x128xf32, #tpu.memory_space<vmem>>)
        %dma_start3A_241 = arith.constant 5 : i32
        %dma_start3A_242 = arith.constant 0 : i32
        %dma_start3A_243 = tpu.memref_slice %arg11[%dma_start3A_241, %dma_start3A_242] : memref<6x120xi32, #tpu.memory_space<vmem>> -> memref<1x120xi32, #tpu.memory_space<vmem>>
        %dma_start3A_244 = tpu.memref_squeeze %dma_start3A_243 : memref<1x120xi32, #tpu.memory_space<vmem>> -> memref<120xi32, #tpu.memory_space<vmem>>
        %dma_start3A_245 = arith.constant 0 : i32
        %dma_start3A_246 = arith.constant 0 : i32
        %dma_start3A_247 = tpu.memref_slice %arg7[%dma_start3A_245, %dma_start3A_246] : memref<10008x128xf32, #tpu.memory_space<vmem_shared>> -> memref<10008x128xf32, #tpu.memory_space<vmem_shared>>
        tpu.enqueue_indirect_dma source(%arg14 : memref<120x128xf32, #tpu.memory_space<vmem>>) target(%dma_start3A_247 : memref<10008x128xf32, #tpu.memory_space<vmem_shared>>) offsets(%dma_start3A_244 : memref<120xi32, #tpu.memory_space<vmem>>) semaphore(%arg20 : memref<!tpu.dma_semaphore, #tpu.memory_space<semaphore_mem>>) {add = true}
        %lt3A_248 = arith.constant 13 : i32
        %lt3A_249 = arith.cmpi slt, %add3A_63, %lt3A_248 : i32
        %convert_element_type3A_250 = arith.extui %lt3A_249 : i1 to i32
        %cond3A_251 = arith.constant 0 : i32
        %cond3A_252 = arith.cmpi ne, %convert_element_type3A_250, %cond3A_251 : i32
        scf.if %cond3A_252 {
          %dma_wait3A_253 = arith.constant 4 : i32
          %dma_wait3A_254 = arith.constant 0 : i32
          %dma_wait3A_255 = tpu.memref_slice %arg11[%dma_wait3A_253, %dma_wait3A_254] : memref<6x120xi32, #tpu.memory_space<vmem>> -> memref<1x120xi32, #tpu.memory_space<vmem>>
          %dma_wait3A_256 = tpu.memref_squeeze %dma_wait3A_255 : memref<1x120xi32, #tpu.memory_space<vmem>> -> memref<120xi32, #tpu.memory_space<vmem>>
          %dma_wait3A_257 = arith.constant 0 : i32
          %dma_wait3A_258 = arith.constant 0 : i32
          %dma_wait3A_259 = tpu.memref_slice %arg7[%dma_wait3A_257, %dma_wait3A_258] : memref<10008x128xf32, #tpu.memory_space<vmem_shared>> -> memref<10008x128xf32, #tpu.memory_space<vmem_shared>>
          tpu.wait_indirect_dma semaphore(%arg19 : memref<!tpu.dma_semaphore, #tpu.memory_space<semaphore_mem>>) src(%arg13 : memref<120x128xf32, #tpu.memory_space<vmem>>) dst(%dma_wait3A_259 : memref<10008x128xf32, #tpu.memory_space<vmem_shared>>)
          %dma_start3A_260 = arith.constant 1 : i32
          %dma_start3A_261 = arith.constant 0 : i32
          %dma_start3A_262 = tpu.memref_slice %arg8[%dma_start3A_260, %dma_start3A_261] : memref<6x120xi32, #tpu.memory_space<vmem>> -> memref<1x120xi32, #tpu.memory_space<vmem>>
          %dma_start3A_263 = tpu.memref_squeeze %dma_start3A_262 : memref<1x120xi32, #tpu.memory_space<vmem>> -> memref<120xi32, #tpu.memory_space<vmem>>
          %dma_start3A_264 = arith.constant 0 : i32
          %dma_start3A_265 = arith.constant 0 : i32
          %dma_start3A_266 = tpu.memref_slice %arg2[%dma_start3A_264, %dma_start3A_265] : memref<20000x128xf32, #tpu.memory_space<hbm>> -> memref<20000x128xf32, #tpu.memory_space<hbm>>
          tpu.enqueue_indirect_dma source(%dma_start3A_266 : memref<20000x128xf32, #tpu.memory_space<hbm>>) target(%arg13 : memref<120x128xf32, #tpu.memory_space<vmem>>) offsets(%dma_start3A_263 : memref<120xi32, #tpu.memory_space<vmem>>) semaphore(%arg16 : memref<!tpu.dma_semaphore, #tpu.memory_space<semaphore_mem>>)
        } else {
        }
      } else {
      }
    }
    %scan3A_27 = arith.constant 14 : i32
    %dma_wait3A = arith.constant 3 : i32
    %dma_wait3A_28 = arith.constant 0 : i32
    %dma_wait3A_29 = tpu.memref_slice %arg11[%dma_wait3A, %dma_wait3A_28] : memref<6x120xi32, #tpu.memory_space<vmem>> -> memref<1x120xi32, #tpu.memory_space<vmem>>
    %dma_wait3A_30 = tpu.memref_squeeze %dma_wait3A_29 : memref<1x120xi32, #tpu.memory_space<vmem>> -> memref<120xi32, #tpu.memory_space<vmem>>
    %dma_wait3A_31 = arith.constant 0 : i32
    %dma_wait3A_32 = arith.constant 0 : i32
    %dma_wait3A_33 = tpu.memref_slice %arg7[%dma_wait3A_31, %dma_wait3A_32] : memref<10008x128xf32, #tpu.memory_space<vmem_shared>> -> memref<10008x128xf32, #tpu.memory_space<vmem_shared>>
    tpu.wait_indirect_dma semaphore(%arg18 : memref<!tpu.dma_semaphore, #tpu.memory_space<semaphore_mem>>) src(%arg12 : memref<120x128xf32, #tpu.memory_space<vmem>>) dst(%dma_wait3A_33 : memref<10008x128xf32, #tpu.memory_space<vmem_shared>>)
    %dma_wait3A_34 = arith.constant 4 : i32
    %dma_wait3A_35 = arith.constant 0 : i32
    %dma_wait3A_36 = tpu.memref_slice %arg11[%dma_wait3A_34, %dma_wait3A_35] : memref<6x120xi32, #tpu.memory_space<vmem>> -> memref<1x120xi32, #tpu.memory_space<vmem>>
    %dma_wait3A_37 = tpu.memref_squeeze %dma_wait3A_36 : memref<1x120xi32, #tpu.memory_space<vmem>> -> memref<120xi32, #tpu.memory_space<vmem>>
    %dma_wait3A_38 = arith.constant 0 : i32
    %dma_wait3A_39 = arith.constant 0 : i32
    %dma_wait3A_40 = tpu.memref_slice %arg7[%dma_wait3A_38, %dma_wait3A_39] : memref<10008x128xf32, #tpu.memory_space<vmem_shared>> -> memref<10008x128xf32, #tpu.memory_space<vmem_shared>>
    tpu.wait_indirect_dma semaphore(%arg19 : memref<!tpu.dma_semaphore, #tpu.memory_space<semaphore_mem>>) src(%arg13 : memref<120x128xf32, #tpu.memory_space<vmem>>) dst(%dma_wait3A_40 : memref<10008x128xf32, #tpu.memory_space<vmem_shared>>)
    %dma_wait3A_41 = arith.constant 5 : i32
    %dma_wait3A_42 = arith.constant 0 : i32
    %dma_wait3A_43 = tpu.memref_slice %arg11[%dma_wait3A_41, %dma_wait3A_42] : memref<6x120xi32, #tpu.memory_space<vmem>> -> memref<1x120xi32, #tpu.memory_space<vmem>>
    %dma_wait3A_44 = tpu.memref_squeeze %dma_wait3A_43 : memref<1x120xi32, #tpu.memory_space<vmem>> -> memref<120xi32, #tpu.memory_space<vmem>>
    %dma_wait3A_45 = arith.constant 0 : i32
    %dma_wait3A_46 = arith.constant 0 : i32
    %dma_wait3A_47 = tpu.memref_slice %arg7[%dma_wait3A_45, %dma_wait3A_46] : memref<10008x128xf32, #tpu.memory_space<vmem_shared>> -> memref<10008x128xf32, #tpu.memory_space<vmem_shared>>
    tpu.wait_indirect_dma semaphore(%arg20 : memref<!tpu.dma_semaphore, #tpu.memory_space<semaphore_mem>>) src(%arg14 : memref<120x128xf32, #tpu.memory_space<vmem>>) dst(%dma_wait3A_47 : memref<10008x128xf32, #tpu.memory_space<vmem_shared>>)
    %barrier3A_48 = arith.constant 0 : index
    tpu.barrier barrier_id(%barrier3A_48)
    %lt3A_49 = arith.constant 15 : i32
    %lt3A_50 = arith.cmpi slt, %arg1, %lt3A_49 : i32
    %convert_element_type3A_51 = arith.extui %lt3A_50 : i1 to i32
    %cond3A_52 = arith.constant 0 : i32
    %cond3A_53 = arith.cmpi ne, %convert_element_type3A_51, %cond3A_52 : i32
    scf.if %cond3A_53 {
      %mul3A_59 = arith.constant 624 : i32
      %mul3A_60 = arith.muli %arg1, %mul3A_59 : i32
      %mul3A_61 = arith.constant 10000 : i32
      %mul3A_62 = arith.muli %arg0, %mul3A_61 : i32
      %mul3A_63 = arith.constant 624 : i32
      %mul3A_64 = arith.muli %arg1, %mul3A_63 : i32
      %add3A_65 = arith.addi %mul3A_62, %mul3A_64 : i32
      "tpu.region"() ({
        %run_scoped3A = tpu.sem_alloc : memref<!tpu.dma_semaphore, #tpu.memory_space<semaphore_mem>>
        %dma_start3A_66 = arith.constant 0 : i32
        %dma_start3A_67 = tpu.memref_slice %arg6[%add3A_65, %dma_start3A_66] : memref<20000x128xf32, #tpu.memory_space<hbm>> -> memref<624x128xf32, #tpu.memory_space<hbm>>
        %dma_start3A_68 = arith.constant 0 : i32
        %dma_start3A_69 = tpu.memref_slice %arg7[%mul3A_60, %dma_start3A_68] : memref<10008x128xf32, #tpu.memory_space<vmem_shared>> -> memref<624x128xf32, #tpu.memory_space<vmem_shared>>
        tpu.enqueue_dma source(%dma_start3A_69 : memref<624x128xf32, #tpu.memory_space<vmem_shared>>) target(%dma_start3A_67 : memref<624x128xf32, #tpu.memory_space<hbm>>) target_semaphore(%run_scoped3A : memref<!tpu.dma_semaphore, #tpu.memory_space<semaphore_mem>>)
        %dma_wait3A_70 = arith.constant 0 : i32
        %dma_wait3A_71 = tpu.memref_slice %arg6[%add3A_65, %dma_wait3A_70] : memref<20000x128xf32, #tpu.memory_space<hbm>> -> memref<624x128xf32, #tpu.memory_space<hbm>>
        %dma_wait3A_72 = arith.constant 0 : i32
        %dma_wait3A_73 = tpu.memref_slice %arg7[%mul3A_60, %dma_wait3A_72] : memref<10008x128xf32, #tpu.memory_space<vmem_shared>> -> memref<624x128xf32, #tpu.memory_space<vmem_shared>>
        tpu.wait_dma2 semaphore(%run_scoped3A : memref<!tpu.dma_semaphore, #tpu.memory_space<semaphore_mem>>) src(%dma_wait3A_73 : memref<624x128xf32, #tpu.memory_space<vmem_shared>>) dst(%dma_wait3A_71 : memref<624x128xf32, #tpu.memory_space<hbm>>)
        tpu.yield
      }) : () -> ()
    } else {
    }
    %eq3A_54 = arith.constant 15 : i32
    %eq3A_55 = arith.cmpi eq, %arg1, %eq3A_54 : i32
    %convert_element_type3A_56 = arith.extui %eq3A_55 : i1 to i32
    %cond3A_57 = arith.constant 0 : i32
    %cond3A_58 = arith.cmpi ne, %convert_element_type3A_56, %cond3A_57 : i32
    scf.if %cond3A_58 {
      %mul3A_59 = arith.constant 10000 : i32
      %mul3A_60 = arith.muli %arg0, %mul3A_59 : i32
      %add3A_61 = arith.constant 9360 : i32
      %add3A_62 = arith.addi %mul3A_60, %add3A_61 : i32
      "tpu.region"() ({
        %run_scoped3A = tpu.sem_alloc : memref<!tpu.dma_semaphore, #tpu.memory_space<semaphore_mem>>
        %dma_start3A_63 = arith.constant 0 : i32
        %dma_start3A_64 = tpu.memref_slice %arg6[%add3A_62, %dma_start3A_63] : memref<20000x128xf32, #tpu.memory_space<hbm>> -> memref<640x128xf32, #tpu.memory_space<hbm>>
        %dma_start3A_65 = arith.constant 9360 : i32
        %dma_start3A_66 = arith.constant 0 : i32
        %dma_start3A_67 = tpu.memref_slice %arg7[%dma_start3A_65, %dma_start3A_66] : memref<10008x128xf32, #tpu.memory_space<vmem_shared>> -> memref<640x128xf32, #tpu.memory_space<vmem_shared>>
        tpu.enqueue_dma source(%dma_start3A_67 : memref<640x128xf32, #tpu.memory_space<vmem_shared>>) target(%dma_start3A_64 : memref<640x128xf32, #tpu.memory_space<hbm>>) target_semaphore(%run_scoped3A : memref<!tpu.dma_semaphore, #tpu.memory_space<semaphore_mem>>)
        %dma_wait3A_68 = arith.constant 0 : i32
        %dma_wait3A_69 = tpu.memref_slice %arg6[%add3A_62, %dma_wait3A_68] : memref<20000x128xf32, #tpu.memory_space<hbm>> -> memref<640x128xf32, #tpu.memory_space<hbm>>
        %dma_wait3A_70 = arith.constant 9360 : i32
        %dma_wait3A_71 = arith.constant 0 : i32
        %dma_wait3A_72 = tpu.memref_slice %arg7[%dma_wait3A_70, %dma_wait3A_71] : memref<10008x128xf32, #tpu.memory_space<vmem_shared>> -> memref<640x128xf32, #tpu.memory_space<vmem_shared>>
        tpu.wait_dma2 semaphore(%run_scoped3A : memref<!tpu.dma_semaphore, #tpu.memory_space<semaphore_mem>>) src(%dma_wait3A_72 : memref<640x128xf32, #tpu.memory_space<vmem_shared>>) dst(%dma_wait3A_69 : memref<640x128xf32, #tpu.memory_space<hbm>>)
        tpu.yield
      }) : () -> ()
    } else {
    }
    return
  }
}

#map = affine_map<(d0, d1) -> (0, 0, 0)>
#map1 = affine_map<(d0, d1) -> (0, 0)>
module attributes {stable_mosaic.version = 14 : i64} {
  func.func @_sc_deg(%arg0: i32, %arg1: i32, %arg2: memref<16x80x128xi32, #tpu.memory_space<hbm>>, %arg3: memref<128x128xf32, #tpu.memory_space<hbm>>, %arg4: memref<648x128xf32, #tpu.memory_space<hbm>>, %arg5: memref<20000x128xf32, #tpu.memory_space<hbm>>, %arg6: memref<10008x128xf32, #tpu.memory_space<vmem_shared>>, %arg7: memref<80x128xi32, #tpu.memory_space<vmem>>, %arg8: memref<128x128xf32, #tpu.memory_space<vmem>>, %arg9: memref<!tpu.dma_semaphore, #tpu.memory_space<semaphore_mem>>) attributes {dimension_semantics = [#tpu.dimension_semantics<core_parallel>, #tpu.dimension_semantics<subcore_parallel>], iteration_bounds = array<i64: 2, 16>, scalar_prefetch = 0 : i64, scratch_operands = 4 : i64, tpu.core_type = #tpu.core_type<sc_vector_subcore>, window_params = [{transform_indices = #map}, {transform_indices = #map1}, {transform_indices = #map1}, {transform_indices = #map1}]} {
    "tpu.region"() ({
      %run_scoped3A = tpu.sem_alloc : memref<!tpu.dma_semaphore, #tpu.memory_space<semaphore_mem>>
      %dma_start3A = arith.constant 0 : i32
      %dma_start3A_26 = arith.constant 0 : i32
      %dma_start3A_27 = tpu.memref_slice %arg2[%arg1, %dma_start3A, %dma_start3A_26] : memref<16x80x128xi32, #tpu.memory_space<hbm>> -> memref<1x80x128xi32, #tpu.memory_space<hbm>>
      %dma_start3A_28 = tpu.memref_squeeze %dma_start3A_27 : memref<1x80x128xi32, #tpu.memory_space<hbm>> -> memref<80x128xi32, #tpu.memory_space<hbm>>
      %dma_start3A_29 = arith.constant 0 : i32
      %dma_start3A_30 = arith.constant 0 : i32
      %dma_start3A_31 = tpu.memref_slice %arg2[%arg1, %dma_start3A_29, %dma_start3A_30] : memref<16x80x128xi32, #tpu.memory_space<hbm>> -> memref<1x80x128xi32, #tpu.memory_space<hbm>>
      %dma_start3A_32 = tpu.memref_squeeze %dma_start3A_31 : memref<1x80x128xi32, #tpu.memory_space<hbm>> -> memref<80x128xi32, #tpu.memory_space<hbm>>
      tpu.enqueue_dma source(%dma_start3A_32 : memref<80x128xi32, #tpu.memory_space<hbm>>) target(%arg7 : memref<80x128xi32, #tpu.memory_space<vmem>>) target_semaphore(%run_scoped3A : memref<!tpu.dma_semaphore, #tpu.memory_space<semaphore_mem>>)
      %dma_wait3A = arith.constant 0 : i32
      %dma_wait3A_33 = arith.constant 0 : i32
      %dma_wait3A_34 = tpu.memref_slice %arg2[%arg1, %dma_wait3A, %dma_wait3A_33] : memref<16x80x128xi32, #tpu.memory_space<hbm>> -> memref<1x80x128xi32, #tpu.memory_space<hbm>>
      %dma_wait3A_35 = tpu.memref_squeeze %dma_wait3A_34 : memref<1x80x128xi32, #tpu.memory_space<hbm>> -> memref<80x128xi32, #tpu.memory_space<hbm>>
      %dma_wait3A_36 = arith.constant 0 : i32
      %dma_wait3A_37 = arith.constant 0 : i32
      %dma_wait3A_38 = tpu.memref_slice %arg2[%arg1, %dma_wait3A_36, %dma_wait3A_37] : memref<16x80x128xi32, #tpu.memory_space<hbm>> -> memref<1x80x128xi32, #tpu.memory_space<hbm>>
      %dma_wait3A_39 = tpu.memref_squeeze %dma_wait3A_38 : memref<1x80x128xi32, #tpu.memory_space<hbm>> -> memref<80x128xi32, #tpu.memory_space<hbm>>
      tpu.wait_dma2 semaphore(%run_scoped3A : memref<!tpu.dma_semaphore, #tpu.memory_space<semaphore_mem>>) src(%dma_wait3A_39 : memref<80x128xi32, #tpu.memory_space<hbm>>) dst(%arg7 : memref<80x128xi32, #tpu.memory_space<vmem>>)
      tpu.yield
    }) : () -> ()
    "tpu.region"() ({
      %run_scoped3A = tpu.sem_alloc : memref<!tpu.dma_semaphore, #tpu.memory_space<semaphore_mem>>
      tpu.enqueue_dma source(%arg3 : memref<128x128xf32, #tpu.memory_space<hbm>>) target(%arg8 : memref<128x128xf32, #tpu.memory_space<vmem>>) target_semaphore(%run_scoped3A : memref<!tpu.dma_semaphore, #tpu.memory_space<semaphore_mem>>)
      tpu.wait_dma2 semaphore(%run_scoped3A : memref<!tpu.dma_semaphore, #tpu.memory_space<semaphore_mem>>) src(%arg3 : memref<128x128xf32, #tpu.memory_space<hbm>>) dst(%arg8 : memref<128x128xf32, #tpu.memory_space<vmem>>)
      tpu.yield
    }) : () -> ()
    %lt3A = arith.constant 15 : i32
    %lt3A_0 = arith.cmpi slt, %arg1, %lt3A : i32
    %convert_element_type3A = arith.extui %lt3A_0 : i1 to i32
    %cond3A = arith.constant 0 : i32
    %cond3A_1 = arith.cmpi ne, %convert_element_type3A, %cond3A : i32
    scf.if %cond3A_1 {
      %mul3A = arith.constant 624 : i32
      %mul3A_26 = arith.muli %arg1, %mul3A : i32
      "tpu.region"() ({
        %run_scoped3A = tpu.sem_alloc : memref<!tpu.dma_semaphore, #tpu.memory_space<semaphore_mem>>
        %dma_start3A = arith.constant 0 : i32
        %dma_start3A_27 = tpu.memref_slice %arg6[%mul3A_26, %dma_start3A] : memref<10008x128xf32, #tpu.memory_space<vmem_shared>> -> memref<624x128xf32, #tpu.memory_space<vmem_shared>>
        %dma_start3A_28 = arith.constant 0 : i32
        %dma_start3A_29 = arith.constant 0 : i32
        %dma_start3A_30 = tpu.memref_slice %arg4[%dma_start3A_28, %dma_start3A_29] : memref<648x128xf32, #tpu.memory_space<hbm>> -> memref<624x128xf32, #tpu.memory_space<hbm>>
        tpu.enqueue_dma source(%dma_start3A_30 : memref<624x128xf32, #tpu.memory_space<hbm>>) target(%dma_start3A_27 : memref<624x128xf32, #tpu.memory_space<vmem_shared>>) target_semaphore(%run_scoped3A : memref<!tpu.dma_semaphore, #tpu.memory_space<semaphore_mem>>)
        %dma_wait3A = arith.constant 0 : i32
        %dma_wait3A_31 = tpu.memref_slice %arg6[%mul3A_26, %dma_wait3A] : memref<10008x128xf32, #tpu.memory_space<vmem_shared>> -> memref<624x128xf32, #tpu.memory_space<vmem_shared>>
        %dma_wait3A_32 = arith.constant 0 : i32
        %dma_wait3A_33 = arith.constant 0 : i32
        %dma_wait3A_34 = tpu.memref_slice %arg4[%dma_wait3A_32, %dma_wait3A_33] : memref<648x128xf32, #tpu.memory_space<hbm>> -> memref<624x128xf32, #tpu.memory_space<hbm>>
        tpu.wait_dma2 semaphore(%run_scoped3A : memref<!tpu.dma_semaphore, #tpu.memory_space<semaphore_mem>>) src(%dma_wait3A_34 : memref<624x128xf32, #tpu.memory_space<hbm>>) dst(%dma_wait3A_31 : memref<624x128xf32, #tpu.memory_space<vmem_shared>>)
        tpu.yield
      }) : () -> ()
    } else {
    }
    %eq3A = arith.constant 15 : i32
    %eq3A_2 = arith.cmpi eq, %arg1, %eq3A : i32
    %convert_element_type3A_3 = arith.extui %eq3A_2 : i1 to i32
    %cond3A_4 = arith.constant 0 : i32
    %cond3A_5 = arith.cmpi ne, %convert_element_type3A_3, %cond3A_4 : i32
    scf.if %cond3A_5 {
      "tpu.region"() ({
        %run_scoped3A = tpu.sem_alloc : memref<!tpu.dma_semaphore, #tpu.memory_space<semaphore_mem>>
        %dma_start3A = arith.constant 9360 : i32
        %dma_start3A_26 = arith.constant 0 : i32
        %dma_start3A_27 = tpu.memref_slice %arg6[%dma_start3A, %dma_start3A_26] : memref<10008x128xf32, #tpu.memory_space<vmem_shared>> -> memref<648x128xf32, #tpu.memory_space<vmem_shared>>
        tpu.enqueue_dma source(%arg4 : memref<648x128xf32, #tpu.memory_space<hbm>>) target(%dma_start3A_27 : memref<648x128xf32, #tpu.memory_space<vmem_shared>>) target_semaphore(%run_scoped3A : memref<!tpu.dma_semaphore, #tpu.memory_space<semaphore_mem>>)
        %dma_wait3A = arith.constant 9360 : i32
        %dma_wait3A_28 = arith.constant 0 : i32
        %dma_wait3A_29 = tpu.memref_slice %arg6[%dma_wait3A, %dma_wait3A_28] : memref<10008x128xf32, #tpu.memory_space<vmem_shared>> -> memref<648x128xf32, #tpu.memory_space<vmem_shared>>
        tpu.wait_dma2 semaphore(%run_scoped3A : memref<!tpu.dma_semaphore, #tpu.memory_space<semaphore_mem>>) src(%arg4 : memref<648x128xf32, #tpu.memory_space<hbm>>) dst(%dma_wait3A_29 : memref<648x128xf32, #tpu.memory_space<vmem_shared>>)
        tpu.yield
      }) : () -> ()
    } else {
    }
    %barrier3A = arith.constant 0 : index
    tpu.barrier barrier_id(%barrier3A)
    %scan3A = arith.constant 0 : i32
    %scan3A_6 = arith.constant 80 : i32
    %scan3A_7 = arith.addi %scan3A, %scan3A_6 : i32
    %scan3A_8 = arith.constant 1 : i32
    scf.for %scan3A_26 = %scan3A to %scan3A_7 step %scan3A_8  : i32 {
      %mul3A = arith.constant 1 : i32
      %mul3A_27 = arith.muli %scan3A_26, %mul3A : i32
      %add3A = arith.constant 0 : i32
      %add3A_28 = arith.addi %add3A, %mul3A_27 : i32
      %jit3A = arith.constant 2 : i32
      %eq3A_29 = arith.constant 0 : i32
      %eq3A_30 = arith.cmpi eq, %jit3A, %eq3A_29 : i32
      %jit3A_31 = arith.constant 1 : i32
      %select_n3A = arith.select %eq3A_30, %jit3A_31, %jit3A : i32
      %rem3A = arith.remsi %add3A_28, %select_n3A : i32
      %ne3A = arith.constant 0 : i32
      %ne3A_32 = arith.cmpi ne, %rem3A, %ne3A : i32
      %lt3A_33 = arith.constant 0 : i32
      %lt3A_34 = arith.cmpi slt, %rem3A, %lt3A_33 : i32
      %lt3A_35 = arith.constant 0 : i32
      %lt3A_36 = arith.cmpi slt, %select_n3A, %lt3A_35 : i32
      %ne3A_37 = arith.xori %lt3A_34, %lt3A_36 : i1
      %and3A = arith.andi %ne3A_37, %ne3A_32 : i1
      %add3A_38 = arith.addi %rem3A, %select_n3A : i32
      %select_n3A_39 = arith.select %and3A, %add3A_38, %rem3A : i32
      %eq3A_40 = arith.cmpi eq, %select_n3A_39, %arg0 : i32
      %convert_element_type3A_41 = arith.extui %eq3A_40 : i1 to i32
      %cond3A_42 = arith.constant 0 : i32
      %cond3A_43 = arith.cmpi ne, %convert_element_type3A_41, %cond3A_42 : i32
      scf.if %cond3A_43 {
        %dma_start3A = arith.constant 0 : i32
        %dma_start3A_44 = tpu.memref_slice %arg7[%add3A_28, %dma_start3A] : memref<80x128xi32, #tpu.memory_space<vmem>> -> memref<1x128xi32, #tpu.memory_space<vmem>>
        %dma_start3A_45 = tpu.memref_squeeze %dma_start3A_44 : memref<1x128xi32, #tpu.memory_space<vmem>> -> memref<128xi32, #tpu.memory_space<vmem>>
        %dma_start3A_46 = arith.constant 0 : i32
        %dma_start3A_47 = arith.constant 0 : i32
        %dma_start3A_48 = tpu.memref_slice %arg6[%dma_start3A_46, %dma_start3A_47] : memref<10008x128xf32, #tpu.memory_space<vmem_shared>> -> memref<10008x128xf32, #tpu.memory_space<vmem_shared>>
        tpu.enqueue_indirect_dma source(%arg8 : memref<128x128xf32, #tpu.memory_space<vmem>>) target(%dma_start3A_48 : memref<10008x128xf32, #tpu.memory_space<vmem_shared>>) offsets(%dma_start3A_45 : memref<128xi32, #tpu.memory_space<vmem>>) semaphore(%arg9 : memref<!tpu.dma_semaphore, #tpu.memory_space<semaphore_mem>>) {add = true}
      } else {
      }
    }
    %scan3A_9 = arith.constant 80 : i32
    %scan3A_10 = arith.constant 0 : i32
    %scan3A_11 = arith.constant 80 : i32
    %scan3A_12 = arith.addi %scan3A_10, %scan3A_11 : i32
    %scan3A_13 = arith.constant 1 : i32
    scf.for %scan3A_26 = %scan3A_10 to %scan3A_12 step %scan3A_13  : i32 {
      %mul3A = arith.constant 1 : i32
      %mul3A_27 = arith.muli %scan3A_26, %mul3A : i32
      %add3A = arith.constant 0 : i32
      %add3A_28 = arith.addi %add3A, %mul3A_27 : i32
      %jit3A = arith.constant 2 : i32
      %eq3A_29 = arith.constant 0 : i32
      %eq3A_30 = arith.cmpi eq, %jit3A, %eq3A_29 : i32
      %jit3A_31 = arith.constant 1 : i32
      %select_n3A = arith.select %eq3A_30, %jit3A_31, %jit3A : i32
      %rem3A = arith.remsi %add3A_28, %select_n3A : i32
      %ne3A = arith.constant 0 : i32
      %ne3A_32 = arith.cmpi ne, %rem3A, %ne3A : i32
      %lt3A_33 = arith.constant 0 : i32
      %lt3A_34 = arith.cmpi slt, %rem3A, %lt3A_33 : i32
      %lt3A_35 = arith.constant 0 : i32
      %lt3A_36 = arith.cmpi slt, %select_n3A, %lt3A_35 : i32
      %ne3A_37 = arith.xori %lt3A_34, %lt3A_36 : i1
      %and3A = arith.andi %ne3A_37, %ne3A_32 : i1
      %add3A_38 = arith.addi %rem3A, %select_n3A : i32
      %select_n3A_39 = arith.select %and3A, %add3A_38, %rem3A : i32
      %eq3A_40 = arith.cmpi eq, %select_n3A_39, %arg0 : i32
      %convert_element_type3A_41 = arith.extui %eq3A_40 : i1 to i32
      %cond3A_42 = arith.constant 0 : i32
      %cond3A_43 = arith.cmpi ne, %convert_element_type3A_41, %cond3A_42 : i32
      scf.if %cond3A_43 {
        %dma_wait3A = arith.constant 0 : i32
        %dma_wait3A_44 = arith.constant 0 : i32
        %dma_wait3A_45 = tpu.memref_slice %arg7[%dma_wait3A, %dma_wait3A_44] : memref<80x128xi32, #tpu.memory_space<vmem>> -> memref<1x128xi32, #tpu.memory_space<vmem>>
        %dma_wait3A_46 = tpu.memref_squeeze %dma_wait3A_45 : memref<1x128xi32, #tpu.memory_space<vmem>> -> memref<128xi32, #tpu.memory_space<vmem>>
        %dma_wait3A_47 = arith.constant 0 : i32
        %dma_wait3A_48 = arith.constant 0 : i32
        %dma_wait3A_49 = tpu.memref_slice %arg6[%dma_wait3A_47, %dma_wait3A_48] : memref<10008x128xf32, #tpu.memory_space<vmem_shared>> -> memref<10008x128xf32, #tpu.memory_space<vmem_shared>>
        tpu.wait_indirect_dma semaphore(%arg9 : memref<!tpu.dma_semaphore, #tpu.memory_space<semaphore_mem>>) src(%arg8 : memref<128x128xf32, #tpu.memory_space<vmem>>) dst(%dma_wait3A_49 : memref<10008x128xf32, #tpu.memory_space<vmem_shared>>)
      } else {
      }
    }
    %scan3A_14 = arith.constant 80 : i32
    %barrier3A_15 = arith.constant 0 : index
    tpu.barrier barrier_id(%barrier3A_15)
    %lt3A_16 = arith.constant 15 : i32
    %lt3A_17 = arith.cmpi slt, %arg1, %lt3A_16 : i32
    %convert_element_type3A_18 = arith.extui %lt3A_17 : i1 to i32
    %cond3A_19 = arith.constant 0 : i32
    %cond3A_20 = arith.cmpi ne, %convert_element_type3A_18, %cond3A_19 : i32
    scf.if %cond3A_20 {
      %mul3A = arith.constant 624 : i32
      %mul3A_26 = arith.muli %arg1, %mul3A : i32
      %mul3A_27 = arith.constant 10000 : i32
      %mul3A_28 = arith.muli %arg0, %mul3A_27 : i32
      %mul3A_29 = arith.constant 624 : i32
      %mul3A_30 = arith.muli %arg1, %mul3A_29 : i32
      %add3A = arith.addi %mul3A_28, %mul3A_30 : i32
      "tpu.region"() ({
        %run_scoped3A = tpu.sem_alloc : memref<!tpu.dma_semaphore, #tpu.memory_space<semaphore_mem>>
        %dma_start3A = arith.constant 0 : i32
        %dma_start3A_31 = tpu.memref_slice %arg5[%add3A, %dma_start3A] : memref<20000x128xf32, #tpu.memory_space<hbm>> -> memref<624x128xf32, #tpu.memory_space<hbm>>
        %dma_start3A_32 = arith.constant 0 : i32
        %dma_start3A_33 = tpu.memref_slice %arg6[%mul3A_26, %dma_start3A_32] : memref<10008x128xf32, #tpu.memory_space<vmem_shared>> -> memref<624x128xf32, #tpu.memory_space<vmem_shared>>
        tpu.enqueue_dma source(%dma_start3A_33 : memref<624x128xf32, #tpu.memory_space<vmem_shared>>) target(%dma_start3A_31 : memref<624x128xf32, #tpu.memory_space<hbm>>) target_semaphore(%run_scoped3A : memref<!tpu.dma_semaphore, #tpu.memory_space<semaphore_mem>>)
        %dma_wait3A = arith.constant 0 : i32
        %dma_wait3A_34 = tpu.memref_slice %arg5[%add3A, %dma_wait3A] : memref<20000x128xf32, #tpu.memory_space<hbm>> -> memref<624x128xf32, #tpu.memory_space<hbm>>
        %dma_wait3A_35 = arith.constant 0 : i32
        %dma_wait3A_36 = tpu.memref_slice %arg6[%mul3A_26, %dma_wait3A_35] : memref<10008x128xf32, #tpu.memory_space<vmem_shared>> -> memref<624x128xf32, #tpu.memory_space<vmem_shared>>
        tpu.wait_dma2 semaphore(%run_scoped3A : memref<!tpu.dma_semaphore, #tpu.memory_space<semaphore_mem>>) src(%dma_wait3A_36 : memref<624x128xf32, #tpu.memory_space<vmem_shared>>) dst(%dma_wait3A_34 : memref<624x128xf32, #tpu.memory_space<hbm>>)
        tpu.yield
      }) : () -> ()
    } else {
    }
    %eq3A_21 = arith.constant 15 : i32
    %eq3A_22 = arith.cmpi eq, %arg1, %eq3A_21 : i32
    %convert_element_type3A_23 = arith.extui %eq3A_22 : i1 to i32
    %cond3A_24 = arith.constant 0 : i32
    %cond3A_25 = arith.cmpi ne, %convert_element_type3A_23, %cond3A_24 : i32
    scf.if %cond3A_25 {
      %mul3A = arith.constant 10000 : i32
      %mul3A_26 = arith.muli %arg0, %mul3A : i32
      %add3A = arith.constant 9360 : i32
      %add3A_27 = arith.addi %mul3A_26, %add3A : i32
      "tpu.region"() ({
        %run_scoped3A = tpu.sem_alloc : memref<!tpu.dma_semaphore, #tpu.memory_space<semaphore_mem>>
        %dma_start3A = arith.constant 0 : i32
        %dma_start3A_28 = tpu.memref_slice %arg5[%add3A_27, %dma_start3A] : memref<20000x128xf32, #tpu.memory_space<hbm>> -> memref<640x128xf32, #tpu.memory_space<hbm>>
        %dma_start3A_29 = arith.constant 9360 : i32
        %dma_start3A_30 = arith.constant 0 : i32
        %dma_start3A_31 = tpu.memref_slice %arg6[%dma_start3A_29, %dma_start3A_30] : memref<10008x128xf32, #tpu.memory_space<vmem_shared>> -> memref<640x128xf32, #tpu.memory_space<vmem_shared>>
        tpu.enqueue_dma source(%dma_start3A_31 : memref<640x128xf32, #tpu.memory_space<vmem_shared>>) target(%dma_start3A_28 : memref<640x128xf32, #tpu.memory_space<hbm>>) target_semaphore(%run_scoped3A : memref<!tpu.dma_semaphore, #tpu.memory_space<semaphore_mem>>)
        %dma_wait3A = arith.constant 0 : i32
        %dma_wait3A_32 = tpu.memref_slice %arg5[%add3A_27, %dma_wait3A] : memref<20000x128xf32, #tpu.memory_space<hbm>> -> memref<640x128xf32, #tpu.memory_space<hbm>>
        %dma_wait3A_33 = arith.constant 9360 : i32
        %dma_wait3A_34 = arith.constant 0 : i32
        %dma_wait3A_35 = tpu.memref_slice %arg6[%dma_wait3A_33, %dma_wait3A_34] : memref<10008x128xf32, #tpu.memory_space<vmem_shared>> -> memref<640x128xf32, #tpu.memory_space<vmem_shared>>
        tpu.wait_dma2 semaphore(%run_scoped3A : memref<!tpu.dma_semaphore, #tpu.memory_space<semaphore_mem>>) src(%dma_wait3A_35 : memref<640x128xf32, #tpu.memory_space<vmem_shared>>) dst(%dma_wait3A_32 : memref<640x128xf32, #tpu.memory_space<hbm>>)
        tpu.yield
      }) : () -> ()
    } else {
    }
    return
  }
}

#map = affine_map<(d0, d1) -> (0, 0)>
#map1 = affine_map<(d0, d1) -> (0, 0, 0)>
module attributes {stable_mosaic.version = 14 : i64} {
  func.func @_sc_segsum(%arg0: i32, %arg1: i32, %arg2: memref<20000x128xf32, #tpu.memory_space<hbm>>, %arg3: memref<448x6x120xi32, #tpu.memory_space<hbm>>, %arg4: memref<224x6x120xi32, #tpu.memory_space<hbm>>, %arg5: memref<648x128xf32, #tpu.memory_space<hbm>>, %arg6: memref<20000x128xf32, #tpu.memory_space<hbm>>, %arg7: memref<10008x128xf32, #tpu.memory_space<vmem_shared>>, %arg8: memref<6x120xi32, #tpu.memory_space<vmem>>, %arg9: memref<6x120xi32, #tpu.memory_space<vmem>>, %arg10: memref<6x120xi32, #tpu.memory_space<vmem>>, %arg11: memref<6x120xi32, #tpu.memory_space<vmem>>, %arg12: memref<120x128xf32, #tpu.memory_space<vmem>>, %arg13: memref<120x128xf32, #tpu.memory_space<vmem>>, %arg14: memref<120x128xf32, #tpu.memory_space<vmem>>, %arg15: memref<!tpu.dma_semaphore, #tpu.memory_space<semaphore_mem>>, %arg16: memref<!tpu.dma_semaphore, #tpu.memory_space<semaphore_mem>>, %arg17: memref<!tpu.dma_semaphore, #tpu.memory_space<semaphore_mem>>, %arg18: memref<!tpu.dma_semaphore, #tpu.memory_space<semaphore_mem>>, %arg19: memref<!tpu.dma_semaphore, #tpu.memory_space<semaphore_mem>>, %arg20: memref<!tpu.dma_semaphore, #tpu.memory_space<semaphore_mem>>, %arg21: memref<!tpu.dma_semaphore, #tpu.memory_space<semaphore_mem>>) attributes {dimension_semantics = [#tpu.dimension_semantics<core_parallel>, #tpu.dimension_semantics<subcore_parallel>], iteration_bounds = array<i64: 2, 16>, scalar_prefetch = 0 : i64, scratch_operands = 15 : i64, tpu.core_type = #tpu.core_type<sc_vector_subcore>, window_params = [{transform_indices = #map}, {transform_indices = #map1}, {transform_indices = #map1}, {transform_indices = #map}, {transform_indices = #map}]} {
    %mul3A = arith.constant 16 : i32
    %mul3A_0 = arith.muli %arg0, %mul3A : i32
    %add3A = arith.addi %mul3A_0, %arg1 : i32
    %mul3A_1 = arith.constant 14 : i32
    %mul3A_2 = arith.muli %add3A, %mul3A_1 : i32
    "tpu.region"() ({
      %run_scoped3A = tpu.sem_alloc : memref<!tpu.dma_semaphore, #tpu.memory_space<semaphore_mem>>
      %dma_start3A_59 = arith.constant 0 : i32
      %dma_start3A_60 = arith.constant 0 : i32
      %dma_start3A_61 = tpu.memref_slice %arg3[%mul3A_2, %dma_start3A_59, %dma_start3A_60] : memref<448x6x120xi32, #tpu.memory_space<hbm>> -> memref<1x6x120xi32, #tpu.memory_space<hbm>>
      %dma_start3A_62 = tpu.memref_squeeze %dma_start3A_61 : memref<1x6x120xi32, #tpu.memory_space<hbm>> -> memref<6x120xi32, #tpu.memory_space<hbm>>
      %dma_start3A_63 = arith.constant 0 : i32
      %dma_start3A_64 = arith.constant 0 : i32
      %dma_start3A_65 = tpu.memref_slice %arg3[%mul3A_2, %dma_start3A_63, %dma_start3A_64] : memref<448x6x120xi32, #tpu.memory_space<hbm>> -> memref<1x6x120xi32, #tpu.memory_space<hbm>>
      %dma_start3A_66 = tpu.memref_squeeze %dma_start3A_65 : memref<1x6x120xi32, #tpu.memory_space<hbm>> -> memref<6x120xi32, #tpu.memory_space<hbm>>
      tpu.enqueue_dma source(%dma_start3A_66 : memref<6x120xi32, #tpu.memory_space<hbm>>) target(%arg8 : memref<6x120xi32, #tpu.memory_space<vmem>>) target_semaphore(%run_scoped3A : memref<!tpu.dma_semaphore, #tpu.memory_space<semaphore_mem>>)
      %dma_wait3A_67 = arith.constant 0 : i32
      %dma_wait3A_68 = arith.constant 0 : i32
      %dma_wait3A_69 = tpu.memref_slice %arg3[%mul3A_2, %dma_wait3A_67, %dma_wait3A_68] : memref<448x6x120xi32, #tpu.memory_space<hbm>> -> memref<1x6x120xi32, #tpu.memory_space<hbm>>
      %dma_wait3A_70 = tpu.memref_squeeze %dma_wait3A_69 : memref<1x6x120xi32, #tpu.memory_space<hbm>> -> memref<6x120xi32, #tpu.memory_space<hbm>>
      %dma_wait3A_71 = arith.constant 0 : i32
      %dma_wait3A_72 = arith.constant 0 : i32
      %dma_wait3A_73 = tpu.memref_slice %arg3[%mul3A_2, %dma_wait3A_71, %dma_wait3A_72] : memref<448x6x120xi32, #tpu.memory_space<hbm>> -> memref<1x6x120xi32, #tpu.memory_space<hbm>>
      %dma_wait3A_74 = tpu.memref_squeeze %dma_wait3A_73 : memref<1x6x120xi32, #tpu.memory_space<hbm>> -> memref<6x120xi32, #tpu.memory_space<hbm>>
      tpu.wait_dma2 semaphore(%run_scoped3A : memref<!tpu.dma_semaphore, #tpu.memory_space<semaphore_mem>>) src(%dma_wait3A_74 : memref<6x120xi32, #tpu.memory_space<hbm>>) dst(%arg8 : memref<6x120xi32, #tpu.memory_space<vmem>>)
      tpu.yield
    }) : () -> ()
    %mul3A_3 = arith.constant 14 : i32
    %mul3A_4 = arith.muli %arg1, %mul3A_3 : i32
    "tpu.region"() ({
      %run_scoped3A = tpu.sem_alloc : memref<!tpu.dma_semaphore, #tpu.memory_space<semaphore_mem>>
      %dma_start3A_59 = arith.constant 0 : i32
      %dma_start3A_60 = arith.constant 0 : i32
      %dma_start3A_61 = tpu.memref_slice %arg4[%mul3A_4, %dma_start3A_59, %dma_start3A_60] : memref<224x6x120xi32, #tpu.memory_space<hbm>> -> memref<1x6x120xi32, #tpu.memory_space<hbm>>
      %dma_start3A_62 = tpu.memref_squeeze %dma_start3A_61 : memref<1x6x120xi32, #tpu.memory_space<hbm>> -> memref<6x120xi32, #tpu.memory_space<hbm>>
      %dma_start3A_63 = arith.constant 0 : i32
      %dma_start3A_64 = arith.constant 0 : i32
      %dma_start3A_65 = tpu.memref_slice %arg4[%mul3A_4, %dma_start3A_63, %dma_start3A_64] : memref<224x6x120xi32, #tpu.memory_space<hbm>> -> memref<1x6x120xi32, #tpu.memory_space<hbm>>
      %dma_start3A_66 = tpu.memref_squeeze %dma_start3A_65 : memref<1x6x120xi32, #tpu.memory_space<hbm>> -> memref<6x120xi32, #tpu.memory_space<hbm>>
      tpu.enqueue_dma source(%dma_start3A_66 : memref<6x120xi32, #tpu.memory_space<hbm>>) target(%arg9 : memref<6x120xi32, #tpu.memory_space<vmem>>) target_semaphore(%run_scoped3A : memref<!tpu.dma_semaphore, #tpu.memory_space<semaphore_mem>>)
      %dma_wait3A_67 = arith.constant 0 : i32
      %dma_wait3A_68 = arith.constant 0 : i32
      %dma_wait3A_69 = tpu.memref_slice %arg4[%mul3A_4, %dma_wait3A_67, %dma_wait3A_68] : memref<224x6x120xi32, #tpu.memory_space<hbm>> -> memref<1x6x120xi32, #tpu.memory_space<hbm>>
      %dma_wait3A_70 = tpu.memref_squeeze %dma_wait3A_69 : memref<1x6x120xi32, #tpu.memory_space<hbm>> -> memref<6x120xi32, #tpu.memory_space<hbm>>
      %dma_wait3A_71 = arith.constant 0 : i32
      %dma_wait3A_72 = arith.constant 0 : i32
      %dma_wait3A_73 = tpu.memref_slice %arg4[%mul3A_4, %dma_wait3A_71, %dma_wait3A_72] : memref<224x6x120xi32, #tpu.memory_space<hbm>> -> memref<1x6x120xi32, #tpu.memory_space<hbm>>
      %dma_wait3A_74 = tpu.memref_squeeze %dma_wait3A_73 : memref<1x6x120xi32, #tpu.memory_space<hbm>> -> memref<6x120xi32, #tpu.memory_space<hbm>>
      tpu.wait_dma2 semaphore(%run_scoped3A : memref<!tpu.dma_semaphore, #tpu.memory_space<semaphore_mem>>) src(%dma_wait3A_74 : memref<6x120xi32, #tpu.memory_space<hbm>>) dst(%arg9 : memref<6x120xi32, #tpu.memory_space<vmem>>)
      tpu.yield
    }) : () -> ()
    %lt3A = arith.constant 15 : i32
    %lt3A_5 = arith.cmpi slt, %arg1, %lt3A : i32
    %convert_element_type3A = arith.extui %lt3A_5 : i1 to i32
    %cond3A = arith.constant 0 : i32
    %cond3A_6 = arith.cmpi ne, %convert_element_type3A, %cond3A : i32
    scf.if %cond3A_6 {
      %mul3A_59 = arith.constant 624 : i32
      %mul3A_60 = arith.muli %arg1, %mul3A_59 : i32
      "tpu.region"() ({
        %run_scoped3A = tpu.sem_alloc : memref<!tpu.dma_semaphore, #tpu.memory_space<semaphore_mem>>
        %dma_start3A_61 = arith.constant 0 : i32
        %dma_start3A_62 = tpu.memref_slice %arg7[%mul3A_60, %dma_start3A_61] : memref<10008x128xf32, #tpu.memory_space<vmem_shared>> -> memref<624x128xf32, #tpu.memory_space<vmem_shared>>
        %dma_start3A_63 = arith.constant 0 : i32
        %dma_start3A_64 = arith.constant 0 : i32
        %dma_start3A_65 = tpu.memref_slice %arg5[%dma_start3A_63, %dma_start3A_64] : memref<648x128xf32, #tpu.memory_space<hbm>> -> memref<624x128xf32, #tpu.memory_space<hbm>>
        tpu.enqueue_dma source(%dma_start3A_65 : memref<624x128xf32, #tpu.memory_space<hbm>>) target(%dma_start3A_62 : memref<624x128xf32, #tpu.memory_space<vmem_shared>>) target_semaphore(%run_scoped3A : memref<!tpu.dma_semaphore, #tpu.memory_space<semaphore_mem>>)
        %dma_wait3A_66 = arith.constant 0 : i32
        %dma_wait3A_67 = tpu.memref_slice %arg7[%mul3A_60, %dma_wait3A_66] : memref<10008x128xf32, #tpu.memory_space<vmem_shared>> -> memref<624x128xf32, #tpu.memory_space<vmem_shared>>
        %dma_wait3A_68 = arith.constant 0 : i32
        %dma_wait3A_69 = arith.constant 0 : i32
        %dma_wait3A_70 = tpu.memref_slice %arg5[%dma_wait3A_68, %dma_wait3A_69] : memref<648x128xf32, #tpu.memory_space<hbm>> -> memref<624x128xf32, #tpu.memory_space<hbm>>
        tpu.wait_dma2 semaphore(%run_scoped3A : memref<!tpu.dma_semaphore, #tpu.memory_space<semaphore_mem>>) src(%dma_wait3A_70 : memref<624x128xf32, #tpu.memory_space<hbm>>) dst(%dma_wait3A_67 : memref<624x128xf32, #tpu.memory_space<vmem_shared>>)
        tpu.yield
      }) : () -> ()
    } else {
    }
    %eq3A = arith.constant 15 : i32
    %eq3A_7 = arith.cmpi eq, %arg1, %eq3A : i32
    %convert_element_type3A_8 = arith.extui %eq3A_7 : i1 to i32
    %cond3A_9 = arith.constant 0 : i32
    %cond3A_10 = arith.cmpi ne, %convert_element_type3A_8, %cond3A_9 : i32
    scf.if %cond3A_10 {
      "tpu.region"() ({
        %run_scoped3A = tpu.sem_alloc : memref<!tpu.dma_semaphore, #tpu.memory_space<semaphore_mem>>
        %dma_start3A_59 = arith.constant 9360 : i32
        %dma_start3A_60 = arith.constant 0 : i32
        %dma_start3A_61 = tpu.memref_slice %arg7[%dma_start3A_59, %dma_start3A_60] : memref<10008x128xf32, #tpu.memory_space<vmem_shared>> -> memref<648x128xf32, #tpu.memory_space<vmem_shared>>
        tpu.enqueue_dma source(%arg5 : memref<648x128xf32, #tpu.memory_space<hbm>>) target(%dma_start3A_61 : memref<648x128xf32, #tpu.memory_space<vmem_shared>>) target_semaphore(%run_scoped3A : memref<!tpu.dma_semaphore, #tpu.memory_space<semaphore_mem>>)
        %dma_wait3A_62 = arith.constant 9360 : i32
        %dma_wait3A_63 = arith.constant 0 : i32
        %dma_wait3A_64 = tpu.memref_slice %arg7[%dma_wait3A_62, %dma_wait3A_63] : memref<10008x128xf32, #tpu.memory_space<vmem_shared>> -> memref<648x128xf32, #tpu.memory_space<vmem_shared>>
        tpu.wait_dma2 semaphore(%run_scoped3A : memref<!tpu.dma_semaphore, #tpu.memory_space<semaphore_mem>>) src(%arg5 : memref<648x128xf32, #tpu.memory_space<hbm>>) dst(%dma_wait3A_64 : memref<648x128xf32, #tpu.memory_space<vmem_shared>>)
        tpu.yield
      }) : () -> ()
    } else {
    }
    %dma_start3A = arith.constant 0 : i32
    %dma_start3A_11 = arith.constant 0 : i32
    %dma_start3A_12 = tpu.memref_slice %arg8[%dma_start3A, %dma_start3A_11] : memref<6x120xi32, #tpu.memory_space<vmem>> -> memref<1x120xi32, #tpu.memory_space<vmem>>
    %dma_start3A_13 = tpu.memref_squeeze %dma_start3A_12 : memref<1x120xi32, #tpu.memory_space<vmem>> -> memref<120xi32, #tpu.memory_space<vmem>>
    %dma_start3A_14 = arith.constant 0 : i32
    %dma_start3A_15 = arith.constant 0 : i32
    %dma_start3A_16 = tpu.memref_slice %arg2[%dma_start3A_14, %dma_start3A_15] : memref<20000x128xf32, #tpu.memory_space<hbm>> -> memref<20000x128xf32, #tpu.memory_space<hbm>>
    tpu.enqueue_indirect_dma source(%dma_start3A_16 : memref<20000x128xf32, #tpu.memory_space<hbm>>) target(%arg12 : memref<120x128xf32, #tpu.memory_space<vmem>>) offsets(%dma_start3A_13 : memref<120xi32, #tpu.memory_space<vmem>>) semaphore(%arg15 : memref<!tpu.dma_semaphore, #tpu.memory_space<semaphore_mem>>)
    %dma_start3A_17 = arith.constant 1 : i32
    %dma_start3A_18 = arith.constant 0 : i32
    %dma_start3A_19 = tpu.memref_slice %arg8[%dma_start3A_17, %dma_start3A_18] : memref<6x120xi32, #tpu.memory_space<vmem>> -> memref<1x120xi32, #tpu.memory_space<vmem>>
    %dma_start3A_20 = tpu.memref_squeeze %dma_start3A_19 : memref<1x120xi32, #tpu.memory_space<vmem>> -> memref<120xi32, #tpu.memory_space<vmem>>
    %dma_start3A_21 = arith.constant 0 : i32
    %dma_start3A_22 = arith.constant 0 : i32
    %dma_start3A_23 = tpu.memref_slice %arg2[%dma_start3A_21, %dma_start3A_22] : memref<20000x128xf32, #tpu.memory_space<hbm>> -> memref<20000x128xf32, #tpu.memory_space<hbm>>
    tpu.enqueue_indirect_dma source(%dma_start3A_23 : memref<20000x128xf32, #tpu.memory_space<hbm>>) target(%arg13 : memref<120x128xf32, #tpu.memory_space<vmem>>) offsets(%dma_start3A_20 : memref<120xi32, #tpu.memory_space<vmem>>) semaphore(%arg16 : memref<!tpu.dma_semaphore, #tpu.memory_space<semaphore_mem>>)
    %barrier3A = arith.constant 0 : index
    tpu.barrier barrier_id(%barrier3A)
    %scan3A = arith.constant 0 : i32
    %scan3A_24 = arith.constant 14 : i32
    %scan3A_25 = arith.addi %scan3A, %scan3A_24 : i32
    %scan3A_26 = arith.constant 1 : i32
    scf.for %scan3A_59 = %scan3A to %scan3A_25 step %scan3A_26  : i32 {
      %mul3A_60 = arith.constant 1 : i32
      %mul3A_61 = arith.muli %scan3A_59, %mul3A_60 : i32
      %add3A_62 = arith.constant 0 : i32
      %add3A_63 = arith.addi %add3A_62, %mul3A_61 : i32
      %jit3A = arith.constant 2 : i32
      %eq3A_64 = arith.constant 0 : i32
      %eq3A_65 = arith.cmpi eq, %jit3A, %eq3A_64 : i32
      %jit3A_66 = arith.constant 1 : i32
      %select_n3A = arith.select %eq3A_65, %jit3A_66, %jit3A : i32
      %rem3A = arith.remsi %add3A_63, %select_n3A : i32
      %ne3A = arith.constant 0 : i32
      %ne3A_67 = arith.cmpi ne, %rem3A, %ne3A : i32
      %lt3A_68 = arith.constant 0 : i32
      %lt3A_69 = arith.cmpi slt, %rem3A, %lt3A_68 : i32
      %lt3A_70 = arith.constant 0 : i32
      %lt3A_71 = arith.cmpi slt, %select_n3A, %lt3A_70 : i32
      %ne3A_72 = arith.xori %lt3A_69, %lt3A_71 : i1
      %and3A = arith.andi %ne3A_72, %ne3A_67 : i1
      %add3A_73 = arith.addi %rem3A, %select_n3A : i32
      %select_n3A_74 = arith.select %and3A, %add3A_73, %rem3A : i32
      %eq3A_75 = arith.constant 0 : i32
      %eq3A_76 = arith.cmpi eq, %select_n3A_74, %eq3A_75 : i32
      %convert_element_type3A_77 = arith.extui %eq3A_76 : i1 to i32
      %cond3A_78 = arith.constant 0 : i32
      %cond3A_79 = arith.cmpi ne, %convert_element_type3A_77, %cond3A_78 : i32
      scf.if %cond3A_79 {
        %dma_wait3A_101 = arith.constant 0 : i32
        %dma_wait3A_102 = arith.constant 0 : i32
        %dma_wait3A_103 = tpu.memref_slice %arg8[%dma_wait3A_101, %dma_wait3A_102] : memref<6x120xi32, #tpu.memory_space<vmem>> -> memref<1x120xi32, #tpu.memory_space<vmem>>
        %dma_wait3A_104 = tpu.memref_squeeze %dma_wait3A_103 : memref<1x120xi32, #tpu.memory_space<vmem>> -> memref<120xi32, #tpu.memory_space<vmem>>
        %dma_wait3A_105 = arith.constant 0 : i32
        %dma_wait3A_106 = arith.constant 0 : i32
        %dma_wait3A_107 = tpu.memref_slice %arg2[%dma_wait3A_105, %dma_wait3A_106] : memref<20000x128xf32, #tpu.memory_space<hbm>> -> memref<20000x128xf32, #tpu.memory_space<hbm>>
        tpu.wait_indirect_dma semaphore(%arg15 : memref<!tpu.dma_semaphore, #tpu.memory_space<semaphore_mem>>) src(%dma_wait3A_107 : memref<20000x128xf32, #tpu.memory_space<hbm>>) dst(%arg12 : memref<120x128xf32, #tpu.memory_space<vmem>>)
        %dma_start3A_108 = arith.constant 0 : i32
        %dma_start3A_109 = arith.constant 0 : i32
        %dma_start3A_110 = tpu.memref_slice %arg9[%dma_start3A_108, %dma_start3A_109] : memref<6x120xi32, #tpu.memory_space<vmem>> -> memref<1x120xi32, #tpu.memory_space<vmem>>
        %dma_start3A_111 = tpu.memref_squeeze %dma_start3A_110 : memref<1x120xi32, #tpu.memory_space<vmem>> -> memref<120xi32, #tpu.memory_space<vmem>>
        %dma_start3A_112 = arith.constant 0 : i32
        %dma_start3A_113 = arith.constant 0 : i32
        %dma_start3A_114 = tpu.memref_slice %arg7[%dma_start3A_112, %dma_start3A_113] : memref<10008x128xf32, #tpu.memory_space<vmem_shared>> -> memref<10008x128xf32, #tpu.memory_space<vmem_shared>>
        tpu.enqueue_indirect_dma source(%arg12 : memref<120x128xf32, #tpu.memory_space<vmem>>) target(%dma_start3A_114 : memref<10008x128xf32, #tpu.memory_space<vmem_shared>>) offsets(%dma_start3A_111 : memref<120xi32, #tpu.memory_space<vmem>>) semaphore(%arg18 : memref<!tpu.dma_semaphore, #tpu.memory_space<semaphore_mem>>) {add = true}
        %gt3A = arith.constant 0 : i32
        %gt3A_115 = arith.cmpi sgt, %add3A_63, %gt3A : i32
        %convert_element_type3A_116 = arith.extui %gt3A_115 : i1 to i32
        %cond3A_117 = arith.constant 0 : i32
        %cond3A_118 = arith.cmpi ne, %convert_element_type3A_116, %cond3A_117 : i32
        scf.if %cond3A_118 {
          %dma_wait3A_253 = arith.constant 5 : i32
          %dma_wait3A_254 = arith.constant 0 : i32
          %dma_wait3A_255 = tpu.memref_slice %arg11[%dma_wait3A_253, %dma_wait3A_254] : memref<6x120xi32, #tpu.memory_space<vmem>> -> memref<1x120xi32, #tpu.memory_space<vmem>>
          %dma_wait3A_256 = tpu.memref_squeeze %dma_wait3A_255 : memref<1x120xi32, #tpu.memory_space<vmem>> -> memref<120xi32, #tpu.memory_space<vmem>>
          %dma_wait3A_257 = arith.constant 0 : i32
          %dma_wait3A_258 = arith.constant 0 : i32
          %dma_wait3A_259 = tpu.memref_slice %arg7[%dma_wait3A_257, %dma_wait3A_258] : memref<10008x128xf32, #tpu.memory_space<vmem_shared>> -> memref<10008x128xf32, #tpu.memory_space<vmem_shared>>
          tpu.wait_indirect_dma semaphore(%arg20 : memref<!tpu.dma_semaphore, #tpu.memory_space<semaphore_mem>>) src(%arg14 : memref<120x128xf32, #tpu.memory_space<vmem>>) dst(%dma_wait3A_259 : memref<10008x128xf32, #tpu.memory_space<vmem_shared>>)
        } else {
        }
        %dma_start3A_119 = arith.constant 2 : i32
        %dma_start3A_120 = arith.constant 0 : i32
        %dma_start3A_121 = tpu.memref_slice %arg8[%dma_start3A_119, %dma_start3A_120] : memref<6x120xi32, #tpu.memory_space<vmem>> -> memref<1x120xi32, #tpu.memory_space<vmem>>
        %dma_start3A_122 = tpu.memref_squeeze %dma_start3A_121 : memref<1x120xi32, #tpu.memory_space<vmem>> -> memref<120xi32, #tpu.memory_space<vmem>>
        %dma_start3A_123 = arith.constant 0 : i32
        %dma_start3A_124 = arith.constant 0 : i32
        %dma_start3A_125 = tpu.memref_slice %arg2[%dma_start3A_123, %dma_start3A_124] : memref<20000x128xf32, #tpu.memory_space<hbm>> -> memref<20000x128xf32, #tpu.memory_space<hbm>>
        tpu.enqueue_indirect_dma source(%dma_start3A_125 : memref<20000x128xf32, #tpu.memory_space<hbm>>) target(%arg14 : memref<120x128xf32, #tpu.memory_space<vmem>>) offsets(%dma_start3A_122 : memref<120xi32, #tpu.memory_space<vmem>>) semaphore(%arg17 : memref<!tpu.dma_semaphore, #tpu.memory_space<semaphore_mem>>)
        %dma_wait3A_126 = arith.constant 1 : i32
        %dma_wait3A_127 = arith.constant 0 : i32
        %dma_wait3A_128 = tpu.memref_slice %arg8[%dma_wait3A_126, %dma_wait3A_127] : memref<6x120xi32, #tpu.memory_space<vmem>> -> memref<1x120xi32, #tpu.memory_space<vmem>>
        %dma_wait3A_129 = tpu.memref_squeeze %dma_wait3A_128 : memref<1x120xi32, #tpu.memory_space<vmem>> -> memref<120xi32, #tpu.memory_space<vmem>>
        %dma_wait3A_130 = arith.constant 0 : i32
        %dma_wait3A_131 = arith.constant 0 : i32
        %dma_wait3A_132 = tpu.memref_slice %arg2[%dma_wait3A_130, %dma_wait3A_131] : memref<20000x128xf32, #tpu.memory_space<hbm>> -> memref<20000x128xf32, #tpu.memory_space<hbm>>
        tpu.wait_indirect_dma semaphore(%arg16 : memref<!tpu.dma_semaphore, #tpu.memory_space<semaphore_mem>>) src(%dma_wait3A_132 : memref<20000x128xf32, #tpu.memory_space<hbm>>) dst(%arg13 : memref<120x128xf32, #tpu.memory_space<vmem>>)
        %dma_start3A_133 = arith.constant 1 : i32
        %dma_start3A_134 = arith.constant 0 : i32
        %dma_start3A_135 = tpu.memref_slice %arg9[%dma_start3A_133, %dma_start3A_134] : memref<6x120xi32, #tpu.memory_space<vmem>> -> memref<1x120xi32, #tpu.memory_space<vmem>>
        %dma_start3A_136 = tpu.memref_squeeze %dma_start3A_135 : memref<1x120xi32, #tpu.memory_space<vmem>> -> memref<120xi32, #tpu.memory_space<vmem>>
        %dma_start3A_137 = arith.constant 0 : i32
        %dma_start3A_138 = arith.constant 0 : i32
        %dma_start3A_139 = tpu.memref_slice %arg7[%dma_start3A_137, %dma_start3A_138] : memref<10008x128xf32, #tpu.memory_space<vmem_shared>> -> memref<10008x128xf32, #tpu.memory_space<vmem_shared>>
        tpu.enqueue_indirect_dma source(%arg13 : memref<120x128xf32, #tpu.memory_space<vmem>>) target(%dma_start3A_139 : memref<10008x128xf32, #tpu.memory_space<vmem_shared>>) offsets(%dma_start3A_136 : memref<120xi32, #tpu.memory_space<vmem>>) semaphore(%arg19 : memref<!tpu.dma_semaphore, #tpu.memory_space<semaphore_mem>>) {add = true}
        %dma_wait3A_140 = arith.constant 0 : i32
        %dma_wait3A_141 = arith.constant 0 : i32
        %dma_wait3A_142 = tpu.memref_slice %arg9[%dma_wait3A_140, %dma_wait3A_141] : memref<6x120xi32, #tpu.memory_space<vmem>> -> memref<1x120xi32, #tpu.memory_space<vmem>>
        %dma_wait3A_143 = tpu.memref_squeeze %dma_wait3A_142 : memref<1x120xi32, #tpu.memory_space<vmem>> -> memref<120xi32, #tpu.memory_space<vmem>>
        %dma_wait3A_144 = arith.constant 0 : i32
        %dma_wait3A_145 = arith.constant 0 : i32
        %dma_wait3A_146 = tpu.memref_slice %arg7[%dma_wait3A_144, %dma_wait3A_145] : memref<10008x128xf32, #tpu.memory_space<vmem_shared>> -> memref<10008x128xf32, #tpu.memory_space<vmem_shared>>
        tpu.wait_indirect_dma semaphore(%arg18 : memref<!tpu.dma_semaphore, #tpu.memory_space<semaphore_mem>>) src(%arg12 : memref<120x128xf32, #tpu.memory_space<vmem>>) dst(%dma_wait3A_146 : memref<10008x128xf32, #tpu.memory_space<vmem_shared>>)
        %dma_start3A_147 = arith.constant 3 : i32
        %dma_start3A_148 = arith.constant 0 : i32
        %dma_start3A_149 = tpu.memref_slice %arg8[%dma_start3A_147, %dma_start3A_148] : memref<6x120xi32, #tpu.memory_space<vmem>> -> memref<1x120xi32, #tpu.memory_space<vmem>>
        %dma_start3A_150 = tpu.memref_squeeze %dma_start3A_149 : memref<1x120xi32, #tpu.memory_space<vmem>> -> memref<120xi32, #tpu.memory_space<vmem>>
        %dma_start3A_151 = arith.constant 0 : i32
        %dma_start3A_152 = arith.constant 0 : i32
        %dma_start3A_153 = tpu.memref_slice %arg2[%dma_start3A_151, %dma_start3A_152] : memref<20000x128xf32, #tpu.memory_space<hbm>> -> memref<20000x128xf32, #tpu.memory_space<hbm>>
        tpu.enqueue_indirect_dma source(%dma_start3A_153 : memref<20000x128xf32, #tpu.memory_space<hbm>>) target(%arg12 : memref<120x128xf32, #tpu.memory_space<vmem>>) offsets(%dma_start3A_150 : memref<120xi32, #tpu.memory_space<vmem>>) semaphore(%arg15 : memref<!tpu.dma_semaphore, #tpu.memory_space<semaphore_mem>>)
        %dma_wait3A_154 = arith.constant 2 : i32
        %dma_wait3A_155 = arith.constant 0 : i32
        %dma_wait3A_156 = tpu.memref_slice %arg8[%dma_wait3A_154, %dma_wait3A_155] : memref<6x120xi32, #tpu.memory_space<vmem>> -> memref<1x120xi32, #tpu.memory_space<vmem>>
        %dma_wait3A_157 = tpu.memref_squeeze %dma_wait3A_156 : memref<1x120xi32, #tpu.memory_space<vmem>> -> memref<120xi32, #tpu.memory_space<vmem>>
        %dma_wait3A_158 = arith.constant 0 : i32
        %dma_wait3A_159 = arith.constant 0 : i32
        %dma_wait3A_160 = tpu.memref_slice %arg2[%dma_wait3A_158, %dma_wait3A_159] : memref<20000x128xf32, #tpu.memory_space<hbm>> -> memref<20000x128xf32, #tpu.memory_space<hbm>>
        tpu.wait_indirect_dma semaphore(%arg17 : memref<!tpu.dma_semaphore, #tpu.memory_space<semaphore_mem>>) src(%dma_wait3A_160 : memref<20000x128xf32, #tpu.memory_space<hbm>>) dst(%arg14 : memref<120x128xf32, #tpu.memory_space<vmem>>)
        %dma_start3A_161 = arith.constant 2 : i32
        %dma_start3A_162 = arith.constant 0 : i32
        %dma_start3A_163 = tpu.memref_slice %arg9[%dma_start3A_161, %dma_start3A_162] : memref<6x120xi32, #tpu.memory_space<vmem>> -> memref<1x120xi32, #tpu.memory_space<vmem>>
        %dma_start3A_164 = tpu.memref_squeeze %dma_start3A_163 : memref<1x120xi32, #tpu.memory_space<vmem>> -> memref<120xi32, #tpu.memory_space<vmem>>
        %dma_start3A_165 = arith.constant 0 : i32
        %dma_start3A_166 = arith.constant 0 : i32
        %dma_start3A_167 = tpu.memref_slice %arg7[%dma_start3A_165, %dma_start3A_166] : memref<10008x128xf32, #tpu.memory_space<vmem_shared>> -> memref<10008x128xf32, #tpu.memory_space<vmem_shared>>
        tpu.enqueue_indirect_dma source(%arg14 : memref<120x128xf32, #tpu.memory_space<vmem>>) target(%dma_start3A_167 : memref<10008x128xf32, #tpu.memory_space<vmem_shared>>) offsets(%dma_start3A_164 : memref<120xi32, #tpu.memory_space<vmem>>) semaphore(%arg20 : memref<!tpu.dma_semaphore, #tpu.memory_space<semaphore_mem>>) {add = true}
        %lt3A_168 = arith.constant 13 : i32
        %lt3A_169 = arith.cmpi slt, %add3A_63, %lt3A_168 : i32
        %convert_element_type3A_170 = arith.extui %lt3A_169 : i1 to i32
        %cond3A_171 = arith.constant 0 : i32
        %cond3A_172 = arith.cmpi ne, %convert_element_type3A_170, %cond3A_171 : i32
        scf.if %cond3A_172 {
          %mul3A_253 = arith.constant 14 : i32
          %mul3A_254 = arith.muli %add3A, %mul3A_253 : i32
          %add3A_255 = arith.addi %mul3A_254, %add3A_63 : i32
          %add3A_256 = arith.constant 1 : i32
          %add3A_257 = arith.addi %add3A_255, %add3A_256 : i32
          %dma_start3A_258 = arith.constant 0 : i32
          %dma_start3A_259 = arith.constant 0 : i32
          %dma_start3A_260 = tpu.memref_slice %arg3[%add3A_257, %dma_start3A_258, %dma_start3A_259] : memref<448x6x120xi32, #tpu.memory_space<hbm>> -> memref<1x6x120xi32, #tpu.memory_space<hbm>>
          %dma_start3A_261 = tpu.memref_squeeze %dma_start3A_260 : memref<1x6x120xi32, #tpu.memory_space<hbm>> -> memref<6x120xi32, #tpu.memory_space<hbm>>
          %dma_start3A_262 = arith.constant 0 : i32
          %dma_start3A_263 = arith.constant 0 : i32
          %dma_start3A_264 = tpu.memref_slice %arg3[%add3A_257, %dma_start3A_262, %dma_start3A_263] : memref<448x6x120xi32, #tpu.memory_space<hbm>> -> memref<1x6x120xi32, #tpu.memory_space<hbm>>
          %dma_start3A_265 = tpu.memref_squeeze %dma_start3A_264 : memref<1x6x120xi32, #tpu.memory_space<hbm>> -> memref<6x120xi32, #tpu.memory_space<hbm>>
          tpu.enqueue_dma source(%dma_start3A_265 : memref<6x120xi32, #tpu.memory_space<hbm>>) target(%arg10 : memref<6x120xi32, #tpu.memory_space<vmem>>) target_semaphore(%arg21 : memref<!tpu.dma_semaphore, #tpu.memory_space<semaphore_mem>>)
          %mul3A_266 = arith.constant 14 : i32
          %mul3A_267 = arith.muli %arg1, %mul3A_266 : i32
          %add3A_268 = arith.addi %mul3A_267, %add3A_63 : i32
          %add3A_269 = arith.constant 1 : i32
          %add3A_270 = arith.addi %add3A_268, %add3A_269 : i32
          %dma_start3A_271 = arith.constant 0 : i32
          %dma_start3A_272 = arith.constant 0 : i32
          %dma_start3A_273 = tpu.memref_slice %arg4[%add3A_270, %dma_start3A_271, %dma_start3A_272] : memref<224x6x120xi32, #tpu.memory_space<hbm>> -> memref<1x6x120xi32, #tpu.memory_space<hbm>>
          %dma_start3A_274 = tpu.memref_squeeze %dma_start3A_273 : memref<1x6x120xi32, #tpu.memory_space<hbm>> -> memref<6x120xi32, #tpu.memory_space<hbm>>
          %dma_start3A_275 = arith.constant 0 : i32
          %dma_start3A_276 = arith.constant 0 : i32
          %dma_start3A_277 = tpu.memref_slice %arg4[%add3A_270, %dma_start3A_275, %dma_start3A_276] : memref<224x6x120xi32, #tpu.memory_space<hbm>> -> memref<1x6x120xi32, #tpu.memory_space<hbm>>
          %dma_start3A_278 = tpu.memref_squeeze %dma_start3A_277 : memref<1x6x120xi32, #tpu.memory_space<hbm>> -> memref<6x120xi32, #tpu.memory_space<hbm>>
          tpu.enqueue_dma source(%dma_start3A_278 : memref<6x120xi32, #tpu.memory_space<hbm>>) target(%arg11 : memref<6x120xi32, #tpu.memory_space<vmem>>) target_semaphore(%arg21 : memref<!tpu.dma_semaphore, #tpu.memory_space<semaphore_mem>>)
        } else {
        }
        %dma_wait3A_173 = arith.constant 1 : i32
        %dma_wait3A_174 = arith.constant 0 : i32
        %dma_wait3A_175 = tpu.memref_slice %arg9[%dma_wait3A_173, %dma_wait3A_174] : memref<6x120xi32, #tpu.memory_space<vmem>> -> memref<1x120xi32, #tpu.memory_space<vmem>>
        %dma_wait3A_176 = tpu.memref_squeeze %dma_wait3A_175 : memref<1x120xi32, #tpu.memory_space<vmem>> -> memref<120xi32, #tpu.memory_space<vmem>>
        %dma_wait3A_177 = arith.constant 0 : i32
        %dma_wait3A_178 = arith.constant 0 : i32
        %dma_wait3A_179 = tpu.memref_slice %arg7[%dma_wait3A_177, %dma_wait3A_178] : memref<10008x128xf32, #tpu.memory_space<vmem_shared>> -> memref<10008x128xf32, #tpu.memory_space<vmem_shared>>
        tpu.wait_indirect_dma semaphore(%arg19 : memref<!tpu.dma_semaphore, #tpu.memory_space<semaphore_mem>>) src(%arg13 : memref<120x128xf32, #tpu.memory_space<vmem>>) dst(%dma_wait3A_179 : memref<10008x128xf32, #tpu.memory_space<vmem_shared>>)
        %dma_start3A_180 = arith.constant 4 : i32
        %dma_start3A_181 = arith.constant 0 : i32
        %dma_start3A_182 = tpu.memref_slice %arg8[%dma_start3A_180, %dma_start3A_181] : memref<6x120xi32, #tpu.memory_space<vmem>> -> memref<1x120xi32, #tpu.memory_space<vmem>>
        %dma_start3A_183 = tpu.memref_squeeze %dma_start3A_182 : memref<1x120xi32, #tpu.memory_space<vmem>> -> memref<120xi32, #tpu.memory_space<vmem>>
        %dma_start3A_184 = arith.constant 0 : i32
        %dma_start3A_185 = arith.constant 0 : i32
        %dma_start3A_186 = tpu.memref_slice %arg2[%dma_start3A_184, %dma_start3A_185] : memref<20000x128xf32, #tpu.memory_space<hbm>> -> memref<20000x128xf32, #tpu.memory_space<hbm>>
        tpu.enqueue_indirect_dma source(%dma_start3A_186 : memref<20000x128xf32, #tpu.memory_space<hbm>>) target(%arg13 : memref<120x128xf32, #tpu.memory_space<vmem>>) offsets(%dma_start3A_183 : memref<120xi32, #tpu.memory_space<vmem>>) semaphore(%arg16 : memref<!tpu.dma_semaphore, #tpu.memory_space<semaphore_mem>>)
        %dma_wait3A_187 = arith.constant 3 : i32
        %dma_wait3A_188 = arith.constant 0 : i32
        %dma_wait3A_189 = tpu.memref_slice %arg8[%dma_wait3A_187, %dma_wait3A_188] : memref<6x120xi32, #tpu.memory_space<vmem>> -> memref<1x120xi32, #tpu.memory_space<vmem>>
        %dma_wait3A_190 = tpu.memref_squeeze %dma_wait3A_189 : memref<1x120xi32, #tpu.memory_space<vmem>> -> memref<120xi32, #tpu.memory_space<vmem>>
        %dma_wait3A_191 = arith.constant 0 : i32
        %dma_wait3A_192 = arith.constant 0 : i32
        %dma_wait3A_193 = tpu.memref_slice %arg2[%dma_wait3A_191, %dma_wait3A_192] : memref<20000x128xf32, #tpu.memory_space<hbm>> -> memref<20000x128xf32, #tpu.memory_space<hbm>>
        tpu.wait_indirect_dma semaphore(%arg15 : memref<!tpu.dma_semaphore, #tpu.memory_space<semaphore_mem>>) src(%dma_wait3A_193 : memref<20000x128xf32, #tpu.memory_space<hbm>>) dst(%arg12 : memref<120x128xf32, #tpu.memory_space<vmem>>)
        %dma_start3A_194 = arith.constant 3 : i32
        %dma_start3A_195 = arith.constant 0 : i32
        %dma_start3A_196 = tpu.memref_slice %arg9[%dma_start3A_194, %dma_start3A_195] : memref<6x120xi32, #tpu.memory_space<vmem>> -> memref<1x120xi32, #tpu.memory_space<vmem>>
        %dma_start3A_197 = tpu.memref_squeeze %dma_start3A_196 : memref<1x120xi32, #tpu.memory_space<vmem>> -> memref<120xi32, #tpu.memory_space<vmem>>
        %dma_start3A_198 = arith.constant 0 : i32
        %dma_start3A_199 = arith.constant 0 : i32
        %dma_start3A_200 = tpu.memref_slice %arg7[%dma_start3A_198, %dma_start3A_199] : memref<10008x128xf32, #tpu.memory_space<vmem_shared>> -> memref<10008x128xf32, #tpu.memory_space<vmem_shared>>
        tpu.enqueue_indirect_dma source(%arg12 : memref<120x128xf32, #tpu.memory_space<vmem>>) target(%dma_start3A_200 : memref<10008x128xf32, #tpu.memory_space<vmem_shared>>) offsets(%dma_start3A_197 : memref<120xi32, #tpu.memory_space<vmem>>) semaphore(%arg18 : memref<!tpu.dma_semaphore, #tpu.memory_space<semaphore_mem>>) {add = true}
        %dma_wait3A_201 = arith.constant 2 : i32
        %dma_wait3A_202 = arith.constant 0 : i32
        %dma_wait3A_203 = tpu.memref_slice %arg9[%dma_wait3A_201, %dma_wait3A_202] : memref<6x120xi32, #tpu.memory_space<vmem>> -> memref<1x120xi32, #tpu.memory_space<vmem>>
        %dma_wait3A_204 = tpu.memref_squeeze %dma_wait3A_203 : memref<1x120xi32, #tpu.memory_space<vmem>> -> memref<120xi32, #tpu.memory_space<vmem>>
        %dma_wait3A_205 = arith.constant 0 : i32
        %dma_wait3A_206 = arith.constant 0 : i32
        %dma_wait3A_207 = tpu.memref_slice %arg7[%dma_wait3A_205, %dma_wait3A_206] : memref<10008x128xf32, #tpu.memory_space<vmem_shared>> -> memref<10008x128xf32, #tpu.memory_space<vmem_shared>>
        tpu.wait_indirect_dma semaphore(%arg20 : memref<!tpu.dma_semaphore, #tpu.memory_space<semaphore_mem>>) src(%arg14 : memref<120x128xf32, #tpu.memory_space<vmem>>) dst(%dma_wait3A_207 : memref<10008x128xf32, #tpu.memory_space<vmem_shared>>)
        %dma_start3A_208 = arith.constant 5 : i32
        %dma_start3A_209 = arith.constant 0 : i32
        %dma_start3A_210 = tpu.memref_slice %arg8[%dma_start3A_208, %dma_start3A_209] : memref<6x120xi32, #tpu.memory_space<vmem>> -> memref<1x120xi32, #tpu.memory_space<vmem>>
        %dma_start3A_211 = tpu.memref_squeeze %dma_start3A_210 : memref<1x120xi32, #tpu.memory_space<vmem>> -> memref<120xi32, #tpu.memory_space<vmem>>
        %dma_start3A_212 = arith.constant 0 : i32
        %dma_start3A_213 = arith.constant 0 : i32
        %dma_start3A_214 = tpu.memref_slice %arg2[%dma_start3A_212, %dma_start3A_213] : memref<20000x128xf32, #tpu.memory_space<hbm>> -> memref<20000x128xf32, #tpu.memory_space<hbm>>
        tpu.enqueue_indirect_dma source(%dma_start3A_214 : memref<20000x128xf32, #tpu.memory_space<hbm>>) target(%arg14 : memref<120x128xf32, #tpu.memory_space<vmem>>) offsets(%dma_start3A_211 : memref<120xi32, #tpu.memory_space<vmem>>) semaphore(%arg17 : memref<!tpu.dma_semaphore, #tpu.memory_space<semaphore_mem>>)
        %dma_wait3A_215 = arith.constant 4 : i32
        %dma_wait3A_216 = arith.constant 0 : i32
        %dma_wait3A_217 = tpu.memref_slice %arg8[%dma_wait3A_215, %dma_wait3A_216] : memref<6x120xi32, #tpu.memory_space<vmem>> -> memref<1x120xi32, #tpu.memory_space<vmem>>
        %dma_wait3A_218 = tpu.memref_squeeze %dma_wait3A_217 : memref<1x120xi32, #tpu.memory_space<vmem>> -> memref<120xi32, #tpu.memory_space<vmem>>
        %dma_wait3A_219 = arith.constant 0 : i32
        %dma_wait3A_220 = arith.constant 0 : i32
        %dma_wait3A_221 = tpu.memref_slice %arg2[%dma_wait3A_219, %dma_wait3A_220] : memref<20000x128xf32, #tpu.memory_space<hbm>> -> memref<20000x128xf32, #tpu.memory_space<hbm>>
        tpu.wait_indirect_dma semaphore(%arg16 : memref<!tpu.dma_semaphore, #tpu.memory_space<semaphore_mem>>) src(%dma_wait3A_221 : memref<20000x128xf32, #tpu.memory_space<hbm>>) dst(%arg13 : memref<120x128xf32, #tpu.memory_space<vmem>>)
        %dma_start3A_222 = arith.constant 4 : i32
        %dma_start3A_223 = arith.constant 0 : i32
        %dma_start3A_224 = tpu.memref_slice %arg9[%dma_start3A_222, %dma_start3A_223] : memref<6x120xi32, #tpu.memory_space<vmem>> -> memref<1x120xi32, #tpu.memory_space<vmem>>
        %dma_start3A_225 = tpu.memref_squeeze %dma_start3A_224 : memref<1x120xi32, #tpu.memory_space<vmem>> -> memref<120xi32, #tpu.memory_space<vmem>>
        %dma_start3A_226 = arith.constant 0 : i32
        %dma_start3A_227 = arith.constant 0 : i32
        %dma_start3A_228 = tpu.memref_slice %arg7[%dma_start3A_226, %dma_start3A_227] : memref<10008x128xf32, #tpu.memory_space<vmem_shared>> -> memref<10008x128xf32, #tpu.memory_space<vmem_shared>>
        tpu.enqueue_indirect_dma source(%arg13 : memref<120x128xf32, #tpu.memory_space<vmem>>) target(%dma_start3A_228 : memref<10008x128xf32, #tpu.memory_space<vmem_shared>>) offsets(%dma_start3A_225 : memref<120xi32, #tpu.memory_space<vmem>>) semaphore(%arg19 : memref<!tpu.dma_semaphore, #tpu.memory_space<semaphore_mem>>) {add = true}
        %lt3A_229 = arith.constant 13 : i32
        %lt3A_230 = arith.cmpi slt, %add3A_63, %lt3A_229 : i32
        %convert_element_type3A_231 = arith.extui %lt3A_230 : i1 to i32
        %cond3A_232 = arith.constant 0 : i32
        %cond3A_233 = arith.cmpi ne, %convert_element_type3A_231, %cond3A_232 : i32
        scf.if %cond3A_233 {
          %dma_wait3A_253 = arith.constant 3 : i32
          %dma_wait3A_254 = arith.constant 0 : i32
          %dma_wait3A_255 = tpu.memref_slice %arg9[%dma_wait3A_253, %dma_wait3A_254] : memref<6x120xi32, #tpu.memory_space<vmem>> -> memref<1x120xi32, #tpu.memory_space<vmem>>
          %dma_wait3A_256 = tpu.memref_squeeze %dma_wait3A_255 : memref<1x120xi32, #tpu.memory_space<vmem>> -> memref<120xi32, #tpu.memory_space<vmem>>
          %dma_wait3A_257 = arith.constant 0 : i32
          %dma_wait3A_258 = arith.constant 0 : i32
          %dma_wait3A_259 = tpu.memref_slice %arg7[%dma_wait3A_257, %dma_wait3A_258] : memref<10008x128xf32, #tpu.memory_space<vmem_shared>> -> memref<10008x128xf32, #tpu.memory_space<vmem_shared>>
          tpu.wait_indirect_dma semaphore(%arg18 : memref<!tpu.dma_semaphore, #tpu.memory_space<semaphore_mem>>) src(%arg12 : memref<120x128xf32, #tpu.memory_space<vmem>>) dst(%dma_wait3A_259 : memref<10008x128xf32, #tpu.memory_space<vmem_shared>>)
          %mul3A_260 = arith.constant 14 : i32
          %mul3A_261 = arith.muli %add3A, %mul3A_260 : i32
          %add3A_262 = arith.addi %mul3A_261, %add3A_63 : i32
          %add3A_263 = arith.constant 1 : i32
          %add3A_264 = arith.addi %add3A_262, %add3A_263 : i32
          %dma_wait3A_265 = arith.constant 0 : i32
          %dma_wait3A_266 = arith.constant 0 : i32
          %dma_wait3A_267 = tpu.memref_slice %arg3[%add3A_264, %dma_wait3A_265, %dma_wait3A_266] : memref<448x6x120xi32, #tpu.memory_space<hbm>> -> memref<1x6x120xi32, #tpu.memory_space<hbm>>
          %dma_wait3A_268 = tpu.memref_squeeze %dma_wait3A_267 : memref<1x6x120xi32, #tpu.memory_space<hbm>> -> memref<6x120xi32, #tpu.memory_space<hbm>>
          %dma_wait3A_269 = arith.constant 0 : i32
          %dma_wait3A_270 = arith.constant 0 : i32
          %dma_wait3A_271 = tpu.memref_slice %arg3[%add3A_264, %dma_wait3A_269, %dma_wait3A_270] : memref<448x6x120xi32, #tpu.memory_space<hbm>> -> memref<1x6x120xi32, #tpu.memory_space<hbm>>
          %dma_wait3A_272 = tpu.memref_squeeze %dma_wait3A_271 : memref<1x6x120xi32, #tpu.memory_space<hbm>> -> memref<6x120xi32, #tpu.memory_space<hbm>>
          tpu.wait_dma2 semaphore(%arg21 : memref<!tpu.dma_semaphore, #tpu.memory_space<semaphore_mem>>) src(%dma_wait3A_272 : memref<6x120xi32, #tpu.memory_space<hbm>>) dst(%arg10 : memref<6x120xi32, #tpu.memory_space<vmem>>)
          %mul3A_273 = arith.constant 14 : i32
          %mul3A_274 = arith.muli %arg1, %mul3A_273 : i32
          %add3A_275 = arith.addi %mul3A_274, %add3A_63 : i32
          %add3A_276 = arith.constant 1 : i32
          %add3A_277 = arith.addi %add3A_275, %add3A_276 : i32
          %dma_wait3A_278 = arith.constant 0 : i32
          %dma_wait3A_279 = arith.constant 0 : i32
          %dma_wait3A_280 = tpu.memref_slice %arg4[%add3A_277, %dma_wait3A_278, %dma_wait3A_279] : memref<224x6x120xi32, #tpu.memory_space<hbm>> -> memref<1x6x120xi32, #tpu.memory_space<hbm>>
          %dma_wait3A_281 = tpu.memref_squeeze %dma_wait3A_280 : memref<1x6x120xi32, #tpu.memory_space<hbm>> -> memref<6x120xi32, #tpu.memory_space<hbm>>
          %dma_wait3A_282 = arith.constant 0 : i32
          %dma_wait3A_283 = arith.constant 0 : i32
          %dma_wait3A_284 = tpu.memref_slice %arg4[%add3A_277, %dma_wait3A_282, %dma_wait3A_283] : memref<224x6x120xi32, #tpu.memory_space<hbm>> -> memref<1x6x120xi32, #tpu.memory_space<hbm>>
          %dma_wait3A_285 = tpu.memref_squeeze %dma_wait3A_284 : memref<1x6x120xi32, #tpu.memory_space<hbm>> -> memref<6x120xi32, #tpu.memory_space<hbm>>
          tpu.wait_dma2 semaphore(%arg21 : memref<!tpu.dma_semaphore, #tpu.memory_space<semaphore_mem>>) src(%dma_wait3A_285 : memref<6x120xi32, #tpu.memory_space<hbm>>) dst(%arg11 : memref<6x120xi32, #tpu.memory_space<vmem>>)
          %dma_start3A_286 = arith.constant 0 : i32
          %dma_start3A_287 = arith.constant 0 : i32
          %dma_start3A_288 = tpu.memref_slice %arg10[%dma_start3A_286, %dma_start3A_287] : memref<6x120xi32, #tpu.memory_space<vmem>> -> memref<1x120xi32, #tpu.memory_space<vmem>>
          %dma_start3A_289 = tpu.memref_squeeze %dma_start3A_288 : memref<1x120xi32, #tpu.memory_space<vmem>> -> memref<120xi32, #tpu.memory_space<vmem>>
          %dma_start3A_290 = arith.constant 0 : i32
          %dma_start3A_291 = arith.constant 0 : i32
          %dma_start3A_292 = tpu.memref_slice %arg2[%dma_start3A_290, %dma_start3A_291] : memref<20000x128xf32, #tpu.memory_space<hbm>> -> memref<20000x128xf32, #tpu.memory_space<hbm>>
          tpu.enqueue_indirect_dma source(%dma_start3A_292 : memref<20000x128xf32, #tpu.memory_space<hbm>>) target(%arg12 : memref<120x128xf32, #tpu.memory_space<vmem>>) offsets(%dma_start3A_289 : memref<120xi32, #tpu.memory_space<vmem>>) semaphore(%arg15 : memref<!tpu.dma_semaphore, #tpu.memory_space<semaphore_mem>>)
        } else {
        }
        %dma_wait3A_234 = arith.constant 5 : i32
        %dma_wait3A_235 = arith.constant 0 : i32
        %dma_wait3A_236 = tpu.memref_slice %arg8[%dma_wait3A_234, %dma_wait3A_235] : memref<6x120xi32, #tpu.memory_space<vmem>> -> memref<1x120xi32, #tpu.memory_space<vmem>>
        %dma_wait3A_237 = tpu.memref_squeeze %dma_wait3A_236 : memref<1x120xi32, #tpu.memory_space<vmem>> -> memref<120xi32, #tpu.memory_space<vmem>>
        %dma_wait3A_238 = arith.constant 0 : i32
        %dma_wait3A_239 = arith.constant 0 : i32
        %dma_wait3A_240 = tpu.memref_slice %arg2[%dma_wait3A_238, %dma_wait3A_239] : memref<20000x128xf32, #tpu.memory_space<hbm>> -> memref<20000x128xf32, #tpu.memory_space<hbm>>
        tpu.wait_indirect_dma semaphore(%arg17 : memref<!tpu.dma_semaphore, #tpu.memory_space<semaphore_mem>>) src(%dma_wait3A_240 : memref<20000x128xf32, #tpu.memory_space<hbm>>) dst(%arg14 : memref<120x128xf32, #tpu.memory_space<vmem>>)
        %dma_start3A_241 = arith.constant 5 : i32
        %dma_start3A_242 = arith.constant 0 : i32
        %dma_start3A_243 = tpu.memref_slice %arg9[%dma_start3A_241, %dma_start3A_242] : memref<6x120xi32, #tpu.memory_space<vmem>> -> memref<1x120xi32, #tpu.memory_space<vmem>>
        %dma_start3A_244 = tpu.memref_squeeze %dma_start3A_243 : memref<1x120xi32, #tpu.memory_space<vmem>> -> memref<120xi32, #tpu.memory_space<vmem>>
        %dma_start3A_245 = arith.constant 0 : i32
        %dma_start3A_246 = arith.constant 0 : i32
        %dma_start3A_247 = tpu.memref_slice %arg7[%dma_start3A_245, %dma_start3A_246] : memref<10008x128xf32, #tpu.memory_space<vmem_shared>> -> memref<10008x128xf32, #tpu.memory_space<vmem_shared>>
        tpu.enqueue_indirect_dma source(%arg14 : memref<120x128xf32, #tpu.memory_space<vmem>>) target(%dma_start3A_247 : memref<10008x128xf32, #tpu.memory_space<vmem_shared>>) offsets(%dma_start3A_244 : memref<120xi32, #tpu.memory_space<vmem>>) semaphore(%arg20 : memref<!tpu.dma_semaphore, #tpu.memory_space<semaphore_mem>>) {add = true}
        %lt3A_248 = arith.constant 13 : i32
        %lt3A_249 = arith.cmpi slt, %add3A_63, %lt3A_248 : i32
        %convert_element_type3A_250 = arith.extui %lt3A_249 : i1 to i32
        %cond3A_251 = arith.constant 0 : i32
        %cond3A_252 = arith.cmpi ne, %convert_element_type3A_250, %cond3A_251 : i32
        scf.if %cond3A_252 {
          %dma_wait3A_253 = arith.constant 4 : i32
          %dma_wait3A_254 = arith.constant 0 : i32
          %dma_wait3A_255 = tpu.memref_slice %arg9[%dma_wait3A_253, %dma_wait3A_254] : memref<6x120xi32, #tpu.memory_space<vmem>> -> memref<1x120xi32, #tpu.memory_space<vmem>>
          %dma_wait3A_256 = tpu.memref_squeeze %dma_wait3A_255 : memref<1x120xi32, #tpu.memory_space<vmem>> -> memref<120xi32, #tpu.memory_space<vmem>>
          %dma_wait3A_257 = arith.constant 0 : i32
          %dma_wait3A_258 = arith.constant 0 : i32
          %dma_wait3A_259 = tpu.memref_slice %arg7[%dma_wait3A_257, %dma_wait3A_258] : memref<10008x128xf32, #tpu.memory_space<vmem_shared>> -> memref<10008x128xf32, #tpu.memory_space<vmem_shared>>
          tpu.wait_indirect_dma semaphore(%arg19 : memref<!tpu.dma_semaphore, #tpu.memory_space<semaphore_mem>>) src(%arg13 : memref<120x128xf32, #tpu.memory_space<vmem>>) dst(%dma_wait3A_259 : memref<10008x128xf32, #tpu.memory_space<vmem_shared>>)
          %dma_start3A_260 = arith.constant 1 : i32
          %dma_start3A_261 = arith.constant 0 : i32
          %dma_start3A_262 = tpu.memref_slice %arg10[%dma_start3A_260, %dma_start3A_261] : memref<6x120xi32, #tpu.memory_space<vmem>> -> memref<1x120xi32, #tpu.memory_space<vmem>>
          %dma_start3A_263 = tpu.memref_squeeze %dma_start3A_262 : memref<1x120xi32, #tpu.memory_space<vmem>> -> memref<120xi32, #tpu.memory_space<vmem>>
          %dma_start3A_264 = arith.constant 0 : i32
          %dma_start3A_265 = arith.constant 0 : i32
          %dma_start3A_266 = tpu.memref_slice %arg2[%dma_start3A_264, %dma_start3A_265] : memref<20000x128xf32, #tpu.memory_space<hbm>> -> memref<20000x128xf32, #tpu.memory_space<hbm>>
          tpu.enqueue_indirect_dma source(%dma_start3A_266 : memref<20000x128xf32, #tpu.memory_space<hbm>>) target(%arg13 : memref<120x128xf32, #tpu.memory_space<vmem>>) offsets(%dma_start3A_263 : memref<120xi32, #tpu.memory_space<vmem>>) semaphore(%arg16 : memref<!tpu.dma_semaphore, #tpu.memory_space<semaphore_mem>>)
        } else {
        }
      } else {
      }
      %jit3A_80 = arith.constant 2 : i32
      %eq3A_81 = arith.constant 0 : i32
      %eq3A_82 = arith.cmpi eq, %jit3A_80, %eq3A_81 : i32
      %jit3A_83 = arith.constant 1 : i32
      %select_n3A_84 = arith.select %eq3A_82, %jit3A_83, %jit3A_80 : i32
      %rem3A_85 = arith.remsi %add3A_63, %select_n3A_84 : i32
      %ne3A_86 = arith.constant 0 : i32
      %ne3A_87 = arith.cmpi ne, %rem3A_85, %ne3A_86 : i32
      %lt3A_88 = arith.constant 0 : i32
      %lt3A_89 = arith.cmpi slt, %rem3A_85, %lt3A_88 : i32
      %lt3A_90 = arith.constant 0 : i32
      %lt3A_91 = arith.cmpi slt, %select_n3A_84, %lt3A_90 : i32
      %ne3A_92 = arith.xori %lt3A_89, %lt3A_91 : i1
      %and3A_93 = arith.andi %ne3A_92, %ne3A_87 : i1
      %add3A_94 = arith.addi %rem3A_85, %select_n3A_84 : i32
      %select_n3A_95 = arith.select %and3A_93, %add3A_94, %rem3A_85 : i32
      %eq3A_96 = arith.constant 1 : i32
      %eq3A_97 = arith.cmpi eq, %select_n3A_95, %eq3A_96 : i32
      %convert_element_type3A_98 = arith.extui %eq3A_97 : i1 to i32
      %cond3A_99 = arith.constant 0 : i32
      %cond3A_100 = arith.cmpi ne, %convert_element_type3A_98, %cond3A_99 : i32
      scf.if %cond3A_100 {
        %dma_wait3A_101 = arith.constant 0 : i32
        %dma_wait3A_102 = arith.constant 0 : i32
        %dma_wait3A_103 = tpu.memref_slice %arg10[%dma_wait3A_101, %dma_wait3A_102] : memref<6x120xi32, #tpu.memory_space<vmem>> -> memref<1x120xi32, #tpu.memory_space<vmem>>
        %dma_wait3A_104 = tpu.memref_squeeze %dma_wait3A_103 : memref<1x120xi32, #tpu.memory_space<vmem>> -> memref<120xi32, #tpu.memory_space<vmem>>
        %dma_wait3A_105 = arith.constant 0 : i32
        %dma_wait3A_106 = arith.constant 0 : i32
        %dma_wait3A_107 = tpu.memref_slice %arg2[%dma_wait3A_105, %dma_wait3A_106] : memref<20000x128xf32, #tpu.memory_space<hbm>> -> memref<20000x128xf32, #tpu.memory_space<hbm>>
        tpu.wait_indirect_dma semaphore(%arg15 : memref<!tpu.dma_semaphore, #tpu.memory_space<semaphore_mem>>) src(%dma_wait3A_107 : memref<20000x128xf32, #tpu.memory_space<hbm>>) dst(%arg12 : memref<120x128xf32, #tpu.memory_space<vmem>>)
        %dma_start3A_108 = arith.constant 0 : i32
        %dma_start3A_109 = arith.constant 0 : i32
        %dma_start3A_110 = tpu.memref_slice %arg11[%dma_start3A_108, %dma_start3A_109] : memref<6x120xi32, #tpu.memory_space<vmem>> -> memref<1x120xi32, #tpu.memory_space<vmem>>
        %dma_start3A_111 = tpu.memref_squeeze %dma_start3A_110 : memref<1x120xi32, #tpu.memory_space<vmem>> -> memref<120xi32, #tpu.memory_space<vmem>>
        %dma_start3A_112 = arith.constant 0 : i32
        %dma_start3A_113 = arith.constant 0 : i32
        %dma_start3A_114 = tpu.memref_slice %arg7[%dma_start3A_112, %dma_start3A_113] : memref<10008x128xf32, #tpu.memory_space<vmem_shared>> -> memref<10008x128xf32, #tpu.memory_space<vmem_shared>>
        tpu.enqueue_indirect_dma source(%arg12 : memref<120x128xf32, #tpu.memory_space<vmem>>) target(%dma_start3A_114 : memref<10008x128xf32, #tpu.memory_space<vmem_shared>>) offsets(%dma_start3A_111 : memref<120xi32, #tpu.memory_space<vmem>>) semaphore(%arg18 : memref<!tpu.dma_semaphore, #tpu.memory_space<semaphore_mem>>) {add = true}
        %gt3A = arith.constant 0 : i32
        %gt3A_115 = arith.cmpi sgt, %add3A_63, %gt3A : i32
        %convert_element_type3A_116 = arith.extui %gt3A_115 : i1 to i32
        %cond3A_117 = arith.constant 0 : i32
        %cond3A_118 = arith.cmpi ne, %convert_element_type3A_116, %cond3A_117 : i32
        scf.if %cond3A_118 {
          %dma_wait3A_253 = arith.constant 5 : i32
          %dma_wait3A_254 = arith.constant 0 : i32
          %dma_wait3A_255 = tpu.memref_slice %arg9[%dma_wait3A_253, %dma_wait3A_254] : memref<6x120xi32, #tpu.memory_space<vmem>> -> memref<1x120xi32, #tpu.memory_space<vmem>>
          %dma_wait3A_256 = tpu.memref_squeeze %dma_wait3A_255 : memref<1x120xi32, #tpu.memory_space<vmem>> -> memref<120xi32, #tpu.memory_space<vmem>>
          %dma_wait3A_257 = arith.constant 0 : i32
          %dma_wait3A_258 = arith.constant 0 : i32
          %dma_wait3A_259 = tpu.memref_slice %arg7[%dma_wait3A_257, %dma_wait3A_258] : memref<10008x128xf32, #tpu.memory_space<vmem_shared>> -> memref<10008x128xf32, #tpu.memory_space<vmem_shared>>
          tpu.wait_indirect_dma semaphore(%arg20 : memref<!tpu.dma_semaphore, #tpu.memory_space<semaphore_mem>>) src(%arg14 : memref<120x128xf32, #tpu.memory_space<vmem>>) dst(%dma_wait3A_259 : memref<10008x128xf32, #tpu.memory_space<vmem_shared>>)
        } else {
        }
        %dma_start3A_119 = arith.constant 2 : i32
        %dma_start3A_120 = arith.constant 0 : i32
        %dma_start3A_121 = tpu.memref_slice %arg10[%dma_start3A_119, %dma_start3A_120] : memref<6x120xi32, #tpu.memory_space<vmem>> -> memref<1x120xi32, #tpu.memory_space<vmem>>
        %dma_start3A_122 = tpu.memref_squeeze %dma_start3A_121 : memref<1x120xi32, #tpu.memory_space<vmem>> -> memref<120xi32, #tpu.memory_space<vmem>>
        %dma_start3A_123 = arith.constant 0 : i32
        %dma_start3A_124 = arith.constant 0 : i32
        %dma_start3A_125 = tpu.memref_slice %arg2[%dma_start3A_123, %dma_start3A_124] : memref<20000x128xf32, #tpu.memory_space<hbm>> -> memref<20000x128xf32, #tpu.memory_space<hbm>>
        tpu.enqueue_indirect_dma source(%dma_start3A_125 : memref<20000x128xf32, #tpu.memory_space<hbm>>) target(%arg14 : memref<120x128xf32, #tpu.memory_space<vmem>>) offsets(%dma_start3A_122 : memref<120xi32, #tpu.memory_space<vmem>>) semaphore(%arg17 : memref<!tpu.dma_semaphore, #tpu.memory_space<semaphore_mem>>)
        %dma_wait3A_126 = arith.constant 1 : i32
        %dma_wait3A_127 = arith.constant 0 : i32
        %dma_wait3A_128 = tpu.memref_slice %arg10[%dma_wait3A_126, %dma_wait3A_127] : memref<6x120xi32, #tpu.memory_space<vmem>> -> memref<1x120xi32, #tpu.memory_space<vmem>>
        %dma_wait3A_129 = tpu.memref_squeeze %dma_wait3A_128 : memref<1x120xi32, #tpu.memory_space<vmem>> -> memref<120xi32, #tpu.memory_space<vmem>>
        %dma_wait3A_130 = arith.constant 0 : i32
        %dma_wait3A_131 = arith.constant 0 : i32
        %dma_wait3A_132 = tpu.memref_slice %arg2[%dma_wait3A_130, %dma_wait3A_131] : memref<20000x128xf32, #tpu.memory_space<hbm>> -> memref<20000x128xf32, #tpu.memory_space<hbm>>
        tpu.wait_indirect_dma semaphore(%arg16 : memref<!tpu.dma_semaphore, #tpu.memory_space<semaphore_mem>>) src(%dma_wait3A_132 : memref<20000x128xf32, #tpu.memory_space<hbm>>) dst(%arg13 : memref<120x128xf32, #tpu.memory_space<vmem>>)
        %dma_start3A_133 = arith.constant 1 : i32
        %dma_start3A_134 = arith.constant 0 : i32
        %dma_start3A_135 = tpu.memref_slice %arg11[%dma_start3A_133, %dma_start3A_134] : memref<6x120xi32, #tpu.memory_space<vmem>> -> memref<1x120xi32, #tpu.memory_space<vmem>>
        %dma_start3A_136 = tpu.memref_squeeze %dma_start3A_135 : memref<1x120xi32, #tpu.memory_space<vmem>> -> memref<120xi32, #tpu.memory_space<vmem>>
        %dma_start3A_137 = arith.constant 0 : i32
        %dma_start3A_138 = arith.constant 0 : i32
        %dma_start3A_139 = tpu.memref_slice %arg7[%dma_start3A_137, %dma_start3A_138] : memref<10008x128xf32, #tpu.memory_space<vmem_shared>> -> memref<10008x128xf32, #tpu.memory_space<vmem_shared>>
        tpu.enqueue_indirect_dma source(%arg13 : memref<120x128xf32, #tpu.memory_space<vmem>>) target(%dma_start3A_139 : memref<10008x128xf32, #tpu.memory_space<vmem_shared>>) offsets(%dma_start3A_136 : memref<120xi32, #tpu.memory_space<vmem>>) semaphore(%arg19 : memref<!tpu.dma_semaphore, #tpu.memory_space<semaphore_mem>>) {add = true}
        %dma_wait3A_140 = arith.constant 0 : i32
        %dma_wait3A_141 = arith.constant 0 : i32
        %dma_wait3A_142 = tpu.memref_slice %arg11[%dma_wait3A_140, %dma_wait3A_141] : memref<6x120xi32, #tpu.memory_space<vmem>> -> memref<1x120xi32, #tpu.memory_space<vmem>>
        %dma_wait3A_143 = tpu.memref_squeeze %dma_wait3A_142 : memref<1x120xi32, #tpu.memory_space<vmem>> -> memref<120xi32, #tpu.memory_space<vmem>>
        %dma_wait3A_144 = arith.constant 0 : i32
        %dma_wait3A_145 = arith.constant 0 : i32
        %dma_wait3A_146 = tpu.memref_slice %arg7[%dma_wait3A_144, %dma_wait3A_145] : memref<10008x128xf32, #tpu.memory_space<vmem_shared>> -> memref<10008x128xf32, #tpu.memory_space<vmem_shared>>
        tpu.wait_indirect_dma semaphore(%arg18 : memref<!tpu.dma_semaphore, #tpu.memory_space<semaphore_mem>>) src(%arg12 : memref<120x128xf32, #tpu.memory_space<vmem>>) dst(%dma_wait3A_146 : memref<10008x128xf32, #tpu.memory_space<vmem_shared>>)
        %dma_start3A_147 = arith.constant 3 : i32
        %dma_start3A_148 = arith.constant 0 : i32
        %dma_start3A_149 = tpu.memref_slice %arg10[%dma_start3A_147, %dma_start3A_148] : memref<6x120xi32, #tpu.memory_space<vmem>> -> memref<1x120xi32, #tpu.memory_space<vmem>>
        %dma_start3A_150 = tpu.memref_squeeze %dma_start3A_149 : memref<1x120xi32, #tpu.memory_space<vmem>> -> memref<120xi32, #tpu.memory_space<vmem>>
        %dma_start3A_151 = arith.constant 0 : i32
        %dma_start3A_152 = arith.constant 0 : i32
        %dma_start3A_153 = tpu.memref_slice %arg2[%dma_start3A_151, %dma_start3A_152] : memref<20000x128xf32, #tpu.memory_space<hbm>> -> memref<20000x128xf32, #tpu.memory_space<hbm>>
        tpu.enqueue_indirect_dma source(%dma_start3A_153 : memref<20000x128xf32, #tpu.memory_space<hbm>>) target(%arg12 : memref<120x128xf32, #tpu.memory_space<vmem>>) offsets(%dma_start3A_150 : memref<120xi32, #tpu.memory_space<vmem>>) semaphore(%arg15 : memref<!tpu.dma_semaphore, #tpu.memory_space<semaphore_mem>>)
        %dma_wait3A_154 = arith.constant 2 : i32
        %dma_wait3A_155 = arith.constant 0 : i32
        %dma_wait3A_156 = tpu.memref_slice %arg10[%dma_wait3A_154, %dma_wait3A_155] : memref<6x120xi32, #tpu.memory_space<vmem>> -> memref<1x120xi32, #tpu.memory_space<vmem>>
        %dma_wait3A_157 = tpu.memref_squeeze %dma_wait3A_156 : memref<1x120xi32, #tpu.memory_space<vmem>> -> memref<120xi32, #tpu.memory_space<vmem>>
        %dma_wait3A_158 = arith.constant 0 : i32
        %dma_wait3A_159 = arith.constant 0 : i32
        %dma_wait3A_160 = tpu.memref_slice %arg2[%dma_wait3A_158, %dma_wait3A_159] : memref<20000x128xf32, #tpu.memory_space<hbm>> -> memref<20000x128xf32, #tpu.memory_space<hbm>>
        tpu.wait_indirect_dma semaphore(%arg17 : memref<!tpu.dma_semaphore, #tpu.memory_space<semaphore_mem>>) src(%dma_wait3A_160 : memref<20000x128xf32, #tpu.memory_space<hbm>>) dst(%arg14 : memref<120x128xf32, #tpu.memory_space<vmem>>)
        %dma_start3A_161 = arith.constant 2 : i32
        %dma_start3A_162 = arith.constant 0 : i32
        %dma_start3A_163 = tpu.memref_slice %arg11[%dma_start3A_161, %dma_start3A_162] : memref<6x120xi32, #tpu.memory_space<vmem>> -> memref<1x120xi32, #tpu.memory_space<vmem>>
        %dma_start3A_164 = tpu.memref_squeeze %dma_start3A_163 : memref<1x120xi32, #tpu.memory_space<vmem>> -> memref<120xi32, #tpu.memory_space<vmem>>
        %dma_start3A_165 = arith.constant 0 : i32
        %dma_start3A_166 = arith.constant 0 : i32
        %dma_start3A_167 = tpu.memref_slice %arg7[%dma_start3A_165, %dma_start3A_166] : memref<10008x128xf32, #tpu.memory_space<vmem_shared>> -> memref<10008x128xf32, #tpu.memory_space<vmem_shared>>
        tpu.enqueue_indirect_dma source(%arg14 : memref<120x128xf32, #tpu.memory_space<vmem>>) target(%dma_start3A_167 : memref<10008x128xf32, #tpu.memory_space<vmem_shared>>) offsets(%dma_start3A_164 : memref<120xi32, #tpu.memory_space<vmem>>) semaphore(%arg20 : memref<!tpu.dma_semaphore, #tpu.memory_space<semaphore_mem>>) {add = true}
        %lt3A_168 = arith.constant 13 : i32
        %lt3A_169 = arith.cmpi slt, %add3A_63, %lt3A_168 : i32
        %convert_element_type3A_170 = arith.extui %lt3A_169 : i1 to i32
        %cond3A_171 = arith.constant 0 : i32
        %cond3A_172 = arith.cmpi ne, %convert_element_type3A_170, %cond3A_171 : i32
        scf.if %cond3A_172 {
          %mul3A_253 = arith.constant 14 : i32
          %mul3A_254 = arith.muli %add3A, %mul3A_253 : i32
          %add3A_255 = arith.addi %mul3A_254, %add3A_63 : i32
          %add3A_256 = arith.constant 1 : i32
          %add3A_257 = arith.addi %add3A_255, %add3A_256 : i32
          %dma_start3A_258 = arith.constant 0 : i32
          %dma_start3A_259 = arith.constant 0 : i32
          %dma_start3A_260 = tpu.memref_slice %arg3[%add3A_257, %dma_start3A_258, %dma_start3A_259] : memref<448x6x120xi32, #tpu.memory_space<hbm>> -> memref<1x6x120xi32, #tpu.memory_space<hbm>>
          %dma_start3A_261 = tpu.memref_squeeze %dma_start3A_260 : memref<1x6x120xi32, #tpu.memory_space<hbm>> -> memref<6x120xi32, #tpu.memory_space<hbm>>
          %dma_start3A_262 = arith.constant 0 : i32
          %dma_start3A_263 = arith.constant 0 : i32
          %dma_start3A_264 = tpu.memref_slice %arg3[%add3A_257, %dma_start3A_262, %dma_start3A_263] : memref<448x6x120xi32, #tpu.memory_space<hbm>> -> memref<1x6x120xi32, #tpu.memory_space<hbm>>
          %dma_start3A_265 = tpu.memref_squeeze %dma_start3A_264 : memref<1x6x120xi32, #tpu.memory_space<hbm>> -> memref<6x120xi32, #tpu.memory_space<hbm>>
          tpu.enqueue_dma source(%dma_start3A_265 : memref<6x120xi32, #tpu.memory_space<hbm>>) target(%arg8 : memref<6x120xi32, #tpu.memory_space<vmem>>) target_semaphore(%arg21 : memref<!tpu.dma_semaphore, #tpu.memory_space<semaphore_mem>>)
          %mul3A_266 = arith.constant 14 : i32
          %mul3A_267 = arith.muli %arg1, %mul3A_266 : i32
          %add3A_268 = arith.addi %mul3A_267, %add3A_63 : i32
          %add3A_269 = arith.constant 1 : i32
          %add3A_270 = arith.addi %add3A_268, %add3A_269 : i32
          %dma_start3A_271 = arith.constant 0 : i32
          %dma_start3A_272 = arith.constant 0 : i32
          %dma_start3A_273 = tpu.memref_slice %arg4[%add3A_270, %dma_start3A_271, %dma_start3A_272] : memref<224x6x120xi32, #tpu.memory_space<hbm>> -> memref<1x6x120xi32, #tpu.memory_space<hbm>>
          %dma_start3A_274 = tpu.memref_squeeze %dma_start3A_273 : memref<1x6x120xi32, #tpu.memory_space<hbm>> -> memref<6x120xi32, #tpu.memory_space<hbm>>
          %dma_start3A_275 = arith.constant 0 : i32
          %dma_start3A_276 = arith.constant 0 : i32
          %dma_start3A_277 = tpu.memref_slice %arg4[%add3A_270, %dma_start3A_275, %dma_start3A_276] : memref<224x6x120xi32, #tpu.memory_space<hbm>> -> memref<1x6x120xi32, #tpu.memory_space<hbm>>
          %dma_start3A_278 = tpu.memref_squeeze %dma_start3A_277 : memref<1x6x120xi32, #tpu.memory_space<hbm>> -> memref<6x120xi32, #tpu.memory_space<hbm>>
          tpu.enqueue_dma source(%dma_start3A_278 : memref<6x120xi32, #tpu.memory_space<hbm>>) target(%arg9 : memref<6x120xi32, #tpu.memory_space<vmem>>) target_semaphore(%arg21 : memref<!tpu.dma_semaphore, #tpu.memory_space<semaphore_mem>>)
        } else {
        }
        %dma_wait3A_173 = arith.constant 1 : i32
        %dma_wait3A_174 = arith.constant 0 : i32
        %dma_wait3A_175 = tpu.memref_slice %arg11[%dma_wait3A_173, %dma_wait3A_174] : memref<6x120xi32, #tpu.memory_space<vmem>> -> memref<1x120xi32, #tpu.memory_space<vmem>>
        %dma_wait3A_176 = tpu.memref_squeeze %dma_wait3A_175 : memref<1x120xi32, #tpu.memory_space<vmem>> -> memref<120xi32, #tpu.memory_space<vmem>>
        %dma_wait3A_177 = arith.constant 0 : i32
        %dma_wait3A_178 = arith.constant 0 : i32
        %dma_wait3A_179 = tpu.memref_slice %arg7[%dma_wait3A_177, %dma_wait3A_178] : memref<10008x128xf32, #tpu.memory_space<vmem_shared>> -> memref<10008x128xf32, #tpu.memory_space<vmem_shared>>
        tpu.wait_indirect_dma semaphore(%arg19 : memref<!tpu.dma_semaphore, #tpu.memory_space<semaphore_mem>>) src(%arg13 : memref<120x128xf32, #tpu.memory_space<vmem>>) dst(%dma_wait3A_179 : memref<10008x128xf32, #tpu.memory_space<vmem_shared>>)
        %dma_start3A_180 = arith.constant 4 : i32
        %dma_start3A_181 = arith.constant 0 : i32
        %dma_start3A_182 = tpu.memref_slice %arg10[%dma_start3A_180, %dma_start3A_181] : memref<6x120xi32, #tpu.memory_space<vmem>> -> memref<1x120xi32, #tpu.memory_space<vmem>>
        %dma_start3A_183 = tpu.memref_squeeze %dma_start3A_182 : memref<1x120xi32, #tpu.memory_space<vmem>> -> memref<120xi32, #tpu.memory_space<vmem>>
        %dma_start3A_184 = arith.constant 0 : i32
        %dma_start3A_185 = arith.constant 0 : i32
        %dma_start3A_186 = tpu.memref_slice %arg2[%dma_start3A_184, %dma_start3A_185] : memref<20000x128xf32, #tpu.memory_space<hbm>> -> memref<20000x128xf32, #tpu.memory_space<hbm>>
        tpu.enqueue_indirect_dma source(%dma_start3A_186 : memref<20000x128xf32, #tpu.memory_space<hbm>>) target(%arg13 : memref<120x128xf32, #tpu.memory_space<vmem>>) offsets(%dma_start3A_183 : memref<120xi32, #tpu.memory_space<vmem>>) semaphore(%arg16 : memref<!tpu.dma_semaphore, #tpu.memory_space<semaphore_mem>>)
        %dma_wait3A_187 = arith.constant 3 : i32
        %dma_wait3A_188 = arith.constant 0 : i32
        %dma_wait3A_189 = tpu.memref_slice %arg10[%dma_wait3A_187, %dma_wait3A_188] : memref<6x120xi32, #tpu.memory_space<vmem>> -> memref<1x120xi32, #tpu.memory_space<vmem>>
        %dma_wait3A_190 = tpu.memref_squeeze %dma_wait3A_189 : memref<1x120xi32, #tpu.memory_space<vmem>> -> memref<120xi32, #tpu.memory_space<vmem>>
        %dma_wait3A_191 = arith.constant 0 : i32
        %dma_wait3A_192 = arith.constant 0 : i32
        %dma_wait3A_193 = tpu.memref_slice %arg2[%dma_wait3A_191, %dma_wait3A_192] : memref<20000x128xf32, #tpu.memory_space<hbm>> -> memref<20000x128xf32, #tpu.memory_space<hbm>>
        tpu.wait_indirect_dma semaphore(%arg15 : memref<!tpu.dma_semaphore, #tpu.memory_space<semaphore_mem>>) src(%dma_wait3A_193 : memref<20000x128xf32, #tpu.memory_space<hbm>>) dst(%arg12 : memref<120x128xf32, #tpu.memory_space<vmem>>)
        %dma_start3A_194 = arith.constant 3 : i32
        %dma_start3A_195 = arith.constant 0 : i32
        %dma_start3A_196 = tpu.memref_slice %arg11[%dma_start3A_194, %dma_start3A_195] : memref<6x120xi32, #tpu.memory_space<vmem>> -> memref<1x120xi32, #tpu.memory_space<vmem>>
        %dma_start3A_197 = tpu.memref_squeeze %dma_start3A_196 : memref<1x120xi32, #tpu.memory_space<vmem>> -> memref<120xi32, #tpu.memory_space<vmem>>
        %dma_start3A_198 = arith.constant 0 : i32
        %dma_start3A_199 = arith.constant 0 : i32
        %dma_start3A_200 = tpu.memref_slice %arg7[%dma_start3A_198, %dma_start3A_199] : memref<10008x128xf32, #tpu.memory_space<vmem_shared>> -> memref<10008x128xf32, #tpu.memory_space<vmem_shared>>
        tpu.enqueue_indirect_dma source(%arg12 : memref<120x128xf32, #tpu.memory_space<vmem>>) target(%dma_start3A_200 : memref<10008x128xf32, #tpu.memory_space<vmem_shared>>) offsets(%dma_start3A_197 : memref<120xi32, #tpu.memory_space<vmem>>) semaphore(%arg18 : memref<!tpu.dma_semaphore, #tpu.memory_space<semaphore_mem>>) {add = true}
        %dma_wait3A_201 = arith.constant 2 : i32
        %dma_wait3A_202 = arith.constant 0 : i32
        %dma_wait3A_203 = tpu.memref_slice %arg11[%dma_wait3A_201, %dma_wait3A_202] : memref<6x120xi32, #tpu.memory_space<vmem>> -> memref<1x120xi32, #tpu.memory_space<vmem>>
        %dma_wait3A_204 = tpu.memref_squeeze %dma_wait3A_203 : memref<1x120xi32, #tpu.memory_space<vmem>> -> memref<120xi32, #tpu.memory_space<vmem>>
        %dma_wait3A_205 = arith.constant 0 : i32
        %dma_wait3A_206 = arith.constant 0 : i32
        %dma_wait3A_207 = tpu.memref_slice %arg7[%dma_wait3A_205, %dma_wait3A_206] : memref<10008x128xf32, #tpu.memory_space<vmem_shared>> -> memref<10008x128xf32, #tpu.memory_space<vmem_shared>>
        tpu.wait_indirect_dma semaphore(%arg20 : memref<!tpu.dma_semaphore, #tpu.memory_space<semaphore_mem>>) src(%arg14 : memref<120x128xf32, #tpu.memory_space<vmem>>) dst(%dma_wait3A_207 : memref<10008x128xf32, #tpu.memory_space<vmem_shared>>)
        %dma_start3A_208 = arith.constant 5 : i32
        %dma_start3A_209 = arith.constant 0 : i32
        %dma_start3A_210 = tpu.memref_slice %arg10[%dma_start3A_208, %dma_start3A_209] : memref<6x120xi32, #tpu.memory_space<vmem>> -> memref<1x120xi32, #tpu.memory_space<vmem>>
        %dma_start3A_211 = tpu.memref_squeeze %dma_start3A_210 : memref<1x120xi32, #tpu.memory_space<vmem>> -> memref<120xi32, #tpu.memory_space<vmem>>
        %dma_start3A_212 = arith.constant 0 : i32
        %dma_start3A_213 = arith.constant 0 : i32
        %dma_start3A_214 = tpu.memref_slice %arg2[%dma_start3A_212, %dma_start3A_213] : memref<20000x128xf32, #tpu.memory_space<hbm>> -> memref<20000x128xf32, #tpu.memory_space<hbm>>
        tpu.enqueue_indirect_dma source(%dma_start3A_214 : memref<20000x128xf32, #tpu.memory_space<hbm>>) target(%arg14 : memref<120x128xf32, #tpu.memory_space<vmem>>) offsets(%dma_start3A_211 : memref<120xi32, #tpu.memory_space<vmem>>) semaphore(%arg17 : memref<!tpu.dma_semaphore, #tpu.memory_space<semaphore_mem>>)
        %dma_wait3A_215 = arith.constant 4 : i32
        %dma_wait3A_216 = arith.constant 0 : i32
        %dma_wait3A_217 = tpu.memref_slice %arg10[%dma_wait3A_215, %dma_wait3A_216] : memref<6x120xi32, #tpu.memory_space<vmem>> -> memref<1x120xi32, #tpu.memory_space<vmem>>
        %dma_wait3A_218 = tpu.memref_squeeze %dma_wait3A_217 : memref<1x120xi32, #tpu.memory_space<vmem>> -> memref<120xi32, #tpu.memory_space<vmem>>
        %dma_wait3A_219 = arith.constant 0 : i32
        %dma_wait3A_220 = arith.constant 0 : i32
        %dma_wait3A_221 = tpu.memref_slice %arg2[%dma_wait3A_219, %dma_wait3A_220] : memref<20000x128xf32, #tpu.memory_space<hbm>> -> memref<20000x128xf32, #tpu.memory_space<hbm>>
        tpu.wait_indirect_dma semaphore(%arg16 : memref<!tpu.dma_semaphore, #tpu.memory_space<semaphore_mem>>) src(%dma_wait3A_221 : memref<20000x128xf32, #tpu.memory_space<hbm>>) dst(%arg13 : memref<120x128xf32, #tpu.memory_space<vmem>>)
        %dma_start3A_222 = arith.constant 4 : i32
        %dma_start3A_223 = arith.constant 0 : i32
        %dma_start3A_224 = tpu.memref_slice %arg11[%dma_start3A_222, %dma_start3A_223] : memref<6x120xi32, #tpu.memory_space<vmem>> -> memref<1x120xi32, #tpu.memory_space<vmem>>
        %dma_start3A_225 = tpu.memref_squeeze %dma_start3A_224 : memref<1x120xi32, #tpu.memory_space<vmem>> -> memref<120xi32, #tpu.memory_space<vmem>>
        %dma_start3A_226 = arith.constant 0 : i32
        %dma_start3A_227 = arith.constant 0 : i32
        %dma_start3A_228 = tpu.memref_slice %arg7[%dma_start3A_226, %dma_start3A_227] : memref<10008x128xf32, #tpu.memory_space<vmem_shared>> -> memref<10008x128xf32, #tpu.memory_space<vmem_shared>>
        tpu.enqueue_indirect_dma source(%arg13 : memref<120x128xf32, #tpu.memory_space<vmem>>) target(%dma_start3A_228 : memref<10008x128xf32, #tpu.memory_space<vmem_shared>>) offsets(%dma_start3A_225 : memref<120xi32, #tpu.memory_space<vmem>>) semaphore(%arg19 : memref<!tpu.dma_semaphore, #tpu.memory_space<semaphore_mem>>) {add = true}
        %lt3A_229 = arith.constant 13 : i32
        %lt3A_230 = arith.cmpi slt, %add3A_63, %lt3A_229 : i32
        %convert_element_type3A_231 = arith.extui %lt3A_230 : i1 to i32
        %cond3A_232 = arith.constant 0 : i32
        %cond3A_233 = arith.cmpi ne, %convert_element_type3A_231, %cond3A_232 : i32
        scf.if %cond3A_233 {
          %dma_wait3A_253 = arith.constant 3 : i32
          %dma_wait3A_254 = arith.constant 0 : i32
          %dma_wait3A_255 = tpu.memref_slice %arg11[%dma_wait3A_253, %dma_wait3A_254] : memref<6x120xi32, #tpu.memory_space<vmem>> -> memref<1x120xi32, #tpu.memory_space<vmem>>
          %dma_wait3A_256 = tpu.memref_squeeze %dma_wait3A_255 : memref<1x120xi32, #tpu.memory_space<vmem>> -> memref<120xi32, #tpu.memory_space<vmem>>
          %dma_wait3A_257 = arith.constant 0 : i32
          %dma_wait3A_258 = arith.constant 0 : i32
          %dma_wait3A_259 = tpu.memref_slice %arg7[%dma_wait3A_257, %dma_wait3A_258] : memref<10008x128xf32, #tpu.memory_space<vmem_shared>> -> memref<10008x128xf32, #tpu.memory_space<vmem_shared>>
          tpu.wait_indirect_dma semaphore(%arg18 : memref<!tpu.dma_semaphore, #tpu.memory_space<semaphore_mem>>) src(%arg12 : memref<120x128xf32, #tpu.memory_space<vmem>>) dst(%dma_wait3A_259 : memref<10008x128xf32, #tpu.memory_space<vmem_shared>>)
          %mul3A_260 = arith.constant 14 : i32
          %mul3A_261 = arith.muli %add3A, %mul3A_260 : i32
          %add3A_262 = arith.addi %mul3A_261, %add3A_63 : i32
          %add3A_263 = arith.constant 1 : i32
          %add3A_264 = arith.addi %add3A_262, %add3A_263 : i32
          %dma_wait3A_265 = arith.constant 0 : i32
          %dma_wait3A_266 = arith.constant 0 : i32
          %dma_wait3A_267 = tpu.memref_slice %arg3[%add3A_264, %dma_wait3A_265, %dma_wait3A_266] : memref<448x6x120xi32, #tpu.memory_space<hbm>> -> memref<1x6x120xi32, #tpu.memory_space<hbm>>
          %dma_wait3A_268 = tpu.memref_squeeze %dma_wait3A_267 : memref<1x6x120xi32, #tpu.memory_space<hbm>> -> memref<6x120xi32, #tpu.memory_space<hbm>>
          %dma_wait3A_269 = arith.constant 0 : i32
          %dma_wait3A_270 = arith.constant 0 : i32
          %dma_wait3A_271 = tpu.memref_slice %arg3[%add3A_264, %dma_wait3A_269, %dma_wait3A_270] : memref<448x6x120xi32, #tpu.memory_space<hbm>> -> memref<1x6x120xi32, #tpu.memory_space<hbm>>
          %dma_wait3A_272 = tpu.memref_squeeze %dma_wait3A_271 : memref<1x6x120xi32, #tpu.memory_space<hbm>> -> memref<6x120xi32, #tpu.memory_space<hbm>>
          tpu.wait_dma2 semaphore(%arg21 : memref<!tpu.dma_semaphore, #tpu.memory_space<semaphore_mem>>) src(%dma_wait3A_272 : memref<6x120xi32, #tpu.memory_space<hbm>>) dst(%arg8 : memref<6x120xi32, #tpu.memory_space<vmem>>)
          %mul3A_273 = arith.constant 14 : i32
          %mul3A_274 = arith.muli %arg1, %mul3A_273 : i32
          %add3A_275 = arith.addi %mul3A_274, %add3A_63 : i32
          %add3A_276 = arith.constant 1 : i32
          %add3A_277 = arith.addi %add3A_275, %add3A_276 : i32
          %dma_wait3A_278 = arith.constant 0 : i32
          %dma_wait3A_279 = arith.constant 0 : i32
          %dma_wait3A_280 = tpu.memref_slice %arg4[%add3A_277, %dma_wait3A_278, %dma_wait3A_279] : memref<224x6x120xi32, #tpu.memory_space<hbm>> -> memref<1x6x120xi32, #tpu.memory_space<hbm>>
          %dma_wait3A_281 = tpu.memref_squeeze %dma_wait3A_280 : memref<1x6x120xi32, #tpu.memory_space<hbm>> -> memref<6x120xi32, #tpu.memory_space<hbm>>
          %dma_wait3A_282 = arith.constant 0 : i32
          %dma_wait3A_283 = arith.constant 0 : i32
          %dma_wait3A_284 = tpu.memref_slice %arg4[%add3A_277, %dma_wait3A_282, %dma_wait3A_283] : memref<224x6x120xi32, #tpu.memory_space<hbm>> -> memref<1x6x120xi32, #tpu.memory_space<hbm>>
          %dma_wait3A_285 = tpu.memref_squeeze %dma_wait3A_284 : memref<1x6x120xi32, #tpu.memory_space<hbm>> -> memref<6x120xi32, #tpu.memory_space<hbm>>
          tpu.wait_dma2 semaphore(%arg21 : memref<!tpu.dma_semaphore, #tpu.memory_space<semaphore_mem>>) src(%dma_wait3A_285 : memref<6x120xi32, #tpu.memory_space<hbm>>) dst(%arg9 : memref<6x120xi32, #tpu.memory_space<vmem>>)
          %dma_start3A_286 = arith.constant 0 : i32
          %dma_start3A_287 = arith.constant 0 : i32
          %dma_start3A_288 = tpu.memref_slice %arg8[%dma_start3A_286, %dma_start3A_287] : memref<6x120xi32, #tpu.memory_space<vmem>> -> memref<1x120xi32, #tpu.memory_space<vmem>>
          %dma_start3A_289 = tpu.memref_squeeze %dma_start3A_288 : memref<1x120xi32, #tpu.memory_space<vmem>> -> memref<120xi32, #tpu.memory_space<vmem>>
          %dma_start3A_290 = arith.constant 0 : i32
          %dma_start3A_291 = arith.constant 0 : i32
          %dma_start3A_292 = tpu.memref_slice %arg2[%dma_start3A_290, %dma_start3A_291] : memref<20000x128xf32, #tpu.memory_space<hbm>> -> memref<20000x128xf32, #tpu.memory_space<hbm>>
          tpu.enqueue_indirect_dma source(%dma_start3A_292 : memref<20000x128xf32, #tpu.memory_space<hbm>>) target(%arg12 : memref<120x128xf32, #tpu.memory_space<vmem>>) offsets(%dma_start3A_289 : memref<120xi32, #tpu.memory_space<vmem>>) semaphore(%arg15 : memref<!tpu.dma_semaphore, #tpu.memory_space<semaphore_mem>>)
        } else {
        }
        %dma_wait3A_234 = arith.constant 5 : i32
        %dma_wait3A_235 = arith.constant 0 : i32
        %dma_wait3A_236 = tpu.memref_slice %arg10[%dma_wait3A_234, %dma_wait3A_235] : memref<6x120xi32, #tpu.memory_space<vmem>> -> memref<1x120xi32, #tpu.memory_space<vmem>>
        %dma_wait3A_237 = tpu.memref_squeeze %dma_wait3A_236 : memref<1x120xi32, #tpu.memory_space<vmem>> -> memref<120xi32, #tpu.memory_space<vmem>>
        %dma_wait3A_238 = arith.constant 0 : i32
        %dma_wait3A_239 = arith.constant 0 : i32
        %dma_wait3A_240 = tpu.memref_slice %arg2[%dma_wait3A_238, %dma_wait3A_239] : memref<20000x128xf32, #tpu.memory_space<hbm>> -> memref<20000x128xf32, #tpu.memory_space<hbm>>
        tpu.wait_indirect_dma semaphore(%arg17 : memref<!tpu.dma_semaphore, #tpu.memory_space<semaphore_mem>>) src(%dma_wait3A_240 : memref<20000x128xf32, #tpu.memory_space<hbm>>) dst(%arg14 : memref<120x128xf32, #tpu.memory_space<vmem>>)
        %dma_start3A_241 = arith.constant 5 : i32
        %dma_start3A_242 = arith.constant 0 : i32
        %dma_start3A_243 = tpu.memref_slice %arg11[%dma_start3A_241, %dma_start3A_242] : memref<6x120xi32, #tpu.memory_space<vmem>> -> memref<1x120xi32, #tpu.memory_space<vmem>>
        %dma_start3A_244 = tpu.memref_squeeze %dma_start3A_243 : memref<1x120xi32, #tpu.memory_space<vmem>> -> memref<120xi32, #tpu.memory_space<vmem>>
        %dma_start3A_245 = arith.constant 0 : i32
        %dma_start3A_246 = arith.constant 0 : i32
        %dma_start3A_247 = tpu.memref_slice %arg7[%dma_start3A_245, %dma_start3A_246] : memref<10008x128xf32, #tpu.memory_space<vmem_shared>> -> memref<10008x128xf32, #tpu.memory_space<vmem_shared>>
        tpu.enqueue_indirect_dma source(%arg14 : memref<120x128xf32, #tpu.memory_space<vmem>>) target(%dma_start3A_247 : memref<10008x128xf32, #tpu.memory_space<vmem_shared>>) offsets(%dma_start3A_244 : memref<120xi32, #tpu.memory_space<vmem>>) semaphore(%arg20 : memref<!tpu.dma_semaphore, #tpu.memory_space<semaphore_mem>>) {add = true}
        %lt3A_248 = arith.constant 13 : i32
        %lt3A_249 = arith.cmpi slt, %add3A_63, %lt3A_248 : i32
        %convert_element_type3A_250 = arith.extui %lt3A_249 : i1 to i32
        %cond3A_251 = arith.constant 0 : i32
        %cond3A_252 = arith.cmpi ne, %convert_element_type3A_250, %cond3A_251 : i32
        scf.if %cond3A_252 {
          %dma_wait3A_253 = arith.constant 4 : i32
          %dma_wait3A_254 = arith.constant 0 : i32
          %dma_wait3A_255 = tpu.memref_slice %arg11[%dma_wait3A_253, %dma_wait3A_254] : memref<6x120xi32, #tpu.memory_space<vmem>> -> memref<1x120xi32, #tpu.memory_space<vmem>>
          %dma_wait3A_256 = tpu.memref_squeeze %dma_wait3A_255 : memref<1x120xi32, #tpu.memory_space<vmem>> -> memref<120xi32, #tpu.memory_space<vmem>>
          %dma_wait3A_257 = arith.constant 0 : i32
          %dma_wait3A_258 = arith.constant 0 : i32
          %dma_wait3A_259 = tpu.memref_slice %arg7[%dma_wait3A_257, %dma_wait3A_258] : memref<10008x128xf32, #tpu.memory_space<vmem_shared>> -> memref<10008x128xf32, #tpu.memory_space<vmem_shared>>
          tpu.wait_indirect_dma semaphore(%arg19 : memref<!tpu.dma_semaphore, #tpu.memory_space<semaphore_mem>>) src(%arg13 : memref<120x128xf32, #tpu.memory_space<vmem>>) dst(%dma_wait3A_259 : memref<10008x128xf32, #tpu.memory_space<vmem_shared>>)
          %dma_start3A_260 = arith.constant 1 : i32
          %dma_start3A_261 = arith.constant 0 : i32
          %dma_start3A_262 = tpu.memref_slice %arg8[%dma_start3A_260, %dma_start3A_261] : memref<6x120xi32, #tpu.memory_space<vmem>> -> memref<1x120xi32, #tpu.memory_space<vmem>>
          %dma_start3A_263 = tpu.memref_squeeze %dma_start3A_262 : memref<1x120xi32, #tpu.memory_space<vmem>> -> memref<120xi32, #tpu.memory_space<vmem>>
          %dma_start3A_264 = arith.constant 0 : i32
          %dma_start3A_265 = arith.constant 0 : i32
          %dma_start3A_266 = tpu.memref_slice %arg2[%dma_start3A_264, %dma_start3A_265] : memref<20000x128xf32, #tpu.memory_space<hbm>> -> memref<20000x128xf32, #tpu.memory_space<hbm>>
          tpu.enqueue_indirect_dma source(%dma_start3A_266 : memref<20000x128xf32, #tpu.memory_space<hbm>>) target(%arg13 : memref<120x128xf32, #tpu.memory_space<vmem>>) offsets(%dma_start3A_263 : memref<120xi32, #tpu.memory_space<vmem>>) semaphore(%arg16 : memref<!tpu.dma_semaphore, #tpu.memory_space<semaphore_mem>>)
        } else {
        }
      } else {
      }
    }
    %scan3A_27 = arith.constant 14 : i32
    %dma_wait3A = arith.constant 3 : i32
    %dma_wait3A_28 = arith.constant 0 : i32
    %dma_wait3A_29 = tpu.memref_slice %arg11[%dma_wait3A, %dma_wait3A_28] : memref<6x120xi32, #tpu.memory_space<vmem>> -> memref<1x120xi32, #tpu.memory_space<vmem>>
    %dma_wait3A_30 = tpu.memref_squeeze %dma_wait3A_29 : memref<1x120xi32, #tpu.memory_space<vmem>> -> memref<120xi32, #tpu.memory_space<vmem>>
    %dma_wait3A_31 = arith.constant 0 : i32
    %dma_wait3A_32 = arith.constant 0 : i32
    %dma_wait3A_33 = tpu.memref_slice %arg7[%dma_wait3A_31, %dma_wait3A_32] : memref<10008x128xf32, #tpu.memory_space<vmem_shared>> -> memref<10008x128xf32, #tpu.memory_space<vmem_shared>>
    tpu.wait_indirect_dma semaphore(%arg18 : memref<!tpu.dma_semaphore, #tpu.memory_space<semaphore_mem>>) src(%arg12 : memref<120x128xf32, #tpu.memory_space<vmem>>) dst(%dma_wait3A_33 : memref<10008x128xf32, #tpu.memory_space<vmem_shared>>)
    %dma_wait3A_34 = arith.constant 4 : i32
    %dma_wait3A_35 = arith.constant 0 : i32
    %dma_wait3A_36 = tpu.memref_slice %arg11[%dma_wait3A_34, %dma_wait3A_35] : memref<6x120xi32, #tpu.memory_space<vmem>> -> memref<1x120xi32, #tpu.memory_space<vmem>>
    %dma_wait3A_37 = tpu.memref_squeeze %dma_wait3A_36 : memref<1x120xi32, #tpu.memory_space<vmem>> -> memref<120xi32, #tpu.memory_space<vmem>>
    %dma_wait3A_38 = arith.constant 0 : i32
    %dma_wait3A_39 = arith.constant 0 : i32
    %dma_wait3A_40 = tpu.memref_slice %arg7[%dma_wait3A_38, %dma_wait3A_39] : memref<10008x128xf32, #tpu.memory_space<vmem_shared>> -> memref<10008x128xf32, #tpu.memory_space<vmem_shared>>
    tpu.wait_indirect_dma semaphore(%arg19 : memref<!tpu.dma_semaphore, #tpu.memory_space<semaphore_mem>>) src(%arg13 : memref<120x128xf32, #tpu.memory_space<vmem>>) dst(%dma_wait3A_40 : memref<10008x128xf32, #tpu.memory_space<vmem_shared>>)
    %dma_wait3A_41 = arith.constant 5 : i32
    %dma_wait3A_42 = arith.constant 0 : i32
    %dma_wait3A_43 = tpu.memref_slice %arg11[%dma_wait3A_41, %dma_wait3A_42] : memref<6x120xi32, #tpu.memory_space<vmem>> -> memref<1x120xi32, #tpu.memory_space<vmem>>
    %dma_wait3A_44 = tpu.memref_squeeze %dma_wait3A_43 : memref<1x120xi32, #tpu.memory_space<vmem>> -> memref<120xi32, #tpu.memory_space<vmem>>
    %dma_wait3A_45 = arith.constant 0 : i32
    %dma_wait3A_46 = arith.constant 0 : i32
    %dma_wait3A_47 = tpu.memref_slice %arg7[%dma_wait3A_45, %dma_wait3A_46] : memref<10008x128xf32, #tpu.memory_space<vmem_shared>> -> memref<10008x128xf32, #tpu.memory_space<vmem_shared>>
    tpu.wait_indirect_dma semaphore(%arg20 : memref<!tpu.dma_semaphore, #tpu.memory_space<semaphore_mem>>) src(%arg14 : memref<120x128xf32, #tpu.memory_space<vmem>>) dst(%dma_wait3A_47 : memref<10008x128xf32, #tpu.memory_space<vmem_shared>>)
    %barrier3A_48 = arith.constant 0 : index
    tpu.barrier barrier_id(%barrier3A_48)
    %lt3A_49 = arith.constant 15 : i32
    %lt3A_50 = arith.cmpi slt, %arg1, %lt3A_49 : i32
    %convert_element_type3A_51 = arith.extui %lt3A_50 : i1 to i32
    %cond3A_52 = arith.constant 0 : i32
    %cond3A_53 = arith.cmpi ne, %convert_element_type3A_51, %cond3A_52 : i32
    scf.if %cond3A_53 {
      %mul3A_59 = arith.constant 624 : i32
      %mul3A_60 = arith.muli %arg1, %mul3A_59 : i32
      %mul3A_61 = arith.constant 10000 : i32
      %mul3A_62 = arith.muli %arg0, %mul3A_61 : i32
      %mul3A_63 = arith.constant 624 : i32
      %mul3A_64 = arith.muli %arg1, %mul3A_63 : i32
      %add3A_65 = arith.addi %mul3A_62, %mul3A_64 : i32
      "tpu.region"() ({
        %run_scoped3A = tpu.sem_alloc : memref<!tpu.dma_semaphore, #tpu.memory_space<semaphore_mem>>
        %dma_start3A_66 = arith.constant 0 : i32
        %dma_start3A_67 = tpu.memref_slice %arg6[%add3A_65, %dma_start3A_66] : memref<20000x128xf32, #tpu.memory_space<hbm>> -> memref<624x128xf32, #tpu.memory_space<hbm>>
        %dma_start3A_68 = arith.constant 0 : i32
        %dma_start3A_69 = tpu.memref_slice %arg7[%mul3A_60, %dma_start3A_68] : memref<10008x128xf32, #tpu.memory_space<vmem_shared>> -> memref<624x128xf32, #tpu.memory_space<vmem_shared>>
        tpu.enqueue_dma source(%dma_start3A_69 : memref<624x128xf32, #tpu.memory_space<vmem_shared>>) target(%dma_start3A_67 : memref<624x128xf32, #tpu.memory_space<hbm>>) target_semaphore(%run_scoped3A : memref<!tpu.dma_semaphore, #tpu.memory_space<semaphore_mem>>)
        %dma_wait3A_70 = arith.constant 0 : i32
        %dma_wait3A_71 = tpu.memref_slice %arg6[%add3A_65, %dma_wait3A_70] : memref<20000x128xf32, #tpu.memory_space<hbm>> -> memref<624x128xf32, #tpu.memory_space<hbm>>
        %dma_wait3A_72 = arith.constant 0 : i32
        %dma_wait3A_73 = tpu.memref_slice %arg7[%mul3A_60, %dma_wait3A_72] : memref<10008x128xf32, #tpu.memory_space<vmem_shared>> -> memref<624x128xf32, #tpu.memory_space<vmem_shared>>
        tpu.wait_dma2 semaphore(%run_scoped3A : memref<!tpu.dma_semaphore, #tpu.memory_space<semaphore_mem>>) src(%dma_wait3A_73 : memref<624x128xf32, #tpu.memory_space<vmem_shared>>) dst(%dma_wait3A_71 : memref<624x128xf32, #tpu.memory_space<hbm>>)
        tpu.yield
      }) : () -> ()
    } else {
    }
    %eq3A_54 = arith.constant 15 : i32
    %eq3A_55 = arith.cmpi eq, %arg1, %eq3A_54 : i32
    %convert_element_type3A_56 = arith.extui %eq3A_55 : i1 to i32
    %cond3A_57 = arith.constant 0 : i32
    %cond3A_58 = arith.cmpi ne, %convert_element_type3A_56, %cond3A_57 : i32
    scf.if %cond3A_58 {
      %mul3A_59 = arith.constant 10000 : i32
      %mul3A_60 = arith.muli %arg0, %mul3A_59 : i32
      %add3A_61 = arith.constant 9360 : i32
      %add3A_62 = arith.addi %mul3A_60, %add3A_61 : i32
      "tpu.region"() ({
        %run_scoped3A = tpu.sem_alloc : memref<!tpu.dma_semaphore, #tpu.memory_space<semaphore_mem>>
        %dma_start3A_63 = arith.constant 0 : i32
        %dma_start3A_64 = tpu.memref_slice %arg6[%add3A_62, %dma_start3A_63] : memref<20000x128xf32, #tpu.memory_space<hbm>> -> memref<640x128xf32, #tpu.memory_space<hbm>>
        %dma_start3A_65 = arith.constant 9360 : i32
        %dma_start3A_66 = arith.constant 0 : i32
        %dma_start3A_67 = tpu.memref_slice %arg7[%dma_start3A_65, %dma_start3A_66] : memref<10008x128xf32, #tpu.memory_space<vmem_shared>> -> memref<640x128xf32, #tpu.memory_space<vmem_shared>>
        tpu.enqueue_dma source(%dma_start3A_67 : memref<640x128xf32, #tpu.memory_space<vmem_shared>>) target(%dma_start3A_64 : memref<640x128xf32, #tpu.memory_space<hbm>>) target_semaphore(%run_scoped3A : memref<!tpu.dma_semaphore, #tpu.memory_space<semaphore_mem>>)
        %dma_wait3A_68 = arith.constant 0 : i32
        %dma_wait3A_69 = tpu.memref_slice %arg6[%add3A_62, %dma_wait3A_68] : memref<20000x128xf32, #tpu.memory_space<hbm>> -> memref<640x128xf32, #tpu.memory_space<hbm>>
        %dma_wait3A_70 = arith.constant 9360 : i32
        %dma_wait3A_71 = arith.constant 0 : i32
        %dma_wait3A_72 = tpu.memref_slice %arg7[%dma_wait3A_70, %dma_wait3A_71] : memref<10008x128xf32, #tpu.memory_space<vmem_shared>> -> memref<640x128xf32, #tpu.memory_space<vmem_shared>>
        tpu.wait_dma2 semaphore(%run_scoped3A : memref<!tpu.dma_semaphore, #tpu.memory_space<semaphore_mem>>) src(%dma_wait3A_72 : memref<640x128xf32, #tpu.memory_space<vmem_shared>>) dst(%dma_wait3A_69 : memref<640x128xf32, #tpu.memory_space<hbm>>)
        tpu.yield
      }) : () -> ()
    } else {
    }
    return
  }
}

#map = affine_map<(d0, d1) -> (0, 0)>
#map1 = affine_map<(d0, d1) -> (0, 0, 0)>
module attributes {stable_mosaic.version = 14 : i64} {
  func.func @_sc_segsum(%arg0: i32, %arg1: i32, %arg2: memref<20000x128xf32, #tpu.memory_space<hbm>>, %arg3: memref<448x6x120xi32, #tpu.memory_space<hbm>>, %arg4: memref<224x6x120xi32, #tpu.memory_space<hbm>>, %arg5: memref<648x128xf32, #tpu.memory_space<hbm>>, %arg6: memref<20000x128xf32, #tpu.memory_space<hbm>>, %arg7: memref<10008x128xf32, #tpu.memory_space<vmem_shared>>, %arg8: memref<6x120xi32, #tpu.memory_space<vmem>>, %arg9: memref<6x120xi32, #tpu.memory_space<vmem>>, %arg10: memref<6x120xi32, #tpu.memory_space<vmem>>, %arg11: memref<6x120xi32, #tpu.memory_space<vmem>>, %arg12: memref<120x128xf32, #tpu.memory_space<vmem>>, %arg13: memref<120x128xf32, #tpu.memory_space<vmem>>, %arg14: memref<120x128xf32, #tpu.memory_space<vmem>>, %arg15: memref<!tpu.dma_semaphore, #tpu.memory_space<semaphore_mem>>, %arg16: memref<!tpu.dma_semaphore, #tpu.memory_space<semaphore_mem>>, %arg17: memref<!tpu.dma_semaphore, #tpu.memory_space<semaphore_mem>>, %arg18: memref<!tpu.dma_semaphore, #tpu.memory_space<semaphore_mem>>, %arg19: memref<!tpu.dma_semaphore, #tpu.memory_space<semaphore_mem>>, %arg20: memref<!tpu.dma_semaphore, #tpu.memory_space<semaphore_mem>>, %arg21: memref<!tpu.dma_semaphore, #tpu.memory_space<semaphore_mem>>) attributes {dimension_semantics = [#tpu.dimension_semantics<core_parallel>, #tpu.dimension_semantics<subcore_parallel>], iteration_bounds = array<i64: 2, 16>, scalar_prefetch = 0 : i64, scratch_operands = 15 : i64, tpu.core_type = #tpu.core_type<sc_vector_subcore>, window_params = [{transform_indices = #map}, {transform_indices = #map1}, {transform_indices = #map1}, {transform_indices = #map}, {transform_indices = #map}]} {
    %mul3A = arith.constant 16 : i32
    %mul3A_0 = arith.muli %arg0, %mul3A : i32
    %add3A = arith.addi %mul3A_0, %arg1 : i32
    %mul3A_1 = arith.constant 14 : i32
    %mul3A_2 = arith.muli %add3A, %mul3A_1 : i32
    "tpu.region"() ({
      %run_scoped3A = tpu.sem_alloc : memref<!tpu.dma_semaphore, #tpu.memory_space<semaphore_mem>>
      %dma_start3A_59 = arith.constant 0 : i32
      %dma_start3A_60 = arith.constant 0 : i32
      %dma_start3A_61 = tpu.memref_slice %arg3[%mul3A_2, %dma_start3A_59, %dma_start3A_60] : memref<448x6x120xi32, #tpu.memory_space<hbm>> -> memref<1x6x120xi32, #tpu.memory_space<hbm>>
      %dma_start3A_62 = tpu.memref_squeeze %dma_start3A_61 : memref<1x6x120xi32, #tpu.memory_space<hbm>> -> memref<6x120xi32, #tpu.memory_space<hbm>>
      %dma_start3A_63 = arith.constant 0 : i32
      %dma_start3A_64 = arith.constant 0 : i32
      %dma_start3A_65 = tpu.memref_slice %arg3[%mul3A_2, %dma_start3A_63, %dma_start3A_64] : memref<448x6x120xi32, #tpu.memory_space<hbm>> -> memref<1x6x120xi32, #tpu.memory_space<hbm>>
      %dma_start3A_66 = tpu.memref_squeeze %dma_start3A_65 : memref<1x6x120xi32, #tpu.memory_space<hbm>> -> memref<6x120xi32, #tpu.memory_space<hbm>>
      tpu.enqueue_dma source(%dma_start3A_66 : memref<6x120xi32, #tpu.memory_space<hbm>>) target(%arg8 : memref<6x120xi32, #tpu.memory_space<vmem>>) target_semaphore(%run_scoped3A : memref<!tpu.dma_semaphore, #tpu.memory_space<semaphore_mem>>)
      %dma_wait3A_67 = arith.constant 0 : i32
      %dma_wait3A_68 = arith.constant 0 : i32
      %dma_wait3A_69 = tpu.memref_slice %arg3[%mul3A_2, %dma_wait3A_67, %dma_wait3A_68] : memref<448x6x120xi32, #tpu.memory_space<hbm>> -> memref<1x6x120xi32, #tpu.memory_space<hbm>>
      %dma_wait3A_70 = tpu.memref_squeeze %dma_wait3A_69 : memref<1x6x120xi32, #tpu.memory_space<hbm>> -> memref<6x120xi32, #tpu.memory_space<hbm>>
      %dma_wait3A_71 = arith.constant 0 : i32
      %dma_wait3A_72 = arith.constant 0 : i32
      %dma_wait3A_73 = tpu.memref_slice %arg3[%mul3A_2, %dma_wait3A_71, %dma_wait3A_72] : memref<448x6x120xi32, #tpu.memory_space<hbm>> -> memref<1x6x120xi32, #tpu.memory_space<hbm>>
      %dma_wait3A_74 = tpu.memref_squeeze %dma_wait3A_73 : memref<1x6x120xi32, #tpu.memory_space<hbm>> -> memref<6x120xi32, #tpu.memory_space<hbm>>
      tpu.wait_dma2 semaphore(%run_scoped3A : memref<!tpu.dma_semaphore, #tpu.memory_space<semaphore_mem>>) src(%dma_wait3A_74 : memref<6x120xi32, #tpu.memory_space<hbm>>) dst(%arg8 : memref<6x120xi32, #tpu.memory_space<vmem>>)
      tpu.yield
    }) : () -> ()
    %mul3A_3 = arith.constant 14 : i32
    %mul3A_4 = arith.muli %arg1, %mul3A_3 : i32
    "tpu.region"() ({
      %run_scoped3A = tpu.sem_alloc : memref<!tpu.dma_semaphore, #tpu.memory_space<semaphore_mem>>
      %dma_start3A_59 = arith.constant 0 : i32
      %dma_start3A_60 = arith.constant 0 : i32
      %dma_start3A_61 = tpu.memref_slice %arg4[%mul3A_4, %dma_start3A_59, %dma_start3A_60] : memref<224x6x120xi32, #tpu.memory_space<hbm>> -> memref<1x6x120xi32, #tpu.memory_space<hbm>>
      %dma_start3A_62 = tpu.memref_squeeze %dma_start3A_61 : memref<1x6x120xi32, #tpu.memory_space<hbm>> -> memref<6x120xi32, #tpu.memory_space<hbm>>
      %dma_start3A_63 = arith.constant 0 : i32
      %dma_start3A_64 = arith.constant 0 : i32
      %dma_start3A_65 = tpu.memref_slice %arg4[%mul3A_4, %dma_start3A_63, %dma_start3A_64] : memref<224x6x120xi32, #tpu.memory_space<hbm>> -> memref<1x6x120xi32, #tpu.memory_space<hbm>>
      %dma_start3A_66 = tpu.memref_squeeze %dma_start3A_65 : memref<1x6x120xi32, #tpu.memory_space<hbm>> -> memref<6x120xi32, #tpu.memory_space<hbm>>
      tpu.enqueue_dma source(%dma_start3A_66 : memref<6x120xi32, #tpu.memory_space<hbm>>) target(%arg9 : memref<6x120xi32, #tpu.memory_space<vmem>>) target_semaphore(%run_scoped3A : memref<!tpu.dma_semaphore, #tpu.memory_space<semaphore_mem>>)
      %dma_wait3A_67 = arith.constant 0 : i32
      %dma_wait3A_68 = arith.constant 0 : i32
      %dma_wait3A_69 = tpu.memref_slice %arg4[%mul3A_4, %dma_wait3A_67, %dma_wait3A_68] : memref<224x6x120xi32, #tpu.memory_space<hbm>> -> memref<1x6x120xi32, #tpu.memory_space<hbm>>
      %dma_wait3A_70 = tpu.memref_squeeze %dma_wait3A_69 : memref<1x6x120xi32, #tpu.memory_space<hbm>> -> memref<6x120xi32, #tpu.memory_space<hbm>>
      %dma_wait3A_71 = arith.constant 0 : i32
      %dma_wait3A_72 = arith.constant 0 : i32
      %dma_wait3A_73 = tpu.memref_slice %arg4[%mul3A_4, %dma_wait3A_71, %dma_wait3A_72] : memref<224x6x120xi32, #tpu.memory_space<hbm>> -> memref<1x6x120xi32, #tpu.memory_space<hbm>>
      %dma_wait3A_74 = tpu.memref_squeeze %dma_wait3A_73 : memref<1x6x120xi32, #tpu.memory_space<hbm>> -> memref<6x120xi32, #tpu.memory_space<hbm>>
      tpu.wait_dma2 semaphore(%run_scoped3A : memref<!tpu.dma_semaphore, #tpu.memory_space<semaphore_mem>>) src(%dma_wait3A_74 : memref<6x120xi32, #tpu.memory_space<hbm>>) dst(%arg9 : memref<6x120xi32, #tpu.memory_space<vmem>>)
      tpu.yield
    }) : () -> ()
    %lt3A = arith.constant 15 : i32
    %lt3A_5 = arith.cmpi slt, %arg1, %lt3A : i32
    %convert_element_type3A = arith.extui %lt3A_5 : i1 to i32
    %cond3A = arith.constant 0 : i32
    %cond3A_6 = arith.cmpi ne, %convert_element_type3A, %cond3A : i32
    scf.if %cond3A_6 {
      %mul3A_59 = arith.constant 624 : i32
      %mul3A_60 = arith.muli %arg1, %mul3A_59 : i32
      "tpu.region"() ({
        %run_scoped3A = tpu.sem_alloc : memref<!tpu.dma_semaphore, #tpu.memory_space<semaphore_mem>>
        %dma_start3A_61 = arith.constant 0 : i32
        %dma_start3A_62 = tpu.memref_slice %arg7[%mul3A_60, %dma_start3A_61] : memref<10008x128xf32, #tpu.memory_space<vmem_shared>> -> memref<624x128xf32, #tpu.memory_space<vmem_shared>>
        %dma_start3A_63 = arith.constant 0 : i32
        %dma_start3A_64 = arith.constant 0 : i32
        %dma_start3A_65 = tpu.memref_slice %arg5[%dma_start3A_63, %dma_start3A_64] : memref<648x128xf32, #tpu.memory_space<hbm>> -> memref<624x128xf32, #tpu.memory_space<hbm>>
        tpu.enqueue_dma source(%dma_start3A_65 : memref<624x128xf32, #tpu.memory_space<hbm>>) target(%dma_start3A_62 : memref<624x128xf32, #tpu.memory_space<vmem_shared>>) target_semaphore(%run_scoped3A : memref<!tpu.dma_semaphore, #tpu.memory_space<semaphore_mem>>)
        %dma_wait3A_66 = arith.constant 0 : i32
        %dma_wait3A_67 = tpu.memref_slice %arg7[%mul3A_60, %dma_wait3A_66] : memref<10008x128xf32, #tpu.memory_space<vmem_shared>> -> memref<624x128xf32, #tpu.memory_space<vmem_shared>>
        %dma_wait3A_68 = arith.constant 0 : i32
        %dma_wait3A_69 = arith.constant 0 : i32
        %dma_wait3A_70 = tpu.memref_slice %arg5[%dma_wait3A_68, %dma_wait3A_69] : memref<648x128xf32, #tpu.memory_space<hbm>> -> memref<624x128xf32, #tpu.memory_space<hbm>>
        tpu.wait_dma2 semaphore(%run_scoped3A : memref<!tpu.dma_semaphore, #tpu.memory_space<semaphore_mem>>) src(%dma_wait3A_70 : memref<624x128xf32, #tpu.memory_space<hbm>>) dst(%dma_wait3A_67 : memref<624x128xf32, #tpu.memory_space<vmem_shared>>)
        tpu.yield
      }) : () -> ()
    } else {
    }
    %eq3A = arith.constant 15 : i32
    %eq3A_7 = arith.cmpi eq, %arg1, %eq3A : i32
    %convert_element_type3A_8 = arith.extui %eq3A_7 : i1 to i32
    %cond3A_9 = arith.constant 0 : i32
    %cond3A_10 = arith.cmpi ne, %convert_element_type3A_8, %cond3A_9 : i32
    scf.if %cond3A_10 {
      "tpu.region"() ({
        %run_scoped3A = tpu.sem_alloc : memref<!tpu.dma_semaphore, #tpu.memory_space<semaphore_mem>>
        %dma_start3A_59 = arith.constant 9360 : i32
        %dma_start3A_60 = arith.constant 0 : i32
        %dma_start3A_61 = tpu.memref_slice %arg7[%dma_start3A_59, %dma_start3A_60] : memref<10008x128xf32, #tpu.memory_space<vmem_shared>> -> memref<648x128xf32, #tpu.memory_space<vmem_shared>>
        tpu.enqueue_dma source(%arg5 : memref<648x128xf32, #tpu.memory_space<hbm>>) target(%dma_start3A_61 : memref<648x128xf32, #tpu.memory_space<vmem_shared>>) target_semaphore(%run_scoped3A : memref<!tpu.dma_semaphore, #tpu.memory_space<semaphore_mem>>)
        %dma_wait3A_62 = arith.constant 9360 : i32
        %dma_wait3A_63 = arith.constant 0 : i32
        %dma_wait3A_64 = tpu.memref_slice %arg7[%dma_wait3A_62, %dma_wait3A_63] : memref<10008x128xf32, #tpu.memory_space<vmem_shared>> -> memref<648x128xf32, #tpu.memory_space<vmem_shared>>
        tpu.wait_dma2 semaphore(%run_scoped3A : memref<!tpu.dma_semaphore, #tpu.memory_space<semaphore_mem>>) src(%arg5 : memref<648x128xf32, #tpu.memory_space<hbm>>) dst(%dma_wait3A_64 : memref<648x128xf32, #tpu.memory_space<vmem_shared>>)
        tpu.yield
      }) : () -> ()
    } else {
    }
    %dma_start3A = arith.constant 0 : i32
    %dma_start3A_11 = arith.constant 0 : i32
    %dma_start3A_12 = tpu.memref_slice %arg8[%dma_start3A, %dma_start3A_11] : memref<6x120xi32, #tpu.memory_space<vmem>> -> memref<1x120xi32, #tpu.memory_space<vmem>>
    %dma_start3A_13 = tpu.memref_squeeze %dma_start3A_12 : memref<1x120xi32, #tpu.memory_space<vmem>> -> memref<120xi32, #tpu.memory_space<vmem>>
    %dma_start3A_14 = arith.constant 0 : i32
    %dma_start3A_15 = arith.constant 0 : i32
    %dma_start3A_16 = tpu.memref_slice %arg2[%dma_start3A_14, %dma_start3A_15] : memref<20000x128xf32, #tpu.memory_space<hbm>> -> memref<20000x128xf32, #tpu.memory_space<hbm>>
    tpu.enqueue_indirect_dma source(%dma_start3A_16 : memref<20000x128xf32, #tpu.memory_space<hbm>>) target(%arg12 : memref<120x128xf32, #tpu.memory_space<vmem>>) offsets(%dma_start3A_13 : memref<120xi32, #tpu.memory_space<vmem>>) semaphore(%arg15 : memref<!tpu.dma_semaphore, #tpu.memory_space<semaphore_mem>>)
    %dma_start3A_17 = arith.constant 1 : i32
    %dma_start3A_18 = arith.constant 0 : i32
    %dma_start3A_19 = tpu.memref_slice %arg8[%dma_start3A_17, %dma_start3A_18] : memref<6x120xi32, #tpu.memory_space<vmem>> -> memref<1x120xi32, #tpu.memory_space<vmem>>
    %dma_start3A_20 = tpu.memref_squeeze %dma_start3A_19 : memref<1x120xi32, #tpu.memory_space<vmem>> -> memref<120xi32, #tpu.memory_space<vmem>>
    %dma_start3A_21 = arith.constant 0 : i32
    %dma_start3A_22 = arith.constant 0 : i32
    %dma_start3A_23 = tpu.memref_slice %arg2[%dma_start3A_21, %dma_start3A_22] : memref<20000x128xf32, #tpu.memory_space<hbm>> -> memref<20000x128xf32, #tpu.memory_space<hbm>>
    tpu.enqueue_indirect_dma source(%dma_start3A_23 : memref<20000x128xf32, #tpu.memory_space<hbm>>) target(%arg13 : memref<120x128xf32, #tpu.memory_space<vmem>>) offsets(%dma_start3A_20 : memref<120xi32, #tpu.memory_space<vmem>>) semaphore(%arg16 : memref<!tpu.dma_semaphore, #tpu.memory_space<semaphore_mem>>)
    %barrier3A = arith.constant 0 : index
    tpu.barrier barrier_id(%barrier3A)
    %scan3A = arith.constant 0 : i32
    %scan3A_24 = arith.constant 14 : i32
    %scan3A_25 = arith.addi %scan3A, %scan3A_24 : i32
    %scan3A_26 = arith.constant 1 : i32
    scf.for %scan3A_59 = %scan3A to %scan3A_25 step %scan3A_26  : i32 {
      %mul3A_60 = arith.constant 1 : i32
      %mul3A_61 = arith.muli %scan3A_59, %mul3A_60 : i32
      %add3A_62 = arith.constant 0 : i32
      %add3A_63 = arith.addi %add3A_62, %mul3A_61 : i32
      %jit3A = arith.constant 2 : i32
      %eq3A_64 = arith.constant 0 : i32
      %eq3A_65 = arith.cmpi eq, %jit3A, %eq3A_64 : i32
      %jit3A_66 = arith.constant 1 : i32
      %select_n3A = arith.select %eq3A_65, %jit3A_66, %jit3A : i32
      %rem3A = arith.remsi %add3A_63, %select_n3A : i32
      %ne3A = arith.constant 0 : i32
      %ne3A_67 = arith.cmpi ne, %rem3A, %ne3A : i32
      %lt3A_68 = arith.constant 0 : i32
      %lt3A_69 = arith.cmpi slt, %rem3A, %lt3A_68 : i32
      %lt3A_70 = arith.constant 0 : i32
      %lt3A_71 = arith.cmpi slt, %select_n3A, %lt3A_70 : i32
      %ne3A_72 = arith.xori %lt3A_69, %lt3A_71 : i1
      %and3A = arith.andi %ne3A_72, %ne3A_67 : i1
      %add3A_73 = arith.addi %rem3A, %select_n3A : i32
      %select_n3A_74 = arith.select %and3A, %add3A_73, %rem3A : i32
      %eq3A_75 = arith.constant 0 : i32
      %eq3A_76 = arith.cmpi eq, %select_n3A_74, %eq3A_75 : i32
      %convert_element_type3A_77 = arith.extui %eq3A_76 : i1 to i32
      %cond3A_78 = arith.constant 0 : i32
      %cond3A_79 = arith.cmpi ne, %convert_element_type3A_77, %cond3A_78 : i32
      scf.if %cond3A_79 {
        %dma_wait3A_101 = arith.constant 0 : i32
        %dma_wait3A_102 = arith.constant 0 : i32
        %dma_wait3A_103 = tpu.memref_slice %arg8[%dma_wait3A_101, %dma_wait3A_102] : memref<6x120xi32, #tpu.memory_space<vmem>> -> memref<1x120xi32, #tpu.memory_space<vmem>>
        %dma_wait3A_104 = tpu.memref_squeeze %dma_wait3A_103 : memref<1x120xi32, #tpu.memory_space<vmem>> -> memref<120xi32, #tpu.memory_space<vmem>>
        %dma_wait3A_105 = arith.constant 0 : i32
        %dma_wait3A_106 = arith.constant 0 : i32
        %dma_wait3A_107 = tpu.memref_slice %arg2[%dma_wait3A_105, %dma_wait3A_106] : memref<20000x128xf32, #tpu.memory_space<hbm>> -> memref<20000x128xf32, #tpu.memory_space<hbm>>
        tpu.wait_indirect_dma semaphore(%arg15 : memref<!tpu.dma_semaphore, #tpu.memory_space<semaphore_mem>>) src(%dma_wait3A_107 : memref<20000x128xf32, #tpu.memory_space<hbm>>) dst(%arg12 : memref<120x128xf32, #tpu.memory_space<vmem>>)
        %dma_start3A_108 = arith.constant 0 : i32
        %dma_start3A_109 = arith.constant 0 : i32
        %dma_start3A_110 = tpu.memref_slice %arg9[%dma_start3A_108, %dma_start3A_109] : memref<6x120xi32, #tpu.memory_space<vmem>> -> memref<1x120xi32, #tpu.memory_space<vmem>>
        %dma_start3A_111 = tpu.memref_squeeze %dma_start3A_110 : memref<1x120xi32, #tpu.memory_space<vmem>> -> memref<120xi32, #tpu.memory_space<vmem>>
        %dma_start3A_112 = arith.constant 0 : i32
        %dma_start3A_113 = arith.constant 0 : i32
        %dma_start3A_114 = tpu.memref_slice %arg7[%dma_start3A_112, %dma_start3A_113] : memref<10008x128xf32, #tpu.memory_space<vmem_shared>> -> memref<10008x128xf32, #tpu.memory_space<vmem_shared>>
        tpu.enqueue_indirect_dma source(%arg12 : memref<120x128xf32, #tpu.memory_space<vmem>>) target(%dma_start3A_114 : memref<10008x128xf32, #tpu.memory_space<vmem_shared>>) offsets(%dma_start3A_111 : memref<120xi32, #tpu.memory_space<vmem>>) semaphore(%arg18 : memref<!tpu.dma_semaphore, #tpu.memory_space<semaphore_mem>>) {add = true}
        %gt3A = arith.constant 0 : i32
        %gt3A_115 = arith.cmpi sgt, %add3A_63, %gt3A : i32
        %convert_element_type3A_116 = arith.extui %gt3A_115 : i1 to i32
        %cond3A_117 = arith.constant 0 : i32
        %cond3A_118 = arith.cmpi ne, %convert_element_type3A_116, %cond3A_117 : i32
        scf.if %cond3A_118 {
          %dma_wait3A_253 = arith.constant 5 : i32
          %dma_wait3A_254 = arith.constant 0 : i32
          %dma_wait3A_255 = tpu.memref_slice %arg11[%dma_wait3A_253, %dma_wait3A_254] : memref<6x120xi32, #tpu.memory_space<vmem>> -> memref<1x120xi32, #tpu.memory_space<vmem>>
          %dma_wait3A_256 = tpu.memref_squeeze %dma_wait3A_255 : memref<1x120xi32, #tpu.memory_space<vmem>> -> memref<120xi32, #tpu.memory_space<vmem>>
          %dma_wait3A_257 = arith.constant 0 : i32
          %dma_wait3A_258 = arith.constant 0 : i32
          %dma_wait3A_259 = tpu.memref_slice %arg7[%dma_wait3A_257, %dma_wait3A_258] : memref<10008x128xf32, #tpu.memory_space<vmem_shared>> -> memref<10008x128xf32, #tpu.memory_space<vmem_shared>>
          tpu.wait_indirect_dma semaphore(%arg20 : memref<!tpu.dma_semaphore, #tpu.memory_space<semaphore_mem>>) src(%arg14 : memref<120x128xf32, #tpu.memory_space<vmem>>) dst(%dma_wait3A_259 : memref<10008x128xf32, #tpu.memory_space<vmem_shared>>)
        } else {
        }
        %dma_start3A_119 = arith.constant 2 : i32
        %dma_start3A_120 = arith.constant 0 : i32
        %dma_start3A_121 = tpu.memref_slice %arg8[%dma_start3A_119, %dma_start3A_120] : memref<6x120xi32, #tpu.memory_space<vmem>> -> memref<1x120xi32, #tpu.memory_space<vmem>>
        %dma_start3A_122 = tpu.memref_squeeze %dma_start3A_121 : memref<1x120xi32, #tpu.memory_space<vmem>> -> memref<120xi32, #tpu.memory_space<vmem>>
        %dma_start3A_123 = arith.constant 0 : i32
        %dma_start3A_124 = arith.constant 0 : i32
        %dma_start3A_125 = tpu.memref_slice %arg2[%dma_start3A_123, %dma_start3A_124] : memref<20000x128xf32, #tpu.memory_space<hbm>> -> memref<20000x128xf32, #tpu.memory_space<hbm>>
        tpu.enqueue_indirect_dma source(%dma_start3A_125 : memref<20000x128xf32, #tpu.memory_space<hbm>>) target(%arg14 : memref<120x128xf32, #tpu.memory_space<vmem>>) offsets(%dma_start3A_122 : memref<120xi32, #tpu.memory_space<vmem>>) semaphore(%arg17 : memref<!tpu.dma_semaphore, #tpu.memory_space<semaphore_mem>>)
        %dma_wait3A_126 = arith.constant 1 : i32
        %dma_wait3A_127 = arith.constant 0 : i32
        %dma_wait3A_128 = tpu.memref_slice %arg8[%dma_wait3A_126, %dma_wait3A_127] : memref<6x120xi32, #tpu.memory_space<vmem>> -> memref<1x120xi32, #tpu.memory_space<vmem>>
        %dma_wait3A_129 = tpu.memref_squeeze %dma_wait3A_128 : memref<1x120xi32, #tpu.memory_space<vmem>> -> memref<120xi32, #tpu.memory_space<vmem>>
        %dma_wait3A_130 = arith.constant 0 : i32
        %dma_wait3A_131 = arith.constant 0 : i32
        %dma_wait3A_132 = tpu.memref_slice %arg2[%dma_wait3A_130, %dma_wait3A_131] : memref<20000x128xf32, #tpu.memory_space<hbm>> -> memref<20000x128xf32, #tpu.memory_space<hbm>>
        tpu.wait_indirect_dma semaphore(%arg16 : memref<!tpu.dma_semaphore, #tpu.memory_space<semaphore_mem>>) src(%dma_wait3A_132 : memref<20000x128xf32, #tpu.memory_space<hbm>>) dst(%arg13 : memref<120x128xf32, #tpu.memory_space<vmem>>)
        %dma_start3A_133 = arith.constant 1 : i32
        %dma_start3A_134 = arith.constant 0 : i32
        %dma_start3A_135 = tpu.memref_slice %arg9[%dma_start3A_133, %dma_start3A_134] : memref<6x120xi32, #tpu.memory_space<vmem>> -> memref<1x120xi32, #tpu.memory_space<vmem>>
        %dma_start3A_136 = tpu.memref_squeeze %dma_start3A_135 : memref<1x120xi32, #tpu.memory_space<vmem>> -> memref<120xi32, #tpu.memory_space<vmem>>
        %dma_start3A_137 = arith.constant 0 : i32
        %dma_start3A_138 = arith.constant 0 : i32
        %dma_start3A_139 = tpu.memref_slice %arg7[%dma_start3A_137, %dma_start3A_138] : memref<10008x128xf32, #tpu.memory_space<vmem_shared>> -> memref<10008x128xf32, #tpu.memory_space<vmem_shared>>
        tpu.enqueue_indirect_dma source(%arg13 : memref<120x128xf32, #tpu.memory_space<vmem>>) target(%dma_start3A_139 : memref<10008x128xf32, #tpu.memory_space<vmem_shared>>) offsets(%dma_start3A_136 : memref<120xi32, #tpu.memory_space<vmem>>) semaphore(%arg19 : memref<!tpu.dma_semaphore, #tpu.memory_space<semaphore_mem>>) {add = true}
        %dma_wait3A_140 = arith.constant 0 : i32
        %dma_wait3A_141 = arith.constant 0 : i32
        %dma_wait3A_142 = tpu.memref_slice %arg9[%dma_wait3A_140, %dma_wait3A_141] : memref<6x120xi32, #tpu.memory_space<vmem>> -> memref<1x120xi32, #tpu.memory_space<vmem>>
        %dma_wait3A_143 = tpu.memref_squeeze %dma_wait3A_142 : memref<1x120xi32, #tpu.memory_space<vmem>> -> memref<120xi32, #tpu.memory_space<vmem>>
        %dma_wait3A_144 = arith.constant 0 : i32
        %dma_wait3A_145 = arith.constant 0 : i32
        %dma_wait3A_146 = tpu.memref_slice %arg7[%dma_wait3A_144, %dma_wait3A_145] : memref<10008x128xf32, #tpu.memory_space<vmem_shared>> -> memref<10008x128xf32, #tpu.memory_space<vmem_shared>>
        tpu.wait_indirect_dma semaphore(%arg18 : memref<!tpu.dma_semaphore, #tpu.memory_space<semaphore_mem>>) src(%arg12 : memref<120x128xf32, #tpu.memory_space<vmem>>) dst(%dma_wait3A_146 : memref<10008x128xf32, #tpu.memory_space<vmem_shared>>)
        %dma_start3A_147 = arith.constant 3 : i32
        %dma_start3A_148 = arith.constant 0 : i32
        %dma_start3A_149 = tpu.memref_slice %arg8[%dma_start3A_147, %dma_start3A_148] : memref<6x120xi32, #tpu.memory_space<vmem>> -> memref<1x120xi32, #tpu.memory_space<vmem>>
        %dma_start3A_150 = tpu.memref_squeeze %dma_start3A_149 : memref<1x120xi32, #tpu.memory_space<vmem>> -> memref<120xi32, #tpu.memory_space<vmem>>
        %dma_start3A_151 = arith.constant 0 : i32
        %dma_start3A_152 = arith.constant 0 : i32
        %dma_start3A_153 = tpu.memref_slice %arg2[%dma_start3A_151, %dma_start3A_152] : memref<20000x128xf32, #tpu.memory_space<hbm>> -> memref<20000x128xf32, #tpu.memory_space<hbm>>
        tpu.enqueue_indirect_dma source(%dma_start3A_153 : memref<20000x128xf32, #tpu.memory_space<hbm>>) target(%arg12 : memref<120x128xf32, #tpu.memory_space<vmem>>) offsets(%dma_start3A_150 : memref<120xi32, #tpu.memory_space<vmem>>) semaphore(%arg15 : memref<!tpu.dma_semaphore, #tpu.memory_space<semaphore_mem>>)
        %dma_wait3A_154 = arith.constant 2 : i32
        %dma_wait3A_155 = arith.constant 0 : i32
        %dma_wait3A_156 = tpu.memref_slice %arg8[%dma_wait3A_154, %dma_wait3A_155] : memref<6x120xi32, #tpu.memory_space<vmem>> -> memref<1x120xi32, #tpu.memory_space<vmem>>
        %dma_wait3A_157 = tpu.memref_squeeze %dma_wait3A_156 : memref<1x120xi32, #tpu.memory_space<vmem>> -> memref<120xi32, #tpu.memory_space<vmem>>
        %dma_wait3A_158 = arith.constant 0 : i32
        %dma_wait3A_159 = arith.constant 0 : i32
        %dma_wait3A_160 = tpu.memref_slice %arg2[%dma_wait3A_158, %dma_wait3A_159] : memref<20000x128xf32, #tpu.memory_space<hbm>> -> memref<20000x128xf32, #tpu.memory_space<hbm>>
        tpu.wait_indirect_dma semaphore(%arg17 : memref<!tpu.dma_semaphore, #tpu.memory_space<semaphore_mem>>) src(%dma_wait3A_160 : memref<20000x128xf32, #tpu.memory_space<hbm>>) dst(%arg14 : memref<120x128xf32, #tpu.memory_space<vmem>>)
        %dma_start3A_161 = arith.constant 2 : i32
        %dma_start3A_162 = arith.constant 0 : i32
        %dma_start3A_163 = tpu.memref_slice %arg9[%dma_start3A_161, %dma_start3A_162] : memref<6x120xi32, #tpu.memory_space<vmem>> -> memref<1x120xi32, #tpu.memory_space<vmem>>
        %dma_start3A_164 = tpu.memref_squeeze %dma_start3A_163 : memref<1x120xi32, #tpu.memory_space<vmem>> -> memref<120xi32, #tpu.memory_space<vmem>>
        %dma_start3A_165 = arith.constant 0 : i32
        %dma_start3A_166 = arith.constant 0 : i32
        %dma_start3A_167 = tpu.memref_slice %arg7[%dma_start3A_165, %dma_start3A_166] : memref<10008x128xf32, #tpu.memory_space<vmem_shared>> -> memref<10008x128xf32, #tpu.memory_space<vmem_shared>>
        tpu.enqueue_indirect_dma source(%arg14 : memref<120x128xf32, #tpu.memory_space<vmem>>) target(%dma_start3A_167 : memref<10008x128xf32, #tpu.memory_space<vmem_shared>>) offsets(%dma_start3A_164 : memref<120xi32, #tpu.memory_space<vmem>>) semaphore(%arg20 : memref<!tpu.dma_semaphore, #tpu.memory_space<semaphore_mem>>) {add = true}
        %lt3A_168 = arith.constant 13 : i32
        %lt3A_169 = arith.cmpi slt, %add3A_63, %lt3A_168 : i32
        %convert_element_type3A_170 = arith.extui %lt3A_169 : i1 to i32
        %cond3A_171 = arith.constant 0 : i32
        %cond3A_172 = arith.cmpi ne, %convert_element_type3A_170, %cond3A_171 : i32
        scf.if %cond3A_172 {
          %mul3A_253 = arith.constant 14 : i32
          %mul3A_254 = arith.muli %add3A, %mul3A_253 : i32
          %add3A_255 = arith.addi %mul3A_254, %add3A_63 : i32
          %add3A_256 = arith.constant 1 : i32
          %add3A_257 = arith.addi %add3A_255, %add3A_256 : i32
          %dma_start3A_258 = arith.constant 0 : i32
          %dma_start3A_259 = arith.constant 0 : i32
          %dma_start3A_260 = tpu.memref_slice %arg3[%add3A_257, %dma_start3A_258, %dma_start3A_259] : memref<448x6x120xi32, #tpu.memory_space<hbm>> -> memref<1x6x120xi32, #tpu.memory_space<hbm>>
          %dma_start3A_261 = tpu.memref_squeeze %dma_start3A_260 : memref<1x6x120xi32, #tpu.memory_space<hbm>> -> memref<6x120xi32, #tpu.memory_space<hbm>>
          %dma_start3A_262 = arith.constant 0 : i32
          %dma_start3A_263 = arith.constant 0 : i32
          %dma_start3A_264 = tpu.memref_slice %arg3[%add3A_257, %dma_start3A_262, %dma_start3A_263] : memref<448x6x120xi32, #tpu.memory_space<hbm>> -> memref<1x6x120xi32, #tpu.memory_space<hbm>>
          %dma_start3A_265 = tpu.memref_squeeze %dma_start3A_264 : memref<1x6x120xi32, #tpu.memory_space<hbm>> -> memref<6x120xi32, #tpu.memory_space<hbm>>
          tpu.enqueue_dma source(%dma_start3A_265 : memref<6x120xi32, #tpu.memory_space<hbm>>) target(%arg10 : memref<6x120xi32, #tpu.memory_space<vmem>>) target_semaphore(%arg21 : memref<!tpu.dma_semaphore, #tpu.memory_space<semaphore_mem>>)
          %mul3A_266 = arith.constant 14 : i32
          %mul3A_267 = arith.muli %arg1, %mul3A_266 : i32
          %add3A_268 = arith.addi %mul3A_267, %add3A_63 : i32
          %add3A_269 = arith.constant 1 : i32
          %add3A_270 = arith.addi %add3A_268, %add3A_269 : i32
          %dma_start3A_271 = arith.constant 0 : i32
          %dma_start3A_272 = arith.constant 0 : i32
          %dma_start3A_273 = tpu.memref_slice %arg4[%add3A_270, %dma_start3A_271, %dma_start3A_272] : memref<224x6x120xi32, #tpu.memory_space<hbm>> -> memref<1x6x120xi32, #tpu.memory_space<hbm>>
          %dma_start3A_274 = tpu.memref_squeeze %dma_start3A_273 : memref<1x6x120xi32, #tpu.memory_space<hbm>> -> memref<6x120xi32, #tpu.memory_space<hbm>>
          %dma_start3A_275 = arith.constant 0 : i32
          %dma_start3A_276 = arith.constant 0 : i32
          %dma_start3A_277 = tpu.memref_slice %arg4[%add3A_270, %dma_start3A_275, %dma_start3A_276] : memref<224x6x120xi32, #tpu.memory_space<hbm>> -> memref<1x6x120xi32, #tpu.memory_space<hbm>>
          %dma_start3A_278 = tpu.memref_squeeze %dma_start3A_277 : memref<1x6x120xi32, #tpu.memory_space<hbm>> -> memref<6x120xi32, #tpu.memory_space<hbm>>
          tpu.enqueue_dma source(%dma_start3A_278 : memref<6x120xi32, #tpu.memory_space<hbm>>) target(%arg11 : memref<6x120xi32, #tpu.memory_space<vmem>>) target_semaphore(%arg21 : memref<!tpu.dma_semaphore, #tpu.memory_space<semaphore_mem>>)
        } else {
        }
        %dma_wait3A_173 = arith.constant 1 : i32
        %dma_wait3A_174 = arith.constant 0 : i32
        %dma_wait3A_175 = tpu.memref_slice %arg9[%dma_wait3A_173, %dma_wait3A_174] : memref<6x120xi32, #tpu.memory_space<vmem>> -> memref<1x120xi32, #tpu.memory_space<vmem>>
        %dma_wait3A_176 = tpu.memref_squeeze %dma_wait3A_175 : memref<1x120xi32, #tpu.memory_space<vmem>> -> memref<120xi32, #tpu.memory_space<vmem>>
        %dma_wait3A_177 = arith.constant 0 : i32
        %dma_wait3A_178 = arith.constant 0 : i32
        %dma_wait3A_179 = tpu.memref_slice %arg7[%dma_wait3A_177, %dma_wait3A_178] : memref<10008x128xf32, #tpu.memory_space<vmem_shared>> -> memref<10008x128xf32, #tpu.memory_space<vmem_shared>>
        tpu.wait_indirect_dma semaphore(%arg19 : memref<!tpu.dma_semaphore, #tpu.memory_space<semaphore_mem>>) src(%arg13 : memref<120x128xf32, #tpu.memory_space<vmem>>) dst(%dma_wait3A_179 : memref<10008x128xf32, #tpu.memory_space<vmem_shared>>)
        %dma_start3A_180 = arith.constant 4 : i32
        %dma_start3A_181 = arith.constant 0 : i32
        %dma_start3A_182 = tpu.memref_slice %arg8[%dma_start3A_180, %dma_start3A_181] : memref<6x120xi32, #tpu.memory_space<vmem>> -> memref<1x120xi32, #tpu.memory_space<vmem>>
        %dma_start3A_183 = tpu.memref_squeeze %dma_start3A_182 : memref<1x120xi32, #tpu.memory_space<vmem>> -> memref<120xi32, #tpu.memory_space<vmem>>
        %dma_start3A_184 = arith.constant 0 : i32
        %dma_start3A_185 = arith.constant 0 : i32
        %dma_start3A_186 = tpu.memref_slice %arg2[%dma_start3A_184, %dma_start3A_185] : memref<20000x128xf32, #tpu.memory_space<hbm>> -> memref<20000x128xf32, #tpu.memory_space<hbm>>
        tpu.enqueue_indirect_dma source(%dma_start3A_186 : memref<20000x128xf32, #tpu.memory_space<hbm>>) target(%arg13 : memref<120x128xf32, #tpu.memory_space<vmem>>) offsets(%dma_start3A_183 : memref<120xi32, #tpu.memory_space<vmem>>) semaphore(%arg16 : memref<!tpu.dma_semaphore, #tpu.memory_space<semaphore_mem>>)
        %dma_wait3A_187 = arith.constant 3 : i32
        %dma_wait3A_188 = arith.constant 0 : i32
        %dma_wait3A_189 = tpu.memref_slice %arg8[%dma_wait3A_187, %dma_wait3A_188] : memref<6x120xi32, #tpu.memory_space<vmem>> -> memref<1x120xi32, #tpu.memory_space<vmem>>
        %dma_wait3A_190 = tpu.memref_squeeze %dma_wait3A_189 : memref<1x120xi32, #tpu.memory_space<vmem>> -> memref<120xi32, #tpu.memory_space<vmem>>
        %dma_wait3A_191 = arith.constant 0 : i32
        %dma_wait3A_192 = arith.constant 0 : i32
        %dma_wait3A_193 = tpu.memref_slice %arg2[%dma_wait3A_191, %dma_wait3A_192] : memref<20000x128xf32, #tpu.memory_space<hbm>> -> memref<20000x128xf32, #tpu.memory_space<hbm>>
        tpu.wait_indirect_dma semaphore(%arg15 : memref<!tpu.dma_semaphore, #tpu.memory_space<semaphore_mem>>) src(%dma_wait3A_193 : memref<20000x128xf32, #tpu.memory_space<hbm>>) dst(%arg12 : memref<120x128xf32, #tpu.memory_space<vmem>>)
        %dma_start3A_194 = arith.constant 3 : i32
        %dma_start3A_195 = arith.constant 0 : i32
        %dma_start3A_196 = tpu.memref_slice %arg9[%dma_start3A_194, %dma_start3A_195] : memref<6x120xi32, #tpu.memory_space<vmem>> -> memref<1x120xi32, #tpu.memory_space<vmem>>
        %dma_start3A_197 = tpu.memref_squeeze %dma_start3A_196 : memref<1x120xi32, #tpu.memory_space<vmem>> -> memref<120xi32, #tpu.memory_space<vmem>>
        %dma_start3A_198 = arith.constant 0 : i32
        %dma_start3A_199 = arith.constant 0 : i32
        %dma_start3A_200 = tpu.memref_slice %arg7[%dma_start3A_198, %dma_start3A_199] : memref<10008x128xf32, #tpu.memory_space<vmem_shared>> -> memref<10008x128xf32, #tpu.memory_space<vmem_shared>>
        tpu.enqueue_indirect_dma source(%arg12 : memref<120x128xf32, #tpu.memory_space<vmem>>) target(%dma_start3A_200 : memref<10008x128xf32, #tpu.memory_space<vmem_shared>>) offsets(%dma_start3A_197 : memref<120xi32, #tpu.memory_space<vmem>>) semaphore(%arg18 : memref<!tpu.dma_semaphore, #tpu.memory_space<semaphore_mem>>) {add = true}
        %dma_wait3A_201 = arith.constant 2 : i32
        %dma_wait3A_202 = arith.constant 0 : i32
        %dma_wait3A_203 = tpu.memref_slice %arg9[%dma_wait3A_201, %dma_wait3A_202] : memref<6x120xi32, #tpu.memory_space<vmem>> -> memref<1x120xi32, #tpu.memory_space<vmem>>
        %dma_wait3A_204 = tpu.memref_squeeze %dma_wait3A_203 : memref<1x120xi32, #tpu.memory_space<vmem>> -> memref<120xi32, #tpu.memory_space<vmem>>
        %dma_wait3A_205 = arith.constant 0 : i32
        %dma_wait3A_206 = arith.constant 0 : i32
        %dma_wait3A_207 = tpu.memref_slice %arg7[%dma_wait3A_205, %dma_wait3A_206] : memref<10008x128xf32, #tpu.memory_space<vmem_shared>> -> memref<10008x128xf32, #tpu.memory_space<vmem_shared>>
        tpu.wait_indirect_dma semaphore(%arg20 : memref<!tpu.dma_semaphore, #tpu.memory_space<semaphore_mem>>) src(%arg14 : memref<120x128xf32, #tpu.memory_space<vmem>>) dst(%dma_wait3A_207 : memref<10008x128xf32, #tpu.memory_space<vmem_shared>>)
        %dma_start3A_208 = arith.constant 5 : i32
        %dma_start3A_209 = arith.constant 0 : i32
        %dma_start3A_210 = tpu.memref_slice %arg8[%dma_start3A_208, %dma_start3A_209] : memref<6x120xi32, #tpu.memory_space<vmem>> -> memref<1x120xi32, #tpu.memory_space<vmem>>
        %dma_start3A_211 = tpu.memref_squeeze %dma_start3A_210 : memref<1x120xi32, #tpu.memory_space<vmem>> -> memref<120xi32, #tpu.memory_space<vmem>>
        %dma_start3A_212 = arith.constant 0 : i32
        %dma_start3A_213 = arith.constant 0 : i32
        %dma_start3A_214 = tpu.memref_slice %arg2[%dma_start3A_212, %dma_start3A_213] : memref<20000x128xf32, #tpu.memory_space<hbm>> -> memref<20000x128xf32, #tpu.memory_space<hbm>>
        tpu.enqueue_indirect_dma source(%dma_start3A_214 : memref<20000x128xf32, #tpu.memory_space<hbm>>) target(%arg14 : memref<120x128xf32, #tpu.memory_space<vmem>>) offsets(%dma_start3A_211 : memref<120xi32, #tpu.memory_space<vmem>>) semaphore(%arg17 : memref<!tpu.dma_semaphore, #tpu.memory_space<semaphore_mem>>)
        %dma_wait3A_215 = arith.constant 4 : i32
        %dma_wait3A_216 = arith.constant 0 : i32
        %dma_wait3A_217 = tpu.memref_slice %arg8[%dma_wait3A_215, %dma_wait3A_216] : memref<6x120xi32, #tpu.memory_space<vmem>> -> memref<1x120xi32, #tpu.memory_space<vmem>>
        %dma_wait3A_218 = tpu.memref_squeeze %dma_wait3A_217 : memref<1x120xi32, #tpu.memory_space<vmem>> -> memref<120xi32, #tpu.memory_space<vmem>>
        %dma_wait3A_219 = arith.constant 0 : i32
        %dma_wait3A_220 = arith.constant 0 : i32
        %dma_wait3A_221 = tpu.memref_slice %arg2[%dma_wait3A_219, %dma_wait3A_220] : memref<20000x128xf32, #tpu.memory_space<hbm>> -> memref<20000x128xf32, #tpu.memory_space<hbm>>
        tpu.wait_indirect_dma semaphore(%arg16 : memref<!tpu.dma_semaphore, #tpu.memory_space<semaphore_mem>>) src(%dma_wait3A_221 : memref<20000x128xf32, #tpu.memory_space<hbm>>) dst(%arg13 : memref<120x128xf32, #tpu.memory_space<vmem>>)
        %dma_start3A_222 = arith.constant 4 : i32
        %dma_start3A_223 = arith.constant 0 : i32
        %dma_start3A_224 = tpu.memref_slice %arg9[%dma_start3A_222, %dma_start3A_223] : memref<6x120xi32, #tpu.memory_space<vmem>> -> memref<1x120xi32, #tpu.memory_space<vmem>>
        %dma_start3A_225 = tpu.memref_squeeze %dma_start3A_224 : memref<1x120xi32, #tpu.memory_space<vmem>> -> memref<120xi32, #tpu.memory_space<vmem>>
        %dma_start3A_226 = arith.constant 0 : i32
        %dma_start3A_227 = arith.constant 0 : i32
        %dma_start3A_228 = tpu.memref_slice %arg7[%dma_start3A_226, %dma_start3A_227] : memref<10008x128xf32, #tpu.memory_space<vmem_shared>> -> memref<10008x128xf32, #tpu.memory_space<vmem_shared>>
        tpu.enqueue_indirect_dma source(%arg13 : memref<120x128xf32, #tpu.memory_space<vmem>>) target(%dma_start3A_228 : memref<10008x128xf32, #tpu.memory_space<vmem_shared>>) offsets(%dma_start3A_225 : memref<120xi32, #tpu.memory_space<vmem>>) semaphore(%arg19 : memref<!tpu.dma_semaphore, #tpu.memory_space<semaphore_mem>>) {add = true}
        %lt3A_229 = arith.constant 13 : i32
        %lt3A_230 = arith.cmpi slt, %add3A_63, %lt3A_229 : i32
        %convert_element_type3A_231 = arith.extui %lt3A_230 : i1 to i32
        %cond3A_232 = arith.constant 0 : i32
        %cond3A_233 = arith.cmpi ne, %convert_element_type3A_231, %cond3A_232 : i32
        scf.if %cond3A_233 {
          %dma_wait3A_253 = arith.constant 3 : i32
          %dma_wait3A_254 = arith.constant 0 : i32
          %dma_wait3A_255 = tpu.memref_slice %arg9[%dma_wait3A_253, %dma_wait3A_254] : memref<6x120xi32, #tpu.memory_space<vmem>> -> memref<1x120xi32, #tpu.memory_space<vmem>>
          %dma_wait3A_256 = tpu.memref_squeeze %dma_wait3A_255 : memref<1x120xi32, #tpu.memory_space<vmem>> -> memref<120xi32, #tpu.memory_space<vmem>>
          %dma_wait3A_257 = arith.constant 0 : i32
          %dma_wait3A_258 = arith.constant 0 : i32
          %dma_wait3A_259 = tpu.memref_slice %arg7[%dma_wait3A_257, %dma_wait3A_258] : memref<10008x128xf32, #tpu.memory_space<vmem_shared>> -> memref<10008x128xf32, #tpu.memory_space<vmem_shared>>
          tpu.wait_indirect_dma semaphore(%arg18 : memref<!tpu.dma_semaphore, #tpu.memory_space<semaphore_mem>>) src(%arg12 : memref<120x128xf32, #tpu.memory_space<vmem>>) dst(%dma_wait3A_259 : memref<10008x128xf32, #tpu.memory_space<vmem_shared>>)
          %mul3A_260 = arith.constant 14 : i32
          %mul3A_261 = arith.muli %add3A, %mul3A_260 : i32
          %add3A_262 = arith.addi %mul3A_261, %add3A_63 : i32
          %add3A_263 = arith.constant 1 : i32
          %add3A_264 = arith.addi %add3A_262, %add3A_263 : i32
          %dma_wait3A_265 = arith.constant 0 : i32
          %dma_wait3A_266 = arith.constant 0 : i32
          %dma_wait3A_267 = tpu.memref_slice %arg3[%add3A_264, %dma_wait3A_265, %dma_wait3A_266] : memref<448x6x120xi32, #tpu.memory_space<hbm>> -> memref<1x6x120xi32, #tpu.memory_space<hbm>>
          %dma_wait3A_268 = tpu.memref_squeeze %dma_wait3A_267 : memref<1x6x120xi32, #tpu.memory_space<hbm>> -> memref<6x120xi32, #tpu.memory_space<hbm>>
          %dma_wait3A_269 = arith.constant 0 : i32
          %dma_wait3A_270 = arith.constant 0 : i32
          %dma_wait3A_271 = tpu.memref_slice %arg3[%add3A_264, %dma_wait3A_269, %dma_wait3A_270] : memref<448x6x120xi32, #tpu.memory_space<hbm>> -> memref<1x6x120xi32, #tpu.memory_space<hbm>>
          %dma_wait3A_272 = tpu.memref_squeeze %dma_wait3A_271 : memref<1x6x120xi32, #tpu.memory_space<hbm>> -> memref<6x120xi32, #tpu.memory_space<hbm>>
          tpu.wait_dma2 semaphore(%arg21 : memref<!tpu.dma_semaphore, #tpu.memory_space<semaphore_mem>>) src(%dma_wait3A_272 : memref<6x120xi32, #tpu.memory_space<hbm>>) dst(%arg10 : memref<6x120xi32, #tpu.memory_space<vmem>>)
          %mul3A_273 = arith.constant 14 : i32
          %mul3A_274 = arith.muli %arg1, %mul3A_273 : i32
          %add3A_275 = arith.addi %mul3A_274, %add3A_63 : i32
          %add3A_276 = arith.constant 1 : i32
          %add3A_277 = arith.addi %add3A_275, %add3A_276 : i32
          %dma_wait3A_278 = arith.constant 0 : i32
          %dma_wait3A_279 = arith.constant 0 : i32
          %dma_wait3A_280 = tpu.memref_slice %arg4[%add3A_277, %dma_wait3A_278, %dma_wait3A_279] : memref<224x6x120xi32, #tpu.memory_space<hbm>> -> memref<1x6x120xi32, #tpu.memory_space<hbm>>
          %dma_wait3A_281 = tpu.memref_squeeze %dma_wait3A_280 : memref<1x6x120xi32, #tpu.memory_space<hbm>> -> memref<6x120xi32, #tpu.memory_space<hbm>>
          %dma_wait3A_282 = arith.constant 0 : i32
          %dma_wait3A_283 = arith.constant 0 : i32
          %dma_wait3A_284 = tpu.memref_slice %arg4[%add3A_277, %dma_wait3A_282, %dma_wait3A_283] : memref<224x6x120xi32, #tpu.memory_space<hbm>> -> memref<1x6x120xi32, #tpu.memory_space<hbm>>
          %dma_wait3A_285 = tpu.memref_squeeze %dma_wait3A_284 : memref<1x6x120xi32, #tpu.memory_space<hbm>> -> memref<6x120xi32, #tpu.memory_space<hbm>>
          tpu.wait_dma2 semaphore(%arg21 : memref<!tpu.dma_semaphore, #tpu.memory_space<semaphore_mem>>) src(%dma_wait3A_285 : memref<6x120xi32, #tpu.memory_space<hbm>>) dst(%arg11 : memref<6x120xi32, #tpu.memory_space<vmem>>)
          %dma_start3A_286 = arith.constant 0 : i32
          %dma_start3A_287 = arith.constant 0 : i32
          %dma_start3A_288 = tpu.memref_slice %arg10[%dma_start3A_286, %dma_start3A_287] : memref<6x120xi32, #tpu.memory_space<vmem>> -> memref<1x120xi32, #tpu.memory_space<vmem>>
          %dma_start3A_289 = tpu.memref_squeeze %dma_start3A_288 : memref<1x120xi32, #tpu.memory_space<vmem>> -> memref<120xi32, #tpu.memory_space<vmem>>
          %dma_start3A_290 = arith.constant 0 : i32
          %dma_start3A_291 = arith.constant 0 : i32
          %dma_start3A_292 = tpu.memref_slice %arg2[%dma_start3A_290, %dma_start3A_291] : memref<20000x128xf32, #tpu.memory_space<hbm>> -> memref<20000x128xf32, #tpu.memory_space<hbm>>
          tpu.enqueue_indirect_dma source(%dma_start3A_292 : memref<20000x128xf32, #tpu.memory_space<hbm>>) target(%arg12 : memref<120x128xf32, #tpu.memory_space<vmem>>) offsets(%dma_start3A_289 : memref<120xi32, #tpu.memory_space<vmem>>) semaphore(%arg15 : memref<!tpu.dma_semaphore, #tpu.memory_space<semaphore_mem>>)
        } else {
        }
        %dma_wait3A_234 = arith.constant 5 : i32
        %dma_wait3A_235 = arith.constant 0 : i32
        %dma_wait3A_236 = tpu.memref_slice %arg8[%dma_wait3A_234, %dma_wait3A_235] : memref<6x120xi32, #tpu.memory_space<vmem>> -> memref<1x120xi32, #tpu.memory_space<vmem>>
        %dma_wait3A_237 = tpu.memref_squeeze %dma_wait3A_236 : memref<1x120xi32, #tpu.memory_space<vmem>> -> memref<120xi32, #tpu.memory_space<vmem>>
        %dma_wait3A_238 = arith.constant 0 : i32
        %dma_wait3A_239 = arith.constant 0 : i32
        %dma_wait3A_240 = tpu.memref_slice %arg2[%dma_wait3A_238, %dma_wait3A_239] : memref<20000x128xf32, #tpu.memory_space<hbm>> -> memref<20000x128xf32, #tpu.memory_space<hbm>>
        tpu.wait_indirect_dma semaphore(%arg17 : memref<!tpu.dma_semaphore, #tpu.memory_space<semaphore_mem>>) src(%dma_wait3A_240 : memref<20000x128xf32, #tpu.memory_space<hbm>>) dst(%arg14 : memref<120x128xf32, #tpu.memory_space<vmem>>)
        %dma_start3A_241 = arith.constant 5 : i32
        %dma_start3A_242 = arith.constant 0 : i32
        %dma_start3A_243 = tpu.memref_slice %arg9[%dma_start3A_241, %dma_start3A_242] : memref<6x120xi32, #tpu.memory_space<vmem>> -> memref<1x120xi32, #tpu.memory_space<vmem>>
        %dma_start3A_244 = tpu.memref_squeeze %dma_start3A_243 : memref<1x120xi32, #tpu.memory_space<vmem>> -> memref<120xi32, #tpu.memory_space<vmem>>
        %dma_start3A_245 = arith.constant 0 : i32
        %dma_start3A_246 = arith.constant 0 : i32
        %dma_start3A_247 = tpu.memref_slice %arg7[%dma_start3A_245, %dma_start3A_246] : memref<10008x128xf32, #tpu.memory_space<vmem_shared>> -> memref<10008x128xf32, #tpu.memory_space<vmem_shared>>
        tpu.enqueue_indirect_dma source(%arg14 : memref<120x128xf32, #tpu.memory_space<vmem>>) target(%dma_start3A_247 : memref<10008x128xf32, #tpu.memory_space<vmem_shared>>) offsets(%dma_start3A_244 : memref<120xi32, #tpu.memory_space<vmem>>) semaphore(%arg20 : memref<!tpu.dma_semaphore, #tpu.memory_space<semaphore_mem>>) {add = true}
        %lt3A_248 = arith.constant 13 : i32
        %lt3A_249 = arith.cmpi slt, %add3A_63, %lt3A_248 : i32
        %convert_element_type3A_250 = arith.extui %lt3A_249 : i1 to i32
        %cond3A_251 = arith.constant 0 : i32
        %cond3A_252 = arith.cmpi ne, %convert_element_type3A_250, %cond3A_251 : i32
        scf.if %cond3A_252 {
          %dma_wait3A_253 = arith.constant 4 : i32
          %dma_wait3A_254 = arith.constant 0 : i32
          %dma_wait3A_255 = tpu.memref_slice %arg9[%dma_wait3A_253, %dma_wait3A_254] : memref<6x120xi32, #tpu.memory_space<vmem>> -> memref<1x120xi32, #tpu.memory_space<vmem>>
          %dma_wait3A_256 = tpu.memref_squeeze %dma_wait3A_255 : memref<1x120xi32, #tpu.memory_space<vmem>> -> memref<120xi32, #tpu.memory_space<vmem>>
          %dma_wait3A_257 = arith.constant 0 : i32
          %dma_wait3A_258 = arith.constant 0 : i32
          %dma_wait3A_259 = tpu.memref_slice %arg7[%dma_wait3A_257, %dma_wait3A_258] : memref<10008x128xf32, #tpu.memory_space<vmem_shared>> -> memref<10008x128xf32, #tpu.memory_space<vmem_shared>>
          tpu.wait_indirect_dma semaphore(%arg19 : memref<!tpu.dma_semaphore, #tpu.memory_space<semaphore_mem>>) src(%arg13 : memref<120x128xf32, #tpu.memory_space<vmem>>) dst(%dma_wait3A_259 : memref<10008x128xf32, #tpu.memory_space<vmem_shared>>)
          %dma_start3A_260 = arith.constant 1 : i32
          %dma_start3A_261 = arith.constant 0 : i32
          %dma_start3A_262 = tpu.memref_slice %arg10[%dma_start3A_260, %dma_start3A_261] : memref<6x120xi32, #tpu.memory_space<vmem>> -> memref<1x120xi32, #tpu.memory_space<vmem>>
          %dma_start3A_263 = tpu.memref_squeeze %dma_start3A_262 : memref<1x120xi32, #tpu.memory_space<vmem>> -> memref<120xi32, #tpu.memory_space<vmem>>
          %dma_start3A_264 = arith.constant 0 : i32
          %dma_start3A_265 = arith.constant 0 : i32
          %dma_start3A_266 = tpu.memref_slice %arg2[%dma_start3A_264, %dma_start3A_265] : memref<20000x128xf32, #tpu.memory_space<hbm>> -> memref<20000x128xf32, #tpu.memory_space<hbm>>
          tpu.enqueue_indirect_dma source(%dma_start3A_266 : memref<20000x128xf32, #tpu.memory_space<hbm>>) target(%arg13 : memref<120x128xf32, #tpu.memory_space<vmem>>) offsets(%dma_start3A_263 : memref<120xi32, #tpu.memory_space<vmem>>) semaphore(%arg16 : memref<!tpu.dma_semaphore, #tpu.memory_space<semaphore_mem>>)
        } else {
        }
      } else {
      }
      %jit3A_80 = arith.constant 2 : i32
      %eq3A_81 = arith.constant 0 : i32
      %eq3A_82 = arith.cmpi eq, %jit3A_80, %eq3A_81 : i32
      %jit3A_83 = arith.constant 1 : i32
      %select_n3A_84 = arith.select %eq3A_82, %jit3A_83, %jit3A_80 : i32
      %rem3A_85 = arith.remsi %add3A_63, %select_n3A_84 : i32
      %ne3A_86 = arith.constant 0 : i32
      %ne3A_87 = arith.cmpi ne, %rem3A_85, %ne3A_86 : i32
      %lt3A_88 = arith.constant 0 : i32
      %lt3A_89 = arith.cmpi slt, %rem3A_85, %lt3A_88 : i32
      %lt3A_90 = arith.constant 0 : i32
      %lt3A_91 = arith.cmpi slt, %select_n3A_84, %lt3A_90 : i32
      %ne3A_92 = arith.xori %lt3A_89, %lt3A_91 : i1
      %and3A_93 = arith.andi %ne3A_92, %ne3A_87 : i1
      %add3A_94 = arith.addi %rem3A_85, %select_n3A_84 : i32
      %select_n3A_95 = arith.select %and3A_93, %add3A_94, %rem3A_85 : i32
      %eq3A_96 = arith.constant 1 : i32
      %eq3A_97 = arith.cmpi eq, %select_n3A_95, %eq3A_96 : i32
      %convert_element_type3A_98 = arith.extui %eq3A_97 : i1 to i32
      %cond3A_99 = arith.constant 0 : i32
      %cond3A_100 = arith.cmpi ne, %convert_element_type3A_98, %cond3A_99 : i32
      scf.if %cond3A_100 {
        %dma_wait3A_101 = arith.constant 0 : i32
        %dma_wait3A_102 = arith.constant 0 : i32
        %dma_wait3A_103 = tpu.memref_slice %arg10[%dma_wait3A_101, %dma_wait3A_102] : memref<6x120xi32, #tpu.memory_space<vmem>> -> memref<1x120xi32, #tpu.memory_space<vmem>>
        %dma_wait3A_104 = tpu.memref_squeeze %dma_wait3A_103 : memref<1x120xi32, #tpu.memory_space<vmem>> -> memref<120xi32, #tpu.memory_space<vmem>>
        %dma_wait3A_105 = arith.constant 0 : i32
        %dma_wait3A_106 = arith.constant 0 : i32
        %dma_wait3A_107 = tpu.memref_slice %arg2[%dma_wait3A_105, %dma_wait3A_106] : memref<20000x128xf32, #tpu.memory_space<hbm>> -> memref<20000x128xf32, #tpu.memory_space<hbm>>
        tpu.wait_indirect_dma semaphore(%arg15 : memref<!tpu.dma_semaphore, #tpu.memory_space<semaphore_mem>>) src(%dma_wait3A_107 : memref<20000x128xf32, #tpu.memory_space<hbm>>) dst(%arg12 : memref<120x128xf32, #tpu.memory_space<vmem>>)
        %dma_start3A_108 = arith.constant 0 : i32
        %dma_start3A_109 = arith.constant 0 : i32
        %dma_start3A_110 = tpu.memref_slice %arg11[%dma_start3A_108, %dma_start3A_109] : memref<6x120xi32, #tpu.memory_space<vmem>> -> memref<1x120xi32, #tpu.memory_space<vmem>>
        %dma_start3A_111 = tpu.memref_squeeze %dma_start3A_110 : memref<1x120xi32, #tpu.memory_space<vmem>> -> memref<120xi32, #tpu.memory_space<vmem>>
        %dma_start3A_112 = arith.constant 0 : i32
        %dma_start3A_113 = arith.constant 0 : i32
        %dma_start3A_114 = tpu.memref_slice %arg7[%dma_start3A_112, %dma_start3A_113] : memref<10008x128xf32, #tpu.memory_space<vmem_shared>> -> memref<10008x128xf32, #tpu.memory_space<vmem_shared>>
        tpu.enqueue_indirect_dma source(%arg12 : memref<120x128xf32, #tpu.memory_space<vmem>>) target(%dma_start3A_114 : memref<10008x128xf32, #tpu.memory_space<vmem_shared>>) offsets(%dma_start3A_111 : memref<120xi32, #tpu.memory_space<vmem>>) semaphore(%arg18 : memref<!tpu.dma_semaphore, #tpu.memory_space<semaphore_mem>>) {add = true}
        %gt3A = arith.constant 0 : i32
        %gt3A_115 = arith.cmpi sgt, %add3A_63, %gt3A : i32
        %convert_element_type3A_116 = arith.extui %gt3A_115 : i1 to i32
        %cond3A_117 = arith.constant 0 : i32
        %cond3A_118 = arith.cmpi ne, %convert_element_type3A_116, %cond3A_117 : i32
        scf.if %cond3A_118 {
          %dma_wait3A_253 = arith.constant 5 : i32
          %dma_wait3A_254 = arith.constant 0 : i32
          %dma_wait3A_255 = tpu.memref_slice %arg9[%dma_wait3A_253, %dma_wait3A_254] : memref<6x120xi32, #tpu.memory_space<vmem>> -> memref<1x120xi32, #tpu.memory_space<vmem>>
          %dma_wait3A_256 = tpu.memref_squeeze %dma_wait3A_255 : memref<1x120xi32, #tpu.memory_space<vmem>> -> memref<120xi32, #tpu.memory_space<vmem>>
          %dma_wait3A_257 = arith.constant 0 : i32
          %dma_wait3A_258 = arith.constant 0 : i32
          %dma_wait3A_259 = tpu.memref_slice %arg7[%dma_wait3A_257, %dma_wait3A_258] : memref<10008x128xf32, #tpu.memory_space<vmem_shared>> -> memref<10008x128xf32, #tpu.memory_space<vmem_shared>>
          tpu.wait_indirect_dma semaphore(%arg20 : memref<!tpu.dma_semaphore, #tpu.memory_space<semaphore_mem>>) src(%arg14 : memref<120x128xf32, #tpu.memory_space<vmem>>) dst(%dma_wait3A_259 : memref<10008x128xf32, #tpu.memory_space<vmem_shared>>)
        } else {
        }
        %dma_start3A_119 = arith.constant 2 : i32
        %dma_start3A_120 = arith.constant 0 : i32
        %dma_start3A_121 = tpu.memref_slice %arg10[%dma_start3A_119, %dma_start3A_120] : memref<6x120xi32, #tpu.memory_space<vmem>> -> memref<1x120xi32, #tpu.memory_space<vmem>>
        %dma_start3A_122 = tpu.memref_squeeze %dma_start3A_121 : memref<1x120xi32, #tpu.memory_space<vmem>> -> memref<120xi32, #tpu.memory_space<vmem>>
        %dma_start3A_123 = arith.constant 0 : i32
        %dma_start3A_124 = arith.constant 0 : i32
        %dma_start3A_125 = tpu.memref_slice %arg2[%dma_start3A_123, %dma_start3A_124] : memref<20000x128xf32, #tpu.memory_space<hbm>> -> memref<20000x128xf32, #tpu.memory_space<hbm>>
        tpu.enqueue_indirect_dma source(%dma_start3A_125 : memref<20000x128xf32, #tpu.memory_space<hbm>>) target(%arg14 : memref<120x128xf32, #tpu.memory_space<vmem>>) offsets(%dma_start3A_122 : memref<120xi32, #tpu.memory_space<vmem>>) semaphore(%arg17 : memref<!tpu.dma_semaphore, #tpu.memory_space<semaphore_mem>>)
        %dma_wait3A_126 = arith.constant 1 : i32
        %dma_wait3A_127 = arith.constant 0 : i32
        %dma_wait3A_128 = tpu.memref_slice %arg10[%dma_wait3A_126, %dma_wait3A_127] : memref<6x120xi32, #tpu.memory_space<vmem>> -> memref<1x120xi32, #tpu.memory_space<vmem>>
        %dma_wait3A_129 = tpu.memref_squeeze %dma_wait3A_128 : memref<1x120xi32, #tpu.memory_space<vmem>> -> memref<120xi32, #tpu.memory_space<vmem>>
        %dma_wait3A_130 = arith.constant 0 : i32
        %dma_wait3A_131 = arith.constant 0 : i32
        %dma_wait3A_132 = tpu.memref_slice %arg2[%dma_wait3A_130, %dma_wait3A_131] : memref<20000x128xf32, #tpu.memory_space<hbm>> -> memref<20000x128xf32, #tpu.memory_space<hbm>>
        tpu.wait_indirect_dma semaphore(%arg16 : memref<!tpu.dma_semaphore, #tpu.memory_space<semaphore_mem>>) src(%dma_wait3A_132 : memref<20000x128xf32, #tpu.memory_space<hbm>>) dst(%arg13 : memref<120x128xf32, #tpu.memory_space<vmem>>)
        %dma_start3A_133 = arith.constant 1 : i32
        %dma_start3A_134 = arith.constant 0 : i32
        %dma_start3A_135 = tpu.memref_slice %arg11[%dma_start3A_133, %dma_start3A_134] : memref<6x120xi32, #tpu.memory_space<vmem>> -> memref<1x120xi32, #tpu.memory_space<vmem>>
        %dma_start3A_136 = tpu.memref_squeeze %dma_start3A_135 : memref<1x120xi32, #tpu.memory_space<vmem>> -> memref<120xi32, #tpu.memory_space<vmem>>
        %dma_start3A_137 = arith.constant 0 : i32
        %dma_start3A_138 = arith.constant 0 : i32
        %dma_start3A_139 = tpu.memref_slice %arg7[%dma_start3A_137, %dma_start3A_138] : memref<10008x128xf32, #tpu.memory_space<vmem_shared>> -> memref<10008x128xf32, #tpu.memory_space<vmem_shared>>
        tpu.enqueue_indirect_dma source(%arg13 : memref<120x128xf32, #tpu.memory_space<vmem>>) target(%dma_start3A_139 : memref<10008x128xf32, #tpu.memory_space<vmem_shared>>) offsets(%dma_start3A_136 : memref<120xi32, #tpu.memory_space<vmem>>) semaphore(%arg19 : memref<!tpu.dma_semaphore, #tpu.memory_space<semaphore_mem>>) {add = true}
        %dma_wait3A_140 = arith.constant 0 : i32
        %dma_wait3A_141 = arith.constant 0 : i32
        %dma_wait3A_142 = tpu.memref_slice %arg11[%dma_wait3A_140, %dma_wait3A_141] : memref<6x120xi32, #tpu.memory_space<vmem>> -> memref<1x120xi32, #tpu.memory_space<vmem>>
        %dma_wait3A_143 = tpu.memref_squeeze %dma_wait3A_142 : memref<1x120xi32, #tpu.memory_space<vmem>> -> memref<120xi32, #tpu.memory_space<vmem>>
        %dma_wait3A_144 = arith.constant 0 : i32
        %dma_wait3A_145 = arith.constant 0 : i32
        %dma_wait3A_146 = tpu.memref_slice %arg7[%dma_wait3A_144, %dma_wait3A_145] : memref<10008x128xf32, #tpu.memory_space<vmem_shared>> -> memref<10008x128xf32, #tpu.memory_space<vmem_shared>>
        tpu.wait_indirect_dma semaphore(%arg18 : memref<!tpu.dma_semaphore, #tpu.memory_space<semaphore_mem>>) src(%arg12 : memref<120x128xf32, #tpu.memory_space<vmem>>) dst(%dma_wait3A_146 : memref<10008x128xf32, #tpu.memory_space<vmem_shared>>)
        %dma_start3A_147 = arith.constant 3 : i32
        %dma_start3A_148 = arith.constant 0 : i32
        %dma_start3A_149 = tpu.memref_slice %arg10[%dma_start3A_147, %dma_start3A_148] : memref<6x120xi32, #tpu.memory_space<vmem>> -> memref<1x120xi32, #tpu.memory_space<vmem>>
        %dma_start3A_150 = tpu.memref_squeeze %dma_start3A_149 : memref<1x120xi32, #tpu.memory_space<vmem>> -> memref<120xi32, #tpu.memory_space<vmem>>
        %dma_start3A_151 = arith.constant 0 : i32
        %dma_start3A_152 = arith.constant 0 : i32
        %dma_start3A_153 = tpu.memref_slice %arg2[%dma_start3A_151, %dma_start3A_152] : memref<20000x128xf32, #tpu.memory_space<hbm>> -> memref<20000x128xf32, #tpu.memory_space<hbm>>
        tpu.enqueue_indirect_dma source(%dma_start3A_153 : memref<20000x128xf32, #tpu.memory_space<hbm>>) target(%arg12 : memref<120x128xf32, #tpu.memory_space<vmem>>) offsets(%dma_start3A_150 : memref<120xi32, #tpu.memory_space<vmem>>) semaphore(%arg15 : memref<!tpu.dma_semaphore, #tpu.memory_space<semaphore_mem>>)
        %dma_wait3A_154 = arith.constant 2 : i32
        %dma_wait3A_155 = arith.constant 0 : i32
        %dma_wait3A_156 = tpu.memref_slice %arg10[%dma_wait3A_154, %dma_wait3A_155] : memref<6x120xi32, #tpu.memory_space<vmem>> -> memref<1x120xi32, #tpu.memory_space<vmem>>
        %dma_wait3A_157 = tpu.memref_squeeze %dma_wait3A_156 : memref<1x120xi32, #tpu.memory_space<vmem>> -> memref<120xi32, #tpu.memory_space<vmem>>
        %dma_wait3A_158 = arith.constant 0 : i32
        %dma_wait3A_159 = arith.constant 0 : i32
        %dma_wait3A_160 = tpu.memref_slice %arg2[%dma_wait3A_158, %dma_wait3A_159] : memref<20000x128xf32, #tpu.memory_space<hbm>> -> memref<20000x128xf32, #tpu.memory_space<hbm>>
        tpu.wait_indirect_dma semaphore(%arg17 : memref<!tpu.dma_semaphore, #tpu.memory_space<semaphore_mem>>) src(%dma_wait3A_160 : memref<20000x128xf32, #tpu.memory_space<hbm>>) dst(%arg14 : memref<120x128xf32, #tpu.memory_space<vmem>>)
        %dma_start3A_161 = arith.constant 2 : i32
        %dma_start3A_162 = arith.constant 0 : i32
        %dma_start3A_163 = tpu.memref_slice %arg11[%dma_start3A_161, %dma_start3A_162] : memref<6x120xi32, #tpu.memory_space<vmem>> -> memref<1x120xi32, #tpu.memory_space<vmem>>
        %dma_start3A_164 = tpu.memref_squeeze %dma_start3A_163 : memref<1x120xi32, #tpu.memory_space<vmem>> -> memref<120xi32, #tpu.memory_space<vmem>>
        %dma_start3A_165 = arith.constant 0 : i32
        %dma_start3A_166 = arith.constant 0 : i32
        %dma_start3A_167 = tpu.memref_slice %arg7[%dma_start3A_165, %dma_start3A_166] : memref<10008x128xf32, #tpu.memory_space<vmem_shared>> -> memref<10008x128xf32, #tpu.memory_space<vmem_shared>>
        tpu.enqueue_indirect_dma source(%arg14 : memref<120x128xf32, #tpu.memory_space<vmem>>) target(%dma_start3A_167 : memref<10008x128xf32, #tpu.memory_space<vmem_shared>>) offsets(%dma_start3A_164 : memref<120xi32, #tpu.memory_space<vmem>>) semaphore(%arg20 : memref<!tpu.dma_semaphore, #tpu.memory_space<semaphore_mem>>) {add = true}
        %lt3A_168 = arith.constant 13 : i32
        %lt3A_169 = arith.cmpi slt, %add3A_63, %lt3A_168 : i32
        %convert_element_type3A_170 = arith.extui %lt3A_169 : i1 to i32
        %cond3A_171 = arith.constant 0 : i32
        %cond3A_172 = arith.cmpi ne, %convert_element_type3A_170, %cond3A_171 : i32
        scf.if %cond3A_172 {
          %mul3A_253 = arith.constant 14 : i32
          %mul3A_254 = arith.muli %add3A, %mul3A_253 : i32
          %add3A_255 = arith.addi %mul3A_254, %add3A_63 : i32
          %add3A_256 = arith.constant 1 : i32
          %add3A_257 = arith.addi %add3A_255, %add3A_256 : i32
          %dma_start3A_258 = arith.constant 0 : i32
          %dma_start3A_259 = arith.constant 0 : i32
          %dma_start3A_260 = tpu.memref_slice %arg3[%add3A_257, %dma_start3A_258, %dma_start3A_259] : memref<448x6x120xi32, #tpu.memory_space<hbm>> -> memref<1x6x120xi32, #tpu.memory_space<hbm>>
          %dma_start3A_261 = tpu.memref_squeeze %dma_start3A_260 : memref<1x6x120xi32, #tpu.memory_space<hbm>> -> memref<6x120xi32, #tpu.memory_space<hbm>>
          %dma_start3A_262 = arith.constant 0 : i32
          %dma_start3A_263 = arith.constant 0 : i32
          %dma_start3A_264 = tpu.memref_slice %arg3[%add3A_257, %dma_start3A_262, %dma_start3A_263] : memref<448x6x120xi32, #tpu.memory_space<hbm>> -> memref<1x6x120xi32, #tpu.memory_space<hbm>>
          %dma_start3A_265 = tpu.memref_squeeze %dma_start3A_264 : memref<1x6x120xi32, #tpu.memory_space<hbm>> -> memref<6x120xi32, #tpu.memory_space<hbm>>
          tpu.enqueue_dma source(%dma_start3A_265 : memref<6x120xi32, #tpu.memory_space<hbm>>) target(%arg8 : memref<6x120xi32, #tpu.memory_space<vmem>>) target_semaphore(%arg21 : memref<!tpu.dma_semaphore, #tpu.memory_space<semaphore_mem>>)
          %mul3A_266 = arith.constant 14 : i32
          %mul3A_267 = arith.muli %arg1, %mul3A_266 : i32
          %add3A_268 = arith.addi %mul3A_267, %add3A_63 : i32
          %add3A_269 = arith.constant 1 : i32
          %add3A_270 = arith.addi %add3A_268, %add3A_269 : i32
          %dma_start3A_271 = arith.constant 0 : i32
          %dma_start3A_272 = arith.constant 0 : i32
          %dma_start3A_273 = tpu.memref_slice %arg4[%add3A_270, %dma_start3A_271, %dma_start3A_272] : memref<224x6x120xi32, #tpu.memory_space<hbm>> -> memref<1x6x120xi32, #tpu.memory_space<hbm>>
          %dma_start3A_274 = tpu.memref_squeeze %dma_start3A_273 : memref<1x6x120xi32, #tpu.memory_space<hbm>> -> memref<6x120xi32, #tpu.memory_space<hbm>>
          %dma_start3A_275 = arith.constant 0 : i32
          %dma_start3A_276 = arith.constant 0 : i32
          %dma_start3A_277 = tpu.memref_slice %arg4[%add3A_270, %dma_start3A_275, %dma_start3A_276] : memref<224x6x120xi32, #tpu.memory_space<hbm>> -> memref<1x6x120xi32, #tpu.memory_space<hbm>>
          %dma_start3A_278 = tpu.memref_squeeze %dma_start3A_277 : memref<1x6x120xi32, #tpu.memory_space<hbm>> -> memref<6x120xi32, #tpu.memory_space<hbm>>
          tpu.enqueue_dma source(%dma_start3A_278 : memref<6x120xi32, #tpu.memory_space<hbm>>) target(%arg9 : memref<6x120xi32, #tpu.memory_space<vmem>>) target_semaphore(%arg21 : memref<!tpu.dma_semaphore, #tpu.memory_space<semaphore_mem>>)
        } else {
        }
        %dma_wait3A_173 = arith.constant 1 : i32
        %dma_wait3A_174 = arith.constant 0 : i32
        %dma_wait3A_175 = tpu.memref_slice %arg11[%dma_wait3A_173, %dma_wait3A_174] : memref<6x120xi32, #tpu.memory_space<vmem>> -> memref<1x120xi32, #tpu.memory_space<vmem>>
        %dma_wait3A_176 = tpu.memref_squeeze %dma_wait3A_175 : memref<1x120xi32, #tpu.memory_space<vmem>> -> memref<120xi32, #tpu.memory_space<vmem>>
        %dma_wait3A_177 = arith.constant 0 : i32
        %dma_wait3A_178 = arith.constant 0 : i32
        %dma_wait3A_179 = tpu.memref_slice %arg7[%dma_wait3A_177, %dma_wait3A_178] : memref<10008x128xf32, #tpu.memory_space<vmem_shared>> -> memref<10008x128xf32, #tpu.memory_space<vmem_shared>>
        tpu.wait_indirect_dma semaphore(%arg19 : memref<!tpu.dma_semaphore, #tpu.memory_space<semaphore_mem>>) src(%arg13 : memref<120x128xf32, #tpu.memory_space<vmem>>) dst(%dma_wait3A_179 : memref<10008x128xf32, #tpu.memory_space<vmem_shared>>)
        %dma_start3A_180 = arith.constant 4 : i32
        %dma_start3A_181 = arith.constant 0 : i32
        %dma_start3A_182 = tpu.memref_slice %arg10[%dma_start3A_180, %dma_start3A_181] : memref<6x120xi32, #tpu.memory_space<vmem>> -> memref<1x120xi32, #tpu.memory_space<vmem>>
        %dma_start3A_183 = tpu.memref_squeeze %dma_start3A_182 : memref<1x120xi32, #tpu.memory_space<vmem>> -> memref<120xi32, #tpu.memory_space<vmem>>
        %dma_start3A_184 = arith.constant 0 : i32
        %dma_start3A_185 = arith.constant 0 : i32
        %dma_start3A_186 = tpu.memref_slice %arg2[%dma_start3A_184, %dma_start3A_185] : memref<20000x128xf32, #tpu.memory_space<hbm>> -> memref<20000x128xf32, #tpu.memory_space<hbm>>
        tpu.enqueue_indirect_dma source(%dma_start3A_186 : memref<20000x128xf32, #tpu.memory_space<hbm>>) target(%arg13 : memref<120x128xf32, #tpu.memory_space<vmem>>) offsets(%dma_start3A_183 : memref<120xi32, #tpu.memory_space<vmem>>) semaphore(%arg16 : memref<!tpu.dma_semaphore, #tpu.memory_space<semaphore_mem>>)
        %dma_wait3A_187 = arith.constant 3 : i32
        %dma_wait3A_188 = arith.constant 0 : i32
        %dma_wait3A_189 = tpu.memref_slice %arg10[%dma_wait3A_187, %dma_wait3A_188] : memref<6x120xi32, #tpu.memory_space<vmem>> -> memref<1x120xi32, #tpu.memory_space<vmem>>
        %dma_wait3A_190 = tpu.memref_squeeze %dma_wait3A_189 : memref<1x120xi32, #tpu.memory_space<vmem>> -> memref<120xi32, #tpu.memory_space<vmem>>
        %dma_wait3A_191 = arith.constant 0 : i32
        %dma_wait3A_192 = arith.constant 0 : i32
        %dma_wait3A_193 = tpu.memref_slice %arg2[%dma_wait3A_191, %dma_wait3A_192] : memref<20000x128xf32, #tpu.memory_space<hbm>> -> memref<20000x128xf32, #tpu.memory_space<hbm>>
        tpu.wait_indirect_dma semaphore(%arg15 : memref<!tpu.dma_semaphore, #tpu.memory_space<semaphore_mem>>) src(%dma_wait3A_193 : memref<20000x128xf32, #tpu.memory_space<hbm>>) dst(%arg12 : memref<120x128xf32, #tpu.memory_space<vmem>>)
        %dma_start3A_194 = arith.constant 3 : i32
        %dma_start3A_195 = arith.constant 0 : i32
        %dma_start3A_196 = tpu.memref_slice %arg11[%dma_start3A_194, %dma_start3A_195] : memref<6x120xi32, #tpu.memory_space<vmem>> -> memref<1x120xi32, #tpu.memory_space<vmem>>
        %dma_start3A_197 = tpu.memref_squeeze %dma_start3A_196 : memref<1x120xi32, #tpu.memory_space<vmem>> -> memref<120xi32, #tpu.memory_space<vmem>>
        %dma_start3A_198 = arith.constant 0 : i32
        %dma_start3A_199 = arith.constant 0 : i32
        %dma_start3A_200 = tpu.memref_slice %arg7[%dma_start3A_198, %dma_start3A_199] : memref<10008x128xf32, #tpu.memory_space<vmem_shared>> -> memref<10008x128xf32, #tpu.memory_space<vmem_shared>>
        tpu.enqueue_indirect_dma source(%arg12 : memref<120x128xf32, #tpu.memory_space<vmem>>) target(%dma_start3A_200 : memref<10008x128xf32, #tpu.memory_space<vmem_shared>>) offsets(%dma_start3A_197 : memref<120xi32, #tpu.memory_space<vmem>>) semaphore(%arg18 : memref<!tpu.dma_semaphore, #tpu.memory_space<semaphore_mem>>) {add = true}
        %dma_wait3A_201 = arith.constant 2 : i32
        %dma_wait3A_202 = arith.constant 0 : i32
        %dma_wait3A_203 = tpu.memref_slice %arg11[%dma_wait3A_201, %dma_wait3A_202] : memref<6x120xi32, #tpu.memory_space<vmem>> -> memref<1x120xi32, #tpu.memory_space<vmem>>
        %dma_wait3A_204 = tpu.memref_squeeze %dma_wait3A_203 : memref<1x120xi32, #tpu.memory_space<vmem>> -> memref<120xi32, #tpu.memory_space<vmem>>
        %dma_wait3A_205 = arith.constant 0 : i32
        %dma_wait3A_206 = arith.constant 0 : i32
        %dma_wait3A_207 = tpu.memref_slice %arg7[%dma_wait3A_205, %dma_wait3A_206] : memref<10008x128xf32, #tpu.memory_space<vmem_shared>> -> memref<10008x128xf32, #tpu.memory_space<vmem_shared>>
        tpu.wait_indirect_dma semaphore(%arg20 : memref<!tpu.dma_semaphore, #tpu.memory_space<semaphore_mem>>) src(%arg14 : memref<120x128xf32, #tpu.memory_space<vmem>>) dst(%dma_wait3A_207 : memref<10008x128xf32, #tpu.memory_space<vmem_shared>>)
        %dma_start3A_208 = arith.constant 5 : i32
        %dma_start3A_209 = arith.constant 0 : i32
        %dma_start3A_210 = tpu.memref_slice %arg10[%dma_start3A_208, %dma_start3A_209] : memref<6x120xi32, #tpu.memory_space<vmem>> -> memref<1x120xi32, #tpu.memory_space<vmem>>
        %dma_start3A_211 = tpu.memref_squeeze %dma_start3A_210 : memref<1x120xi32, #tpu.memory_space<vmem>> -> memref<120xi32, #tpu.memory_space<vmem>>
        %dma_start3A_212 = arith.constant 0 : i32
        %dma_start3A_213 = arith.constant 0 : i32
        %dma_start3A_214 = tpu.memref_slice %arg2[%dma_start3A_212, %dma_start3A_213] : memref<20000x128xf32, #tpu.memory_space<hbm>> -> memref<20000x128xf32, #tpu.memory_space<hbm>>
        tpu.enqueue_indirect_dma source(%dma_start3A_214 : memref<20000x128xf32, #tpu.memory_space<hbm>>) target(%arg14 : memref<120x128xf32, #tpu.memory_space<vmem>>) offsets(%dma_start3A_211 : memref<120xi32, #tpu.memory_space<vmem>>) semaphore(%arg17 : memref<!tpu.dma_semaphore, #tpu.memory_space<semaphore_mem>>)
        %dma_wait3A_215 = arith.constant 4 : i32
        %dma_wait3A_216 = arith.constant 0 : i32
        %dma_wait3A_217 = tpu.memref_slice %arg10[%dma_wait3A_215, %dma_wait3A_216] : memref<6x120xi32, #tpu.memory_space<vmem>> -> memref<1x120xi32, #tpu.memory_space<vmem>>
        %dma_wait3A_218 = tpu.memref_squeeze %dma_wait3A_217 : memref<1x120xi32, #tpu.memory_space<vmem>> -> memref<120xi32, #tpu.memory_space<vmem>>
        %dma_wait3A_219 = arith.constant 0 : i32
        %dma_wait3A_220 = arith.constant 0 : i32
        %dma_wait3A_221 = tpu.memref_slice %arg2[%dma_wait3A_219, %dma_wait3A_220] : memref<20000x128xf32, #tpu.memory_space<hbm>> -> memref<20000x128xf32, #tpu.memory_space<hbm>>
        tpu.wait_indirect_dma semaphore(%arg16 : memref<!tpu.dma_semaphore, #tpu.memory_space<semaphore_mem>>) src(%dma_wait3A_221 : memref<20000x128xf32, #tpu.memory_space<hbm>>) dst(%arg13 : memref<120x128xf32, #tpu.memory_space<vmem>>)
        %dma_start3A_222 = arith.constant 4 : i32
        %dma_start3A_223 = arith.constant 0 : i32
        %dma_start3A_224 = tpu.memref_slice %arg11[%dma_start3A_222, %dma_start3A_223] : memref<6x120xi32, #tpu.memory_space<vmem>> -> memref<1x120xi32, #tpu.memory_space<vmem>>
        %dma_start3A_225 = tpu.memref_squeeze %dma_start3A_224 : memref<1x120xi32, #tpu.memory_space<vmem>> -> memref<120xi32, #tpu.memory_space<vmem>>
        %dma_start3A_226 = arith.constant 0 : i32
        %dma_start3A_227 = arith.constant 0 : i32
        %dma_start3A_228 = tpu.memref_slice %arg7[%dma_start3A_226, %dma_start3A_227] : memref<10008x128xf32, #tpu.memory_space<vmem_shared>> -> memref<10008x128xf32, #tpu.memory_space<vmem_shared>>
        tpu.enqueue_indirect_dma source(%arg13 : memref<120x128xf32, #tpu.memory_space<vmem>>) target(%dma_start3A_228 : memref<10008x128xf32, #tpu.memory_space<vmem_shared>>) offsets(%dma_start3A_225 : memref<120xi32, #tpu.memory_space<vmem>>) semaphore(%arg19 : memref<!tpu.dma_semaphore, #tpu.memory_space<semaphore_mem>>) {add = true}
        %lt3A_229 = arith.constant 13 : i32
        %lt3A_230 = arith.cmpi slt, %add3A_63, %lt3A_229 : i32
        %convert_element_type3A_231 = arith.extui %lt3A_230 : i1 to i32
        %cond3A_232 = arith.constant 0 : i32
        %cond3A_233 = arith.cmpi ne, %convert_element_type3A_231, %cond3A_232 : i32
        scf.if %cond3A_233 {
          %dma_wait3A_253 = arith.constant 3 : i32
          %dma_wait3A_254 = arith.constant 0 : i32
          %dma_wait3A_255 = tpu.memref_slice %arg11[%dma_wait3A_253, %dma_wait3A_254] : memref<6x120xi32, #tpu.memory_space<vmem>> -> memref<1x120xi32, #tpu.memory_space<vmem>>
          %dma_wait3A_256 = tpu.memref_squeeze %dma_wait3A_255 : memref<1x120xi32, #tpu.memory_space<vmem>> -> memref<120xi32, #tpu.memory_space<vmem>>
          %dma_wait3A_257 = arith.constant 0 : i32
          %dma_wait3A_258 = arith.constant 0 : i32
          %dma_wait3A_259 = tpu.memref_slice %arg7[%dma_wait3A_257, %dma_wait3A_258] : memref<10008x128xf32, #tpu.memory_space<vmem_shared>> -> memref<10008x128xf32, #tpu.memory_space<vmem_shared>>
          tpu.wait_indirect_dma semaphore(%arg18 : memref<!tpu.dma_semaphore, #tpu.memory_space<semaphore_mem>>) src(%arg12 : memref<120x128xf32, #tpu.memory_space<vmem>>) dst(%dma_wait3A_259 : memref<10008x128xf32, #tpu.memory_space<vmem_shared>>)
          %mul3A_260 = arith.constant 14 : i32
          %mul3A_261 = arith.muli %add3A, %mul3A_260 : i32
          %add3A_262 = arith.addi %mul3A_261, %add3A_63 : i32
          %add3A_263 = arith.constant 1 : i32
          %add3A_264 = arith.addi %add3A_262, %add3A_263 : i32
          %dma_wait3A_265 = arith.constant 0 : i32
          %dma_wait3A_266 = arith.constant 0 : i32
          %dma_wait3A_267 = tpu.memref_slice %arg3[%add3A_264, %dma_wait3A_265, %dma_wait3A_266] : memref<448x6x120xi32, #tpu.memory_space<hbm>> -> memref<1x6x120xi32, #tpu.memory_space<hbm>>
          %dma_wait3A_268 = tpu.memref_squeeze %dma_wait3A_267 : memref<1x6x120xi32, #tpu.memory_space<hbm>> -> memref<6x120xi32, #tpu.memory_space<hbm>>
          %dma_wait3A_269 = arith.constant 0 : i32
          %dma_wait3A_270 = arith.constant 0 : i32
          %dma_wait3A_271 = tpu.memref_slice %arg3[%add3A_264, %dma_wait3A_269, %dma_wait3A_270] : memref<448x6x120xi32, #tpu.memory_space<hbm>> -> memref<1x6x120xi32, #tpu.memory_space<hbm>>
          %dma_wait3A_272 = tpu.memref_squeeze %dma_wait3A_271 : memref<1x6x120xi32, #tpu.memory_space<hbm>> -> memref<6x120xi32, #tpu.memory_space<hbm>>
          tpu.wait_dma2 semaphore(%arg21 : memref<!tpu.dma_semaphore, #tpu.memory_space<semaphore_mem>>) src(%dma_wait3A_272 : memref<6x120xi32, #tpu.memory_space<hbm>>) dst(%arg8 : memref<6x120xi32, #tpu.memory_space<vmem>>)
          %mul3A_273 = arith.constant 14 : i32
          %mul3A_274 = arith.muli %arg1, %mul3A_273 : i32
          %add3A_275 = arith.addi %mul3A_274, %add3A_63 : i32
          %add3A_276 = arith.constant 1 : i32
          %add3A_277 = arith.addi %add3A_275, %add3A_276 : i32
          %dma_wait3A_278 = arith.constant 0 : i32
          %dma_wait3A_279 = arith.constant 0 : i32
          %dma_wait3A_280 = tpu.memref_slice %arg4[%add3A_277, %dma_wait3A_278, %dma_wait3A_279] : memref<224x6x120xi32, #tpu.memory_space<hbm>> -> memref<1x6x120xi32, #tpu.memory_space<hbm>>
          %dma_wait3A_281 = tpu.memref_squeeze %dma_wait3A_280 : memref<1x6x120xi32, #tpu.memory_space<hbm>> -> memref<6x120xi32, #tpu.memory_space<hbm>>
          %dma_wait3A_282 = arith.constant 0 : i32
          %dma_wait3A_283 = arith.constant 0 : i32
          %dma_wait3A_284 = tpu.memref_slice %arg4[%add3A_277, %dma_wait3A_282, %dma_wait3A_283] : memref<224x6x120xi32, #tpu.memory_space<hbm>> -> memref<1x6x120xi32, #tpu.memory_space<hbm>>
          %dma_wait3A_285 = tpu.memref_squeeze %dma_wait3A_284 : memref<1x6x120xi32, #tpu.memory_space<hbm>> -> memref<6x120xi32, #tpu.memory_space<hbm>>
          tpu.wait_dma2 semaphore(%arg21 : memref<!tpu.dma_semaphore, #tpu.memory_space<semaphore_mem>>) src(%dma_wait3A_285 : memref<6x120xi32, #tpu.memory_space<hbm>>) dst(%arg9 : memref<6x120xi32, #tpu.memory_space<vmem>>)
          %dma_start3A_286 = arith.constant 0 : i32
          %dma_start3A_287 = arith.constant 0 : i32
          %dma_start3A_288 = tpu.memref_slice %arg8[%dma_start3A_286, %dma_start3A_287] : memref<6x120xi32, #tpu.memory_space<vmem>> -> memref<1x120xi32, #tpu.memory_space<vmem>>
          %dma_start3A_289 = tpu.memref_squeeze %dma_start3A_288 : memref<1x120xi32, #tpu.memory_space<vmem>> -> memref<120xi32, #tpu.memory_space<vmem>>
          %dma_start3A_290 = arith.constant 0 : i32
          %dma_start3A_291 = arith.constant 0 : i32
          %dma_start3A_292 = tpu.memref_slice %arg2[%dma_start3A_290, %dma_start3A_291] : memref<20000x128xf32, #tpu.memory_space<hbm>> -> memref<20000x128xf32, #tpu.memory_space<hbm>>
          tpu.enqueue_indirect_dma source(%dma_start3A_292 : memref<20000x128xf32, #tpu.memory_space<hbm>>) target(%arg12 : memref<120x128xf32, #tpu.memory_space<vmem>>) offsets(%dma_start3A_289 : memref<120xi32, #tpu.memory_space<vmem>>) semaphore(%arg15 : memref<!tpu.dma_semaphore, #tpu.memory_space<semaphore_mem>>)
        } else {
        }
        %dma_wait3A_234 = arith.constant 5 : i32
        %dma_wait3A_235 = arith.constant 0 : i32
        %dma_wait3A_236 = tpu.memref_slice %arg10[%dma_wait3A_234, %dma_wait3A_235] : memref<6x120xi32, #tpu.memory_space<vmem>> -> memref<1x120xi32, #tpu.memory_space<vmem>>
        %dma_wait3A_237 = tpu.memref_squeeze %dma_wait3A_236 : memref<1x120xi32, #tpu.memory_space<vmem>> -> memref<120xi32, #tpu.memory_space<vmem>>
        %dma_wait3A_238 = arith.constant 0 : i32
        %dma_wait3A_239 = arith.constant 0 : i32
        %dma_wait3A_240 = tpu.memref_slice %arg2[%dma_wait3A_238, %dma_wait3A_239] : memref<20000x128xf32, #tpu.memory_space<hbm>> -> memref<20000x128xf32, #tpu.memory_space<hbm>>
        tpu.wait_indirect_dma semaphore(%arg17 : memref<!tpu.dma_semaphore, #tpu.memory_space<semaphore_mem>>) src(%dma_wait3A_240 : memref<20000x128xf32, #tpu.memory_space<hbm>>) dst(%arg14 : memref<120x128xf32, #tpu.memory_space<vmem>>)
        %dma_start3A_241 = arith.constant 5 : i32
        %dma_start3A_242 = arith.constant 0 : i32
        %dma_start3A_243 = tpu.memref_slice %arg11[%dma_start3A_241, %dma_start3A_242] : memref<6x120xi32, #tpu.memory_space<vmem>> -> memref<1x120xi32, #tpu.memory_space<vmem>>
        %dma_start3A_244 = tpu.memref_squeeze %dma_start3A_243 : memref<1x120xi32, #tpu.memory_space<vmem>> -> memref<120xi32, #tpu.memory_space<vmem>>
        %dma_start3A_245 = arith.constant 0 : i32
        %dma_start3A_246 = arith.constant 0 : i32
        %dma_start3A_247 = tpu.memref_slice %arg7[%dma_start3A_245, %dma_start3A_246] : memref<10008x128xf32, #tpu.memory_space<vmem_shared>> -> memref<10008x128xf32, #tpu.memory_space<vmem_shared>>
        tpu.enqueue_indirect_dma source(%arg14 : memref<120x128xf32, #tpu.memory_space<vmem>>) target(%dma_start3A_247 : memref<10008x128xf32, #tpu.memory_space<vmem_shared>>) offsets(%dma_start3A_244 : memref<120xi32, #tpu.memory_space<vmem>>) semaphore(%arg20 : memref<!tpu.dma_semaphore, #tpu.memory_space<semaphore_mem>>) {add = true}
        %lt3A_248 = arith.constant 13 : i32
        %lt3A_249 = arith.cmpi slt, %add3A_63, %lt3A_248 : i32
        %convert_element_type3A_250 = arith.extui %lt3A_249 : i1 to i32
        %cond3A_251 = arith.constant 0 : i32
        %cond3A_252 = arith.cmpi ne, %convert_element_type3A_250, %cond3A_251 : i32
        scf.if %cond3A_252 {
          %dma_wait3A_253 = arith.constant 4 : i32
          %dma_wait3A_254 = arith.constant 0 : i32
          %dma_wait3A_255 = tpu.memref_slice %arg11[%dma_wait3A_253, %dma_wait3A_254] : memref<6x120xi32, #tpu.memory_space<vmem>> -> memref<1x120xi32, #tpu.memory_space<vmem>>
          %dma_wait3A_256 = tpu.memref_squeeze %dma_wait3A_255 : memref<1x120xi32, #tpu.memory_space<vmem>> -> memref<120xi32, #tpu.memory_space<vmem>>
          %dma_wait3A_257 = arith.constant 0 : i32
          %dma_wait3A_258 = arith.constant 0 : i32
          %dma_wait3A_259 = tpu.memref_slice %arg7[%dma_wait3A_257, %dma_wait3A_258] : memref<10008x128xf32, #tpu.memory_space<vmem_shared>> -> memref<10008x128xf32, #tpu.memory_space<vmem_shared>>
          tpu.wait_indirect_dma semaphore(%arg19 : memref<!tpu.dma_semaphore, #tpu.memory_space<semaphore_mem>>) src(%arg13 : memref<120x128xf32, #tpu.memory_space<vmem>>) dst(%dma_wait3A_259 : memref<10008x128xf32, #tpu.memory_space<vmem_shared>>)
          %dma_start3A_260 = arith.constant 1 : i32
          %dma_start3A_261 = arith.constant 0 : i32
          %dma_start3A_262 = tpu.memref_slice %arg8[%dma_start3A_260, %dma_start3A_261] : memref<6x120xi32, #tpu.memory_space<vmem>> -> memref<1x120xi32, #tpu.memory_space<vmem>>
          %dma_start3A_263 = tpu.memref_squeeze %dma_start3A_262 : memref<1x120xi32, #tpu.memory_space<vmem>> -> memref<120xi32, #tpu.memory_space<vmem>>
          %dma_start3A_264 = arith.constant 0 : i32
          %dma_start3A_265 = arith.constant 0 : i32
          %dma_start3A_266 = tpu.memref_slice %arg2[%dma_start3A_264, %dma_start3A_265] : memref<20000x128xf32, #tpu.memory_space<hbm>> -> memref<20000x128xf32, #tpu.memory_space<hbm>>
          tpu.enqueue_indirect_dma source(%dma_start3A_266 : memref<20000x128xf32, #tpu.memory_space<hbm>>) target(%arg13 : memref<120x128xf32, #tpu.memory_space<vmem>>) offsets(%dma_start3A_263 : memref<120xi32, #tpu.memory_space<vmem>>) semaphore(%arg16 : memref<!tpu.dma_semaphore, #tpu.memory_space<semaphore_mem>>)
        } else {
        }
      } else {
      }
    }
    %scan3A_27 = arith.constant 14 : i32
    %dma_wait3A = arith.constant 3 : i32
    %dma_wait3A_28 = arith.constant 0 : i32
    %dma_wait3A_29 = tpu.memref_slice %arg11[%dma_wait3A, %dma_wait3A_28] : memref<6x120xi32, #tpu.memory_space<vmem>> -> memref<1x120xi32, #tpu.memory_space<vmem>>
    %dma_wait3A_30 = tpu.memref_squeeze %dma_wait3A_29 : memref<1x120xi32, #tpu.memory_space<vmem>> -> memref<120xi32, #tpu.memory_space<vmem>>
    %dma_wait3A_31 = arith.constant 0 : i32
    %dma_wait3A_32 = arith.constant 0 : i32
    %dma_wait3A_33 = tpu.memref_slice %arg7[%dma_wait3A_31, %dma_wait3A_32] : memref<10008x128xf32, #tpu.memory_space<vmem_shared>> -> memref<10008x128xf32, #tpu.memory_space<vmem_shared>>
    tpu.wait_indirect_dma semaphore(%arg18 : memref<!tpu.dma_semaphore, #tpu.memory_space<semaphore_mem>>) src(%arg12 : memref<120x128xf32, #tpu.memory_space<vmem>>) dst(%dma_wait3A_33 : memref<10008x128xf32, #tpu.memory_space<vmem_shared>>)
    %dma_wait3A_34 = arith.constant 4 : i32
    %dma_wait3A_35 = arith.constant 0 : i32
    %dma_wait3A_36 = tpu.memref_slice %arg11[%dma_wait3A_34, %dma_wait3A_35] : memref<6x120xi32, #tpu.memory_space<vmem>> -> memref<1x120xi32, #tpu.memory_space<vmem>>
    %dma_wait3A_37 = tpu.memref_squeeze %dma_wait3A_36 : memref<1x120xi32, #tpu.memory_space<vmem>> -> memref<120xi32, #tpu.memory_space<vmem>>
    %dma_wait3A_38 = arith.constant 0 : i32
    %dma_wait3A_39 = arith.constant 0 : i32
    %dma_wait3A_40 = tpu.memref_slice %arg7[%dma_wait3A_38, %dma_wait3A_39] : memref<10008x128xf32, #tpu.memory_space<vmem_shared>> -> memref<10008x128xf32, #tpu.memory_space<vmem_shared>>
    tpu.wait_indirect_dma semaphore(%arg19 : memref<!tpu.dma_semaphore, #tpu.memory_space<semaphore_mem>>) src(%arg13 : memref<120x128xf32, #tpu.memory_space<vmem>>) dst(%dma_wait3A_40 : memref<10008x128xf32, #tpu.memory_space<vmem_shared>>)
    %dma_wait3A_41 = arith.constant 5 : i32
    %dma_wait3A_42 = arith.constant 0 : i32
    %dma_wait3A_43 = tpu.memref_slice %arg11[%dma_wait3A_41, %dma_wait3A_42] : memref<6x120xi32, #tpu.memory_space<vmem>> -> memref<1x120xi32, #tpu.memory_space<vmem>>
    %dma_wait3A_44 = tpu.memref_squeeze %dma_wait3A_43 : memref<1x120xi32, #tpu.memory_space<vmem>> -> memref<120xi32, #tpu.memory_space<vmem>>
    %dma_wait3A_45 = arith.constant 0 : i32
    %dma_wait3A_46 = arith.constant 0 : i32
    %dma_wait3A_47 = tpu.memref_slice %arg7[%dma_wait3A_45, %dma_wait3A_46] : memref<10008x128xf32, #tpu.memory_space<vmem_shared>> -> memref<10008x128xf32, #tpu.memory_space<vmem_shared>>
    tpu.wait_indirect_dma semaphore(%arg20 : memref<!tpu.dma_semaphore, #tpu.memory_space<semaphore_mem>>) src(%arg14 : memref<120x128xf32, #tpu.memory_space<vmem>>) dst(%dma_wait3A_47 : memref<10008x128xf32, #tpu.memory_space<vmem_shared>>)
    %barrier3A_48 = arith.constant 0 : index
    tpu.barrier barrier_id(%barrier3A_48)
    %lt3A_49 = arith.constant 15 : i32
    %lt3A_50 = arith.cmpi slt, %arg1, %lt3A_49 : i32
    %convert_element_type3A_51 = arith.extui %lt3A_50 : i1 to i32
    %cond3A_52 = arith.constant 0 : i32
    %cond3A_53 = arith.cmpi ne, %convert_element_type3A_51, %cond3A_52 : i32
    scf.if %cond3A_53 {
      %mul3A_59 = arith.constant 624 : i32
      %mul3A_60 = arith.muli %arg1, %mul3A_59 : i32
      %mul3A_61 = arith.constant 10000 : i32
      %mul3A_62 = arith.muli %arg0, %mul3A_61 : i32
      %mul3A_63 = arith.constant 624 : i32
      %mul3A_64 = arith.muli %arg1, %mul3A_63 : i32
      %add3A_65 = arith.addi %mul3A_62, %mul3A_64 : i32
      "tpu.region"() ({
        %run_scoped3A = tpu.sem_alloc : memref<!tpu.dma_semaphore, #tpu.memory_space<semaphore_mem>>
        %dma_start3A_66 = arith.constant 0 : i32
        %dma_start3A_67 = tpu.memref_slice %arg6[%add3A_65, %dma_start3A_66] : memref<20000x128xf32, #tpu.memory_space<hbm>> -> memref<624x128xf32, #tpu.memory_space<hbm>>
        %dma_start3A_68 = arith.constant 0 : i32
        %dma_start3A_69 = tpu.memref_slice %arg7[%mul3A_60, %dma_start3A_68] : memref<10008x128xf32, #tpu.memory_space<vmem_shared>> -> memref<624x128xf32, #tpu.memory_space<vmem_shared>>
        tpu.enqueue_dma source(%dma_start3A_69 : memref<624x128xf32, #tpu.memory_space<vmem_shared>>) target(%dma_start3A_67 : memref<624x128xf32, #tpu.memory_space<hbm>>) target_semaphore(%run_scoped3A : memref<!tpu.dma_semaphore, #tpu.memory_space<semaphore_mem>>)
        %dma_wait3A_70 = arith.constant 0 : i32
        %dma_wait3A_71 = tpu.memref_slice %arg6[%add3A_65, %dma_wait3A_70] : memref<20000x128xf32, #tpu.memory_space<hbm>> -> memref<624x128xf32, #tpu.memory_space<hbm>>
        %dma_wait3A_72 = arith.constant 0 : i32
        %dma_wait3A_73 = tpu.memref_slice %arg7[%mul3A_60, %dma_wait3A_72] : memref<10008x128xf32, #tpu.memory_space<vmem_shared>> -> memref<624x128xf32, #tpu.memory_space<vmem_shared>>
        tpu.wait_dma2 semaphore(%run_scoped3A : memref<!tpu.dma_semaphore, #tpu.memory_space<semaphore_mem>>) src(%dma_wait3A_73 : memref<624x128xf32, #tpu.memory_space<vmem_shared>>) dst(%dma_wait3A_71 : memref<624x128xf32, #tpu.memory_space<hbm>>)
        tpu.yield
      }) : () -> ()
    } else {
    }
    %eq3A_54 = arith.constant 15 : i32
    %eq3A_55 = arith.cmpi eq, %arg1, %eq3A_54 : i32
    %convert_element_type3A_56 = arith.extui %eq3A_55 : i1 to i32
    %cond3A_57 = arith.constant 0 : i32
    %cond3A_58 = arith.cmpi ne, %convert_element_type3A_56, %cond3A_57 : i32
    scf.if %cond3A_58 {
      %mul3A_59 = arith.constant 10000 : i32
      %mul3A_60 = arith.muli %arg0, %mul3A_59 : i32
      %add3A_61 = arith.constant 9360 : i32
      %add3A_62 = arith.addi %mul3A_60, %add3A_61 : i32
      "tpu.region"() ({
        %run_scoped3A = tpu.sem_alloc : memref<!tpu.dma_semaphore, #tpu.memory_space<semaphore_mem>>
        %dma_start3A_63 = arith.constant 0 : i32
        %dma_start3A_64 = tpu.memref_slice %arg6[%add3A_62, %dma_start3A_63] : memref<20000x128xf32, #tpu.memory_space<hbm>> -> memref<640x128xf32, #tpu.memory_space<hbm>>
        %dma_start3A_65 = arith.constant 9360 : i32
        %dma_start3A_66 = arith.constant 0 : i32
        %dma_start3A_67 = tpu.memref_slice %arg7[%dma_start3A_65, %dma_start3A_66] : memref<10008x128xf32, #tpu.memory_space<vmem_shared>> -> memref<640x128xf32, #tpu.memory_space<vmem_shared>>
        tpu.enqueue_dma source(%dma_start3A_67 : memref<640x128xf32, #tpu.memory_space<vmem_shared>>) target(%dma_start3A_64 : memref<640x128xf32, #tpu.memory_space<hbm>>) target_semaphore(%run_scoped3A : memref<!tpu.dma_semaphore, #tpu.memory_space<semaphore_mem>>)
        %dma_wait3A_68 = arith.constant 0 : i32
        %dma_wait3A_69 = tpu.memref_slice %arg6[%add3A_62, %dma_wait3A_68] : memref<20000x128xf32, #tpu.memory_space<hbm>> -> memref<640x128xf32, #tpu.memory_space<hbm>>
        %dma_wait3A_70 = arith.constant 9360 : i32
        %dma_wait3A_71 = arith.constant 0 : i32
        %dma_wait3A_72 = tpu.memref_slice %arg7[%dma_wait3A_70, %dma_wait3A_71] : memref<10008x128xf32, #tpu.memory_space<vmem_shared>> -> memref<640x128xf32, #tpu.memory_space<vmem_shared>>
        tpu.wait_dma2 semaphore(%run_scoped3A : memref<!tpu.dma_semaphore, #tpu.memory_space<semaphore_mem>>) src(%dma_wait3A_72 : memref<640x128xf32, #tpu.memory_space<vmem_shared>>) dst(%dma_wait3A_69 : memref<640x128xf32, #tpu.memory_space<hbm>>)
        tpu.yield
      }) : () -> ()
    } else {
    }
    return
  }
}

module attributes {stable_mosaic.version = 14 : i64} {
  func.func @_tc_mm0(%arg0: i32, %arg1: memref<1024x256xf32, #tpu.memory_space<vmem>>, %arg2: memref<256x256xf32, #tpu.memory_space<vmem>>, %arg3: memref<2x1024x128xf32, #tpu.memory_space<vmem>>) attributes {dimension_semantics = [#tpu.dimension_semantics<arbitrary>], iteration_bounds = array<i64: 10>, scalar_prefetch = 0 : i64, scratch_operands = 0 : i64, tpu.core_type = #tpu.core_type<tc>, window_params = [{transform_indices = @transform_0, window_bounds = array<i64: 1024, 256>}, {pipeline_mode = #tpu.pipeline_mode<synchronous>, transform_indices = @transform_1, window_bounds = array<i64: 256, 256>}, {transform_indices = @transform_2, window_bounds = array<i64: 2, 1024, 128>}]} {
    %get3A = arith.constant 0 : index
    %get3A_0 = arith.constant 0 : index
    %get3A_1 = vector.load %arg1[%get3A, %get3A_0] : memref<1024x256xf32, #tpu.memory_space<vmem>>, vector<1024x256xf32>
    %get3A_2 = arith.constant 0 : index
    %get3A_3 = arith.constant 0 : index
    %get3A_4 = vector.load %arg2[%get3A_2, %get3A_3] : memref<256x256xf32, #tpu.memory_space<vmem>>, vector<256x256xf32>
    %dot_general3A = arith.constant dense<0.000000e+00> : vector<1024x256xf32>
    %dot_general3A_5 = tpu.matmul %get3A_1, %get3A_4, %dot_general3A {dimension_numbers = #tpu.dot_dimension_numbers<[1], [1], [0], [0], [0, 0, 1, 0], [], []>, transpose_lhs_hint = false} : vector<1024x256xf32>, vector<256x256xf32>, vector<1024x256xf32> -> vector<1024x256xf32>
    %slice3A = vector.extract_strided_slice %dot_general3A_5 {offsets = [0, 0], sizes = [1024, 128], strides = [1, 1]} : vector<1024x256xf32> to vector<1024x128xf32>
    %swap3A = arith.constant 0 : index
    %swap3A_6 = arith.constant 0 : index
    %swap3A_7 = arith.constant 0 : index
    %swap3A_8 = vector.load %arg3[%swap3A, %swap3A_6, %swap3A_7] : memref<2x1024x128xf32, #tpu.memory_space<vmem>>, vector<1x1024x128xf32>
    %swap3A_9 = vector.shape_cast %swap3A_8 : vector<1x1024x128xf32> to vector<1024x128xf32>
    %swap3A_10 = vector.shape_cast %slice3A : vector<1024x128xf32> to vector<1x1024x128xf32>
    tpu.vector_store %arg3[%swap3A, %swap3A_6, %swap3A_7], %swap3A_10 {strides = array<i32>} : memref<2x1024x128xf32, #tpu.memory_space<vmem>>, vector<1x1024x128xf32>,
    %slice3A_11 = vector.extract_strided_slice %dot_general3A_5 {offsets = [0, 128], sizes = [1024, 128], strides = [1, 1]} : vector<1024x256xf32> to vector<1024x128xf32>
    %swap3A_12 = arith.constant 1 : index
    %swap3A_13 = arith.constant 0 : index
    %swap3A_14 = arith.constant 0 : index
    %swap3A_15 = vector.load %arg3[%swap3A_12, %swap3A_13, %swap3A_14] : memref<2x1024x128xf32, #tpu.memory_space<vmem>>, vector<1x1024x128xf32>
    %swap3A_16 = vector.shape_cast %swap3A_15 : vector<1x1024x128xf32> to vector<1024x128xf32>
    %swap3A_17 = vector.shape_cast %slice3A_11 : vector<1024x128xf32> to vector<1x1024x128xf32>
    tpu.vector_store %arg3[%swap3A_12, %swap3A_13, %swap3A_14], %swap3A_17 {strides = array<i32>} : memref<2x1024x128xf32, #tpu.memory_space<vmem>>, vector<1x1024x128xf32>,
    return
  }
  func.func @transform_0(%arg0: i32) -> (i32, i32) {
    %c0_i32 = arith.constant 0 : i32
    %c0_i32_0 = arith.constant 0 : i32
    return %arg0, %c0_i32 : i32, i32
  }
  func.func @transform_1(%arg0: i32) -> (i32, i32) {
    %c0_i32 = arith.constant 0 : i32
    %c0_i32_0 = arith.constant 0 : i32
    %c0_i32_1 = arith.constant 0 : i32
    return %c0_i32, %c0_i32_0 : i32, i32
  }
  func.func @transform_2(%arg0: i32) -> (i32, i32, i32) {
    %c0_i32 = arith.constant 0 : i32
    %c0_i32_0 = arith.constant 0 : i32
    %c0_i32_1 = arith.constant 0 : i32
    return %c0_i32, %arg0, %c0_i32_0 : i32, i32, i32
  }
}

module attributes {stable_mosaic.version = 14 : i64} {
  func.func @_tc_scale0(%arg0: i32, %arg1: memref<2x1024x128xf32, #tpu.memory_space<vmem>>, %arg2: memref<2x1024x128xf32, #tpu.memory_space<vmem>>, %arg3: memref<2x1024x128xf32, #tpu.memory_space<vmem>>, %arg4: memref<1024x1xf32, #tpu.memory_space<vmem>>) attributes {dimension_semantics = [#tpu.dimension_semantics<arbitrary>], iteration_bounds = array<i64: 10>, scalar_prefetch = 0 : i64, scratch_operands = 0 : i64, tpu.core_type = #tpu.core_type<tc>, window_params = [{transform_indices = @transform_0, window_bounds = array<i64: 2, 1024, 128>}, {transform_indices = @transform_1, window_bounds = array<i64: 2, 1024, 128>}, {transform_indices = @transform_2, window_bounds = array<i64: 2, 1024, 128>}, {transform_indices = @transform_3, window_bounds = array<i64: 1024, 1>}]} {
    %get3A = arith.constant 0 : index
    %get3A_0 = arith.constant 0 : index
    %get3A_1 = arith.constant 0 : index
    %get3A_2 = vector.load %arg2[%get3A, %get3A_0, %get3A_1] : memref<2x1024x128xf32, #tpu.memory_space<vmem>>, vector<1x1024x1xf32>
    %get3A_3 = vector.shape_cast %get3A_2 : vector<1x1024x1xf32> to vector<1024xf32>
    %get3A_4 = arith.constant 1 : index
    %get3A_5 = arith.constant 0 : index
    %get3A_6 = arith.constant 0 : index
    %get3A_7 = vector.load %arg2[%get3A_4, %get3A_5, %get3A_6] : memref<2x1024x128xf32, #tpu.memory_space<vmem>>, vector<1x1024x1xf32>
    %get3A_8 = vector.shape_cast %get3A_7 : vector<1x1024x1xf32> to vector<1024xf32>
    %add3A = arith.addf %get3A_3, %get3A_8 : vector<1024xf32>
    %add3A_9 = arith.constant 1.000000e+00 : f32
    %add3A_10 = vector.broadcast %add3A_9 : f32 to vector<1024xf32>
    %add3A_11 = arith.addf %add3A, %add3A_10 : vector<1024xf32>
    %rsqrt3A = math.rsqrt %add3A_11 : vector<1024xf32>
    %get3A_12 = arith.constant 0 : index
    %get3A_13 = arith.constant 0 : index
    %get3A_14 = arith.constant 0 : index
    %get3A_15 = vector.load %arg1[%get3A_12, %get3A_13, %get3A_14] : memref<2x1024x128xf32, #tpu.memory_space<vmem>>, vector<1x1024x128xf32>
    %get3A_16 = vector.shape_cast %get3A_15 : vector<1x1024x128xf32> to vector<1024x128xf32>
    %broadcast_in_dim3A = vector.shape_cast %rsqrt3A : vector<1024xf32> to vector<1024x1xf32>
    %mul3A = vector.broadcast %broadcast_in_dim3A : vector<1024x1xf32> to vector<1024x128xf32>
    %mul3A_17 = arith.mulf %get3A_16, %mul3A : vector<1024x128xf32>
    %swap3A = arith.constant 0 : index
    %swap3A_18 = arith.constant 0 : index
    %swap3A_19 = arith.constant 0 : index
    %swap3A_20 = vector.load %arg3[%swap3A, %swap3A_18, %swap3A_19] : memref<2x1024x128xf32, #tpu.memory_space<vmem>>, vector<1x1024x128xf32>
    %swap3A_21 = vector.shape_cast %swap3A_20 : vector<1x1024x128xf32> to vector<1024x128xf32>
    %swap3A_22 = vector.shape_cast %mul3A_17 : vector<1024x128xf32> to vector<1x1024x128xf32>
    tpu.vector_store %arg3[%swap3A, %swap3A_18, %swap3A_19], %swap3A_22 {strides = array<i32>} : memref<2x1024x128xf32, #tpu.memory_space<vmem>>, vector<1x1024x128xf32>,
    %get3A_23 = arith.constant 1 : index
    %get3A_24 = arith.constant 0 : index
    %get3A_25 = arith.constant 0 : index
    %get3A_26 = vector.load %arg1[%get3A_23, %get3A_24, %get3A_25] : memref<2x1024x128xf32, #tpu.memory_space<vmem>>, vector<1x1024x128xf32>
    %get3A_27 = vector.shape_cast %get3A_26 : vector<1x1024x128xf32> to vector<1024x128xf32>
    %broadcast_in_dim3A_28 = vector.shape_cast %rsqrt3A : vector<1024xf32> to vector<1024x1xf32>
    %mul3A_29 = vector.broadcast %broadcast_in_dim3A_28 : vector<1024x1xf32> to vector<1024x128xf32>
    %mul3A_30 = arith.mulf %get3A_27, %mul3A_29 : vector<1024x128xf32>
    %swap3A_31 = arith.constant 1 : index
    %swap3A_32 = arith.constant 0 : index
    %swap3A_33 = arith.constant 0 : index
    %swap3A_34 = vector.load %arg3[%swap3A_31, %swap3A_32, %swap3A_33] : memref<2x1024x128xf32, #tpu.memory_space<vmem>>, vector<1x1024x128xf32>
    %swap3A_35 = vector.shape_cast %swap3A_34 : vector<1x1024x128xf32> to vector<1024x128xf32>
    %swap3A_36 = vector.shape_cast %mul3A_30 : vector<1024x128xf32> to vector<1x1024x128xf32>
    tpu.vector_store %arg3[%swap3A_31, %swap3A_32, %swap3A_33], %swap3A_36 {strides = array<i32>} : memref<2x1024x128xf32, #tpu.memory_space<vmem>>, vector<1x1024x128xf32>,
    %broadcast_in_dim3A_37 = vector.shape_cast %rsqrt3A : vector<1024xf32> to vector<1024x1xf32>
    %swap3A_38 = arith.constant 0 : index
    %swap3A_39 = arith.constant 0 : index
    %swap3A_40 = vector.load %arg4[%swap3A_38, %swap3A_39] : memref<1024x1xf32, #tpu.memory_space<vmem>>, vector<1024x1xf32>
    tpu.vector_store %arg4[%swap3A_38, %swap3A_39], %broadcast_in_dim3A_37 {strides = array<i32>} : memref<1024x1xf32, #tpu.memory_space<vmem>>, vector<1024x1xf32>,
    return
  }
  func.func @transform_0(%arg0: i32) -> (i32, i32, i32) {
    %c0_i32 = arith.constant 0 : i32
    %c0_i32_0 = arith.constant 0 : i32
    %c0_i32_1 = arith.constant 0 : i32
    return %c0_i32, %arg0, %c0_i32_0 : i32, i32, i32
  }
  func.func @transform_1(%arg0: i32) -> (i32, i32, i32) {
    %c0_i32 = arith.constant 0 : i32
    %c0_i32_0 = arith.constant 0 : i32
    %c0_i32_1 = arith.constant 0 : i32
    return %c0_i32, %arg0, %c0_i32_0 : i32, i32, i32
  }
  func.func @transform_2(%arg0: i32) -> (i32, i32, i32) {
    %c0_i32 = arith.constant 0 : i32
    %c0_i32_0 = arith.constant 0 : i32
    %c0_i32_1 = arith.constant 0 : i32
    return %c0_i32, %arg0, %c0_i32_0 : i32, i32, i32
  }
  func.func @transform_3(%arg0: i32) -> (i32, i32) {
    %c0_i32 = arith.constant 0 : i32
    %c0_i32_0 = arith.constant 0 : i32
    return %arg0, %c0_i32 : i32, i32
  }
}

module attributes {stable_mosaic.version = 14 : i64} {
  func.func @_tc_post(%arg0: i32, %arg1: memref<2x1024x128xf32, #tpu.memory_space<vmem>>, %arg2: memref<2x1024x128xf32, #tpu.memory_space<vmem>>, %arg3: memref<1024x1xf32, #tpu.memory_space<vmem>>, %arg4: memref<1x256xf32, #tpu.memory_space<vmem>>, %arg5: memref<1024x256xf32, #tpu.memory_space<vmem>>, %arg6: memref<1x1x256xf32, #tpu.memory_space<vmem>>, %arg7: memref<1x1x256xf32, #tpu.memory_space<vmem>>) attributes {dimension_semantics = [#tpu.dimension_semantics<arbitrary>], iteration_bounds = array<i64: 10>, scalar_prefetch = 0 : i64, scratch_operands = 0 : i64, tpu.core_type = #tpu.core_type<tc>, window_params = [{transform_indices = @transform_0, window_bounds = array<i64: 2, 1024, 128>}, {transform_indices = @transform_1, window_bounds = array<i64: 2, 1024, 128>}, {transform_indices = @transform_2, window_bounds = array<i64: 1024, 1>}, {pipeline_mode = #tpu.pipeline_mode<synchronous>, transform_indices = @transform_3, window_bounds = array<i64: 1, 256>}, {transform_indices = @transform_4, window_bounds = array<i64: 1024, 256>}, {transform_indices = @transform_5, window_bounds = array<i64: 1, 1, 256>}, {transform_indices = @transform_6, window_bounds = array<i64: 1, 1, 256>}]} {
    %get3A = arith.constant 0 : index
    %get3A_0 = arith.constant 0 : index
    %get3A_1 = arith.constant 0 : index
    %get3A_2 = vector.load %arg1[%get3A, %get3A_0, %get3A_1] : memref<2x1024x128xf32, #tpu.memory_space<vmem>>, vector<1x1024x128xf32>
    %get3A_3 = vector.shape_cast %get3A_2 : vector<1x1024x128xf32> to vector<1024x128xf32>
    %get3A_4 = arith.constant 1 : index
    %get3A_5 = arith.constant 0 : index
    %get3A_6 = arith.constant 0 : index
    %get3A_7 = vector.load %arg1[%get3A_4, %get3A_5, %get3A_6] : memref<2x1024x128xf32, #tpu.memory_space<vmem>>, vector<1x1024x128xf32>
    %get3A_8 = vector.shape_cast %get3A_7 : vector<1x1024x128xf32> to vector<1024x128xf32>
    %concatenate3A = tpu.concatenate %get3A_3, %get3A_8 in 1 : vector<1024x128xf32>, vector<1024x128xf32> -> vector<1024x256xf32>
    %get3A_9 = arith.constant 0 : index
    %get3A_10 = arith.constant 0 : index
    %get3A_11 = arith.constant 0 : index
    %get3A_12 = vector.load %arg2[%get3A_9, %get3A_10, %get3A_11] : memref<2x1024x128xf32, #tpu.memory_space<vmem>>, vector<1x1024x128xf32>
    %get3A_13 = vector.shape_cast %get3A_12 : vector<1x1024x128xf32> to vector<1024x128xf32>
    %get3A_14 = arith.constant 1 : index
    %get3A_15 = arith.constant 0 : index
    %get3A_16 = arith.constant 0 : index
    %get3A_17 = vector.load %arg2[%get3A_14, %get3A_15, %get3A_16] : memref<2x1024x128xf32, #tpu.memory_space<vmem>>, vector<1x1024x128xf32>
    %get3A_18 = vector.shape_cast %get3A_17 : vector<1x1024x128xf32> to vector<1024x128xf32>
    %concatenate3A_19 = tpu.concatenate %get3A_13, %get3A_18 in 1 : vector<1024x128xf32>, vector<1024x128xf32> -> vector<1024x256xf32>
    %add3A = arith.addf %concatenate3A, %concatenate3A_19 : vector<1024x256xf32>
    %get3A_20 = arith.constant 0 : index
    %get3A_21 = arith.constant 0 : index
    %get3A_22 = vector.load %arg3[%get3A_20, %get3A_21] : memref<1024x1xf32, #tpu.memory_space<vmem>>, vector<1024x1xf32>
    %mul3A = vector.broadcast %get3A_22 : vector<1024x1xf32> to vector<1024x256xf32>
    %mul3A_23 = arith.mulf %add3A, %mul3A : vector<1024x256xf32>
    %get3A_24 = arith.constant 0 : index
    %get3A_25 = arith.constant 0 : index
    %get3A_26 = vector.load %arg4[%get3A_24, %get3A_25] : memref<1x256xf32, #tpu.memory_space<vmem>>, vector<1x256xf32>
    %add3A_27 = vector.broadcast %get3A_26 : vector<1x256xf32> to vector<1024x256xf32>
    %add3A_28 = arith.addf %mul3A_23, %add3A_27 : vector<1024x256xf32>
    %iota3A = tpu.iota {dimensions = array<i32: 0>} : vector<1024x1xi32>
    %mul3A_29 = arith.constant 1024 : i32
    %mul3A_30 = arith.muli %arg0, %mul3A_29 : i32
    %add3A_31 = vector.broadcast %mul3A_30 : i32 to vector<1024x1xi32>
    %add3A_32 = arith.addi %iota3A, %add3A_31 : vector<1024x1xi32>
    %lt3A = arith.constant 10000 : i32
    %lt3A_33 = vector.broadcast %lt3A : i32 to vector<1024x1xi32>
    %lt3A_34 = arith.cmpi slt, %add3A_32, %lt3A_33 : vector<1024x1xi32>
    %jit3A = arith.constant 0.000000e+00 : f32
    %broadcast_in_dim3A = vector.shape_cast %lt3A_34 : vector<1024x1xi1> to vector<1024x1xi1>
    %broadcast_in_dim3A_35 = vector.broadcast %broadcast_in_dim3A : vector<1024x1xi1> to vector<1024x256xi1>
    %broadcast_in_dim3A_36 = vector.broadcast %jit3A : f32 to vector<1024x256xf32>
    %select_n3A = arith.select %broadcast_in_dim3A_35, %add3A_28, %broadcast_in_dim3A_36 : vector<1024x256xi1>, vector<1024x256xf32>
    %swap3A = arith.constant 0 : index
    %swap3A_37 = arith.constant 0 : index
    %swap3A_38 = vector.load %arg5[%swap3A, %swap3A_37] : memref<1024x256xf32, #tpu.memory_space<vmem>>, vector<1024x256xf32>
    tpu.vector_store %arg5[%swap3A, %swap3A_37], %select_n3A {strides = array<i32>} : memref<1024x256xf32, #tpu.memory_space<vmem>>, vector<1024x256xf32>,
    %reduce_sum3A = arith.constant dense<0.000000e+00> : vector<256xf32>
    %reduce_sum3A_39 = vector.multi_reduction <add>, %select_n3A, %reduce_sum3A [0] : vector<1024x256xf32> to vector<256xf32>
    %broadcast_in_dim3A_40 = vector.shape_cast %reduce_sum3A_39 : vector<256xf32> to vector<1x256xf32>
    %broadcast_in_dim3A_41 = vector.shape_cast %broadcast_in_dim3A_40 : vector<1x256xf32> to vector<1x1x256xf32>
    %swap3A_42 = arith.constant 0 : index
    %swap3A_43 = arith.constant 0 : index
    %swap3A_44 = arith.constant 0 : index
    %swap3A_45 = vector.load %arg6[%swap3A_42, %swap3A_43, %swap3A_44] : memref<1x1x256xf32, #tpu.memory_space<vmem>>, vector<1x1x256xf32>
    tpu.vector_store %arg6[%swap3A_42, %swap3A_43, %swap3A_44], %broadcast_in_dim3A_41 {strides = array<i32>} : memref<1x1x256xf32, #tpu.memory_space<vmem>>, vector<1x1x256xf32>,
    %mul3A_46 = arith.mulf %select_n3A, %select_n3A : vector<1024x256xf32>
    %reduce_sum3A_47 = arith.constant dense<0.000000e+00> : vector<256xf32>
    %reduce_sum3A_48 = vector.multi_reduction <add>, %mul3A_46, %reduce_sum3A_47 [0] : vector<1024x256xf32> to vector<256xf32>
    %broadcast_in_dim3A_49 = vector.shape_cast %reduce_sum3A_48 : vector<256xf32> to vector<1x256xf32>
    %broadcast_in_dim3A_50 = vector.shape_cast %broadcast_in_dim3A_49 : vector<1x256xf32> to vector<1x1x256xf32>
    %swap3A_51 = arith.constant 0 : index
    %swap3A_52 = arith.constant 0 : index
    %swap3A_53 = arith.constant 0 : index
    %swap3A_54 = vector.load %arg7[%swap3A_51, %swap3A_52, %swap3A_53] : memref<1x1x256xf32, #tpu.memory_space<vmem>>, vector<1x1x256xf32>
    tpu.vector_store %arg7[%swap3A_51, %swap3A_52, %swap3A_53], %broadcast_in_dim3A_50 {strides = array<i32>} : memref<1x1x256xf32, #tpu.memory_space<vmem>>, vector<1x1x256xf32>,
    return
  }
  func.func @transform_0(%arg0: i32) -> (i32, i32, i32) {
    %c0_i32 = arith.constant 0 : i32
    %c0_i32_0 = arith.constant 0 : i32
    %c0_i32_1 = arith.constant 0 : i32
    return %c0_i32, %arg0, %c0_i32_0 : i32, i32, i32
  }
  func.func @transform_1(%arg0: i32) -> (i32, i32, i32) {
    %c0_i32 = arith.constant 0 : i32
    %c0_i32_0 = arith.constant 0 : i32
    %c0_i32_1 = arith.constant 0 : i32
    return %c0_i32, %arg0, %c0_i32_0 : i32, i32, i32
  }
  func.func @transform_2(%arg0: i32) -> (i32, i32) {
    %c0_i32 = arith.constant 0 : i32
    %c0_i32_0 = arith.constant 0 : i32
    return %arg0, %c0_i32 : i32, i32
  }
  func.func @transform_3(%arg0: i32) -> (i32, i32) {
    %c0_i32 = arith.constant 0 : i32
    %c0_i32_0 = arith.constant 0 : i32
    %c0_i32_1 = arith.constant 0 : i32
    return %c0_i32, %c0_i32_0 : i32, i32
  }
  func.func @transform_4(%arg0: i32) -> (i32, i32) {
    %c0_i32 = arith.constant 0 : i32
    %c0_i32_0 = arith.constant 0 : i32
    return %arg0, %c0_i32 : i32, i32
  }
  func.func @transform_5(%arg0: i32) -> (i32, i32, i32) {
    %c0_i32 = arith.constant 0 : i32
    %c0_i32_0 = arith.constant 0 : i32
    %c0_i32_1 = arith.constant 0 : i32
    return %arg0, %c0_i32, %c0_i32_0 : i32, i32, i32
  }
  func.func @transform_6(%arg0: i32) -> (i32, i32, i32) {
    %c0_i32 = arith.constant 0 : i32
    %c0_i32_0 = arith.constant 0 : i32
    %c0_i32_1 = arith.constant 0 : i32
    return %arg0, %c0_i32, %c0_i32_0 : i32, i32, i32
  }
}

module attributes {stable_mosaic.version = 14 : i64} {
  func.func @_tc_fuse(%arg0: i32, %arg1: memref<1024x256xf32, #tpu.memory_space<vmem>>, %arg2: memref<10x1x256xf32, #tpu.memory_space<vmem>>, %arg3: memref<10x1x256xf32, #tpu.memory_space<vmem>>, %arg4: memref<1x256xf32, #tpu.memory_space<vmem>>, %arg5: memref<1x256xf32, #tpu.memory_space<vmem>>, %arg6: memref<1024x1xf32, #tpu.memory_space<vmem>>, %arg7: memref<256x256xf32, #tpu.memory_space<vmem>>, %arg8: memref<2x1024x128xf32, #tpu.memory_space<vmem>>) attributes {dimension_semantics = [#tpu.dimension_semantics<arbitrary>], iteration_bounds = array<i64: 10>, scalar_prefetch = 0 : i64, scratch_operands = 0 : i64, tpu.core_type = #tpu.core_type<tc>, window_params = [{transform_indices = @transform_0, window_bounds = array<i64: 1024, 256>}, {pipeline_mode = #tpu.pipeline_mode<synchronous>, transform_indices = @transform_1, window_bounds = array<i64: 10, 1, 256>}, {pipeline_mode = #tpu.pipeline_mode<synchronous>, transform_indices = @transform_2, window_bounds = array<i64: 10, 1, 256>}, {pipeline_mode = #tpu.pipeline_mode<synchronous>, transform_indices = @transform_3, window_bounds = array<i64: 1, 256>}, {pipeline_mode = #tpu.pipeline_mode<synchronous>, transform_indices = @transform_4, window_bounds = array<i64: 1, 256>}, {transform_indices = @transform_5, window_bounds = array<i64: 1024, 1>}, {pipeline_mode = #tpu.pipeline_mode<synchronous>, transform_indices = @transform_6, window_bounds = array<i64: 256, 256>}, {transform_indices = @transform_7, window_bounds = array<i64: 2, 1024, 128>}]} {
    %get3A = arith.constant 0 : index
    %get3A_0 = arith.constant 0 : index
    %get3A_1 = arith.constant 0 : index
    %get3A_2 = vector.load %arg2[%get3A, %get3A_0, %get3A_1] : memref<10x1x256xf32, #tpu.memory_space<vmem>>, vector<10x1x256xf32>
    %reduce_sum3A = arith.constant dense<0.000000e+00> : vector<1x256xf32>
    %reduce_sum3A_3 = vector.multi_reduction <add>, %get3A_2, %reduce_sum3A [0] : vector<10x1x256xf32> to vector<1x256xf32>
    %div3A = arith.constant 1.000000e+04 : f32
    %div3A_4 = vector.broadcast %div3A : f32 to vector<1x256xf32>
    %div3A_5 = arith.divf %reduce_sum3A_3, %div3A_4 : vector<1x256xf32>
    %get3A_6 = arith.constant 0 : index
    %get3A_7 = arith.constant 0 : index
    %get3A_8 = arith.constant 0 : index
    %get3A_9 = vector.load %arg3[%get3A_6, %get3A_7, %get3A_8] : memref<10x1x256xf32, #tpu.memory_space<vmem>>, vector<10x1x256xf32>
    %reduce_sum3A_10 = arith.constant dense<0.000000e+00> : vector<1x256xf32>
    %reduce_sum3A_11 = vector.multi_reduction <add>, %get3A_9, %reduce_sum3A_10 [0] : vector<10x1x256xf32> to vector<1x256xf32>
    %div3A_12 = arith.constant 1.000000e+04 : f32
    %div3A_13 = vector.broadcast %div3A_12 : f32 to vector<1x256xf32>
    %div3A_14 = arith.divf %reduce_sum3A_11, %div3A_13 : vector<1x256xf32>
    %mul3A = arith.mulf %div3A_5, %div3A_5 : vector<1x256xf32>
    %sub3A = arith.subf %div3A_14, %mul3A : vector<1x256xf32>
    %get3A_15 = arith.constant 0 : index
    %get3A_16 = arith.constant 0 : index
    %get3A_17 = vector.load %arg4[%get3A_15, %get3A_16] : memref<1x256xf32, #tpu.memory_space<vmem>>, vector<1x256xf32>
    %add3A = arith.constant 9.99999974E-6 : f32
    %add3A_18 = vector.broadcast %add3A : f32 to vector<1x256xf32>
    %add3A_19 = arith.addf %sub3A, %add3A_18 : vector<1x256xf32>
    %rsqrt3A = math.rsqrt %add3A_19 : vector<1x256xf32>
    %mul3A_20 = arith.mulf %get3A_17, %rsqrt3A : vector<1x256xf32>
    %get3A_21 = arith.constant 0 : index
    %get3A_22 = arith.constant 0 : index
    %get3A_23 = vector.load %arg5[%get3A_21, %get3A_22] : memref<1x256xf32, #tpu.memory_space<vmem>>, vector<1x256xf32>
    %mul3A_24 = arith.mulf %div3A_5, %mul3A_20 : vector<1x256xf32>
    %sub3A_25 = arith.subf %get3A_23, %mul3A_24 : vector<1x256xf32>
    %get3A_26 = arith.constant 0 : index
    %get3A_27 = arith.constant 0 : index
    %get3A_28 = vector.load %arg1[%get3A_26, %get3A_27] : memref<1024x256xf32, #tpu.memory_space<vmem>>, vector<1024x256xf32>
    %mul3A_29 = vector.broadcast %mul3A_20 : vector<1x256xf32> to vector<1024x256xf32>
    %mul3A_30 = arith.mulf %get3A_28, %mul3A_29 : vector<1024x256xf32>
    %add3A_31 = vector.broadcast %sub3A_25 : vector<1x256xf32> to vector<1024x256xf32>
    %add3A_32 = arith.addf %mul3A_30, %add3A_31 : vector<1024x256xf32>
    %ge3A = arith.constant 0.000000e+00 : f32
    %ge3A_33 = vector.broadcast %ge3A : f32 to vector<1024x256xf32>
    %ge3A_34 = arith.cmpf oge, %add3A_32, %ge3A_33 : vector<1024x256xf32>
    %mul3A_35 = arith.constant 0.00999999977 : f32
    %mul3A_36 = vector.broadcast %mul3A_35 : f32 to vector<1024x256xf32>
    %mul3A_37 = arith.mulf %mul3A_36, %add3A_32 : vector<1024x256xf32>
    %select_n3A = arith.select %ge3A_34, %add3A_32, %mul3A_37 : vector<1024x256xi1>, vector<1024x256xf32>
    %get3A_38 = arith.constant 0 : index
    %get3A_39 = arith.constant 0 : index
    %get3A_40 = vector.load %arg7[%get3A_38, %get3A_39] : memref<256x256xf32, #tpu.memory_space<vmem>>, vector<256x256xf32>
    %dot_general3A = arith.constant dense<0.000000e+00> : vector<1024x256xf32>
    %dot_general3A_41 = tpu.matmul %select_n3A, %get3A_40, %dot_general3A {dimension_numbers = #tpu.dot_dimension_numbers<[1], [1], [0], [0], [0, 0, 1, 0], [], []>, transpose_lhs_hint = false} : vector<1024x256xf32>, vector<256x256xf32>, vector<1024x256xf32> -> vector<1024x256xf32>
    %get3A_42 = arith.constant 0 : index
    %get3A_43 = arith.constant 0 : index
    %get3A_44 = vector.load %arg6[%get3A_42, %get3A_43] : memref<1024x1xf32, #tpu.memory_space<vmem>>, vector<1024x1xf32>
    %mul3A_45 = vector.broadcast %get3A_44 : vector<1024x1xf32> to vector<1024x256xf32>
    %mul3A_46 = arith.mulf %dot_general3A_41, %mul3A_45 : vector<1024x256xf32>
    %slice3A = vector.extract_strided_slice %mul3A_46 {offsets = [0, 0], sizes = [1024, 128], strides = [1, 1]} : vector<1024x256xf32> to vector<1024x128xf32>
    %swap3A = arith.constant 0 : index
    %swap3A_47 = arith.constant 0 : index
    %swap3A_48 = arith.constant 0 : index
    %swap3A_49 = vector.load %arg8[%swap3A, %swap3A_47, %swap3A_48] : memref<2x1024x128xf32, #tpu.memory_space<vmem>>, vector<1x1024x128xf32>
    %swap3A_50 = vector.shape_cast %swap3A_49 : vector<1x1024x128xf32> to vector<1024x128xf32>
    %swap3A_51 = vector.shape_cast %slice3A : vector<1024x128xf32> to vector<1x1024x128xf32>
    tpu.vector_store %arg8[%swap3A, %swap3A_47, %swap3A_48], %swap3A_51 {strides = array<i32>} : memref<2x1024x128xf32, #tpu.memory_space<vmem>>, vector<1x1024x128xf32>,
    %slice3A_52 = vector.extract_strided_slice %mul3A_46 {offsets = [0, 128], sizes = [1024, 128], strides = [1, 1]} : vector<1024x256xf32> to vector<1024x128xf32>
    %swap3A_53 = arith.constant 1 : index
    %swap3A_54 = arith.constant 0 : index
    %swap3A_55 = arith.constant 0 : index
    %swap3A_56 = vector.load %arg8[%swap3A_53, %swap3A_54, %swap3A_55] : memref<2x1024x128xf32, #tpu.memory_space<vmem>>, vector<1x1024x128xf32>
    %swap3A_57 = vector.shape_cast %swap3A_56 : vector<1x1024x128xf32> to vector<1024x128xf32>
    %swap3A_58 = vector.shape_cast %slice3A_52 : vector<1024x128xf32> to vector<1x1024x128xf32>
    tpu.vector_store %arg8[%swap3A_53, %swap3A_54, %swap3A_55], %swap3A_58 {strides = array<i32>} : memref<2x1024x128xf32, #tpu.memory_space<vmem>>, vector<1x1024x128xf32>,
    return
  }
  func.func @transform_0(%arg0: i32) -> (i32, i32) {
    %c0_i32 = arith.constant 0 : i32
    %c0_i32_0 = arith.constant 0 : i32
    return %arg0, %c0_i32 : i32, i32
  }
  func.func @transform_1(%arg0: i32) -> (i32, i32, i32) {
    %c0_i32 = arith.constant 0 : i32
    %c0_i32_0 = arith.constant 0 : i32
    %c0_i32_1 = arith.constant 0 : i32
    %c0_i32_2 = arith.constant 0 : i32
    return %c0_i32, %c0_i32_0, %c0_i32_1 : i32, i32, i32
  }
  func.func @transform_2(%arg0: i32) -> (i32, i32, i32) {
    %c0_i32 = arith.constant 0 : i32
    %c0_i32_0 = arith.constant 0 : i32
    %c0_i32_1 = arith.constant 0 : i32
    %c0_i32_2 = arith.constant 0 : i32
    return %c0_i32, %c0_i32_0, %c0_i32_1 : i32, i32, i32
  }
  func.func @transform_3(%arg0: i32) -> (i32, i32) {
    %c0_i32 = arith.constant 0 : i32
    %c0_i32_0 = arith.constant 0 : i32
    %c0_i32_1 = arith.constant 0 : i32
    return %c0_i32, %c0_i32_0 : i32, i32
  }
  func.func @transform_4(%arg0: i32) -> (i32, i32) {
    %c0_i32 = arith.constant 0 : i32
    %c0_i32_0 = arith.constant 0 : i32
    %c0_i32_1 = arith.constant 0 : i32
    return %c0_i32, %c0_i32_0 : i32, i32
  }
  func.func @transform_5(%arg0: i32) -> (i32, i32) {
    %c0_i32 = arith.constant 0 : i32
    %c0_i32_0 = arith.constant 0 : i32
    return %arg0, %c0_i32 : i32, i32
  }
  func.func @transform_6(%arg0: i32) -> (i32, i32) {
    %c0_i32 = arith.constant 0 : i32
    %c0_i32_0 = arith.constant 0 : i32
    %c0_i32_1 = arith.constant 0 : i32
    return %c0_i32, %c0_i32_0 : i32, i32
  }
  func.func @transform_7(%arg0: i32) -> (i32, i32, i32) {
    %c0_i32 = arith.constant 0 : i32
    %c0_i32_0 = arith.constant 0 : i32
    %c0_i32_1 = arith.constant 0 : i32
    return %c0_i32, %arg0, %c0_i32_0 : i32, i32, i32
  }
}

module attributes {stable_mosaic.version = 14 : i64} {
  func.func @_tc_final(%arg0: i32, %arg1: memref<1024x256xf32, #tpu.memory_space<vmem>>, %arg2: memref<10x1x256xf32, #tpu.memory_space<vmem>>, %arg3: memref<10x1x256xf32, #tpu.memory_space<vmem>>, %arg4: memref<1x256xf32, #tpu.memory_space<vmem>>, %arg5: memref<1x256xf32, #tpu.memory_space<vmem>>, %arg6: memref<1024x256xf32, #tpu.memory_space<vmem>>) attributes {dimension_semantics = [#tpu.dimension_semantics<arbitrary>], iteration_bounds = array<i64: 10>, scalar_prefetch = 0 : i64, scratch_operands = 0 : i64, tpu.core_type = #tpu.core_type<tc>, window_params = [{transform_indices = @transform_0, window_bounds = array<i64: 1024, 256>}, {pipeline_mode = #tpu.pipeline_mode<synchronous>, transform_indices = @transform_1, window_bounds = array<i64: 10, 1, 256>}, {pipeline_mode = #tpu.pipeline_mode<synchronous>, transform_indices = @transform_2, window_bounds = array<i64: 10, 1, 256>}, {pipeline_mode = #tpu.pipeline_mode<synchronous>, transform_indices = @transform_3, window_bounds = array<i64: 1, 256>}, {pipeline_mode = #tpu.pipeline_mode<synchronous>, transform_indices = @transform_4, window_bounds = array<i64: 1, 256>}, {transform_indices = @transform_5, window_bounds = array<i64: 1024, 256>}]} {
    %get3A = arith.constant 0 : index
    %get3A_0 = arith.constant 0 : index
    %get3A_1 = arith.constant 0 : index
    %get3A_2 = vector.load %arg2[%get3A, %get3A_0, %get3A_1] : memref<10x1x256xf32, #tpu.memory_space<vmem>>, vector<10x1x256xf32>
    %reduce_sum3A = arith.constant dense<0.000000e+00> : vector<1x256xf32>
    %reduce_sum3A_3 = vector.multi_reduction <add>, %get3A_2, %reduce_sum3A [0] : vector<10x1x256xf32> to vector<1x256xf32>
    %div3A = arith.constant 1.000000e+04 : f32
    %div3A_4 = vector.broadcast %div3A : f32 to vector<1x256xf32>
    %div3A_5 = arith.divf %reduce_sum3A_3, %div3A_4 : vector<1x256xf32>
    %get3A_6 = arith.constant 0 : index
    %get3A_7 = arith.constant 0 : index
    %get3A_8 = arith.constant 0 : index
    %get3A_9 = vector.load %arg3[%get3A_6, %get3A_7, %get3A_8] : memref<10x1x256xf32, #tpu.memory_space<vmem>>, vector<10x1x256xf32>
    %reduce_sum3A_10 = arith.constant dense<0.000000e+00> : vector<1x256xf32>
    %reduce_sum3A_11 = vector.multi_reduction <add>, %get3A_9, %reduce_sum3A_10 [0] : vector<10x1x256xf32> to vector<1x256xf32>
    %div3A_12 = arith.constant 1.000000e+04 : f32
    %div3A_13 = vector.broadcast %div3A_12 : f32 to vector<1x256xf32>
    %div3A_14 = arith.divf %reduce_sum3A_11, %div3A_13 : vector<1x256xf32>
    %mul3A = arith.mulf %div3A_5, %div3A_5 : vector<1x256xf32>
    %sub3A = arith.subf %div3A_14, %mul3A : vector<1x256xf32>
    %get3A_15 = arith.constant 0 : index
    %get3A_16 = arith.constant 0 : index
    %get3A_17 = vector.load %arg4[%get3A_15, %get3A_16] : memref<1x256xf32, #tpu.memory_space<vmem>>, vector<1x256xf32>
    %add3A = arith.constant 9.99999974E-6 : f32
    %add3A_18 = vector.broadcast %add3A : f32 to vector<1x256xf32>
    %add3A_19 = arith.addf %sub3A, %add3A_18 : vector<1x256xf32>
    %rsqrt3A = math.rsqrt %add3A_19 : vector<1x256xf32>
    %mul3A_20 = arith.mulf %get3A_17, %rsqrt3A : vector<1x256xf32>
    %get3A_21 = arith.constant 0 : index
    %get3A_22 = arith.constant 0 : index
    %get3A_23 = vector.load %arg5[%get3A_21, %get3A_22] : memref<1x256xf32, #tpu.memory_space<vmem>>, vector<1x256xf32>
    %mul3A_24 = arith.mulf %div3A_5, %mul3A_20 : vector<1x256xf32>
    %sub3A_25 = arith.subf %get3A_23, %mul3A_24 : vector<1x256xf32>
    %get3A_26 = arith.constant 0 : index
    %get3A_27 = arith.constant 0 : index
    %get3A_28 = vector.load %arg1[%get3A_26, %get3A_27] : memref<1024x256xf32, #tpu.memory_space<vmem>>, vector<1024x256xf32>
    %mul3A_29 = vector.broadcast %mul3A_20 : vector<1x256xf32> to vector<1024x256xf32>
    %mul3A_30 = arith.mulf %get3A_28, %mul3A_29 : vector<1024x256xf32>
    %add3A_31 = vector.broadcast %sub3A_25 : vector<1x256xf32> to vector<1024x256xf32>
    %add3A_32 = arith.addf %mul3A_30, %add3A_31 : vector<1024x256xf32>
    %swap3A = arith.constant 0 : index
    %swap3A_33 = arith.constant 0 : index
    %swap3A_34 = vector.load %arg6[%swap3A, %swap3A_33] : memref<1024x256xf32, #tpu.memory_space<vmem>>, vector<1024x256xf32>
    tpu.vector_store %arg6[%swap3A, %swap3A_33], %add3A_32 {strides = array<i32>} : memref<1024x256xf32, #tpu.memory_space<vmem>>, vector<1024x256xf32>,
    return
  }
  func.func @transform_0(%arg0: i32) -> (i32, i32) {
    %c0_i32 = arith.constant 0 : i32
    %c0_i32_0 = arith.constant 0 : i32
    return %arg0, %c0_i32 : i32, i32
  }
  func.func @transform_1(%arg0: i32) -> (i32, i32, i32) {
    %c0_i32 = arith.constant 0 : i32
    %c0_i32_0 = arith.constant 0 : i32
    %c0_i32_1 = arith.constant 0 : i32
    %c0_i32_2 = arith.constant 0 : i32
    return %c0_i32, %c0_i32_0, %c0_i32_1 : i32, i32, i32
  }
  func.func @transform_2(%arg0: i32) -> (i32, i32, i32) {
    %c0_i32 = arith.constant 0 : i32
    %c0_i32_0 = arith.constant 0 : i32
    %c0_i32_1 = arith.constant 0 : i32
    %c0_i32_2 = arith.constant 0 : i32
    return %c0_i32, %c0_i32_0, %c0_i32_1 : i32, i32, i32
  }
  func.func @transform_3(%arg0: i32) -> (i32, i32) {
    %c0_i32 = arith.constant 0 : i32
    %c0_i32_0 = arith.constant 0 : i32
    %c0_i32_1 = arith.constant 0 : i32
    return %c0_i32, %c0_i32_0 : i32, i32
  }
  func.func @transform_4(%arg0: i32) -> (i32, i32) {
    %c0_i32 = arith.constant 0 : i32
    %c0_i32_0 = arith.constant 0 : i32
    %c0_i32_1 = arith.constant 0 : i32
    return %c0_i32, %c0_i32_0 : i32, i32
  }
  func.func @transform_5(%arg0: i32) -> (i32, i32) {
    %c0_i32 = arith.constant 0 : i32
    %c0_i32_0 = arith.constant 0 : i32
    return %arg0, %c0_i32 : i32, i32
  }
}

</mosaic_0001>

<sc_bundles>
// kernel: kernel.14.cloned.1.call-start
scs
__scs_entry_jumppad:
0x0: {  	(pc) =	sbr.rel $0x88, $3  }
0x1: {  	(tag) =	ssettag $0x0;
	lr =	simm.s32 $0x1  }
0x2: {  	[smem:$0x3F93] =	sst lr;
	_ =	strace $0xD0000000  }
0x3: {  	_ = 	snop  }
0x4: {  	_ = 	snop  }
0x5: {  	_ = 	snop  }
0x6: {  	_ = 	snop  }
0x7: {  	_ = 	snop  }
__scs_overlays_trampoline_lowered:
0x8: {  	[smem:$0x3FA2] =	sst s0  }
0x9: {  	[smem:$0x3FA3] =	sst s1  }
0xa: {  	[smem:$0x3FA4] =	sst s2  }
0xb: {  	[smem:$0x3FA5] =	sst s3  }
0xc: {  	[smem:$0x3FA6] =	sst s4  }
0xd: {  	[smem:$0x3FA7] =	sst s5  }
0xe: {  	[smem:$0x3FA8] =	sst s6  }
0xf: {  	[smem:$0x3FA9] =	sst s7  }
0x10: {  	[smem:$0x3FAA] =	sst s8  }
0x11: {  	[smem:$0x3FAB] =	sst s9;
	s0 =	simm.s32 @!p0 $0x0  }
0x12: {  	s1 =	sld [smem:$0x3F91];
	s0 =	simm.s32 @p0 $0x1  }
0x13: {  	[smem:$0x3FAC] =	sst s0;
	s0 =	simm.s32 @!p1 $0x0  }
0x14: {  	s2 =	sld [smem:$0x3F90];
	s0 =	simm.s32 @p1 $0x1  }
0x15: {  	[smem:$0x3FAD] =	sst s0;
	s0 =	simm.s32 @!p2 $0x0  }
0x16: {  	s3 =	sld [smem:$0x3FDB];
	s0 =	simm.s32 @p2 $0x1  }
0x17: {  	s4 =	simm.s32 $0x1BF5;
	[smem:$0x3FAF] =	sst s0  }
0x18: {  	s0 =	sld [smem:$0x3F92];
	_ =	swait.ge [sflag:s4], $0x0  }
0x19: {  	s7 =	sld [smem:$0x3F93]  }
0x1a: {  	s8 =	sadd.s32 $0xFFFFE003, lr  }
0x1b: {  	s9 =	sadd.s32 $0xFFFFFEF7, lr;
	s5 =	simm.s32 $0xFFFFFFFF;
	p2 =	slt.u32 s8, $0xFFFFF086  }
0x1c: {  	p1 =	slt.u32 s9, $0xF7A;
	s5 =	simm.s32 @!p2 $0x0  }
0x1d: {  	s5 =	simm.s32 @p1 $0x1;
	p0 =	seq.s32 s7, s2  }
0x1e: {  	s7 =	smul.u32 @!p0 $0xF7A, s2;
	p2 =	seq.s32 @!p0 s5, $0x0  }
0x1f: {  	s9 =	smul.u32 $0xF7A, s1;
	s8 =	simm.s32 @!p0 $0x1BF5;
	p2 =	por !p2, p0  }
0x20: {  	[sflag:s8] =	ssyncset.s32 @!p0 $0xFFFFF086;
	s6 =	sadd.s32 @!p0 s3, s7;
	s7 =	simm.s32 @!p0 $0x108  }
0x21: {  	s3 =	sadd.s32 s3, s9;
	s6 =	sadd.s32 @!p0 $0x88, s6;
	s7 =	simm.s32 @p2 $0x1082  }
0x22: {  	[simem:s7], [sflag:s8] =	dma.local @!p0 [hbm:s6], $0xF7A  }
0x23: {  	s9 =	sor.u32 $0xD0000000, s2;
	s6 =	simm.s32 $0x108;
	_ =	swait.ge @!p0 [sflag:s8], $0x0  }
0x24: {  	s3 =	sadd.s32 $0x88, s3;
	s6 =	simm.s32 @!p1 $0x1082;
	[sflag:s4] =	ssyncset.s32 $0xFFFFF086  }
0x25: {  	[simem:s6], [sflag:s4] =	dma.local [hbm:s3], $0xF7A  }
0x26: {  	[smem:$0x3F93] =	sst s1;
	(tag) =	ssettag s2;
	_ =	strace s9  }
0x27: {  	s1 =	sld [smem:$0x3FA3]  }
0x28: {  	s2 =	sld [smem:$0x3FA4]  }
0x29: {  	s4 =	sld [smem:$0x3FA6]  }
0x2a: {  	p0 =	seq.s32 s5, $0x0;
	s5 =	sld [smem:$0x3FA7]  }
0x2b: {  	s6 =	sld [smem:$0x3FA8]  }
0x2c: {  	s7 =	sld [smem:$0x3FA9]  }
0x2d: {  	s3 =	simm.s32 $0x108;
	s8 =	sld [smem:$0x3FAA]  }
0x2e: {  	s3 =	simm.s32 @!p0 $0x1082;
	s9 =	sld [smem:$0x3FAB]  }
0x2f: {  	lr =	sadd.s32 s0, s3;
	s0 =	sld [smem:$0x3FA2]  }
0x30: {  	s3 =	sld [smem:$0x3FA5]  }
0x31: {  	[smem:$0x3FAE] =	sst s10  }
0x32: {  	s10 =	sld [smem:$0x3FAC];
	_ =	sdelay $0x3  }
0x33: {  	p0 =	seq.s32 s10, $0x1;
	s10 =	sld [smem:$0x3FAE];
	_ =	sdelay $0x3  }
0x34: {  	[smem:$0x3FAE] =	sst s10  }
0x35: {  	s10 =	sld [smem:$0x3FAD];
	_ =	sdelay $0x3  }
0x36: {  	p1 =	seq.s32 s10, $0x1;
	s10 =	sld [smem:$0x3FAE];
	_ =	sdelay $0x3  }
0x37: {  	[smem:$0x3FAE] =	sst s10  }
0x38: {  	s10 =	sld [smem:$0x3FAF]  }
0x39: {  	_ = 	snop;
	(pc) =	sbr.ind lr, $3  }
0x3a: {  	_ = 	snop  }
0x3b: {  	_ = 	snop  }
0x3c: {  	p2 =	seq.s32 s10, $0x1;
	s10 =	sld [smem:$0x3FAE]  }
0x3d: {  	_ =	shalt  }
0x3e: {  	_ =	shalt  }
0x3f: {  	_ =	shalt  }
0x40: {  	_ =	shalt  }
0x41: {  	_ =	shalt  }
0x42: {  	_ =	shalt  }
0x43: {  	_ =	shalt  }
0x44: {  	_ =	shalt  }
0x45: {  	_ =	shalt  }
0x46: {  	_ =	shalt  }
0x47: {  	_ =	shalt  }
0x48: {  	_ =	shalt  }
0x49: {  	_ =	shalt  }
0x4a: {  	_ =	shalt  }
0x4b: {  	_ =	shalt  }
0x4c: {  	_ =	shalt  }
0x4d: {  	_ =	shalt  }
0x4e: {  	_ =	shalt  }
0x4f: {  	_ =	shalt  }
0x50: {  	_ =	shalt  }
0x51: {  	_ =	shalt  }
0x52: {  	_ =	shalt  }
0x53: {  	_ =	shalt  }
0x54: {  	_ =	shalt  }
0x55: {  	_ =	shalt  }
0x56: {  	_ =	shalt  }
0x57: {  	_ =	shalt  }
0x58: {  	_ =	shalt  }
0x59: {  	_ =	shalt  }
0x5a: {  	_ =	shalt  }
0x5b: {  	_ =	shalt  }
0x5c: {  	_ =	shalt  }
0x5d: {  	_ =	shalt  }
0x5e: {  	_ =	shalt  }
0x5f: {  	_ =	shalt  }
0x60: {  	_ =	shalt  }
0x61: {  	_ =	shalt  }
0x62: {  	_ =	shalt  }
0x63: {  	_ =	shalt  }
0x64: {  	_ =	shalt  }
0x65: {  	_ =	shalt  }
0x66: {  	_ =	shalt  }
0x67: {  	_ =	shalt  }
0x68: {  	_ =	shalt  }
0x69: {  	_ =	shalt  }
0x6a: {  	_ =	shalt  }
0x6b: {  	_ =	shalt  }
0x6c: {  	_ =	shalt  }
0x6d: {  	_ =	shalt  }
0x6e: {  	_ =	shalt  }
0x6f: {  	_ =	shalt  }
0x70: {  	_ =	shalt  }
0x71: {  	_ =	shalt  }
0x72: {  	_ =	shalt  }
0x73: {  	_ =	shalt  }
0x74: {  	_ =	shalt  }
0x75: {  	_ =	shalt  }
0x76: {  	_ =	shalt  }
0x77: {  	_ =	shalt  }
0x78: {  	_ =	shalt  }
0x79: {  	_ =	shalt  }
0x7a: {  	_ =	shalt  }
0x7b: {  	_ =	shalt  }
0x7c: {  	_ =	shalt  }
0x7d: {  	_ =	shalt  }
0x7e: {  	_ =	shalt  }
0x7f: {  	_ =	shalt  }
0x80: {  	_ =	shalt  }
0x81: {  	_ =	shalt  }
0x82: {  	_ =	shalt  }
0x83: {  	_ =	shalt  }
0x84: {  	_ =	shalt  }
0x85: {  	_ =	shalt  }
0x86: {  	_ =	shalt  }
0x87: {  	_ =	shalt  }
.Lfunc_end0:
.L_simem_size_0:
called_computation_lowered:
.L_overlay_start_0:
0x88: {  	s2 =	sld [smem:$0x3FD9]  }
0x89: {  	s3 =	sld [smem:$0x3FFE];
	_ =	sdelay $0x1  }
0x8a: {  	s1 =	srdreg.scid  }
0x8b: {  	s0 =	sand.u32 $0x1, s1  }
0x8c: {  	s16 =	sshll.u32 s0, $0xA;
	s2 =	sadd.s32 s3, s2  }
0x8d: {  	s2 =	sadd.s32 s2, s16  }
0x8e: {  	[smem:$0x3FBA] =	sst s2  }
0x8f: {  	_ = 	snop  }
0x90: {  	(tm) =	ssettm $0x1  }
0x91: {  	s17 =	sld [smem:$0x3FFB];
	_ =	sdelay $0x3  }
0x92: {  	_ =	strace s17  }
0x93: {  	s2 =	sld [smem:$0x3FFC];
	_ =	sdelay $0x3  }
0x94: {  	_ =	strace s2  }
0x95: {  	s2 =	sld [smem:$0x3FFD];
	_ =	sdelay $0x3  }
0x96: {  	_ =	strace s2  }
0x97: {  	_ =	strace $0x8FFFFFFF  }
0x98: {  	s18 =	sld [smem:$0x3FDB];
	_ =	sdelay $0x1  }
0x99: {  	s19 =	simm.s32 $_scs_section_size  }
0x9a: {  	s4 =	simm.s32 $_size__tile_overlayer_lowered;
	s5 =	simm.s32 $_tile_overlayer_lowered  }
0x9b: {  	s22 =	simm.s32 $0x1BFF;
	s21 =	sshll.u32 s5, $0x1;
	s2 =	sadd.s32 s19, s18  }
0x9c: {  	s6 =	simm.s32 $0x0;
	s20 =	sshll.u32 s4, $0x1;
	s4 =	sadd.s32 s21, s2  }
0x9d: {  	[timem:s6], [sflag:s22] =	dma.local [hbm:s4], s20  }
0x9e: {  	_ =	swait.ge [sflag:s22], s20  }
0x9f: {  	s3 =	ssub.s32 $0x0, s20;
	[sflag:s22] =	ssyncset.done $0x0  }
0xa0: {  	[sflag:s22] =	ssyncadd.s32 s3;
	_ =	sdelay $0x1  }
0xa1: {  	s23 =	simm.s32 $0x1B8B  }
0xa2: {  	_ =	swait.ge [sflag:s23], $0x1  }
0xa3: {  	[sflag:s23] =	ssyncset.done $0x0  }
0xa4: {  	s25 =	simm.s32 $0x1B8E;
	s24 =	sld [smem:$0x3FFE];
	[sflag:s23] =	ssyncadd.s32 $0xFFFFFFFF  }
0xa5: {  	s26 =	simm.s32 $execute0_lowered;
	[smem:$0x3FD2] =	sst s25  }
0xa6: {  	s4 =	sshll.u32 s26, $0x1;
	_ =	strace $0x80000046;
	[dreg:$0x1] =	wrdreg $0xFFFFFFFF  }
0xa7: {  	s28 =	simm.s32 $_size_execute0_lowered;
	s2 =	sadd.s32 s2, s4;
	[dreg:$0x0] =	wrdreg $0x0  }
0xa8: {  	s4 =	sshll.u32 s28, $0x1;
	[dreg:$0x2] =	wrdreg s2  }
0xa9: {  	[dreg:$0x3] =	wrdreg s4  }
0xaa: {  	[dreg:$0x4] =	wrdreg $0xC0  }
0xab: {  	_ =	task [dreg:s6], $0x5FFFF  }
0xac: {  	[dreg:$0x1] =	wrdreg $0xFFFFFFFF  }
0xad: {  	[dreg:$0x0] =	wrdreg $0x60  }
0xae: {  	[dreg:$0x2] =	wrdreg s24  }
0xaf: {  	[dreg:$0x3] =	wrdreg $0x0  }
0xb0: {  	[dreg:$0x4] =	wrdreg $0x9  }
0xb1: {  	_ =	task.clear_ibuf [dreg:s6], $0x5FFFF;
	_ =	strace $0x90000046  }
0xb2: {  	s29 =	simm.s32 $0x9;
	_ =	strace $0x80000048  }
0xb3: {  	_ =	swait.ge [sflag:s29], $0x1  }
0xb4: {  	[sflag:s29] =	ssyncadd.s32 $0xFFFFFFFF  }
0xb5: {  	_ =	strace $0x90000048  }
0xb6: {  	_ =	sfence  }
0xb7: {  	s30 =	sld [smem:$0x0];
	_ =	sdelay $0x2  }
0xb8: {  	s31 =	sshll.u32 s1, $0xD;
	s1 =	sshrl.u32 s1, $0x2  }
0xb9: {  	s3 =	sand.u32 $0x4000, s31;
	s1 =	sadd.s32 s1, s30  }
0xba: {  	s0 =	sor.u32 s3, s0;
	s1 =	sshll.u32 s1, $0x11  }
0xbb: {  	s0 =	sor.u32 s1, s0  }
0xbc: {  	s0 =	sadd.s32 $0x8F2B, s0  }
0xbd: {  	[sflag:s0] =	ssyncadd.remote.s32 $0x1  }
0xbe: {  	_ =	sfence.sel $0xFFFF  }
0xbf: {  	[dreg:$0x0] =	wrdreg $0xFFFFFFFF;
	(pc) =	sbr.abs _section_cstart, $3  }
0xc0: {  	[dreg:$0x1] =	wrdreg $0xFFFFFFFF  }
0xc1: {  	_ =	task.clear_ibuf [dreg:s6], $0x2FFFF;
	_ =	strace $0x9FFFFFFF  }
0xc2: {  	(tm) =	ssettm $0x7FFFFFFF  }
0xc3: {  	_ =	shalt  }
tec
execute0_lowered:
.L_overlay_start_1:
0x0: {  	(tag) =	ssettag $0x1  }
0x1: {  	s7 =	rddreg [dreg:$0x0]  }
0x2: {  	s2 =	rddreg [dreg:$0x1]  }
0x3: {  	s1 =	stileid.u32;
	s0 =	rddreg [dreg:$0x2]  }
0x4: {  	s3 =	simm.s32 $0x0;
	s5 =	srdreg.scid;
	s17 =	simm.s32 $0x0  }
0x5: {  	s4 =	smul.u32 $0x500, s1;
	[smem:$0x7FF] =	sst s3;
	s5 =	sand.u32 $0x1, s5  }
0x6: {  	s9 =	smul.u32 $0x4E000, s1;
	s6 =	sadd.s32 $0x9800, s7;
	s12 =	sadd.s32 $0xC200, s7  }
0x7: {  	s14 =	smul.u32 $0x2700, s1;
	s15 =	sadd.s32 $0x124800, s2;
	p0 =	seq.s32 s1, $0xF  }
0x8: {  	_ =	strace $0x80000047;
	s10 =	ssub.s32 $0x2, s5;
	s11 =	smul.u32 $0x27100, s5  }
0x9: {  	s13 =	smul.u32 $0x138800, s5;
	s8 =	sadd.s32 s4, s7;
	s28 =	sshrl.u32 s10, $0x1  }
0xa: {  	s4 =	sadd.s32 $0x9000, s7;
	s9 =	sshrl.u32 s9, $0x2;
	s10 =	ssub.s32 s10, s28  }
0xb: {  	s7 =	sadd.s32 $0x4000, s8;
	s16 =	sadd.s32 s9, s2;
	s29 =	sshrl.u32 s13, $0x3  }
0xc: {  	s30 =	sadd.s32 s14, s11;
	s11 =	simm.s32 $0x138C0;
	s13 =	simm.s32 $0x160C0  }
0xd: {  	s14 =	sshrl.u32 @p0 s15, $0x3;
	s15 =	sshll.u32 @!p0 s1, $0x6;
	s31 =	sadd.s32 s12, s29  }
0xe: {  	s8 =	sadd.s32 s12, s30;
	s10 =	smax.u32 s10, $0x1;
	s12 =	simm.s32 $0x2  }
0xf: {  	s15 =	sor.u32 @!p0 $0x1C02, s15;
	s16 =	sshrl.u32 @!p0 s16, $0x3;
	s9 =	sadd.s32 $0x24900, s31  }
.LBB2_1:
0x10: {  	[tilespmem:s11], [sflag:$0x2] =	stream.linear.gather [hbm4b:s7+s3], $0x2800, $0x38;
	[tilespmem:$0x1A0C0] =	vst v63  }
0x11: {  	_ =	swait.ge [sflag:s12], $0x2800  }
0x12: {  	[sflag:s12] =	ssyncset.done $0x0  }
0x13: {  	[sflag:s12] =	ssyncadd.s32 $0xFFFFD800  }
0x14: {  	[tilespmem:s13], [sflag:$0x2] =	stream.linear.gather [hbm4b:s4+s3], $0x4000, $0x38;
	[tilespmem:$0x1A0C0] =	vst v63  }
0x15: {  	_ =	swait.ge [sflag:s12], $0x4000  }
0x16: {  	[sflag:s12] =	ssyncset.done $0x0  }
0x17: {  	s18 =	simm.s32 @p0 $0x1FC2;
	[sflag:s12] =	ssyncadd.s32 $0xFFFFC000  }
0x18: {  	[spmem:s14], [sflag:s18] =	dma.local @p0 [hbm:s6], $0x2880  }
0x19: {  	s18 =	simm.s32 @p0 $0x2  }
0x1a: {  	_ =	swait.ge @p0 [sflag:s18], $0x2880  }
0x1b: {  	[sflag:s18] =	ssyncset.done @p0 $0x0  }
0x1c: {  	[sflag:s18] =	ssyncadd.s32 @p0 $0xFFFFD780;
	s18 =	simm.s32 @!p0 $0x2  }
0x1d: {  	[spmem:s16], [sflag:s15] =	dma.local @!p0 [hbm:s6], $0x2700  }
0x1e: {  	s19 =	sand.u32 $0x1, s3;
	_ =	swait.ge @!p0 [sflag:s18], $0x2700  }
0x1f: {  	s20 =	simm.s32 $0x138C0;
	p1 =	sne.s32 s19, s5;
	[sflag:s18] =	ssyncset.done @!p0 $0x0  }
0x20: {  	s19 =	simm.s32 $0x13940;
	s21 =	simm.s32 @!p1 $0x80;
	[sflag:s18] =	ssyncadd.s32 @!p0 $0xFFFFD900  }
0x21: {  	s22 =	simm.s32 @!p1 $0x160C0;
	s18 =	simm.s32 $0x1;
	[bflag:$0x0] =	sbarrier.arrive $0xFFFF  }
.LBB2_2:
0x22: {  	[spmem:s2] =	stream.indirect.scatter.add.f32 @!p1 [tilespmem:s22], [sflag:$0x1], $0x80, s20, s21, $0xb8;
	[tilespmem:$0x1A0C0] =	vst v63  }
0x23: {  	s21 =	smov.u32 s18;
	s18 =	sadd.s32 $0x1, s18  }
0x24: {  	p2 =	sne.s32 s18, $0x50  }
.Ltmp0:
0x25: {  	(pc) =	sbr.rel @p2 .LBB2_2-.Ltmp0, $4  }
0x26: {  	s20 =	smov.u32 s19  }
0x27: {  	s21 =	sand.u32 $0x1, s21  }
0x28: {  	p1 =	sne.s32 s21, s5  }
0x29: {  	s19 =	sadd.s32 $0x80, s19;
	s21 =	simm.s32 @!p1 $0x80;
	s22 =	simm.s32 @!p1 $0x160C0  }
0x2a: {  	[spmem:s2] =	stream.indirect.scatter.add.f32 @!p1 [tilespmem:s22], [sflag:$0x1], $0x80, s20, s21, $0xb8;
	[tilespmem:$0x1A0C0] =	vst v63  }
0x2b: {  	s18 =	simm.s32 $0x0  }
0x2c: {  	s18 =	sand.u32 $0x1, s18  }
0x2d: {  	p1 =	sne.s32 s18, s5  }
0x2e: {  	s19 =	simm.s32 @!p1 $0x1  }
0x2f: {  	_ =	swait.ge @!p1 [sflag:s19], $0x4000  }
0x30: {  	s18 =	simm.s32 $0x1;
	[sflag:s19] =	ssyncset.done @!p1 $0x0  }
.LBB2_4:
0x31: {  	[sflag:s19] =	ssyncadd.s32 @!p1 $0xFFFFC000;
	s19 =	smov.u32 s18;
	s18 =	sadd.s32 $0x1, s18  }
0x32: {  	p2 =	sne.s32 s18, $0x50  }
.Ltmp1:
0x33: {  	s19 =	sand.u32 $0x1, s19;
	(pc) =	sbr.rel @p2 .LBB2_4-.Ltmp1, $4  }
0x34: {  	p1 =	sne.s32 s19, s5  }
0x35: {  	s19 =	simm.s32 @!p1 $0x1  }
0x36: {  	_ =	swait.ge @!p1 [sflag:s19], $0x4000  }
0x37: {  	[sflag:s19] =	ssyncset.done @!p1 $0x0  }
0x38: {  	[sflag:s19] =	ssyncadd.s32 @!p1 $0xFFFFC000  }
0x39: {  	s18 =	simm.s32 @p0 $0x1FC2;
	[bflag:$0x0] =	sbarrier.arrive $0xFFFF  }
0x3a: {  	[hbm:s9], [sflag:s18] =	dma.local @p0 [spmem:s14], $0x2800  }
0x3b: {  	s18 =	simm.s32 @p0 $0x2  }
0x3c: {  	s17 =	sadd.s32 $0x1, s17;
	_ =	swait.ge @p0 [sflag:s18], $0x2800  }
0x3d: {  	p1 =	sne.s32 s17, s10;
	[sflag:s18] =	ssyncset.done @p0 $0x0  }
.Ltmp2:
0x3e: {  	[sflag:s18] =	ssyncadd.s32 @p0 $0xFFFFD800;
	s18 =	simm.s32 @!p0 $0x2;
	(pc) =	sbr.rel @p1 .LBB2_1-.Ltmp2, $4  }
0x3f: {  	[hbm:s8], [sflag:s15] =	dma.local @!p0 [spmem:s16], $0x2700  }
0x40: {  	_ =	swait.ge @!p0 [sflag:s18], $0x2700  }
0x41: {  	[sflag:s18] =	ssyncset.done @!p0 $0x0  }
0x42: {  	[sflag:s18] =	ssyncadd.s32 @!p0 $0xFFFFD900  }
0x43: {  	_ =	sfence.sel $0x180000  }
0x44: {  	[bflag:$0x0] =	sbarrier.arrive $0xFFFF  }
0x45: {  	p0 =	sne.s32 s1, $0x0;
	_ =	strace $0x90000047  }
0x46: {  	s0 =	sadd.s32 @!p0 $0x100000, s0;
	[bflag:$0x2] =	sbarrier.arrive $0xFFFF  }
0x47: {  	[sflag:s0] =	ssyncadd.tile.s32 @!p0 $0x1;
	_ =	shalt  }
.Lfunc_end2:
_tile_overlayer_lowered:
.L_overlay_start_2:
0x48: {  	(tag) =	ssettag $0x2  }
0x49: {  	s0 =	rddreg [dreg:$0x0];
	s2 =	stileid.u32  }
0x4a: {  	s1 =	rddreg [dreg:$0x1];
	p0 =	sne.s32 s2, $0x0  }
0x4b: {  	s3 =	rddreg [dreg:$0x2];
	[bflag:$0x3] =	sbarrier.arrive $0xFFFF;
	s2 =	simm.s32 @!p0 $0x1C02  }
0x4c: {  	[timem:s3], [sflag:s2] =	dma.local @!p0 [hbm:s0], s1  }
0x4d: {  	s0 =	simm.s32 @!p0 $0x2  }
0x4e: {  	_ =	swait.ge @!p0 [sflag:s0], s1  }
0x4f: {  	s1 =	ssub.s32 @!p0 $0x0, s1;
	[sflag:s0] =	ssyncset.done @!p0 $0x0  }
0x50: {  	[sflag:s0] =	ssyncadd.s32 @!p0 s1  }
0x51: {  	[bflag:$0x3] =	sbarrier.arrive $0xFFFF  }
0x52: {  	_ =	shalt  }

// kernel: kernel.17.cloned.1.call-start
scs
__scs_entry_jumppad:
0x0: {  	(pc) =	sbr.rel $0x88, $3  }
0x1: {  	(tag) =	ssettag $0x0;
	lr =	simm.s32 $0x1  }
0x2: {  	[smem:$0x3F93] =	sst lr;
	_ =	strace $0xD0000000  }
0x3: {  	_ = 	snop  }
0x4: {  	_ = 	snop  }
0x5: {  	_ = 	snop  }
0x6: {  	_ = 	snop  }
0x7: {  	_ = 	snop  }
__scs_overlays_trampoline_lowered:
0x8: {  	[smem:$0x3FA2] =	sst s0  }
0x9: {  	[smem:$0x3FA3] =	sst s1  }
0xa: {  	[smem:$0x3FA4] =	sst s2  }
0xb: {  	[smem:$0x3FA5] =	sst s3  }
0xc: {  	[smem:$0x3FA6] =	sst s4  }
0xd: {  	[smem:$0x3FA7] =	sst s5  }
0xe: {  	[smem:$0x3FA8] =	sst s6  }
0xf: {  	[smem:$0x3FA9] =	sst s7  }
0x10: {  	[smem:$0x3FAA] =	sst s8  }
0x11: {  	[smem:$0x3FAB] =	sst s9;
	s0 =	simm.s32 @!p0 $0x0  }
0x12: {  	s1 =	sld [smem:$0x3F91];
	s0 =	simm.s32 @p0 $0x1  }
0x13: {  	[smem:$0x3FAC] =	sst s0;
	s0 =	simm.s32 @!p1 $0x0  }
0x14: {  	s2 =	sld [smem:$0x3F90];
	s0 =	simm.s32 @p1 $0x1  }
0x15: {  	[smem:$0x3FAD] =	sst s0;
	s0 =	simm.s32 @!p2 $0x0  }
0x16: {  	s3 =	sld [smem:$0x3FDB];
	s0 =	simm.s32 @p2 $0x1  }
0x17: {  	s4 =	simm.s32 $0x1BF5;
	[smem:$0x3FAF] =	sst s0  }
0x18: {  	s0 =	sld [smem:$0x3F92];
	_ =	swait.ge [sflag:s4], $0x0  }
0x19: {  	s7 =	sld [smem:$0x3F93]  }
0x1a: {  	s8 =	sadd.s32 $0xFFFFE003, lr  }
0x1b: {  	s9 =	sadd.s32 $0xFFFFFEF7, lr;
	s5 =	simm.s32 $0xFFFFFFFF;
	p2 =	slt.u32 s8, $0xFFFFF086  }
0x1c: {  	p1 =	slt.u32 s9, $0xF7A;
	s5 =	simm.s32 @!p2 $0x0  }
0x1d: {  	s5 =	simm.s32 @p1 $0x1;
	p0 =	seq.s32 s7, s2  }
0x1e: {  	s7 =	smul.u32 @!p0 $0xF7A, s2;
	p2 =	seq.s32 @!p0 s5, $0x0  }
0x1f: {  	s9 =	smul.u32 $0xF7A, s1;
	s8 =	simm.s32 @!p0 $0x1BF5;
	p2 =	por !p2, p0  }
0x20: {  	[sflag:s8] =	ssyncset.s32 @!p0 $0xFFFFF086;
	s6 =	sadd.s32 @!p0 s3, s7;
	s7 =	simm.s32 @!p0 $0x108  }
0x21: {  	s3 =	sadd.s32 s3, s9;
	s6 =	sadd.s32 @!p0 $0x88, s6;
	s7 =	simm.s32 @p2 $0x1082  }
0x22: {  	[simem:s7], [sflag:s8] =	dma.local @!p0 [hbm:s6], $0xF7A  }
0x23: {  	s9 =	sor.u32 $0xD0000000, s2;
	s6 =	simm.s32 $0x108;
	_ =	swait.ge @!p0 [sflag:s8], $0x0  }
0x24: {  	s3 =	sadd.s32 $0x88, s3;
	s6 =	simm.s32 @!p1 $0x1082;
	[sflag:s4] =	ssyncset.s32 $0xFFFFF086  }
0x25: {  	[simem:s6], [sflag:s4] =	dma.local [hbm:s3], $0xF7A  }
0x26: {  	[smem:$0x3F93] =	sst s1;
	(tag) =	ssettag s2;
	_ =	strace s9  }
0x27: {  	s1 =	sld [smem:$0x3FA3]  }
0x28: {  	s2 =	sld [smem:$0x3FA4]  }
0x29: {  	s4 =	sld [smem:$0x3FA6]  }
0x2a: {  	p0 =	seq.s32 s5, $0x0;
	s5 =	sld [smem:$0x3FA7]  }
0x2b: {  	s6 =	sld [smem:$0x3FA8]  }
0x2c: {  	s7 =	sld [smem:$0x3FA9]  }
0x2d: {  	s3 =	simm.s32 $0x108;
	s8 =	sld [smem:$0x3FAA]  }
0x2e: {  	s3 =	simm.s32 @!p0 $0x1082;
	s9 =	sld [smem:$0x3FAB]  }
0x2f: {  	lr =	sadd.s32 s0, s3;
	s0 =	sld [smem:$0x3FA2]  }
0x30: {  	s3 =	sld [smem:$0x3FA5]  }
0x31: {  	[smem:$0x3FAE] =	sst s10  }
0x32: {  	s10 =	sld [smem:$0x3FAC];
	_ =	sdelay $0x3  }
0x33: {  	p0 =	seq.s32 s10, $0x1;
	s10 =	sld [smem:$0x3FAE];
	_ =	sdelay $0x3  }
0x34: {  	[smem:$0x3FAE] =	sst s10  }
0x35: {  	s10 =	sld [smem:$0x3FAD];
	_ =	sdelay $0x3  }
0x36: {  	p1 =	seq.s32 s10, $0x1;
	s10 =	sld [smem:$0x3FAE];
	_ =	sdelay $0x3  }
0x37: {  	[smem:$0x3FAE] =	sst s10  }
0x38: {  	s10 =	sld [smem:$0x3FAF]  }
0x39: {  	_ = 	snop;
	(pc) =	sbr.ind lr, $3  }
0x3a: {  	_ = 	snop  }
0x3b: {  	_ = 	snop  }
0x3c: {  	p2 =	seq.s32 s10, $0x1;
	s10 =	sld [smem:$0x3FAE]  }
0x3d: {  	_ =	shalt  }
0x3e: {  	_ =	shalt  }
0x3f: {  	_ =	shalt  }
0x40: {  	_ =	shalt  }
0x41: {  	_ =	shalt  }
0x42: {  	_ =	shalt  }
0x43: {  	_ =	shalt  }
0x44: {  	_ =	shalt  }
0x45: {  	_ =	shalt  }
0x46: {  	_ =	shalt  }
0x47: {  	_ =	shalt  }
0x48: {  	_ =	shalt  }
0x49: {  	_ =	shalt  }
0x4a: {  	_ =	shalt  }
0x4b: {  	_ =	shalt  }
0x4c: {  	_ =	shalt  }
0x4d: {  	_ =	shalt  }
0x4e: {  	_ =	shalt  }
0x4f: {  	_ =	shalt  }
0x50: {  	_ =	shalt  }
0x51: {  	_ =	shalt  }
0x52: {  	_ =	shalt  }
0x53: {  	_ =	shalt  }
0x54: {  	_ =	shalt  }
0x55: {  	_ =	shalt  }
0x56: {  	_ =	shalt  }
0x57: {  	_ =	shalt  }
0x58: {  	_ =	shalt  }
0x59: {  	_ =	shalt  }
0x5a: {  	_ =	shalt  }
0x5b: {  	_ =	shalt  }
0x5c: {  	_ =	shalt  }
0x5d: {  	_ =	shalt  }
0x5e: {  	_ =	shalt  }
0x5f: {  	_ =	shalt  }
0x60: {  	_ =	shalt  }
0x61: {  	_ =	shalt  }
0x62: {  	_ =	shalt  }
0x63: {  	_ =	shalt  }
0x64: {  	_ =	shalt  }
0x65: {  	_ =	shalt  }
0x66: {  	_ =	shalt  }
0x67: {  	_ =	shalt  }
0x68: {  	_ =	shalt  }
0x69: {  	_ =	shalt  }
0x6a: {  	_ =	shalt  }
0x6b: {  	_ =	shalt  }
0x6c: {  	_ =	shalt  }
0x6d: {  	_ =	shalt  }
0x6e: {  	_ =	shalt  }
0x6f: {  	_ =	shalt  }
0x70: {  	_ =	shalt  }
0x71: {  	_ =	shalt  }
0x72: {  	_ =	shalt  }
0x73: {  	_ =	shalt  }
0x74: {  	_ =	shalt  }
0x75: {  	_ =	shalt  }
0x76: {  	_ =	shalt  }
0x77: {  	_ =	shalt  }
0x78: {  	_ =	shalt  }
0x79: {  	_ =	shalt  }
0x7a: {  	_ =	shalt  }
0x7b: {  	_ =	shalt  }
0x7c: {  	_ =	shalt  }
0x7d: {  	_ =	shalt  }
0x7e: {  	_ =	shalt  }
0x7f: {  	_ =	shalt  }
0x80: {  	_ =	shalt  }
0x81: {  	_ =	shalt  }
0x82: {  	_ =	shalt  }
0x83: {  	_ =	shalt  }
0x84: {  	_ =	shalt  }
0x85: {  	_ =	shalt  }
0x86: {  	_ =	shalt  }
0x87: {  	_ =	shalt  }
.Lfunc_end0:
.L_simem_size_0:
called_computation.1_lowered:
.L_overlay_start_0:
0x88: {  	s2 =	sld [smem:$0x3FD9]  }
0x89: {  	s3 =	sld [smem:$0x3FFE];
	_ =	sdelay $0x1  }
0x8a: {  	s1 =	srdreg.scid  }
0x8b: {  	s0 =	sand.u32 $0x1, s1  }
0x8c: {  	s17 =	sshll.u32 s0, $0xA;
	s2 =	sadd.s32 s3, s2  }
0x8d: {  	s2 =	sadd.s32 s2, s17  }
0x8e: {  	[smem:$0x3FBA] =	sst s2  }
0x8f: {  	_ = 	snop  }
0x90: {  	s2 =	sld [smem:$0x3FD0];
	(tm) =	ssettm $0x1  }
0x91: {  	s18 =	sld [smem:$0x3FFB];
	_ =	sdelay $0x3  }
0x92: {  	_ =	strace s18  }
0x93: {  	s3 =	sld [smem:$0x3FFC];
	_ =	sdelay $0x3  }
0x94: {  	_ =	strace s3  }
0x95: {  	s3 =	sld [smem:$0x3FFD];
	_ =	sdelay $0x3  }
0x96: {  	_ =	strace s3  }
0x97: {  	_ =	strace $0x8FFFFFFF  }
0x98: {  	s19 =	sld [smem:$0x3FDB];
	_ =	sdelay $0x1  }
0x99: {  	s4 =	simm.s32 $_scs_section_size  }
0x9a: {  	s5 =	simm.s32 $_size__tile_overlayer_lowered;
	s6 =	simm.s32 $_tile_overlayer_lowered  }
0x9b: {  	s22 =	simm.s32 $0x1BFF;
	s21 =	sshll.u32 s6, $0x1;
	s3 =	sadd.s32 s4, s19  }
0x9c: {  	s7 =	simm.s32 $0x0;
	s20 =	sshll.u32 s5, $0x1;
	s5 =	sadd.s32 s21, s3  }
0x9d: {  	[timem:s7], [sflag:s22] =	dma.local [hbm:s5], s20  }
0x9e: {  	_ =	swait.ge [sflag:s22], s20  }
0x9f: {  	s4 =	ssub.s32 $0x0, s20;
	[sflag:s22] =	ssyncset.done $0x0  }
0xa0: {  	[sflag:s22] =	ssyncadd.s32 s4;
	_ =	sdelay $0x1  }
0xa1: {  	s23 =	simm.s32 $0x1B8B  }
0xa2: {  	_ =	swait.ge [sflag:s23], $0x1  }
0xa3: {  	[sflag:s23] =	ssyncset.done $0x0  }
0xa4: {  	s25 =	simm.s32 $0x1B8E;
	s24 =	sld [smem:$0x3FFE];
	[sflag:s23] =	ssyncadd.s32 $0xFFFFFFFF  }
0xa5: {  	s26 =	simm.s32 $execute0_lowered;
	[smem:$0x3FD2] =	sst s25  }
0xa6: {  	s5 =	sshll.u32 s26, $0x1;
	_ =	strace $0x80000049;
	[dreg:$0x1] =	wrdreg $0xFFFFFFFF  }
0xa7: {  	s28 =	simm.s32 $_size_execute0_lowered;
	s3 =	sadd.s32 s3, s5;
	[dreg:$0x0] =	wrdreg $0x0  }
0xa8: {  	s5 =	sshll.u32 s28, $0x1;
	[dreg:$0x2] =	wrdreg s3  }
0xa9: {  	[dreg:$0x3] =	wrdreg s5  }
0xaa: {  	[dreg:$0x4] =	wrdreg $0xC0  }
0xab: {  	_ =	task [dreg:s7], $0x5FFFF  }
0xac: {  	[dreg:$0x1] =	wrdreg $0xFFFFFFFF  }
0xad: {  	[dreg:$0x0] =	wrdreg $0x60  }
0xae: {  	[dreg:$0x2] =	wrdreg s2  }
0xaf: {  	[dreg:$0x3] =	wrdreg s24  }
0xb0: {  	[dreg:$0x4] =	wrdreg $0x0  }
0xb1: {  	[dreg:$0x5] =	wrdreg $0x9  }
0xb2: {  	_ =	task.clear_ibuf [dreg:s7], $0x6FFFF;
	_ =	strace $0x90000049  }
0xb3: {  	s29 =	simm.s32 $0x9;
	_ =	strace $0x8000004B  }
0xb4: {  	_ =	swait.ge [sflag:s29], $0x1  }
0xb5: {  	[sflag:s29] =	ssyncadd.s32 $0xFFFFFFFF  }
0xb6: {  	_ =	strace $0x9000004B  }
0xb7: {  	_ =	sfence  }
0xb8: {  	s30 =	sld [smem:$0x0];
	_ =	sdelay $0x2  }
0xb9: {  	s31 =	sshll.u32 s1, $0xD;
	s1 =	sshrl.u32 s1, $0x2  }
0xba: {  	s3 =	sand.u32 $0x4000, s31;
	s1 =	sadd.s32 s1, s30  }
0xbb: {  	s0 =	sor.u32 s3, s0;
	s1 =	sshll.u32 s1, $0x11  }
0xbc: {  	s0 =	sor.u32 s1, s0  }
0xbd: {  	s0 =	sadd.s32 $0x8F2B, s0  }
0xbe: {  	[sflag:s0] =	ssyncadd.remote.s32 $0x1  }
0xbf: {  	_ =	sfence.sel $0xFFFF  }
0xc0: {  	[dreg:$0x0] =	wrdreg $0xFFFFFFFF;
	(pc) =	sbr.abs _section_cstart, $3  }
0xc1: {  	[dreg:$0x1] =	wrdreg $0xFFFFFFFF  }
0xc2: {  	_ =	task.clear_ibuf [dreg:s7], $0x2FFFF;
	_ =	strace $0x9FFFFFFF  }
0xc3: {  	(tm) =	ssettm $0x7FFFFFFF  }
tec
execute0_lowered:
.L_overlay_start_1:
0x0: {  	(tag) =	ssettag $0x1  }
0x1: {  	s1 =	rddreg [dreg:$0x0]  }
0x2: {  	s0 =	rddreg [dreg:$0x1]  }
0x3: {  	s2 =	rddreg [dreg:$0x2];
	s3 =	srdreg.scid;
	s5 =	simm.s32 $0x0  }
0x4: {  	s13 =	stileid.u32;
	s19 =	simm.s32 $0x78;
	s20 =	simm.s32 $0x148C0  }
0x5: {  	s30 =	simm.s32 $0x1C0C0;
	s31 =	simm.s32 $0x2;
	s15 =	simm.s32 $0x3  }
0x6: {  	s16 =	simm.s32 $0x138C0;
	s3 =	sand.u32 $0x1, s3;
	s22 =	smul.u32 $0x700, s13  }
0x7: {  	[smem:$0x7FF] =	sst s5;
	s6 =	sadd.s32 $0x61400, s0;
	s9 =	smul.u32 $0x4E000, s13  }
0x8: {  	s10 =	sadd.s32 $0x9800, s0;
	s24 =	smul.u32 $0x2700, s13;
	s14 =	sadd.s32 $0x124800, s2  }
0x9: {  	p0 =	seq.s32 s13, $0xF;
	s5 =	simm.s32 $0x7;
	s11 =	smul.u32 $0x27100, s3  }
0xa: {  	s4 =	sshll.u32 s3, $0x4;
	_ =	strace $0x8000004A;
	s26 =	smul.u32 $0x138800, s3  }
0xb: {  	s8 =	ssub.s32 $0x2, s3;
	[dreg:$0x4] =	wrdreg s10;
	s3 =	smul.u32 $0x7000, s3  }
0xc: {  	s4 =	sor.u32 s13, s4;
	s7 =	sadd.s32 s22, s0;
	s23 =	sshrl.u32 s8, $0x1  }
0xd: {  	s0 =	sadd.s32 $0xC200, s0;
	s25 =	sshrl.u32 s9, $0x2;
	s4 =	smul.u32 $0x700, s4  }
0xe: {  	s8 =	ssub.s32 s8, s23;
	s12 =	sadd.s32 $0x5A400, s7;
	s10 =	sadd.s32 s24, s11  }
0xf: {  	s9 =	sshrl.u32 s26, $0x3;
	s3 =	sadd.s32 s3, s6;
	s23 =	simm.s32 $0x4  }
0x10: {  	s24 =	simm.s32 $0x5;
	s26 =	simm.s32 $0x1;
	[dreg:$0x6] =	wrdreg s12  }
0x11: {  	s10 =	sadd.s32 s0, s10;
	s0 =	sadd.s32 s0, s9;
	s28 =	smax.u32 s8, $0x1  }
0x12: {  	s29 =	sadd.s32 s22, s3;
	s12 =	sadd.s32 $0x5A480, s7;
	[dreg:$0x7] =	wrdreg s10  }
0x13: {  	s8 =	sshrl.u32 @p0 s14, $0x3;
	s22 =	simm.s32 $0x184C0;
	[dreg:$0x9] =	wrdreg s28  }
.Ltmp0:
0x14: {  	s0 =	sadd.s32 $0x24900, s0;
	[dreg:$0xa] =	wrdreg s8;
	(pc) =	sbr.rel .LBB2_1-.Ltmp0, $4  }
0x15: {  	s4 =	sadd.s32 s6, s4;
	[dreg:$0x8] =	wrdreg s0;
	s0 =	sshll.u32 @!p0 s13, $0x6  }
0x16: {  	[dreg:$0x5] =	wrdreg s4;
	s4 =	sadd.s32 s25, s2;
	s9 =	sor.u32 @!p0 $0x1C08, s0  }
0x17: {  	s11 =	sadd.s32 $0x80, s29;
	s10 =	sshrl.u32 @!p0 s4, $0x3;
	[dreg:$0xb] =	wrdreg s9  }
0x18: {  	s25 =	simm.s32 $0x6;
	s4 =	simm.s32 $0x0;
	[dreg:$0xc] =	wrdreg s10  }
.LBB2_8:
0x19: {  	_ =	swait.ge [sflag:s15], $0x3C00  }
0x1a: {  	[sflag:s15] =	ssyncset.done $0x0  }
0x1b: {  	s0 =	simm.s32 $0x14740;
	[sflag:s15] =	ssyncadd.s32 $0xFFFFC400  }
0x1c: {  	[spmem:s2] =	stream.indirect.scatter.add.f32 [tilespmem:s30], [sflag:$0x6], $0x80, s0, s19, $0xb8;
	[tilespmem:$0x1FCC0] =	vst v63  }
.LBB2_6:
0x1d: {  	_ =	swait.ge [sflag:s23], $0x3C00  }
0x1e: {  	[sflag:s23] =	ssyncset.done $0x0  }
0x1f: {  	[sflag:s23] =	ssyncadd.s32 $0xFFFFC400  }
0x20: {  	_ =	swait.ge [sflag:s24], $0x3C00  }
0x21: {  	[sflag:s24] =	ssyncset.done $0x0  }
0x22: {  	[sflag:s24] =	ssyncadd.s32 $0xFFFFC400  }
0x23: {  	_ =	swait.ge [sflag:s25], $0x3C00  }
0x24: {  	[sflag:s25] =	ssyncset.done $0x0  }
0x25: {  	[sflag:s25] =	ssyncadd.s32 $0xFFFFC400  }
0x26: {  	[bflag:$0x0] =	sbarrier.arrive $0xFFFF  }
0x27: {  	s3 =	rddreg [dreg:$0x8]  }
0x28: {  	s0 =	simm.s32 @p0 $0x1FC8;
	s8 =	rddreg [dreg:$0xa]  }
0x29: {  	[hbm:s3], [sflag:s0] =	dma.local @p0 [spmem:s8], $0x2800  }
0x2a: {  	s0 =	simm.s32 @p0 $0x8  }
0x2b: {  	_ =	swait.ge @p0 [sflag:s0], $0x2800  }
0x2c: {  	s9 =	rddreg [dreg:$0xb]  }
0x2d: {  	[sflag:s0] =	ssyncset.done @p0 $0x0;
	s10 =	rddreg [dreg:$0xc]  }
0x2e: {  	[sflag:s0] =	ssyncadd.s32 @p0 $0xFFFFD800;
	s0 =	rddreg [dreg:$0x7]  }
0x2f: {  	[hbm:s0], [sflag:s9] =	dma.local @!p0 [spmem:s10], $0x2700  }
0x30: {  	s0 =	simm.s32 @!p0 $0x8  }
0x31: {  	_ =	swait.ge @!p0 [sflag:s0], $0x2700  }
0x32: {  	s4 =	rddreg [dreg:$0xd]  }
0x33: {  	s29 =	rddreg [dreg:$0x9];
	s4 =	sadd.s32 $0x1, s4  }
0x34: {  	p1 =	sne.s32 s4, s29  }
.Ltmp1:
0x35: {  	_ = 	snop;
	(pc) =	sbr.rel @!p1 .LBB2_7-.Ltmp1, $3  }
0x36: {  	_ =	sdelay $0x1  }
0x37: {  	[sflag:s0] =	ssyncset.done @!p0 $0x0  }
0x38: {  	[sflag:s0] =	ssyncadd.s32 @!p0 $0xFFFFD900  }
.LBB2_1:
0x39: {  	[dreg:$0xd] =	wrdreg s4;
	s0 =	simm.s32 $0x0  }
0x3a: {  	s3 =	rddreg [dreg:$0x5];
	s21 =	simm.s32 $0x138C0;
	s6 =	simm.s32 $0x8  }
0x3b: {  	[tilespmem:s21], [sflag:$0x8] =	stream.linear.gather [hbm4b:s3+s0], $0x300, $0x38;
	[tilespmem:$0x1FCC0] =	vst v63  }
0x3c: {  	_ =	swait.ge [sflag:s6], $0x300  }
0x3d: {  	[sflag:s6] =	ssyncset.done $0x0  }
0x3e: {  	s7 =	simm.s32 $0x13CC0;
	s28 =	rddreg [dreg:$0x6];
	[sflag:s6] =	ssyncadd.s32 $0xFFFFFD00  }
0x3f: {  	[tilespmem:s7], [sflag:$0x8] =	stream.linear.gather [hbm4b:s28+s0], $0x300, $0x38;
	[tilespmem:$0x1FCC0] =	vst v63  }
0x40: {  	_ =	swait.ge [sflag:s6], $0x300  }
0x41: {  	[sflag:s6] =	ssyncset.done $0x0  }
0x42: {  	s0 =	simm.s32 @p0 $0x1FC8;
	s3 =	rddreg [dreg:$0x4];
	[sflag:s6] =	ssyncadd.s32 $0xFFFFFD00  }
0x43: {  	[spmem:s8], [sflag:s0] =	dma.local @p0 [hbm:s3], $0x2880  }
0x44: {  	s0 =	simm.s32 @p0 $0x8  }
0x45: {  	_ =	swait.ge @p0 [sflag:s0], $0x2880  }
0x46: {  	[sflag:s0] =	ssyncset.done @p0 $0x0  }
0x47: {  	[sflag:s0] =	ssyncadd.s32 @p0 $0xFFFFD780;
	s0 =	simm.s32 @!p0 $0x8  }
0x48: {  	[spmem:s10], [sflag:s9] =	dma.local @!p0 [hbm:s3], $0x2700  }
0x49: {  	_ =	swait.ge @!p0 [sflag:s0], $0x2700  }
0x4a: {  	[sflag:s0] =	ssyncset.done @!p0 $0x0  }
0x4b: {  	[sflag:s0] =	ssyncadd.s32 @!p0 $0xFFFFD900  }
0x4c: {  	[tilespmem:s20], [sflag:$0x1] =	stream.indirect.gather [hbm4b:s1+s19], $0x80, s21, s19, $0xb8;
	[tilespmem:$0x1FCC0] =	vst v63  }
.Ltmp2:
0x4d: {  	_ = 	snop;
	(pc) =	sbr.rel .LBB2_2-.Ltmp2, $4  }
0x4e: {  	s29 =	simm.s32 $0x13940  }
0x4f: {  	[tilespmem:s22], [sflag:$0x2] =	stream.indirect.gather [hbm4b:s1+s19], $0x80, s29, s19, $0xb8;
	[tilespmem:$0x1FCC0] =	vst v63  }
0x50: {  	[bflag:$0x0] =	sbarrier.arrive $0xFFFF  }
0x51: {  	s17 =	simm.s32 $0x0;
	s18 =	simm.s32 $0x0  }
.LBB2_5:
0x52: {  	s17 =	sadd.s32 $0x80, s17  }
0x53: {  	p1 =	sne.s32 s17, $0x700  }
.Ltmp3:
0x54: {  	_ = 	snop;
	(pc) =	sbr.rel @!p1 .LBB2_6-.Ltmp3, $2  }
0x55: {  	_ =	sdelay $0x2  }
0x56: {  	s18 =	sadd.s32 $0x1, s18  }
.LBB2_2:
0x57: {  	s14 =	sand.u32 $0x1, s18  }
0x58: {  	p1 =	seq.s32 s14, $0x1  }
0x59: {  	s4 =	simm.s32 @!p1 $0x1  }
0x5a: {  	s28 =	simm.s32 @!p1 $0x78;
	_ =	swait.ge @!p1 [sflag:s4], $0x3C00  }
0x5b: {  	s0 =	simm.s32 @!p1 $0x13CC0;
	p2 =	seq.s32 @!p1 s17, $0x0;
	[sflag:s4] =	ssyncset.done @!p1 $0x0  }
0x5c: {  	s29 =	simm.s32 @!p1 $0x148C0;
	p2 =	por p2, p1;
	[sflag:s4] =	ssyncadd.s32 @!p1 $0xFFFFC400  }
0x5d: {  	[spmem:s2] =	stream.indirect.scatter.add.f32 @!p1 [tilespmem:s29], [sflag:$0x4], $0x80, s0, s28, $0xb8;
	[tilespmem:$0x1FCC0] =	vst v63  }
0x5e: {  	s0 =	simm.s32 @!p2 $0x6  }
0x5f: {  	_ =	swait.ge @!p2 [sflag:s0], $0x3C00  }
0x60: {  	s3 =	simm.s32 @!p1 $0x139C0;
	[sflag:s0] =	ssyncset.done @!p2 $0x0  }
0x61: {  	s6 =	simm.s32 @!p1 $0x2;
	[sflag:s0] =	ssyncadd.s32 @!p2 $0xFFFFC400;
	s0 =	simm.s32 @!p1 $0x1C0C0  }
0x62: {  	[tilespmem:s0], [sflag:$0x3] =	stream.indirect.gather @!p1 [hbm4b:s1+s28], $0x80, s3, s28, $0xb8;
	[tilespmem:$0x1FCC0] =	vst v63  }
0x63: {  	_ =	swait.ge @!p1 [sflag:s6], $0x3C00  }
0x64: {  	[sflag:s6] =	ssyncset.done @!p1 $0x0  }
0x65: {  	s7 =	simm.s32 @!p1 $0x13D40;
	s3 =	simm.s32 @!p1 $0x184C0;
	[sflag:s6] =	ssyncadd.s32 @!p1 $0xFFFFC400  }
0x66: {  	[spmem:s2] =	stream.indirect.scatter.add.f32 @!p1 [tilespmem:s3], [sflag:$0x5], $0x80, s7, s28, $0xb8;
	[tilespmem:$0x1FCC0] =	vst v63  }
0x67: {  	s7 =	simm.s32 @!p1 $0x4  }
0x68: {  	_ =	swait.ge @!p1 [sflag:s7], $0x3C00  }
0x69: {  	[sflag:s7] =	ssyncset.done @!p1 $0x0  }
0x6a: {  	s21 =	simm.s32 @!p1 $0x13A40;
	[sflag:s7] =	ssyncadd.s32 @!p1 $0xFFFFC400  }
0x6b: {  	[tilespmem:s29], [sflag:$0x1] =	stream.indirect.gather @!p1 [hbm4b:s1+s28], $0x80, s21, s28, $0xb8;
	[tilespmem:$0x1FCC0] =	vst v63  }
0x6c: {  	s21 =	simm.s32 @!p1 $0x3  }
0x6d: {  	_ =	swait.ge @!p1 [sflag:s21], $0x3C00  }
0x6e: {  	[sflag:s21] =	ssyncset.done @!p1 $0x0  }
0x6f: {  	s8 =	simm.s32 @!p1 $0x13DC0;
	[sflag:s21] =	ssyncadd.s32 @!p1 $0xFFFFC400  }
0x70: {  	[spmem:s2] =	stream.indirect.scatter.add.f32 @!p1 [tilespmem:s0], [sflag:$0x6], $0x80, s8, s28, $0xb8;
	[tilespmem:$0x1FCC0] =	vst v63  }
0x71: {  	s9 =	simm.s32 @!p1 $0x0;
	s10 =	simm.s32 @!p1 $0x140C0;
	s8 =	sadd.s32 @!p1 s17, s11  }
0x72: {  	[tilespmem:s10], [sflag:$0x7] =	stream.linear.gather @!p1 [hbm4b:s8+s9], $0x300, $0x38;
	[tilespmem:$0x1FCC0] =	vst v63  }
0x73: {  	s13 =	simm.s32 @!p1 $0x144C0;
	s8 =	sadd.s32 @!p1 s17, s12  }
0x74: {  	[tilespmem:s13], [sflag:$0x7] =	stream.linear.gather @!p1 [hbm4b:s8+s9], $0x300, $0x38;
	[tilespmem:$0x1FCC0] =	vst v63  }
0x75: {  	s8 =	simm.s32 @!p1 $0x5  }
0x76: {  	_ =	swait.ge @!p1 [sflag:s8], $0x3C00  }
0x77: {  	[sflag:s8] =	ssyncset.done @!p1 $0x0  }
0x78: {  	s9 =	simm.s32 @!p1 $0x13AC0;
	[sflag:s8] =	ssyncadd.s32 @!p1 $0xFFFFC400  }
0x79: {  	[tilespmem:s3], [sflag:$0x2] =	stream.indirect.gather @!p1 [hbm4b:s1+s28], $0x80, s9, s28, $0xb8;
	[tilespmem:$0x1FCC0] =	vst v63  }
0x7a: {  	_ =	swait.ge @!p1 [sflag:s4], $0x3C00  }
0x7b: {  	[sflag:s4] =	ssyncset.done @!p1 $0x0  }
0x7c: {  	[sflag:s4] =	ssyncadd.s32 @!p1 $0xFFFFC400;
	s4 =	simm.s32 @!p1 $0x13E40  }
0x7d: {  	[spmem:s2] =	stream.indirect.scatter.add.f32 @!p1 [tilespmem:s29], [sflag:$0x4], $0x80, s4, s28, $0xb8;
	[tilespmem:$0x1FCC0] =	vst v63  }
0x7e: {  	s4 =	simm.s32 @!p1 $0x6  }
0x7f: {  	_ =	swait.ge @!p1 [sflag:s4], $0x3C00  }
0x80: {  	[sflag:s4] =	ssyncset.done @!p1 $0x0  }
0x81: {  	[sflag:s4] =	ssyncadd.s32 @!p1 $0xFFFFC400;
	s4 =	simm.s32 @!p1 $0x13B40  }
0x82: {  	[tilespmem:s0], [sflag:$0x3] =	stream.indirect.gather @!p1 [hbm4b:s1+s28], $0x80, s4, s28, $0xb8;
	[tilespmem:$0x1FCC0] =	vst v63  }
0x83: {  	_ =	swait.ge @!p1 [sflag:s6], $0x3C00  }
0x84: {  	[sflag:s6] =	ssyncset.done @!p1 $0x0  }
0x85: {  	s4 =	simm.s32 @!p1 $0x13EC0;
	[sflag:s6] =	ssyncadd.s32 @!p1 $0xFFFFC400  }
0x86: {  	[spmem:s2] =	stream.indirect.scatter.add.f32 @!p1 [tilespmem:s3], [sflag:$0x5], $0x80, s4, s28, $0xb8;
	[tilespmem:$0x1FCC0] =	vst v63  }
0x87: {  	_ =	swait.ge @!p1 [sflag:s7], $0x3C00  }
0x88: {  	[sflag:s7] =	ssyncset.done @!p1 $0x0  }
0x89: {  	s4 =	simm.s32 @!p1 $0x7;
	[sflag:s7] =	ssyncadd.s32 @!p1 $0xFFFFC400  }
0x8a: {  	_ =	swait.ge @!p1 [sflag:s4], $0x300  }
0x8b: {  	[sflag:s4] =	ssyncset.done @!p1 $0x0  }
0x8c: {  	[sflag:s4] =	ssyncadd.s32 @!p1 $0xFFFFFD00  }
0x8d: {  	_ =	swait.ge @!p1 [sflag:s4], $0x300  }
0x8e: {  	[sflag:s4] =	ssyncset.done @!p1 $0x0  }
0x8f: {  	[sflag:s4] =	ssyncadd.s32 @!p1 $0xFFFFFD00  }
0x90: {  	[tilespmem:s29], [sflag:$0x1] =	stream.indirect.gather @!p1 [hbm4b:s1+s28], $0x80, s10, s28, $0xb8;
	[tilespmem:$0x1FCC0] =	vst v63  }
0x91: {  	_ =	swait.ge @!p1 [sflag:s21], $0x3C00  }
0x92: {  	[sflag:s21] =	ssyncset.done @!p1 $0x0  }
0x93: {  	s4 =	simm.s32 @!p1 $0x13F40;
	[sflag:s21] =	ssyncadd.s32 @!p1 $0xFFFFC400  }
0x94: {  	[spmem:s2] =	stream.indirect.scatter.add.f32 @!p1 [tilespmem:s0], [sflag:$0x6], $0x80, s4, s28, $0xb8;
	[tilespmem:$0x1FCC0] =	vst v63  }
0x95: {  	_ =	swait.ge @!p1 [sflag:s8], $0x3C00  }
0x96: {  	[sflag:s8] =	ssyncset.done @!p1 $0x0  }
0x97: {  	p2 =	seq.s32 @!p1 s14, $0x0;
	s0 =	simm.s32 @!p1 $0x14140;
	[sflag:s8] =	ssyncadd.s32 @!p1 $0xFFFFC400  }
0x98: {  	[tilespmem:s3], [sflag:$0x2] =	stream.indirect.gather @!p1 [hbm4b:s1+s28], $0x80, s0, s28, $0xb8;
	[tilespmem:$0x1FCC0] =	vst v63  }
0x99: {  	p1 =	por p1, !p2  }
.Ltmp4:
0x9a: {  	_ = 	snop;
	(pc) =	sbr.rel @!p1 .LBB2_5-.Ltmp4, $1  }
0x9b: {  	_ =	sdelay $0x3  }
0x9c: {  	_ =	swait.ge [sflag:s26], $0x3C00  }
0x9d: {  	[sflag:s26] =	ssyncset.done $0x0  }
0x9e: {  	s0 =	simm.s32 $0x144C0;
	[sflag:s26] =	ssyncadd.s32 $0xFFFFC400  }
0x9f: {  	[spmem:s2] =	stream.indirect.scatter.add.f32 [tilespmem:s20], [sflag:$0x4], $0x80, s0, s19, $0xb8;
	[tilespmem:$0x1FCC0] =	vst v63  }
0xa0: {  	_ =	swait.ge [sflag:s25], $0x3C00  }
0xa1: {  	[sflag:s25] =	ssyncset.done $0x0  }
0xa2: {  	s8 =	simm.s32 $0x141C0;
	[sflag:s25] =	ssyncadd.s32 $0xFFFFC400  }
0xa3: {  	[tilespmem:s30], [sflag:$0x3] =	stream.indirect.gather [hbm4b:s1+s19], $0x80, s8, s19, $0xb8;
	[tilespmem:$0x1FCC0] =	vst v63  }
0xa4: {  	_ =	swait.ge [sflag:s31], $0x3C00  }
0xa5: {  	[sflag:s31] =	ssyncset.done $0x0  }
0xa6: {  	s9 =	simm.s32 $0x14540;
	[sflag:s31] =	ssyncadd.s32 $0xFFFFC400  }
0xa7: {  	[spmem:s2] =	stream.indirect.scatter.add.f32 [tilespmem:s22], [sflag:$0x5], $0x80, s9, s19, $0xb8;
	[tilespmem:$0x1FCC0] =	vst v63  }
0xa8: {  	_ =	swait.ge [sflag:s23], $0x3C00  }
0xa9: {  	[sflag:s23] =	ssyncset.done $0x0  }
0xaa: {  	s10 =	simm.s32 $0x14240;
	[sflag:s23] =	ssyncadd.s32 $0xFFFFC400  }
0xab: {  	[tilespmem:s20], [sflag:$0x1] =	stream.indirect.gather [hbm4b:s1+s19], $0x80, s10, s19, $0xb8;
	[tilespmem:$0x1FCC0] =	vst v63  }
0xac: {  	_ =	swait.ge [sflag:s15], $0x3C00  }
0xad: {  	[sflag:s15] =	ssyncset.done $0x0  }
0xae: {  	s13 =	simm.s32 $0x145C0;
	p1 =	seq.s32 s17, $0x680;
	[sflag:s15] =	ssyncadd.s32 $0xFFFFC400  }
0xaf: {  	[spmem:s2] =	stream.indirect.scatter.add.f32 [tilespmem:s30], [sflag:$0x6], $0x80, s13, s19, $0xb8;
	[tilespmem:$0x1FCC0] =	vst v63  }
0xb0: {  	s3 =	simm.s32 @!p1 $0x0;
	s4 =	simm.s32 @!p1 $0x138C0;
	s0 =	sadd.s32 @!p1 s17, s11  }
0xb1: {  	[tilespmem:s4], [sflag:$0x7] =	stream.linear.gather @!p1 [hbm4b:s0+s3], $0x300, $0x38;
	[tilespmem:$0x1FCC0] =	vst v63  }
0xb2: {  	s0 =	sadd.s32 @!p1 s17, s12;
	s4 =	simm.s32 @!p1 $0x13CC0  }
0xb3: {  	[tilespmem:s4], [sflag:$0x7] =	stream.linear.gather @!p1 [hbm4b:s0+s3], $0x300, $0x38;
	[tilespmem:$0x1FCC0] =	vst v63  }
0xb4: {  	_ =	swait.ge [sflag:s24], $0x3C00  }
0xb5: {  	[sflag:s24] =	ssyncset.done $0x0  }
0xb6: {  	s14 =	simm.s32 $0x142C0;
	[sflag:s24] =	ssyncadd.s32 $0xFFFFC400  }
0xb7: {  	[tilespmem:s22], [sflag:$0x2] =	stream.indirect.gather [hbm4b:s1+s19], $0x80, s14, s19, $0xb8;
	[tilespmem:$0x1FCC0] =	vst v63  }
0xb8: {  	_ =	swait.ge [sflag:s26], $0x3C00  }
0xb9: {  	[sflag:s26] =	ssyncset.done $0x0  }
0xba: {  	s21 =	simm.s32 $0x14640;
	[sflag:s26] =	ssyncadd.s32 $0xFFFFC400  }
0xbb: {  	[spmem:s2] =	stream.indirect.scatter.add.f32 [tilespmem:s20], [sflag:$0x4], $0x80, s21, s19, $0xb8;
	[tilespmem:$0x1FCC0] =	vst v63  }
0xbc: {  	_ =	swait.ge [sflag:s25], $0x3C00  }
0xbd: {  	[sflag:s25] =	ssyncset.done $0x0  }
0xbe: {  	s28 =	simm.s32 $0x14340;
	[sflag:s25] =	ssyncadd.s32 $0xFFFFC400  }
0xbf: {  	[tilespmem:s30], [sflag:$0x3] =	stream.indirect.gather [hbm4b:s1+s19], $0x80, s28, s19, $0xb8;
	[tilespmem:$0x1FCC0] =	vst v63  }
.Ltmp5:
0xc0: {  	_ = 	snop;
	(pc) =	sbr.rel @p1 .LBB2_8-.Ltmp5, $4  }
0xc1: {  	_ =	swait.ge [sflag:s31], $0x3C00  }
0xc2: {  	[sflag:s31] =	ssyncset.done $0x0  }
0xc3: {  	s29 =	simm.s32 $0x146C0;
	[sflag:s31] =	ssyncadd.s32 $0xFFFFC400  }
0xc4: {  	[spmem:s2] =	stream.indirect.scatter.add.f32 [tilespmem:s22], [sflag:$0x5], $0x80, s29, s19, $0xb8;
	[tilespmem:$0x1FCC0] =	vst v63  }
0xc5: {  	_ =	swait.ge [sflag:s23], $0x3C00  }
0xc6: {  	[sflag:s23] =	ssyncset.done $0x0  }
0xc7: {  	[sflag:s23] =	ssyncadd.s32 $0xFFFFC400  }
0xc8: {  	_ =	swait.ge [sflag:s5], $0x300  }
0xc9: {  	[sflag:s5] =	ssyncset.done $0x0  }
0xca: {  	[sflag:s5] =	ssyncadd.s32 $0xFFFFFD00  }
0xcb: {  	_ =	swait.ge [sflag:s5], $0x300  }
0xcc: {  	[sflag:s5] =	ssyncset.done $0x0  }
0xcd: {  	[sflag:s5] =	ssyncadd.s32 $0xFFFFFD00  }
0xce: {  	[tilespmem:s20], [sflag:$0x1] =	stream.indirect.gather [hbm4b:s1+s19], $0x80, s16, s19, $0xb8;
	[tilespmem:$0x1FCC0] =	vst v63  }
0xcf: {  	_ =	swait.ge [sflag:s15], $0x3C00  }
0xd0: {  	[sflag:s15] =	ssyncset.done $0x0  }
0xd1: {  	s0 =	simm.s32 $0x14740;
	[sflag:s15] =	ssyncadd.s32 $0xFFFFC400  }
0xd2: {  	[spmem:s2] =	stream.indirect.scatter.add.f32 [tilespmem:s30], [sflag:$0x6], $0x80, s0, s19, $0xb8;
	[tilespmem:$0x1FCC0] =	vst v63  }
.Ltmp6:
0xd3: {  	_ = 	snop;
	(pc) =	sbr.rel .LBB2_5-.Ltmp6, $4  }
0xd4: {  	_ =	swait.ge [sflag:s24], $0x3C00  }
0xd5: {  	[sflag:s24] =	ssyncset.done $0x0  }
0xd6: {  	s29 =	simm.s32 $0x13940;
	[sflag:s24] =	ssyncadd.s32 $0xFFFFC400  }
0xd7: {  	[tilespmem:s22], [sflag:$0x2] =	stream.indirect.gather [hbm4b:s1+s19], $0x80, s29, s19, $0xb8;
	[tilespmem:$0x1FCC0] =	vst v63  }
.LBB2_7:
0xd8: {  	_ =	sfence.sel $0x180000  }
0xd9: {  	[bflag:$0x0] =	sbarrier.arrive $0xFFFF  }
0xda: {  	_ =	strace $0x9000004A  }
0xdb: {  	s0 =	stileid.u32;
	[bflag:$0x2] =	sbarrier.arrive $0xFFFF  }
0xdc: {  	p0 =	sne.s32 s0, $0x0;
	s0 =	rddreg [dreg:$0x3]  }
0xdd: {  	s0 =	sadd.s32 @!p0 $0x100000, s0  }
0xde: {  	[sflag:s0] =	ssyncadd.tile.s32 @!p0 $0x1;
	_ =	shalt  }
.Lfunc_end2:
_tile_overlayer_lowered:
.L_overlay_start_2:
0xdf: {  	(tag) =	ssettag $0x2  }
0xe0: {  	s0 =	rddreg [dreg:$0x0];
	s2 =	stileid.u32  }
0xe1: {  	s1 =	rddreg [dreg:$0x1];
	p0 =	sne.s32 s2, $0x0  }
0xe2: {  	s3 =	rddreg [dreg:$0x2];
	[bflag:$0x3] =	sbarrier.arrive $0xFFFF;
	s2 =	simm.s32 @!p0 $0x1C08  }
0xe3: {  	[timem:s3], [sflag:s2] =	dma.local @!p0 [hbm:s0], s1  }
0xe4: {  	s0 =	simm.s32 @!p0 $0x8  }
0xe5: {  	_ =	swait.ge @!p0 [sflag:s0], s1  }
0xe6: {  	s1 =	ssub.s32 @!p0 $0x0, s1;
	[sflag:s0] =	ssyncset.done @!p0 $0x0  }
0xe7: {  	[sflag:s0] =	ssyncadd.s32 @!p0 s1  }
0xe8: {  	[bflag:$0x3] =	sbarrier.arrive $0xFFFF  }
0xe9: {  	_ =	shalt  }

// kernel: kernel.20.cloned.1.call-start
scs
__scs_entry_jumppad:
0x0: {  	(pc) =	sbr.rel $0x88, $3  }
0x1: {  	(tag) =	ssettag $0x0;
	lr =	simm.s32 $0x1  }
0x2: {  	[smem:$0x3F93] =	sst lr;
	_ =	strace $0xD0000000  }
0x3: {  	_ = 	snop  }
0x4: {  	_ = 	snop  }
0x5: {  	_ = 	snop  }
0x6: {  	_ = 	snop  }
0x7: {  	_ = 	snop  }
__scs_overlays_trampoline_lowered:
0x8: {  	[smem:$0x3FA2] =	sst s0  }
0x9: {  	[smem:$0x3FA3] =	sst s1  }
0xa: {  	[smem:$0x3FA4] =	sst s2  }
0xb: {  	[smem:$0x3FA5] =	sst s3  }
0xc: {  	[smem:$0x3FA6] =	sst s4  }
0xd: {  	[smem:$0x3FA7] =	sst s5  }
0xe: {  	[smem:$0x3FA8] =	sst s6  }
0xf: {  	[smem:$0x3FA9] =	sst s7  }
0x10: {  	[smem:$0x3FAA] =	sst s8  }
0x11: {  	[smem:$0x3FAB] =	sst s9;
	s0 =	simm.s32 @!p0 $0x0  }
0x12: {  	s1 =	sld [smem:$0x3F91];
	s0 =	simm.s32 @p0 $0x1  }
0x13: {  	[smem:$0x3FAC] =	sst s0;
	s0 =	simm.s32 @!p1 $0x0  }
0x14: {  	s2 =	sld [smem:$0x3F90];
	s0 =	simm.s32 @p1 $0x1  }
0x15: {  	[smem:$0x3FAD] =	sst s0;
	s0 =	simm.s32 @!p2 $0x0  }
0x16: {  	s3 =	sld [smem:$0x3FDB];
	s0 =	simm.s32 @p2 $0x1  }
0x17: {  	s4 =	simm.s32 $0x1BF5;
	[smem:$0x3FAF] =	sst s0  }
0x18: {  	s0 =	sld [smem:$0x3F92];
	_ =	swait.ge [sflag:s4], $0x0  }
0x19: {  	s7 =	sld [smem:$0x3F93]  }
0x1a: {  	s8 =	sadd.s32 $0xFFFFE003, lr  }
0x1b: {  	s9 =	sadd.s32 $0xFFFFFEF7, lr;
	s5 =	simm.s32 $0xFFFFFFFF;
	p2 =	slt.u32 s8, $0xFFFFF086  }
0x1c: {  	p1 =	slt.u32 s9, $0xF7A;
	s5 =	simm.s32 @!p2 $0x0  }
0x1d: {  	s5 =	simm.s32 @p1 $0x1;
	p0 =	seq.s32 s7, s2  }
0x1e: {  	s7 =	smul.u32 @!p0 $0xF7A, s2;
	p2 =	seq.s32 @!p0 s5, $0x0  }
0x1f: {  	s9 =	smul.u32 $0xF7A, s1;
	s8 =	simm.s32 @!p0 $0x1BF5;
	p2 =	por !p2, p0  }
0x20: {  	[sflag:s8] =	ssyncset.s32 @!p0 $0xFFFFF086;
	s6 =	sadd.s32 @!p0 s3, s7;
	s7 =	simm.s32 @!p0 $0x108  }
0x21: {  	s3 =	sadd.s32 s3, s9;
	s6 =	sadd.s32 @!p0 $0x88, s6;
	s7 =	simm.s32 @p2 $0x1082  }
0x22: {  	[simem:s7], [sflag:s8] =	dma.local @!p0 [hbm:s6], $0xF7A  }
0x23: {  	s9 =	sor.u32 $0xD0000000, s2;
	s6 =	simm.s32 $0x108;
	_ =	swait.ge @!p0 [sflag:s8], $0x0  }
0x24: {  	s3 =	sadd.s32 $0x88, s3;
	s6 =	simm.s32 @!p1 $0x1082;
	[sflag:s4] =	ssyncset.s32 $0xFFFFF086  }
0x25: {  	[simem:s6], [sflag:s4] =	dma.local [hbm:s3], $0xF7A  }
0x26: {  	[smem:$0x3F93] =	sst s1;
	(tag) =	ssettag s2;
	_ =	strace s9  }
0x27: {  	s1 =	sld [smem:$0x3FA3]  }
0x28: {  	s2 =	sld [smem:$0x3FA4]  }
0x29: {  	s4 =	sld [smem:$0x3FA6]  }
0x2a: {  	p0 =	seq.s32 s5, $0x0;
	s5 =	sld [smem:$0x3FA7]  }
0x2b: {  	s6 =	sld [smem:$0x3FA8]  }
0x2c: {  	s7 =	sld [smem:$0x3FA9]  }
0x2d: {  	s3 =	simm.s32 $0x108;
	s8 =	sld [smem:$0x3FAA]  }
0x2e: {  	s3 =	simm.s32 @!p0 $0x1082;
	s9 =	sld [smem:$0x3FAB]  }
0x2f: {  	lr =	sadd.s32 s0, s3;
	s0 =	sld [smem:$0x3FA2]  }
0x30: {  	s3 =	sld [smem:$0x3FA5]  }
0x31: {  	[smem:$0x3FAE] =	sst s10  }
0x32: {  	s10 =	sld [smem:$0x3FAC];
	_ =	sdelay $0x3  }
0x33: {  	p0 =	seq.s32 s10, $0x1;
	s10 =	sld [smem:$0x3FAE];
	_ =	sdelay $0x3  }
0x34: {  	[smem:$0x3FAE] =	sst s10  }
0x35: {  	s10 =	sld [smem:$0x3FAD];
	_ =	sdelay $0x3  }
0x36: {  	p1 =	seq.s32 s10, $0x1;
	s10 =	sld [smem:$0x3FAE];
	_ =	sdelay $0x3  }
0x37: {  	[smem:$0x3FAE] =	sst s10  }
0x38: {  	s10 =	sld [smem:$0x3FAF]  }
0x39: {  	_ = 	snop;
	(pc) =	sbr.ind lr, $3  }
0x3a: {  	_ = 	snop  }
0x3b: {  	_ = 	snop  }
0x3c: {  	p2 =	seq.s32 s10, $0x1;
	s10 =	sld [smem:$0x3FAE]  }
0x3d: {  	_ =	shalt  }
0x3e: {  	_ =	shalt  }
0x3f: {  	_ =	shalt  }
0x40: {  	_ =	shalt  }
0x41: {  	_ =	shalt  }
0x42: {  	_ =	shalt  }
0x43: {  	_ =	shalt  }
0x44: {  	_ =	shalt  }
0x45: {  	_ =	shalt  }
0x46: {  	_ =	shalt  }
0x47: {  	_ =	shalt  }
0x48: {  	_ =	shalt  }
0x49: {  	_ =	shalt  }
0x4a: {  	_ =	shalt  }
0x4b: {  	_ =	shalt  }
0x4c: {  	_ =	shalt  }
0x4d: {  	_ =	shalt  }
0x4e: {  	_ =	shalt  }
0x4f: {  	_ =	shalt  }
0x50: {  	_ =	shalt  }
0x51: {  	_ =	shalt  }
0x52: {  	_ =	shalt  }
0x53: {  	_ =	shalt  }
0x54: {  	_ =	shalt  }
0x55: {  	_ =	shalt  }
0x56: {  	_ =	shalt  }
0x57: {  	_ =	shalt  }
0x58: {  	_ =	shalt  }
0x59: {  	_ =	shalt  }
0x5a: {  	_ =	shalt  }
0x5b: {  	_ =	shalt  }
0x5c: {  	_ =	shalt  }
0x5d: {  	_ =	shalt  }
0x5e: {  	_ =	shalt  }
0x5f: {  	_ =	shalt  }
0x60: {  	_ =	shalt  }
0x61: {  	_ =	shalt  }
0x62: {  	_ =	shalt  }
0x63: {  	_ =	shalt  }
0x64: {  	_ =	shalt  }
0x65: {  	_ =	shalt  }
0x66: {  	_ =	shalt  }
0x67: {  	_ =	shalt  }
0x68: {  	_ =	shalt  }
0x69: {  	_ =	shalt  }
0x6a: {  	_ =	shalt  }
0x6b: {  	_ =	shalt  }
0x6c: {  	_ =	shalt  }
0x6d: {  	_ =	shalt  }
0x6e: {  	_ =	shalt  }
0x6f: {  	_ =	shalt  }
0x70: {  	_ =	shalt  }
0x71: {  	_ =	shalt  }
0x72: {  	_ =	shalt  }
0x73: {  	_ =	shalt  }
0x74: {  	_ =	shalt  }
0x75: {  	_ =	shalt  }
0x76: {  	_ =	shalt  }
0x77: {  	_ =	shalt  }
0x78: {  	_ =	shalt  }
0x79: {  	_ =	shalt  }
0x7a: {  	_ =	shalt  }
0x7b: {  	_ =	shalt  }
0x7c: {  	_ =	shalt  }
0x7d: {  	_ =	shalt  }
0x7e: {  	_ =	shalt  }
0x7f: {  	_ =	shalt  }
0x80: {  	_ =	shalt  }
0x81: {  	_ =	shalt  }
0x82: {  	_ =	shalt  }
0x83: {  	_ =	shalt  }
0x84: {  	_ =	shalt  }
0x85: {  	_ =	shalt  }
0x86: {  	_ =	shalt  }
0x87: {  	_ =	shalt  }
.Lfunc_end0:
.L_simem_size_0:
called_computation.2_lowered:
.L_overlay_start_0:
0x88: {  	s2 =	sld [smem:$0x3FD9]  }
0x89: {  	s3 =	sld [smem:$0x3FFE];
	_ =	sdelay $0x1  }
0x8a: {  	s1 =	srdreg.scid  }
0x8b: {  	s0 =	sand.u32 $0x1, s1  }
0x8c: {  	s17 =	sshll.u32 s0, $0xA;
	s2 =	sadd.s32 s3, s2  }
0x8d: {  	s2 =	sadd.s32 s2, s17  }
0x8e: {  	[smem:$0x3FBA] =	sst s2  }
0x8f: {  	_ = 	snop  }
0x90: {  	s2 =	sld [smem:$0x3FD0];
	(tm) =	ssettm $0x1  }
0x91: {  	s18 =	sld [smem:$0x3FFB];
	_ =	sdelay $0x3  }
0x92: {  	_ =	strace s18  }
0x93: {  	s3 =	sld [smem:$0x3FFC];
	_ =	sdelay $0x3  }
0x94: {  	_ =	strace s3  }
0x95: {  	s3 =	sld [smem:$0x3FFD];
	_ =	sdelay $0x3  }
0x96: {  	_ =	strace s3  }
0x97: {  	_ =	strace $0x8FFFFFFF  }
0x98: {  	s19 =	sld [smem:$0x3FDB];
	_ =	sdelay $0x1  }
0x99: {  	s4 =	simm.s32 $_scs_section_size  }
0x9a: {  	s5 =	simm.s32 $_size__tile_overlayer_lowered;
	s6 =	simm.s32 $_tile_overlayer_lowered  }
0x9b: {  	s22 =	simm.s32 $0x1BFF;
	s21 =	sshll.u32 s6, $0x1;
	s3 =	sadd.s32 s4, s19  }
0x9c: {  	s7 =	simm.s32 $0x0;
	s20 =	sshll.u32 s5, $0x1;
	s5 =	sadd.s32 s21, s3  }
0x9d: {  	[timem:s7], [sflag:s22] =	dma.local [hbm:s5], s20  }
0x9e: {  	_ =	swait.ge [sflag:s22], s20  }
0x9f: {  	s4 =	ssub.s32 $0x0, s20;
	[sflag:s22] =	ssyncset.done $0x0  }
0xa0: {  	[sflag:s22] =	ssyncadd.s32 s4;
	_ =	sdelay $0x1  }
0xa1: {  	s23 =	simm.s32 $0x1B8B  }
0xa2: {  	_ =	swait.ge [sflag:s23], $0x1  }
0xa3: {  	[sflag:s23] =	ssyncset.done $0x0  }
0xa4: {  	s25 =	simm.s32 $0x1B8E;
	s24 =	sld [smem:$0x3FFE];
	[sflag:s23] =	ssyncadd.s32 $0xFFFFFFFF  }
0xa5: {  	s26 =	simm.s32 $execute0_lowered;
	[smem:$0x3FD2] =	sst s25  }
0xa6: {  	s5 =	sshll.u32 s26, $0x1;
	_ =	strace $0x8000004C;
	[dreg:$0x1] =	wrdreg $0xFFFFFFFF  }
0xa7: {  	s28 =	simm.s32 $_size_execute0_lowered;
	s3 =	sadd.s32 s3, s5;
	[dreg:$0x0] =	wrdreg $0x0  }
0xa8: {  	s5 =	sshll.u32 s28, $0x1;
	[dreg:$0x2] =	wrdreg s3  }
0xa9: {  	[dreg:$0x3] =	wrdreg s5  }
0xaa: {  	[dreg:$0x4] =	wrdreg $0xC0  }
0xab: {  	_ =	task [dreg:s7], $0x5FFFF  }
0xac: {  	[dreg:$0x1] =	wrdreg $0xFFFFFFFF  }
0xad: {  	[dreg:$0x0] =	wrdreg $0x60  }
0xae: {  	[dreg:$0x2] =	wrdreg s2  }
0xaf: {  	[dreg:$0x3] =	wrdreg s24  }
0xb0: {  	[dreg:$0x4] =	wrdreg $0x0  }
0xb1: {  	[dreg:$0x5] =	wrdreg $0x9  }
0xb2: {  	_ =	task.clear_ibuf [dreg:s7], $0x6FFFF;
	_ =	strace $0x9000004C  }
0xb3: {  	s29 =	simm.s32 $0x9;
	_ =	strace $0x8000004E  }
0xb4: {  	_ =	swait.ge [sflag:s29], $0x1  }
0xb5: {  	[sflag:s29] =	ssyncadd.s32 $0xFFFFFFFF  }
0xb6: {  	_ =	strace $0x9000004E  }
0xb7: {  	_ =	sfence  }
0xb8: {  	s30 =	sld [smem:$0x0];
	_ =	sdelay $0x2  }
0xb9: {  	s31 =	sshll.u32 s1, $0xD;
	s1 =	sshrl.u32 s1, $0x2  }
0xba: {  	s3 =	sand.u32 $0x4000, s31;
	s1 =	sadd.s32 s1, s30  }
0xbb: {  	s0 =	sor.u32 s3, s0;
	s1 =	sshll.u32 s1, $0x11  }
0xbc: {  	s0 =	sor.u32 s1, s0  }
0xbd: {  	s0 =	sadd.s32 $0x8F2B, s0  }
0xbe: {  	[sflag:s0] =	ssyncadd.remote.s32 $0x1  }
0xbf: {  	_ =	sfence.sel $0xFFFF  }
0xc0: {  	[dreg:$0x0] =	wrdreg $0xFFFFFFFF;
	(pc) =	sbr.abs _section_cstart, $3  }
0xc1: {  	[dreg:$0x1] =	wrdreg $0xFFFFFFFF  }
0xc2: {  	_ =	task.clear_ibuf [dreg:s7], $0x2FFFF;
	_ =	strace $0x9FFFFFFF  }
0xc3: {  	(tm) =	ssettm $0x7FFFFFFF  }
tec
execute0_lowered:
.L_overlay_start_1:
0x0: {  	(tag) =	ssettag $0x1  }
0x1: {  	s1 =	rddreg [dreg:$0x0]  }
0x2: {  	s0 =	rddreg [dreg:$0x1]  }
0x3: {  	s2 =	rddreg [dreg:$0x2];
	s3 =	srdreg.scid;
	s5 =	simm.s32 $0x0  }
0x4: {  	s13 =	stileid.u32;
	s19 =	simm.s32 $0x78;
	s20 =	simm.s32 $0x148C0  }
0x5: {  	s30 =	simm.s32 $0x1C0C0;
	s31 =	simm.s32 $0x2;
	s15 =	simm.s32 $0x3  }
0x6: {  	s16 =	simm.s32 $0x138C0;
	s3 =	sand.u32 $0x1, s3;
	s22 =	smul.u32 $0x700, s13  }
0x7: {  	[smem:$0x7FF] =	sst s5;
	s6 =	sadd.s32 $0x61400, s0;
	s9 =	smul.u32 $0x4E000, s13  }
0x8: {  	s10 =	sadd.s32 $0x9800, s0;
	s24 =	smul.u32 $0x2700, s13;
	s14 =	sadd.s32 $0x124800, s2  }
0x9: {  	p0 =	seq.s32 s13, $0xF;
	s5 =	simm.s32 $0x7;
	s11 =	smul.u32 $0x27100, s3  }
0xa: {  	s4 =	sshll.u32 s3, $0x4;
	_ =	strace $0x8000004D;
	s26 =	smul.u32 $0x138800, s3  }
0xb: {  	s8 =	ssub.s32 $0x2, s3;
	[dreg:$0x4] =	wrdreg s10;
	s3 =	smul.u32 $0x7000, s3  }
0xc: {  	s4 =	sor.u32 s13, s4;
	s7 =	sadd.s32 s22, s0;
	s23 =	sshrl.u32 s8, $0x1  }
0xd: {  	s0 =	sadd.s32 $0xC200, s0;
	s25 =	sshrl.u32 s9, $0x2;
	s4 =	smul.u32 $0x700, s4  }
0xe: {  	s8 =	ssub.s32 s8, s23;
	s12 =	sadd.s32 $0x5A400, s7;
	s10 =	sadd.s32 s24, s11  }
0xf: {  	s9 =	sshrl.u32 s26, $0x3;
	s3 =	sadd.s32 s3, s6;
	s23 =	simm.s32 $0x4  }
0x10: {  	s24 =	simm.s32 $0x5;
	s26 =	simm.s32 $0x1;
	[dreg:$0x6] =	wrdreg s12  }
0x11: {  	s10 =	sadd.s32 s0, s10;
	s0 =	sadd.s32 s0, s9;
	s28 =	smax.u32 s8, $0x1  }
0x12: {  	s29 =	sadd.s32 s22, s3;
	s12 =	sadd.s32 $0x5A480, s7;
	[dreg:$0x7] =	wrdreg s10  }
0x13: {  	s8 =	sshrl.u32 @p0 s14, $0x3;
	s22 =	simm.s32 $0x184C0;
	[dreg:$0x9] =	wrdreg s28  }
.Ltmp0:
0x14: {  	s0 =	sadd.s32 $0x24900, s0;
	[dreg:$0xa] =	wrdreg s8;
	(pc) =	sbr.rel .LBB2_1-.Ltmp0, $4  }
0x15: {  	s4 =	sadd.s32 s6, s4;
	[dreg:$0x8] =	wrdreg s0;
	s0 =	sshll.u32 @!p0 s13, $0x6  }
0x16: {  	[dreg:$0x5] =	wrdreg s4;
	s4 =	sadd.s32 s25, s2;
	s9 =	sor.u32 @!p0 $0x1C08, s0  }
0x17: {  	s11 =	sadd.s32 $0x80, s29;
	s10 =	sshrl.u32 @!p0 s4, $0x3;
	[dreg:$0xb] =	wrdreg s9  }
0x18: {  	s25 =	simm.s32 $0x6;
	s4 =	simm.s32 $0x0;
	[dreg:$0xc] =	wrdreg s10  }
.LBB2_8:
0x19: {  	_ =	swait.ge [sflag:s15], $0x3C00  }
0x1a: {  	[sflag:s15] =	ssyncset.done $0x0  }
0x1b: {  	s0 =	simm.s32 $0x14740;
	[sflag:s15] =	ssyncadd.s32 $0xFFFFC400  }
0x1c: {  	[spmem:s2] =	stream.indirect.scatter.add.f32 [tilespmem:s30], [sflag:$0x6], $0x80, s0, s19, $0xb8;
	[tilespmem:$0x1FCC0] =	vst v63  }
.LBB2_6:
0x1d: {  	_ =	swait.ge [sflag:s23], $0x3C00  }
0x1e: {  	[sflag:s23] =	ssyncset.done $0x0  }
0x1f: {  	[sflag:s23] =	ssyncadd.s32 $0xFFFFC400  }
0x20: {  	_ =	swait.ge [sflag:s24], $0x3C00  }
0x21: {  	[sflag:s24] =	ssyncset.done $0x0  }
0x22: {  	[sflag:s24] =	ssyncadd.s32 $0xFFFFC400  }
0x23: {  	_ =	swait.ge [sflag:s25], $0x3C00  }
0x24: {  	[sflag:s25] =	ssyncset.done $0x0  }
0x25: {  	[sflag:s25] =	ssyncadd.s32 $0xFFFFC400  }
0x26: {  	[bflag:$0x0] =	sbarrier.arrive $0xFFFF  }
0x27: {  	s3 =	rddreg [dreg:$0x8]  }
0x28: {  	s0 =	simm.s32 @p0 $0x1FC8;
	s8 =	rddreg [dreg:$0xa]  }
0x29: {  	[hbm:s3], [sflag:s0] =	dma.local @p0 [spmem:s8], $0x2800  }
0x2a: {  	s0 =	simm.s32 @p0 $0x8  }
0x2b: {  	_ =	swait.ge @p0 [sflag:s0], $0x2800  }
0x2c: {  	s9 =	rddreg [dreg:$0xb]  }
0x2d: {  	[sflag:s0] =	ssyncset.done @p0 $0x0;
	s10 =	rddreg [dreg:$0xc]  }
0x2e: {  	[sflag:s0] =	ssyncadd.s32 @p0 $0xFFFFD800;
	s0 =	rddreg [dreg:$0x7]  }
0x2f: {  	[hbm:s0], [sflag:s9] =	dma.local @!p0 [spmem:s10], $0x2700  }
0x30: {  	s0 =	simm.s32 @!p0 $0x8  }
0x31: {  	_ =	swait.ge @!p0 [sflag:s0], $0x2700  }
0x32: {  	s4 =	rddreg [dreg:$0xd]  }
0x33: {  	s29 =	rddreg [dreg:$0x9];
	s4 =	sadd.s32 $0x1, s4  }
0x34: {  	p1 =	sne.s32 s4, s29  }
.Ltmp1:
0x35: {  	_ = 	snop;
	(pc) =	sbr.rel @!p1 .LBB2_7-.Ltmp1, $3  }
0x36: {  	_ =	sdelay $0x1  }
0x37: {  	[sflag:s0] =	ssyncset.done @!p0 $0x0  }
0x38: {  	[sflag:s0] =	ssyncadd.s32 @!p0 $0xFFFFD900  }
.LBB2_1:
0x39: {  	[dreg:$0xd] =	wrdreg s4;
	s0 =	simm.s32 $0x0  }
0x3a: {  	s3 =	rddreg [dreg:$0x5];
	s21 =	simm.s32 $0x138C0;
	s6 =	simm.s32 $0x8  }
0x3b: {  	[tilespmem:s21], [sflag:$0x8] =	stream.linear.gather [hbm4b:s3+s0], $0x300, $0x38;
	[tilespmem:$0x1FCC0] =	vst v63  }
0x3c: {  	_ =	swait.ge [sflag:s6], $0x300  }
0x3d: {  	[sflag:s6] =	ssyncset.done $0x0  }
0x3e: {  	s7 =	simm.s32 $0x13CC0;
	s28 =	rddreg [dreg:$0x6];
	[sflag:s6] =	ssyncadd.s32 $0xFFFFFD00  }
0x3f: {  	[tilespmem:s7], [sflag:$0x8] =	stream.linear.gather [hbm4b:s28+s0], $0x300, $0x38;
	[tilespmem:$0x1FCC0] =	vst v63  }
0x40: {  	_ =	swait.ge [sflag:s6], $0x300  }
0x41: {  	[sflag:s6] =	ssyncset.done $0x0  }
0x42: {  	s0 =	simm.s32 @p0 $0x1FC8;
	s3 =	rddreg [dreg:$0x4];
	[sflag:s6] =	ssyncadd.s32 $0xFFFFFD00  }
0x43: {  	[spmem:s8], [sflag:s0] =	dma.local @p0 [hbm:s3], $0x2880  }
0x44: {  	s0 =	simm.s32 @p0 $0x8  }
0x45: {  	_ =	swait.ge @p0 [sflag:s0], $0x2880  }
0x46: {  	[sflag:s0] =	ssyncset.done @p0 $0x0  }
0x47: {  	[sflag:s0] =	ssyncadd.s32 @p0 $0xFFFFD780;
	s0 =	simm.s32 @!p0 $0x8  }
0x48: {  	[spmem:s10], [sflag:s9] =	dma.local @!p0 [hbm:s3], $0x2700  }
0x49: {  	_ =	swait.ge @!p0 [sflag:s0], $0x2700  }
0x4a: {  	[sflag:s0] =	ssyncset.done @!p0 $0x0  }
0x4b: {  	[sflag:s0] =	ssyncadd.s32 @!p0 $0xFFFFD900  }
0x4c: {  	[tilespmem:s20], [sflag:$0x1] =	stream.indirect.gather [hbm4b:s1+s19], $0x80, s21, s19, $0xb8;
	[tilespmem:$0x1FCC0] =	vst v63  }
.Ltmp2:
0x4d: {  	_ = 	snop;
	(pc) =	sbr.rel .LBB2_2-.Ltmp2, $4  }
0x4e: {  	s29 =	simm.s32 $0x13940  }
0x4f: {  	[tilespmem:s22], [sflag:$0x2] =	stream.indirect.gather [hbm4b:s1+s19], $0x80, s29, s19, $0xb8;
	[tilespmem:$0x1FCC0] =	vst v63  }
0x50: {  	[bflag:$0x0] =	sbarrier.arrive $0xFFFF  }
0x51: {  	s17 =	simm.s32 $0x0;
	s18 =	simm.s32 $0x0  }
.LBB2_5:
0x52: {  	s17 =	sadd.s32 $0x80, s17  }
0x53: {  	p1 =	sne.s32 s17, $0x700  }
.Ltmp3:
0x54: {  	_ = 	snop;
	(pc) =	sbr.rel @!p1 .LBB2_6-.Ltmp3, $2  }
0x55: {  	_ =	sdelay $0x2  }
0x56: {  	s18 =	sadd.s32 $0x1, s18  }
.LBB2_2:
0x57: {  	s14 =	sand.u32 $0x1, s18  }
0x58: {  	p1 =	seq.s32 s14, $0x1  }
0x59: {  	s4 =	simm.s32 @!p1 $0x1  }
0x5a: {  	s28 =	simm.s32 @!p1 $0x78;
	_ =	swait.ge @!p1 [sflag:s4], $0x3C00  }
0x5b: {  	s0 =	simm.s32 @!p1 $0x13CC0;
	p2 =	seq.s32 @!p1 s17, $0x0;
	[sflag:s4] =	ssyncset.done @!p1 $0x0  }
0x5c: {  	s29 =	simm.s32 @!p1 $0x148C0;
	p2 =	por p2, p1;
	[sflag:s4] =	ssyncadd.s32 @!p1 $0xFFFFC400  }
0x5d: {  	[spmem:s2] =	stream.indirect.scatter.add.f32 @!p1 [tilespmem:s29], [sflag:$0x4], $0x80, s0, s28, $0xb8;
	[tilespmem:$0x1FCC0] =	vst v63  }
0x5e: {  	s0 =	simm.s32 @!p2 $0x6  }
0x5f: {  	_ =	swait.ge @!p2 [sflag:s0], $0x3C00  }
0x60: {  	s3 =	simm.s32 @!p1 $0x139C0;
	[sflag:s0] =	ssyncset.done @!p2 $0x0  }
0x61: {  	s6 =	simm.s32 @!p1 $0x2;
	[sflag:s0] =	ssyncadd.s32 @!p2 $0xFFFFC400;
	s0 =	simm.s32 @!p1 $0x1C0C0  }
0x62: {  	[tilespmem:s0], [sflag:$0x3] =	stream.indirect.gather @!p1 [hbm4b:s1+s28], $0x80, s3, s28, $0xb8;
	[tilespmem:$0x1FCC0] =	vst v63  }
0x63: {  	_ =	swait.ge @!p1 [sflag:s6], $0x3C00  }
0x64: {  	[sflag:s6] =	ssyncset.done @!p1 $0x0  }
0x65: {  	s7 =	simm.s32 @!p1 $0x13D40;
	s3 =	simm.s32 @!p1 $0x184C0;
	[sflag:s6] =	ssyncadd.s32 @!p1 $0xFFFFC400  }
0x66: {  	[spmem:s2] =	stream.indirect.scatter.add.f32 @!p1 [tilespmem:s3], [sflag:$0x5], $0x80, s7, s28, $0xb8;
	[tilespmem:$0x1FCC0] =	vst v63  }
0x67: {  	s7 =	simm.s32 @!p1 $0x4  }
0x68: {  	_ =	swait.ge @!p1 [sflag:s7], $0x3C00  }
0x69: {  	[sflag:s7] =	ssyncset.done @!p1 $0x0  }
0x6a: {  	s21 =	simm.s32 @!p1 $0x13A40;
	[sflag:s7] =	ssyncadd.s32 @!p1 $0xFFFFC400  }
0x6b: {  	[tilespmem:s29], [sflag:$0x1] =	stream.indirect.gather @!p1 [hbm4b:s1+s28], $0x80, s21, s28, $0xb8;
	[tilespmem:$0x1FCC0] =	vst v63  }
0x6c: {  	s21 =	simm.s32 @!p1 $0x3  }
0x6d: {  	_ =	swait.ge @!p1 [sflag:s21], $0x3C00  }
0x6e: {  	[sflag:s21] =	ssyncset.done @!p1 $0x0  }
0x6f: {  	s8 =	simm.s32 @!p1 $0x13DC0;
	[sflag:s21] =	ssyncadd.s32 @!p1 $0xFFFFC400  }
0x70: {  	[spmem:s2] =	stream.indirect.scatter.add.f32 @!p1 [tilespmem:s0], [sflag:$0x6], $0x80, s8, s28, $0xb8;
	[tilespmem:$0x1FCC0] =	vst v63  }
0x71: {  	s9 =	simm.s32 @!p1 $0x0;
	s10 =	simm.s32 @!p1 $0x140C0;
	s8 =	sadd.s32 @!p1 s17, s11  }
0x72: {  	[tilespmem:s10], [sflag:$0x7] =	stream.linear.gather @!p1 [hbm4b:s8+s9], $0x300, $0x38;
	[tilespmem:$0x1FCC0] =	vst v63  }
0x73: {  	s13 =	simm.s32 @!p1 $0x144C0;
	s8 =	sadd.s32 @!p1 s17, s12  }
0x74: {  	[tilespmem:s13], [sflag:$0x7] =	stream.linear.gather @!p1 [hbm4b:s8+s9], $0x300, $0x38;
	[tilespmem:$0x1FCC0] =	vst v63  }
0x75: {  	s8 =	simm.s32 @!p1 $0x5  }
0x76: {  	_ =	swait.ge @!p1 [sflag:s8], $0x3C00  }
0x77: {  	[sflag:s8] =	ssyncset.done @!p1 $0x0  }
0x78: {  	s9 =	simm.s32 @!p1 $0x13AC0;
	[sflag:s8] =	ssyncadd.s32 @!p1 $0xFFFFC400  }
0x79: {  	[tilespmem:s3], [sflag:$0x2] =	stream.indirect.gather @!p1 [hbm4b:s1+s28], $0x80, s9, s28, $0xb8;
	[tilespmem:$0x1FCC0] =	vst v63  }
0x7a: {  	_ =	swait.ge @!p1 [sflag:s4], $0x3C00  }
0x7b: {  	[sflag:s4] =	ssyncset.done @!p1 $0x0  }
0x7c: {  	[sflag:s4] =	ssyncadd.s32 @!p1 $0xFFFFC400;
	s4 =	simm.s32 @!p1 $0x13E40  }
0x7d: {  	[spmem:s2] =	stream.indirect.scatter.add.f32 @!p1 [tilespmem:s29], [sflag:$0x4], $0x80, s4, s28, $0xb8;
	[tilespmem:$0x1FCC0] =	vst v63  }
0x7e: {  	s4 =	simm.s32 @!p1 $0x6  }
0x7f: {  	_ =	swait.ge @!p1 [sflag:s4], $0x3C00  }
0x80: {  	[sflag:s4] =	ssyncset.done @!p1 $0x0  }
0x81: {  	[sflag:s4] =	ssyncadd.s32 @!p1 $0xFFFFC400;
	s4 =	simm.s32 @!p1 $0x13B40  }
0x82: {  	[tilespmem:s0], [sflag:$0x3] =	stream.indirect.gather @!p1 [hbm4b:s1+s28], $0x80, s4, s28, $0xb8;
	[tilespmem:$0x1FCC0] =	vst v63  }
0x83: {  	_ =	swait.ge @!p1 [sflag:s6], $0x3C00  }
0x84: {  	[sflag:s6] =	ssyncset.done @!p1 $0x0  }
0x85: {  	s4 =	simm.s32 @!p1 $0x13EC0;
	[sflag:s6] =	ssyncadd.s32 @!p1 $0xFFFFC400  }
0x86: {  	[spmem:s2] =	stream.indirect.scatter.add.f32 @!p1 [tilespmem:s3], [sflag:$0x5], $0x80, s4, s28, $0xb8;
	[tilespmem:$0x1FCC0] =	vst v63  }
0x87: {  	_ =	swait.ge @!p1 [sflag:s7], $0x3C00  }
0x88: {  	[sflag:s7] =	ssyncset.done @!p1 $0x0  }
0x89: {  	s4 =	simm.s32 @!p1 $0x7;
	[sflag:s7] =	ssyncadd.s32 @!p1 $0xFFFFC400  }
0x8a: {  	_ =	swait.ge @!p1 [sflag:s4], $0x300  }
0x8b: {  	[sflag:s4] =	ssyncset.done @!p1 $0x0  }
0x8c: {  	[sflag:s4] =	ssyncadd.s32 @!p1 $0xFFFFFD00  }
0x8d: {  	_ =	swait.ge @!p1 [sflag:s4], $0x300  }
0x8e: {  	[sflag:s4] =	ssyncset.done @!p1 $0x0  }
0x8f: {  	[sflag:s4] =	ssyncadd.s32 @!p1 $0xFFFFFD00  }
0x90: {  	[tilespmem:s29], [sflag:$0x1] =	stream.indirect.gather @!p1 [hbm4b:s1+s28], $0x80, s10, s28, $0xb8;
	[tilespmem:$0x1FCC0] =	vst v63  }
0x91: {  	_ =	swait.ge @!p1 [sflag:s21], $0x3C00  }
0x92: {  	[sflag:s21] =	ssyncset.done @!p1 $0x0  }
0x93: {  	s4 =	simm.s32 @!p1 $0x13F40;
	[sflag:s21] =	ssyncadd.s32 @!p1 $0xFFFFC400  }
0x94: {  	[spmem:s2] =	stream.indirect.scatter.add.f32 @!p1 [tilespmem:s0], [sflag:$0x6], $0x80, s4, s28, $0xb8;
	[tilespmem:$0x1FCC0] =	vst v63  }
0x95: {  	_ =	swait.ge @!p1 [sflag:s8], $0x3C00  }
0x96: {  	[sflag:s8] =	ssyncset.done @!p1 $0x0  }
0x97: {  	p2 =	seq.s32 @!p1 s14, $0x0;
	s0 =	simm.s32 @!p1 $0x14140;
	[sflag:s8] =	ssyncadd.s32 @!p1 $0xFFFFC400  }
0x98: {  	[tilespmem:s3], [sflag:$0x2] =	stream.indirect.gather @!p1 [hbm4b:s1+s28], $0x80, s0, s28, $0xb8;
	[tilespmem:$0x1FCC0] =	vst v63  }
0x99: {  	p1 =	por p1, !p2  }
.Ltmp4:
0x9a: {  	_ = 	snop;
	(pc) =	sbr.rel @!p1 .LBB2_5-.Ltmp4, $1  }
0x9b: {  	_ =	sdelay $0x3  }
0x9c: {  	_ =	swait.ge [sflag:s26], $0x3C00  }
0x9d: {  	[sflag:s26] =	ssyncset.done $0x0  }
0x9e: {  	s0 =	simm.s32 $0x144C0;
	[sflag:s26] =	ssyncadd.s32 $0xFFFFC400  }
0x9f: {  	[spmem:s2] =	stream.indirect.scatter.add.f32 [tilespmem:s20], [sflag:$0x4], $0x80, s0, s19, $0xb8;
	[tilespmem:$0x1FCC0] =	vst v63  }
0xa0: {  	_ =	swait.ge [sflag:s25], $0x3C00  }
0xa1: {  	[sflag:s25] =	ssyncset.done $0x0  }
0xa2: {  	s8 =	simm.s32 $0x141C0;
	[sflag:s25] =	ssyncadd.s32 $0xFFFFC400  }
0xa3: {  	[tilespmem:s30], [sflag:$0x3] =	stream.indirect.gather [hbm4b:s1+s19], $0x80, s8, s19, $0xb8;
	[tilespmem:$0x1FCC0] =	vst v63  }
0xa4: {  	_ =	swait.ge [sflag:s31], $0x3C00  }
0xa5: {  	[sflag:s31] =	ssyncset.done $0x0  }
0xa6: {  	s9 =	simm.s32 $0x14540;
	[sflag:s31] =	ssyncadd.s32 $0xFFFFC400  }
0xa7: {  	[spmem:s2] =	stream.indirect.scatter.add.f32 [tilespmem:s22], [sflag:$0x5], $0x80, s9, s19, $0xb8;
	[tilespmem:$0x1FCC0] =	vst v63  }
0xa8: {  	_ =	swait.ge [sflag:s23], $0x3C00  }
0xa9: {  	[sflag:s23] =	ssyncset.done $0x0  }
0xaa: {  	s10 =	simm.s32 $0x14240;
	[sflag:s23] =	ssyncadd.s32 $0xFFFFC400  }
0xab: {  	[tilespmem:s20], [sflag:$0x1] =	stream.indirect.gather [hbm4b:s1+s19], $0x80, s10, s19, $0xb8;
	[tilespmem:$0x1FCC0] =	vst v63  }
0xac: {  	_ =	swait.ge [sflag:s15], $0x3C00  }
0xad: {  	[sflag:s15] =	ssyncset.done $0x0  }
0xae: {  	s13 =	simm.s32 $0x145C0;
	p1 =	seq.s32 s17, $0x680;
	[sflag:s15] =	ssyncadd.s32 $0xFFFFC400  }
0xaf: {  	[spmem:s2] =	stream.indirect.scatter.add.f32 [tilespmem:s30], [sflag:$0x6], $0x80, s13, s19, $0xb8;
	[tilespmem:$0x1FCC0] =	vst v63  }
0xb0: {  	s3 =	simm.s32 @!p1 $0x0;
	s4 =	simm.s32 @!p1 $0x138C0;
	s0 =	sadd.s32 @!p1 s17, s11  }
0xb1: {  	[tilespmem:s4], [sflag:$0x7] =	stream.linear.gather @!p1 [hbm4b:s0+s3], $0x300, $0x38;
	[tilespmem:$0x1FCC0] =	vst v63  }
0xb2: {  	s0 =	sadd.s32 @!p1 s17, s12;
	s4 =	simm.s32 @!p1 $0x13CC0  }
0xb3: {  	[tilespmem:s4], [sflag:$0x7] =	stream.linear.gather @!p1 [hbm4b:s0+s3], $0x300, $0x38;
	[tilespmem:$0x1FCC0] =	vst v63  }
0xb4: {  	_ =	swait.ge [sflag:s24], $0x3C00  }
0xb5: {  	[sflag:s24] =	ssyncset.done $0x0  }
0xb6: {  	s14 =	simm.s32 $0x142C0;
	[sflag:s24] =	ssyncadd.s32 $0xFFFFC400  }
0xb7: {  	[tilespmem:s22], [sflag:$0x2] =	stream.indirect.gather [hbm4b:s1+s19], $0x80, s14, s19, $0xb8;
	[tilespmem:$0x1FCC0] =	vst v63  }
0xb8: {  	_ =	swait.ge [sflag:s26], $0x3C00  }
0xb9: {  	[sflag:s26] =	ssyncset.done $0x0  }
0xba: {  	s21 =	simm.s32 $0x14640;
	[sflag:s26] =	ssyncadd.s32 $0xFFFFC400  }
0xbb: {  	[spmem:s2] =	stream.indirect.scatter.add.f32 [tilespmem:s20], [sflag:$0x4], $0x80, s21, s19, $0xb8;
	[tilespmem:$0x1FCC0] =	vst v63  }
0xbc: {  	_ =	swait.ge [sflag:s25], $0x3C00  }
0xbd: {  	[sflag:s25] =	ssyncset.done $0x0  }
0xbe: {  	s28 =	simm.s32 $0x14340;
	[sflag:s25] =	ssyncadd.s32 $0xFFFFC400  }
0xbf: {  	[tilespmem:s30], [sflag:$0x3] =	stream.indirect.gather [hbm4b:s1+s19], $0x80, s28, s19, $0xb8;
	[tilespmem:$0x1FCC0] =	vst v63  }
.Ltmp5:
0xc0: {  	_ = 	snop;
	(pc) =	sbr.rel @p1 .LBB2_8-.Ltmp5, $4  }
0xc1: {  	_ =	swait.ge [sflag:s31], $0x3C00  }
0xc2: {  	[sflag:s31] =	ssyncset.done $0x0  }
0xc3: {  	s29 =	simm.s32 $0x146C0;
	[sflag:s31] =	ssyncadd.s32 $0xFFFFC400  }
0xc4: {  	[spmem:s2] =	stream.indirect.scatter.add.f32 [tilespmem:s22], [sflag:$0x5], $0x80, s29, s19, $0xb8;
	[tilespmem:$0x1FCC0] =	vst v63  }
0xc5: {  	_ =	swait.ge [sflag:s23], $0x3C00  }
0xc6: {  	[sflag:s23] =	ssyncset.done $0x0  }
0xc7: {  	[sflag:s23] =	ssyncadd.s32 $0xFFFFC400  }
0xc8: {  	_ =	swait.ge [sflag:s5], $0x300  }
0xc9: {  	[sflag:s5] =	ssyncset.done $0x0  }
0xca: {  	[sflag:s5] =	ssyncadd.s32 $0xFFFFFD00  }
0xcb: {  	_ =	swait.ge [sflag:s5], $0x300  }
0xcc: {  	[sflag:s5] =	ssyncset.done $0x0  }
0xcd: {  	[sflag:s5] =	ssyncadd.s32 $0xFFFFFD00  }
0xce: {  	[tilespmem:s20], [sflag:$0x1] =	stream.indirect.gather [hbm4b:s1+s19], $0x80, s16, s19, $0xb8;
	[tilespmem:$0x1FCC0] =	vst v63  }
0xcf: {  	_ =	swait.ge [sflag:s15], $0x3C00  }
0xd0: {  	[sflag:s15] =	ssyncset.done $0x0  }
0xd1: {  	s0 =	simm.s32 $0x14740;
	[sflag:s15] =	ssyncadd.s32 $0xFFFFC400  }
0xd2: {  	[spmem:s2] =	stream.indirect.scatter.add.f32 [tilespmem:s30], [sflag:$0x6], $0x80, s0, s19, $0xb8;
	[tilespmem:$0x1FCC0] =	vst v63  }
.Ltmp6:
0xd3: {  	_ = 	snop;
	(pc) =	sbr.rel .LBB2_5-.Ltmp6, $4  }
0xd4: {  	_ =	swait.ge [sflag:s24], $0x3C00  }
0xd5: {  	[sflag:s24] =	ssyncset.done $0x0  }
0xd6: {  	s29 =	simm.s32 $0x13940;
	[sflag:s24] =	ssyncadd.s32 $0xFFFFC400  }
0xd7: {  	[tilespmem:s22], [sflag:$0x2] =	stream.indirect.gather [hbm4b:s1+s19], $0x80, s29, s19, $0xb8;
	[tilespmem:$0x1FCC0] =	vst v63  }
.LBB2_7:
0xd8: {  	_ =	sfence.sel $0x180000  }
0xd9: {  	[bflag:$0x0] =	sbarrier.arrive $0xFFFF  }
0xda: {  	_ =	strace $0x9000004D  }
0xdb: {  	s0 =	stileid.u32;
	[bflag:$0x2] =	sbarrier.arrive $0xFFFF  }
0xdc: {  	p0 =	sne.s32 s0, $0x0;
	s0 =	rddreg [dreg:$0x3]  }
0xdd: {  	s0 =	sadd.s32 @!p0 $0x100000, s0  }
0xde: {  	[sflag:s0] =	ssyncadd.tile.s32 @!p0 $0x1;
	_ =	shalt  }
.Lfunc_end2:
_tile_overlayer_lowered:
.L_overlay_start_2:
0xdf: {  	(tag) =	ssettag $0x2  }
0xe0: {  	s0 =	rddreg [dreg:$0x0];
	s2 =	stileid.u32  }
0xe1: {  	s1 =	rddreg [dreg:$0x1];
	p0 =	sne.s32 s2, $0x0  }
0xe2: {  	s3 =	rddreg [dreg:$0x2];
	[bflag:$0x3] =	sbarrier.arrive $0xFFFF;
	s2 =	simm.s32 @!p0 $0x1C08  }
0xe3: {  	[timem:s3], [sflag:s2] =	dma.local @!p0 [hbm:s0], s1  }
0xe4: {  	s0 =	simm.s32 @!p0 $0x8  }
0xe5: {  	_ =	swait.ge @!p0 [sflag:s0], s1  }
0xe6: {  	s1 =	ssub.s32 @!p0 $0x0, s1;
	[sflag:s0] =	ssyncset.done @!p0 $0x0  }
0xe7: {  	[sflag:s0] =	ssyncadd.s32 @!p0 s1  }
0xe8: {  	[bflag:$0x3] =	sbarrier.arrive $0xFFFF  }
0xe9: {  	_ =	shalt  }

// kernel: kernel.23.cloned.1.call-start
scs
__scs_entry_jumppad:
0x0: {  	(pc) =	sbr.rel $0x88, $3  }
0x1: {  	(tag) =	ssettag $0x0;
	lr =	simm.s32 $0x1  }
0x2: {  	[smem:$0x3F93] =	sst lr;
	_ =	strace $0xD0000000  }
0x3: {  	_ = 	snop  }
0x4: {  	_ = 	snop  }
0x5: {  	_ = 	snop  }
0x6: {  	_ = 	snop  }
0x7: {  	_ = 	snop  }
__scs_overlays_trampoline_lowered:
0x8: {  	[smem:$0x3FA2] =	sst s0  }
0x9: {  	[smem:$0x3FA3] =	sst s1  }
0xa: {  	[smem:$0x3FA4] =	sst s2  }
0xb: {  	[smem:$0x3FA5] =	sst s3  }
0xc: {  	[smem:$0x3FA6] =	sst s4  }
0xd: {  	[smem:$0x3FA7] =	sst s5  }
0xe: {  	[smem:$0x3FA8] =	sst s6  }
0xf: {  	[smem:$0x3FA9] =	sst s7  }
0x10: {  	[smem:$0x3FAA] =	sst s8  }
0x11: {  	[smem:$0x3FAB] =	sst s9;
	s0 =	simm.s32 @!p0 $0x0  }
0x12: {  	s1 =	sld [smem:$0x3F91];
	s0 =	simm.s32 @p0 $0x1  }
0x13: {  	[smem:$0x3FAC] =	sst s0;
	s0 =	simm.s32 @!p1 $0x0  }
0x14: {  	s2 =	sld [smem:$0x3F90];
	s0 =	simm.s32 @p1 $0x1  }
0x15: {  	[smem:$0x3FAD] =	sst s0;
	s0 =	simm.s32 @!p2 $0x0  }
0x16: {  	s3 =	sld [smem:$0x3FDB];
	s0 =	simm.s32 @p2 $0x1  }
0x17: {  	s4 =	simm.s32 $0x1BF5;
	[smem:$0x3FAF] =	sst s0  }
0x18: {  	s0 =	sld [smem:$0x3F92];
	_ =	swait.ge [sflag:s4], $0x0  }
0x19: {  	s7 =	sld [smem:$0x3F93]  }
0x1a: {  	s8 =	sadd.s32 $0xFFFFE003, lr  }
0x1b: {  	s9 =	sadd.s32 $0xFFFFFEF7, lr;
	s5 =	simm.s32 $0xFFFFFFFF;
	p2 =	slt.u32 s8, $0xFFFFF086  }
0x1c: {  	p1 =	slt.u32 s9, $0xF7A;
	s5 =	simm.s32 @!p2 $0x0  }
0x1d: {  	s5 =	simm.s32 @p1 $0x1;
	p0 =	seq.s32 s7, s2  }
0x1e: {  	s7 =	smul.u32 @!p0 $0xF7A, s2;
	p2 =	seq.s32 @!p0 s5, $0x0  }
0x1f: {  	s9 =	smul.u32 $0xF7A, s1;
	s8 =	simm.s32 @!p0 $0x1BF5;
	p2 =	por !p2, p0  }
0x20: {  	[sflag:s8] =	ssyncset.s32 @!p0 $0xFFFFF086;
	s6 =	sadd.s32 @!p0 s3, s7;
	s7 =	simm.s32 @!p0 $0x108  }
0x21: {  	s3 =	sadd.s32 s3, s9;
	s6 =	sadd.s32 @!p0 $0x88, s6;
	s7 =	simm.s32 @p2 $0x1082  }
0x22: {  	[simem:s7], [sflag:s8] =	dma.local @!p0 [hbm:s6], $0xF7A  }
0x23: {  	s9 =	sor.u32 $0xD0000000, s2;
	s6 =	simm.s32 $0x108;
	_ =	swait.ge @!p0 [sflag:s8], $0x0  }
0x24: {  	s3 =	sadd.s32 $0x88, s3;
	s6 =	simm.s32 @!p1 $0x1082;
	[sflag:s4] =	ssyncset.s32 $0xFFFFF086  }
0x25: {  	[simem:s6], [sflag:s4] =	dma.local [hbm:s3], $0xF7A  }
0x26: {  	[smem:$0x3F93] =	sst s1;
	(tag) =	ssettag s2;
	_ =	strace s9  }
0x27: {  	s1 =	sld [smem:$0x3FA3]  }
0x28: {  	s2 =	sld [smem:$0x3FA4]  }
0x29: {  	s4 =	sld [smem:$0x3FA6]  }
0x2a: {  	p0 =	seq.s32 s5, $0x0;
	s5 =	sld [smem:$0x3FA7]  }
0x2b: {  	s6 =	sld [smem:$0x3FA8]  }
0x2c: {  	s7 =	sld [smem:$0x3FA9]  }
0x2d: {  	s3 =	simm.s32 $0x108;
	s8 =	sld [smem:$0x3FAA]  }
0x2e: {  	s3 =	simm.s32 @!p0 $0x1082;
	s9 =	sld [smem:$0x3FAB]  }
0x2f: {  	lr =	sadd.s32 s0, s3;
	s0 =	sld [smem:$0x3FA2]  }
0x30: {  	s3 =	sld [smem:$0x3FA5]  }
0x31: {  	[smem:$0x3FAE] =	sst s10  }
0x32: {  	s10 =	sld [smem:$0x3FAC];
	_ =	sdelay $0x3  }
0x33: {  	p0 =	seq.s32 s10, $0x1;
	s10 =	sld [smem:$0x3FAE];
	_ =	sdelay $0x3  }
0x34: {  	[smem:$0x3FAE] =	sst s10  }
0x35: {  	s10 =	sld [smem:$0x3FAD];
	_ =	sdelay $0x3  }
0x36: {  	p1 =	seq.s32 s10, $0x1;
	s10 =	sld [smem:$0x3FAE];
	_ =	sdelay $0x3  }
0x37: {  	[smem:$0x3FAE] =	sst s10  }
0x38: {  	s10 =	sld [smem:$0x3FAF]  }
0x39: {  	_ = 	snop;
	(pc) =	sbr.ind lr, $3  }
0x3a: {  	_ = 	snop  }
0x3b: {  	_ = 	snop  }
0x3c: {  	p2 =	seq.s32 s10, $0x1;
	s10 =	sld [smem:$0x3FAE]  }
0x3d: {  	_ =	shalt  }
0x3e: {  	_ =	shalt  }
0x3f: {  	_ =	shalt  }
0x40: {  	_ =	shalt  }
0x41: {  	_ =	shalt  }
0x42: {  	_ =	shalt  }
0x43: {  	_ =	shalt  }
0x44: {  	_ =	shalt  }
0x45: {  	_ =	shalt  }
0x46: {  	_ =	shalt  }
0x47: {  	_ =	shalt  }
0x48: {  	_ =	shalt  }
0x49: {  	_ =	shalt  }
0x4a: {  	_ =	shalt  }
0x4b: {  	_ =	shalt  }
0x4c: {  	_ =	shalt  }
0x4d: {  	_ =	shalt  }
0x4e: {  	_ =	shalt  }
0x4f: {  	_ =	shalt  }
0x50: {  	_ =	shalt  }
0x51: {  	_ =	shalt  }
0x52: {  	_ =	shalt  }
0x53: {  	_ =	shalt  }
0x54: {  	_ =	shalt  }
0x55: {  	_ =	shalt  }
0x56: {  	_ =	shalt  }
0x57: {  	_ =	shalt  }
0x58: {  	_ =	shalt  }
0x59: {  	_ =	shalt  }
0x5a: {  	_ =	shalt  }
0x5b: {  	_ =	shalt  }
0x5c: {  	_ =	shalt  }
0x5d: {  	_ =	shalt  }
0x5e: {  	_ =	shalt  }
0x5f: {  	_ =	shalt  }
0x60: {  	_ =	shalt  }
0x61: {  	_ =	shalt  }
0x62: {  	_ =	shalt  }
0x63: {  	_ =	shalt  }
0x64: {  	_ =	shalt  }
0x65: {  	_ =	shalt  }
0x66: {  	_ =	shalt  }
0x67: {  	_ =	shalt  }
0x68: {  	_ =	shalt  }
0x69: {  	_ =	shalt  }
0x6a: {  	_ =	shalt  }
0x6b: {  	_ =	shalt  }
0x6c: {  	_ =	shalt  }
0x6d: {  	_ =	shalt  }
0x6e: {  	_ =	shalt  }
0x6f: {  	_ =	shalt  }
0x70: {  	_ =	shalt  }
0x71: {  	_ =	shalt  }
0x72: {  	_ =	shalt  }
0x73: {  	_ =	shalt  }
0x74: {  	_ =	shalt  }
0x75: {  	_ =	shalt  }
0x76: {  	_ =	shalt  }
0x77: {  	_ =	shalt  }
0x78: {  	_ =	shalt  }
0x79: {  	_ =	shalt  }
0x7a: {  	_ =	shalt  }
0x7b: {  	_ =	shalt  }
0x7c: {  	_ =	shalt  }
0x7d: {  	_ =	shalt  }
0x7e: {  	_ =	shalt  }
0x7f: {  	_ =	shalt  }
0x80: {  	_ =	shalt  }
0x81: {  	_ =	shalt  }
0x82: {  	_ =	shalt  }
0x83: {  	_ =	shalt  }
0x84: {  	_ =	shalt  }
0x85: {  	_ =	shalt  }
0x86: {  	_ =	shalt  }
0x87: {  	_ =	shalt  }
.Lfunc_end0:
.L_simem_size_0:
called_computation.3_lowered:
.L_overlay_start_0:
0x88: {  	s2 =	sld [smem:$0x3FD9]  }
0x89: {  	s3 =	sld [smem:$0x3FFE];
	_ =	sdelay $0x1  }
0x8a: {  	s1 =	srdreg.scid  }
0x8b: {  	s0 =	sand.u32 $0x1, s1  }
0x8c: {  	s17 =	sshll.u32 s0, $0xA;
	s2 =	sadd.s32 s3, s2  }
0x8d: {  	s2 =	sadd.s32 s2, s17  }
0x8e: {  	[smem:$0x3FBA] =	sst s2  }
0x8f: {  	_ = 	snop  }
0x90: {  	s2 =	sld [smem:$0x3FD0];
	(tm) =	ssettm $0x1  }
0x91: {  	s18 =	sld [smem:$0x3FFB];
	_ =	sdelay $0x3  }
0x92: {  	_ =	strace s18  }
0x93: {  	s3 =	sld [smem:$0x3FFC];
	_ =	sdelay $0x3  }
0x94: {  	_ =	strace s3  }
0x95: {  	s3 =	sld [smem:$0x3FFD];
	_ =	sdelay $0x3  }
0x96: {  	_ =	strace s3  }
0x97: {  	_ =	strace $0x8FFFFFFF  }
0x98: {  	s19 =	sld [smem:$0x3FDB];
	_ =	sdelay $0x1  }
0x99: {  	s4 =	simm.s32 $_scs_section_size  }
0x9a: {  	s5 =	simm.s32 $_size__tile_overlayer_lowered;
	s6 =	simm.s32 $_tile_overlayer_lowered  }
0x9b: {  	s22 =	simm.s32 $0x1BFF;
	s21 =	sshll.u32 s6, $0x1;
	s3 =	sadd.s32 s4, s19  }
0x9c: {  	s7 =	simm.s32 $0x0;
	s20 =	sshll.u32 s5, $0x1;
	s5 =	sadd.s32 s21, s3  }
0x9d: {  	[timem:s7], [sflag:s22] =	dma.local [hbm:s5], s20  }
0x9e: {  	_ =	swait.ge [sflag:s22], s20  }
0x9f: {  	s4 =	ssub.s32 $0x0, s20;
	[sflag:s22] =	ssyncset.done $0x0  }
0xa0: {  	[sflag:s22] =	ssyncadd.s32 s4;
	_ =	sdelay $0x1  }
0xa1: {  	s23 =	simm.s32 $0x1B8B  }
0xa2: {  	_ =	swait.ge [sflag:s23], $0x1  }
0xa3: {  	[sflag:s23] =	ssyncset.done $0x0  }
0xa4: {  	s25 =	simm.s32 $0x1B8E;
	s24 =	sld [smem:$0x3FFE];
	[sflag:s23] =	ssyncadd.s32 $0xFFFFFFFF  }
0xa5: {  	s26 =	simm.s32 $execute0_lowered;
	[smem:$0x3FD2] =	sst s25  }
0xa6: {  	s5 =	sshll.u32 s26, $0x1;
	_ =	strace $0x8000004F;
	[dreg:$0x1] =	wrdreg $0xFFFFFFFF  }
0xa7: {  	s28 =	simm.s32 $_size_execute0_lowered;
	s3 =	sadd.s32 s3, s5;
	[dreg:$0x0] =	wrdreg $0x0  }
0xa8: {  	s5 =	sshll.u32 s28, $0x1;
	[dreg:$0x2] =	wrdreg s3  }
0xa9: {  	[dreg:$0x3] =	wrdreg s5  }
0xaa: {  	[dreg:$0x4] =	wrdreg $0xC0  }
0xab: {  	_ =	task [dreg:s7], $0x5FFFF  }
0xac: {  	[dreg:$0x1] =	wrdreg $0xFFFFFFFF  }
0xad: {  	[dreg:$0x0] =	wrdreg $0x60  }
0xae: {  	[dreg:$0x2] =	wrdreg s2  }
0xaf: {  	[dreg:$0x3] =	wrdreg s24  }
0xb0: {  	[dreg:$0x4] =	wrdreg $0x0  }
0xb1: {  	[dreg:$0x5] =	wrdreg $0x9  }
0xb2: {  	_ =	task.clear_ibuf [dreg:s7], $0x6FFFF;
	_ =	strace $0x9000004F  }
0xb3: {  	s29 =	simm.s32 $0x9;
	_ =	strace $0x80000051  }
0xb4: {  	_ =	swait.ge [sflag:s29], $0x1  }
0xb5: {  	[sflag:s29] =	ssyncadd.s32 $0xFFFFFFFF  }
0xb6: {  	_ =	strace $0x90000051  }
0xb7: {  	_ =	sfence  }
0xb8: {  	s30 =	sld [smem:$0x0];
	_ =	sdelay $0x2  }
0xb9: {  	s31 =	sshll.u32 s1, $0xD;
	s1 =	sshrl.u32 s1, $0x2  }
0xba: {  	s3 =	sand.u32 $0x4000, s31;
	s1 =	sadd.s32 s1, s30  }
0xbb: {  	s0 =	sor.u32 s3, s0;
	s1 =	sshll.u32 s1, $0x11  }
0xbc: {  	s0 =	sor.u32 s1, s0  }
0xbd: {  	s0 =	sadd.s32 $0x8F2B, s0  }
0xbe: {  	[sflag:s0] =	ssyncadd.remote.s32 $0x1  }
0xbf: {  	_ =	sfence.sel $0xFFFF  }
0xc0: {  	[dreg:$0x0] =	wrdreg $0xFFFFFFFF;
	(pc) =	sbr.abs _section_cstart, $3  }
0xc1: {  	[dreg:$0x1] =	wrdreg $0xFFFFFFFF  }
0xc2: {  	_ =	task.clear_ibuf [dreg:s7], $0x2FFFF;
	_ =	strace $0x9FFFFFFF  }
0xc3: {  	(tm) =	ssettm $0x7FFFFFFF  }
tec
execute0_lowered:
.L_overlay_start_1:
0x0: {  	(tag) =	ssettag $0x1  }
0x1: {  	s1 =	rddreg [dreg:$0x0]  }
0x2: {  	s0 =	rddreg [dreg:$0x1]  }
0x3: {  	s2 =	rddreg [dreg:$0x2];
	s3 =	srdreg.scid;
	s5 =	simm.s32 $0x0  }
0x4: {  	s13 =	stileid.u32;
	s19 =	simm.s32 $0x78;
	s20 =	simm.s32 $0x148C0  }
0x5: {  	s30 =	simm.s32 $0x1C0C0;
	s31 =	simm.s32 $0x2;
	s15 =	simm.s32 $0x3  }
0x6: {  	s16 =	simm.s32 $0x138C0;
	s3 =	sand.u32 $0x1, s3;
	s22 =	smul.u32 $0x700, s13  }
0x7: {  	[smem:$0x7FF] =	sst s5;
	s6 =	sadd.s32 $0x61400, s0;
	s9 =	smul.u32 $0x4E000, s13  }
0x8: {  	s10 =	sadd.s32 $0x9800, s0;
	s24 =	smul.u32 $0x2700, s13;
	s14 =	sadd.s32 $0x124800, s2  }
0x9: {  	p0 =	seq.s32 s13, $0xF;
	s5 =	simm.s32 $0x7;
	s11 =	smul.u32 $0x27100, s3  }
0xa: {  	s4 =	sshll.u32 s3, $0x4;
	_ =	strace $0x80000050;
	s26 =	smul.u32 $0x138800, s3  }
0xb: {  	s8 =	ssub.s32 $0x2, s3;
	[dreg:$0x4] =	wrdreg s10;
	s3 =	smul.u32 $0x7000, s3  }
0xc: {  	s4 =	sor.u32 s13, s4;
	s7 =	sadd.s32 s22, s0;
	s23 =	sshrl.u32 s8, $0x1  }
0xd: {  	s0 =	sadd.s32 $0xC200, s0;
	s25 =	sshrl.u32 s9, $0x2;
	s4 =	smul.u32 $0x700, s4  }
0xe: {  	s8 =	ssub.s32 s8, s23;
	s12 =	sadd.s32 $0x5A400, s7;
	s10 =	sadd.s32 s24, s11  }
0xf: {  	s9 =	sshrl.u32 s26, $0x3;
	s3 =	sadd.s32 s3, s6;
	s23 =	simm.s32 $0x4  }
0x10: {  	s24 =	simm.s32 $0x5;
	s26 =	simm.s32 $0x1;
	[dreg:$0x6] =	wrdreg s12  }
0x11: {  	s10 =	sadd.s32 s0, s10;
	s0 =	sadd.s32 s0, s9;
	s28 =	smax.u32 s8, $0x1  }
0x12: {  	s29 =	sadd.s32 s22, s3;
	s12 =	sadd.s32 $0x5A480, s7;
	[dreg:$0x7] =	wrdreg s10  }
0x13: {  	s8 =	sshrl.u32 @p0 s14, $0x3;
	s22 =	simm.s32 $0x184C0;
	[dreg:$0x9] =	wrdreg s28  }
.Ltmp0:
0x14: {  	s0 =	sadd.s32 $0x24900, s0;
	[dreg:$0xa] =	wrdreg s8;
	(pc) =	sbr.rel .LBB2_1-.Ltmp0, $4  }
0x15: {  	s4 =	sadd.s32 s6, s4;
	[dreg:$0x8] =	wrdreg s0;
	s0 =	sshll.u32 @!p0 s13, $0x6  }
0x16: {  	[dreg:$0x5] =	wrdreg s4;
	s4 =	sadd.s32 s25, s2;
	s9 =	sor.u32 @!p0 $0x1C08, s0  }
0x17: {  	s11 =	sadd.s32 $0x80, s29;
	s10 =	sshrl.u32 @!p0 s4, $0x3;
	[dreg:$0xb] =	wrdreg s9  }
0x18: {  	s25 =	simm.s32 $0x6;
	s4 =	simm.s32 $0x0;
	[dreg:$0xc] =	wrdreg s10  }
.LBB2_8:
0x19: {  	_ =	swait.ge [sflag:s15], $0x3C00  }
0x1a: {  	[sflag:s15] =	ssyncset.done $0x0  }
0x1b: {  	s0 =	simm.s32 $0x14740;
	[sflag:s15] =	ssyncadd.s32 $0xFFFFC400  }
0x1c: {  	[spmem:s2] =	stream.indirect.scatter.add.f32 [tilespmem:s30], [sflag:$0x6], $0x80, s0, s19, $0xb8;
	[tilespmem:$0x1FCC0] =	vst v63  }
.LBB2_6:
0x1d: {  	_ =	swait.ge [sflag:s23], $0x3C00  }
0x1e: {  	[sflag:s23] =	ssyncset.done $0x0  }
0x1f: {  	[sflag:s23] =	ssyncadd.s32 $0xFFFFC400  }
0x20: {  	_ =	swait.ge [sflag:s24], $0x3C00  }
0x21: {  	[sflag:s24] =	ssyncset.done $0x0  }
0x22: {  	[sflag:s24] =	ssyncadd.s32 $0xFFFFC400  }
0x23: {  	_ =	swait.ge [sflag:s25], $0x3C00  }
0x24: {  	[sflag:s25] =	ssyncset.done $0x0  }
0x25: {  	[sflag:s25] =	ssyncadd.s32 $0xFFFFC400  }
0x26: {  	[bflag:$0x0] =	sbarrier.arrive $0xFFFF  }
0x27: {  	s3 =	rddreg [dreg:$0x8]  }
0x28: {  	s0 =	simm.s32 @p0 $0x1FC8;
	s8 =	rddreg [dreg:$0xa]  }
0x29: {  	[hbm:s3], [sflag:s0] =	dma.local @p0 [spmem:s8], $0x2800  }
0x2a: {  	s0 =	simm.s32 @p0 $0x8  }
0x2b: {  	_ =	swait.ge @p0 [sflag:s0], $0x2800  }
0x2c: {  	s9 =	rddreg [dreg:$0xb]  }
0x2d: {  	[sflag:s0] =	ssyncset.done @p0 $0x0;
	s10 =	rddreg [dreg:$0xc]  }
0x2e: {  	[sflag:s0] =	ssyncadd.s32 @p0 $0xFFFFD800;
	s0 =	rddreg [dreg:$0x7]  }
0x2f: {  	[hbm:s0], [sflag:s9] =	dma.local @!p0 [spmem:s10], $0x2700  }
0x30: {  	s0 =	simm.s32 @!p0 $0x8  }
0x31: {  	_ =	swait.ge @!p0 [sflag:s0], $0x2700  }
0x32: {  	s4 =	rddreg [dreg:$0xd]  }
0x33: {  	s29 =	rddreg [dreg:$0x9];
	s4 =	sadd.s32 $0x1, s4  }
0x34: {  	p1 =	sne.s32 s4, s29  }
.Ltmp1:
0x35: {  	_ = 	snop;
	(pc) =	sbr.rel @!p1 .LBB2_7-.Ltmp1, $3  }
0x36: {  	_ =	sdelay $0x1  }
0x37: {  	[sflag:s0] =	ssyncset.done @!p0 $0x0  }
0x38: {  	[sflag:s0] =	ssyncadd.s32 @!p0 $0xFFFFD900  }
.LBB2_1:
0x39: {  	[dreg:$0xd] =	wrdreg s4;
	s0 =	simm.s32 $0x0  }
0x3a: {  	s3 =	rddreg [dreg:$0x5];
	s21 =	simm.s32 $0x138C0;
	s6 =	simm.s32 $0x8  }
0x3b: {  	[tilespmem:s21], [sflag:$0x8] =	stream.linear.gather [hbm4b:s3+s0], $0x300, $0x38;
	[tilespmem:$0x1FCC0] =	vst v63  }
0x3c: {  	_ =	swait.ge [sflag:s6], $0x300  }
0x3d: {  	[sflag:s6] =	ssyncset.done $0x0  }
0x3e: {  	s7 =	simm.s32 $0x13CC0;
	s28 =	rddreg [dreg:$0x6];
	[sflag:s6] =	ssyncadd.s32 $0xFFFFFD00  }
0x3f: {  	[tilespmem:s7], [sflag:$0x8] =	stream.linear.gather [hbm4b:s28+s0], $0x300, $0x38;
	[tilespmem:$0x1FCC0] =	vst v63  }
0x40: {  	_ =	swait.ge [sflag:s6], $0x300  }
0x41: {  	[sflag:s6] =	ssyncset.done $0x0  }
0x42: {  	s0 =	simm.s32 @p0 $0x1FC8;
	s3 =	rddreg [dreg:$0x4];
	[sflag:s6] =	ssyncadd.s32 $0xFFFFFD00  }
0x43: {  	[spmem:s8], [sflag:s0] =	dma.local @p0 [hbm:s3], $0x2880  }
0x44: {  	s0 =	simm.s32 @p0 $0x8  }
0x45: {  	_ =	swait.ge @p0 [sflag:s0], $0x2880  }
0x46: {  	[sflag:s0] =	ssyncset.done @p0 $0x0  }
0x47: {  	[sflag:s0] =	ssyncadd.s32 @p0 $0xFFFFD780;
	s0 =	simm.s32 @!p0 $0x8  }
0x48: {  	[spmem:s10], [sflag:s9] =	dma.local @!p0 [hbm:s3], $0x2700  }
0x49: {  	_ =	swait.ge @!p0 [sflag:s0], $0x2700  }
0x4a: {  	[sflag:s0] =	ssyncset.done @!p0 $0x0  }
0x4b: {  	[sflag:s0] =	ssyncadd.s32 @!p0 $0xFFFFD900  }
0x4c: {  	[tilespmem:s20], [sflag:$0x1] =	stream.indirect.gather [hbm4b:s1+s19], $0x80, s21, s19, $0xb8;
	[tilespmem:$0x1FCC0] =	vst v63  }
.Ltmp2:
0x4d: {  	_ = 	snop;
	(pc) =	sbr.rel .LBB2_2-.Ltmp2, $4  }
0x4e: {  	s29 =	simm.s32 $0x13940  }
0x4f: {  	[tilespmem:s22], [sflag:$0x2] =	stream.indirect.gather [hbm4b:s1+s19], $0x80, s29, s19, $0xb8;
	[tilespmem:$0x1FCC0] =	vst v63  }
0x50: {  	[bflag:$0x0] =	sbarrier.arrive $0xFFFF  }
0x51: {  	s17 =	simm.s32 $0x0;
	s18 =	simm.s32 $0x0  }
.LBB2_5:
0x52: {  	s17 =	sadd.s32 $0x80, s17  }
0x53: {  	p1 =	sne.s32 s17, $0x700  }
.Ltmp3:
0x54: {  	_ = 	snop;
	(pc) =	sbr.rel @!p1 .LBB2_6-.Ltmp3, $2  }
0x55: {  	_ =	sdelay $0x2  }
0x56: {  	s18 =	sadd.s32 $0x1, s18  }
.LBB2_2:
0x57: {  	s14 =	sand.u32 $0x1, s18  }
0x58: {  	p1 =	seq.s32 s14, $0x1  }
0x59: {  	s4 =	simm.s32 @!p1 $0x1  }
0x5a: {  	s28 =	simm.s32 @!p1 $0x78;
	_ =	swait.ge @!p1 [sflag:s4], $0x3C00  }
0x5b: {  	s0 =	simm.s32 @!p1 $0x13CC0;
	p2 =	seq.s32 @!p1 s17, $0x0;
	[sflag:s4] =	ssyncset.done @!p1 $0x0  }
0x5c: {  	s29 =	simm.s32 @!p1 $0x148C0;
	p2 =	por p2, p1;
	[sflag:s4] =	ssyncadd.s32 @!p1 $0xFFFFC400  }
0x5d: {  	[spmem:s2] =	stream.indirect.scatter.add.f32 @!p1 [tilespmem:s29], [sflag:$0x4], $0x80, s0, s28, $0xb8;
	[tilespmem:$0x1FCC0] =	vst v63  }
0x5e: {  	s0 =	simm.s32 @!p2 $0x6  }
0x5f: {  	_ =	swait.ge @!p2 [sflag:s0], $0x3C00  }
0x60: {  	s3 =	simm.s32 @!p1 $0x139C0;
	[sflag:s0] =	ssyncset.done @!p2 $0x0  }
0x61: {  	s6 =	simm.s32 @!p1 $0x2;
	[sflag:s0] =	ssyncadd.s32 @!p2 $0xFFFFC400;
	s0 =	simm.s32 @!p1 $0x1C0C0  }
0x62: {  	[tilespmem:s0], [sflag:$0x3] =	stream.indirect.gather @!p1 [hbm4b:s1+s28], $0x80, s3, s28, $0xb8;
	[tilespmem:$0x1FCC0] =	vst v63  }
0x63: {  	_ =	swait.ge @!p1 [sflag:s6], $0x3C00  }
0x64: {  	[sflag:s6] =	ssyncset.done @!p1 $0x0  }
0x65: {  	s7 =	simm.s32 @!p1 $0x13D40;
	s3 =	simm.s32 @!p1 $0x184C0;
	[sflag:s6] =	ssyncadd.s32 @!p1 $0xFFFFC400  }
0x66: {  	[spmem:s2] =	stream.indirect.scatter.add.f32 @!p1 [tilespmem:s3], [sflag:$0x5], $0x80, s7, s28, $0xb8;
	[tilespmem:$0x1FCC0] =	vst v63  }
0x67: {  	s7 =	simm.s32 @!p1 $0x4  }
0x68: {  	_ =	swait.ge @!p1 [sflag:s7], $0x3C00  }
0x69: {  	[sflag:s7] =	ssyncset.done @!p1 $0x0  }
0x6a: {  	s21 =	simm.s32 @!p1 $0x13A40;
	[sflag:s7] =	ssyncadd.s32 @!p1 $0xFFFFC400  }
0x6b: {  	[tilespmem:s29], [sflag:$0x1] =	stream.indirect.gather @!p1 [hbm4b:s1+s28], $0x80, s21, s28, $0xb8;
	[tilespmem:$0x1FCC0] =	vst v63  }
0x6c: {  	s21 =	simm.s32 @!p1 $0x3  }
0x6d: {  	_ =	swait.ge @!p1 [sflag:s21], $0x3C00  }
0x6e: {  	[sflag:s21] =	ssyncset.done @!p1 $0x0  }
0x6f: {  	s8 =	simm.s32 @!p1 $0x13DC0;
	[sflag:s21] =	ssyncadd.s32 @!p1 $0xFFFFC400  }
0x70: {  	[spmem:s2] =	stream.indirect.scatter.add.f32 @!p1 [tilespmem:s0], [sflag:$0x6], $0x80, s8, s28, $0xb8;
	[tilespmem:$0x1FCC0] =	vst v63  }
0x71: {  	s9 =	simm.s32 @!p1 $0x0;
	s10 =	simm.s32 @!p1 $0x140C0;
	s8 =	sadd.s32 @!p1 s17, s11  }
0x72: {  	[tilespmem:s10], [sflag:$0x7] =	stream.linear.gather @!p1 [hbm4b:s8+s9], $0x300, $0x38;
	[tilespmem:$0x1FCC0] =	vst v63  }
0x73: {  	s13 =	simm.s32 @!p1 $0x144C0;
	s8 =	sadd.s32 @!p1 s17, s12  }
0x74: {  	[tilespmem:s13], [sflag:$0x7] =	stream.linear.gather @!p1 [hbm4b:s8+s9], $0x300, $0x38;
	[tilespmem:$0x1FCC0] =	vst v63  }
0x75: {  	s8 =	simm.s32 @!p1 $0x5  }
0x76: {  	_ =	swait.ge @!p1 [sflag:s8], $0x3C00  }
0x77: {  	[sflag:s8] =	ssyncset.done @!p1 $0x0  }
0x78: {  	s9 =	simm.s32 @!p1 $0x13AC0;
	[sflag:s8] =	ssyncadd.s32 @!p1 $0xFFFFC400  }
0x79: {  	[tilespmem:s3], [sflag:$0x2] =	stream.indirect.gather @!p1 [hbm4b:s1+s28], $0x80, s9, s28, $0xb8;
	[tilespmem:$0x1FCC0] =	vst v63  }
0x7a: {  	_ =	swait.ge @!p1 [sflag:s4], $0x3C00  }
0x7b: {  	[sflag:s4] =	ssyncset.done @!p1 $0x0  }
0x7c: {  	[sflag:s4] =	ssyncadd.s32 @!p1 $0xFFFFC400;
	s4 =	simm.s32 @!p1 $0x13E40  }
0x7d: {  	[spmem:s2] =	stream.indirect.scatter.add.f32 @!p1 [tilespmem:s29], [sflag:$0x4], $0x80, s4, s28, $0xb8;
	[tilespmem:$0x1FCC0] =	vst v63  }
0x7e: {  	s4 =	simm.s32 @!p1 $0x6  }
0x7f: {  	_ =	swait.ge @!p1 [sflag:s4], $0x3C00  }
0x80: {  	[sflag:s4] =	ssyncset.done @!p1 $0x0  }
0x81: {  	[sflag:s4] =	ssyncadd.s32 @!p1 $0xFFFFC400;
	s4 =	simm.s32 @!p1 $0x13B40  }
0x82: {  	[tilespmem:s0], [sflag:$0x3] =	stream.indirect.gather @!p1 [hbm4b:s1+s28], $0x80, s4, s28, $0xb8;
	[tilespmem:$0x1FCC0] =	vst v63  }
0x83: {  	_ =	swait.ge @!p1 [sflag:s6], $0x3C00  }
0x84: {  	[sflag:s6] =	ssyncset.done @!p1 $0x0  }
0x85: {  	s4 =	simm.s32 @!p1 $0x13EC0;
	[sflag:s6] =	ssyncadd.s32 @!p1 $0xFFFFC400  }
0x86: {  	[spmem:s2] =	stream.indirect.scatter.add.f32 @!p1 [tilespmem:s3], [sflag:$0x5], $0x80, s4, s28, $0xb8;
	[tilespmem:$0x1FCC0] =	vst v63  }
0x87: {  	_ =	swait.ge @!p1 [sflag:s7], $0x3C00  }
0x88: {  	[sflag:s7] =	ssyncset.done @!p1 $0x0  }
0x89: {  	s4 =	simm.s32 @!p1 $0x7;
	[sflag:s7] =	ssyncadd.s32 @!p1 $0xFFFFC400  }
0x8a: {  	_ =	swait.ge @!p1 [sflag:s4], $0x300  }
0x8b: {  	[sflag:s4] =	ssyncset.done @!p1 $0x0  }
0x8c: {  	[sflag:s4] =	ssyncadd.s32 @!p1 $0xFFFFFD00  }
0x8d: {  	_ =	swait.ge @!p1 [sflag:s4], $0x300  }
0x8e: {  	[sflag:s4] =	ssyncset.done @!p1 $0x0  }
0x8f: {  	[sflag:s4] =	ssyncadd.s32 @!p1 $0xFFFFFD00  }
0x90: {  	[tilespmem:s29], [sflag:$0x1] =	stream.indirect.gather @!p1 [hbm4b:s1+s28], $0x80, s10, s28, $0xb8;
	[tilespmem:$0x1FCC0] =	vst v63  }
0x91: {  	_ =	swait.ge @!p1 [sflag:s21], $0x3C00  }
0x92: {  	[sflag:s21] =	ssyncset.done @!p1 $0x0  }
0x93: {  	s4 =	simm.s32 @!p1 $0x13F40;
	[sflag:s21] =	ssyncadd.s32 @!p1 $0xFFFFC400  }
0x94: {  	[spmem:s2] =	stream.indirect.scatter.add.f32 @!p1 [tilespmem:s0], [sflag:$0x6], $0x80, s4, s28, $0xb8;
	[tilespmem:$0x1FCC0] =	vst v63  }
0x95: {  	_ =	swait.ge @!p1 [sflag:s8], $0x3C00  }
0x96: {  	[sflag:s8] =	ssyncset.done @!p1 $0x0  }
0x97: {  	p2 =	seq.s32 @!p1 s14, $0x0;
	s0 =	simm.s32 @!p1 $0x14140;
	[sflag:s8] =	ssyncadd.s32 @!p1 $0xFFFFC400  }
0x98: {  	[tilespmem:s3], [sflag:$0x2] =	stream.indirect.gather @!p1 [hbm4b:s1+s28], $0x80, s0, s28, $0xb8;
	[tilespmem:$0x1FCC0] =	vst v63  }
0x99: {  	p1 =	por p1, !p2  }
.Ltmp4:
0x9a: {  	_ = 	snop;
	(pc) =	sbr.rel @!p1 .LBB2_5-.Ltmp4, $1  }
0x9b: {  	_ =	sdelay $0x3  }
0x9c: {  	_ =	swait.ge [sflag:s26], $0x3C00  }
0x9d: {  	[sflag:s26] =	ssyncset.done $0x0  }
0x9e: {  	s0 =	simm.s32 $0x144C0;
	[sflag:s26] =	ssyncadd.s32 $0xFFFFC400  }
0x9f: {  	[spmem:s2] =	stream.indirect.scatter.add.f32 [tilespmem:s20], [sflag:$0x4], $0x80, s0, s19, $0xb8;
	[tilespmem:$0x1FCC0] =	vst v63  }
0xa0: {  	_ =	swait.ge [sflag:s25], $0x3C00  }
0xa1: {  	[sflag:s25] =	ssyncset.done $0x0  }
0xa2: {  	s8 =	simm.s32 $0x141C0;
	[sflag:s25] =	ssyncadd.s32 $0xFFFFC400  }
0xa3: {  	[tilespmem:s30], [sflag:$0x3] =	stream.indirect.gather [hbm4b:s1+s19], $0x80, s8, s19, $0xb8;
	[tilespmem:$0x1FCC0] =	vst v63  }
0xa4: {  	_ =	swait.ge [sflag:s31], $0x3C00  }
0xa5: {  	[sflag:s31] =	ssyncset.done $0x0  }
0xa6: {  	s9 =	simm.s32 $0x14540;
	[sflag:s31] =	ssyncadd.s32 $0xFFFFC400  }
0xa7: {  	[spmem:s2] =	stream.indirect.scatter.add.f32 [tilespmem:s22], [sflag:$0x5], $0x80, s9, s19, $0xb8;
	[tilespmem:$0x1FCC0] =	vst v63  }
0xa8: {  	_ =	swait.ge [sflag:s23], $0x3C00  }
0xa9: {  	[sflag:s23] =	ssyncset.done $0x0  }
0xaa: {  	s10 =	simm.s32 $0x14240;
	[sflag:s23] =	ssyncadd.s32 $0xFFFFC400  }
0xab: {  	[tilespmem:s20], [sflag:$0x1] =	stream.indirect.gather [hbm4b:s1+s19], $0x80, s10, s19, $0xb8;
	[tilespmem:$0x1FCC0] =	vst v63  }
0xac: {  	_ =	swait.ge [sflag:s15], $0x3C00  }
0xad: {  	[sflag:s15] =	ssyncset.done $0x0  }
0xae: {  	s13 =	simm.s32 $0x145C0;
	p1 =	seq.s32 s17, $0x680;
	[sflag:s15] =	ssyncadd.s32 $0xFFFFC400  }
0xaf: {  	[spmem:s2] =	stream.indirect.scatter.add.f32 [tilespmem:s30], [sflag:$0x6], $0x80, s13, s19, $0xb8;
	[tilespmem:$0x1FCC0] =	vst v63  }
0xb0: {  	s3 =	simm.s32 @!p1 $0x0;
	s4 =	simm.s32 @!p1 $0x138C0;
	s0 =	sadd.s32 @!p1 s17, s11  }
0xb1: {  	[tilespmem:s4], [sflag:$0x7] =	stream.linear.gather @!p1 [hbm4b:s0+s3], $0x300, $0x38;
	[tilespmem:$0x1FCC0] =	vst v63  }
0xb2: {  	s0 =	sadd.s32 @!p1 s17, s12;
	s4 =	simm.s32 @!p1 $0x13CC0  }
0xb3: {  	[tilespmem:s4], [sflag:$0x7] =	stream.linear.gather @!p1 [hbm4b:s0+s3], $0x300, $0x38;
	[tilespmem:$0x1FCC0] =	vst v63  }
0xb4: {  	_ =	swait.ge [sflag:s24], $0x3C00  }
0xb5: {  	[sflag:s24] =	ssyncset.done $0x0  }
0xb6: {  	s14 =	simm.s32 $0x142C0;
	[sflag:s24] =	ssyncadd.s32 $0xFFFFC400  }
0xb7: {  	[tilespmem:s22], [sflag:$0x2] =	stream.indirect.gather [hbm4b:s1+s19], $0x80, s14, s19, $0xb8;
	[tilespmem:$0x1FCC0] =	vst v63  }
0xb8: {  	_ =	swait.ge [sflag:s26], $0x3C00  }
0xb9: {  	[sflag:s26] =	ssyncset.done $0x0  }
0xba: {  	s21 =	simm.s32 $0x14640;
	[sflag:s26] =	ssyncadd.s32 $0xFFFFC400  }
0xbb: {  	[spmem:s2] =	stream.indirect.scatter.add.f32 [tilespmem:s20], [sflag:$0x4], $0x80, s21, s19, $0xb8;
	[tilespmem:$0x1FCC0] =	vst v63  }
0xbc: {  	_ =	swait.ge [sflag:s25], $0x3C00  }
0xbd: {  	[sflag:s25] =	ssyncset.done $0x0  }
0xbe: {  	s28 =	simm.s32 $0x14340;
	[sflag:s25] =	ssyncadd.s32 $0xFFFFC400  }
0xbf: {  	[tilespmem:s30], [sflag:$0x3] =	stream.indirect.gather [hbm4b:s1+s19], $0x80, s28, s19, $0xb8;
	[tilespmem:$0x1FCC0] =	vst v63  }
.Ltmp5:
0xc0: {  	_ = 	snop;
	(pc) =	sbr.rel @p1 .LBB2_8-.Ltmp5, $4  }
0xc1: {  	_ =	swait.ge [sflag:s31], $0x3C00  }
0xc2: {  	[sflag:s31] =	ssyncset.done $0x0  }
0xc3: {  	s29 =	simm.s32 $0x146C0;
	[sflag:s31] =	ssyncadd.s32 $0xFFFFC400  }
0xc4: {  	[spmem:s2] =	stream.indirect.scatter.add.f32 [tilespmem:s22], [sflag:$0x5], $0x80, s29, s19, $0xb8;
	[tilespmem:$0x1FCC0] =	vst v63  }
0xc5: {  	_ =	swait.ge [sflag:s23], $0x3C00  }
0xc6: {  	[sflag:s23] =	ssyncset.done $0x0  }
0xc7: {  	[sflag:s23] =	ssyncadd.s32 $0xFFFFC400  }
0xc8: {  	_ =	swait.ge [sflag:s5], $0x300  }
0xc9: {  	[sflag:s5] =	ssyncset.done $0x0  }
0xca: {  	[sflag:s5] =	ssyncadd.s32 $0xFFFFFD00  }
0xcb: {  	_ =	swait.ge [sflag:s5], $0x300  }
0xcc: {  	[sflag:s5] =	ssyncset.done $0x0  }
0xcd: {  	[sflag:s5] =	ssyncadd.s32 $0xFFFFFD00  }
0xce: {  	[tilespmem:s20], [sflag:$0x1] =	stream.indirect.gather [hbm4b:s1+s19], $0x80, s16, s19, $0xb8;
	[tilespmem:$0x1FCC0] =	vst v63  }
0xcf: {  	_ =	swait.ge [sflag:s15], $0x3C00  }
0xd0: {  	[sflag:s15] =	ssyncset.done $0x0  }
0xd1: {  	s0 =	simm.s32 $0x14740;
	[sflag:s15] =	ssyncadd.s32 $0xFFFFC400  }
0xd2: {  	[spmem:s2] =	stream.indirect.scatter.add.f32 [tilespmem:s30], [sflag:$0x6], $0x80, s0, s19, $0xb8;
	[tilespmem:$0x1FCC0] =	vst v63  }
.Ltmp6:
0xd3: {  	_ = 	snop;
	(pc) =	sbr.rel .LBB2_5-.Ltmp6, $4  }
0xd4: {  	_ =	swait.ge [sflag:s24], $0x3C00  }
0xd5: {  	[sflag:s24] =	ssyncset.done $0x0  }
0xd6: {  	s29 =	simm.s32 $0x13940;
	[sflag:s24] =	ssyncadd.s32 $0xFFFFC400  }
0xd7: {  	[tilespmem:s22], [sflag:$0x2] =	stream.indirect.gather [hbm4b:s1+s19], $0x80, s29, s19, $0xb8;
	[tilespmem:$0x1FCC0] =	vst v63  }
.LBB2_7:
0xd8: {  	_ =	sfence.sel $0x180000  }
0xd9: {  	[bflag:$0x0] =	sbarrier.arrive $0xFFFF  }
0xda: {  	_ =	strace $0x90000050  }
0xdb: {  	s0 =	stileid.u32;
	[bflag:$0x2] =	sbarrier.arrive $0xFFFF  }
0xdc: {  	p0 =	sne.s32 s0, $0x0;
	s0 =	rddreg [dreg:$0x3]  }
0xdd: {  	s0 =	sadd.s32 @!p0 $0x100000, s0  }
0xde: {  	[sflag:s0] =	ssyncadd.tile.s32 @!p0 $0x1;
	_ =	shalt  }
.Lfunc_end2:
_tile_overlayer_lowered:
.L_overlay_start_2:
0xdf: {  	(tag) =	ssettag $0x2  }
0xe0: {  	s0 =	rddreg [dreg:$0x0];
	s2 =	stileid.u32  }
0xe1: {  	s1 =	rddreg [dreg:$0x1];
	p0 =	sne.s32 s2, $0x0  }
0xe2: {  	s3 =	rddreg [dreg:$0x2];
	[bflag:$0x3] =	sbarrier.arrive $0xFFFF;
	s2 =	simm.s32 @!p0 $0x1C08  }
0xe3: {  	[timem:s3], [sflag:s2] =	dma.local @!p0 [hbm:s0], s1  }
0xe4: {  	s0 =	simm.s32 @!p0 $0x8  }
0xe5: {  	_ =	swait.ge @!p0 [sflag:s0], s1  }
0xe6: {  	s1 =	ssub.s32 @!p0 $0x0, s1;
	[sflag:s0] =	ssyncset.done @!p0 $0x0  }
0xe7: {  	[sflag:s0] =	ssyncadd.s32 @!p0 s1  }
0xe8: {  	[bflag:$0x3] =	sbarrier.arrive $0xFFFF  }
0xe9: {  	_ =	shalt  }

</sc_bundles>
